<compile_context>
chip_gen: v7x
topology: tpu7x:2x2x1
jax: 0.10.2.dev20260603
libtpu: 0.0.44.dev20260713+nightly
codegen_flags: <defaults>
</compile_context>

<pallas_src>
import functools

import jax
import jax.numpy as jnp
from jax import lax
from jax.experimental import pallas as pl
from jax.experimental.pallas import tpu as pltpu
from jax.experimental.pallas import tpu_sc as plsc

N = 10000
E = 320000
D = 128
NP = 10240
P = 4000
PA = 8192

NC = 2
NS = 16
NW = NC * NS
CH = 2560
ACH = 512
NCHUNK = E // CH
KMAX = -(-NCHUNK // NW)
TILE_NP = NP // NS
NACH = PA // ACH

_SDS = jax.ShapeDtypeStruct
_f32 = jnp.float32
_i32 = jnp.int32


def _mesh():
    return plsc.VectorSubcoreMesh(
        core_axis_name="c", subcore_axis_name="s", num_cores=NC, num_subcores=NS
    )


_SC_PARAMS = pltpu.CompilerParams(use_tc_tiling_on_sc=False)
_SC_PARAMS_NL = pltpu.CompilerParams(use_tc_tiling_on_sc=False,
                                     needs_layout_passes=False)


def _zero_fill(buf, n):
    z = jnp.zeros((16,), _f32)

    def body(i, _):
        buf[pl.ds(i * 16, 16)] = z
        return ()

    lax.fori_loop(0, n // 16, body, (), unroll=False)


@functools.partial(
    pl.kernel,
    out_type=(_SDS((NC * NP,), _f32), _SDS((NC * NP,), _f32)),
    mesh=_mesh(),
    compiler_params=_SC_PARAMS,
    scratch_types=[
        pltpu.VMEM((2, CH), _i32),
        pltpu.VMEM((2, CH), _i32),
        pltpu.VMEM((CH,), _f32),
        pltpu.VMEM((TILE_NP,), _f32),
        pltpu.SemaphoreType.DMA,
        pltpu.SemaphoreType.DMA,
        pltpu.VMEM_SHARED((NP,), _f32),
        pltpu.VMEM_SHARED((NP,), _f32),
    ],
)
def _deg_kernel(d1, d2, deg1_out, deg2_out,
                d1b, d2b, ones_v, zbuf, isem, ssem, acc1_sh, acc2_sh):
    cid = lax.axis_index("c")
    sid = lax.axis_index("s")
    wid = cid * NS + sid
    row0 = sid * TILE_NP

    one = jnp.ones((16,), _f32)

    def fill_ones(i, _):
        ones_v[pl.ds(i * 16, 16)] = one
        return ()

    lax.fori_loop(0, CH // 16, fill_ones, (), unroll=False)
    _zero_fill(zbuf, TILE_NP)
    pltpu.sync_copy(zbuf, acc1_sh.at[pl.ds(row0, TILE_NP)])
    pltpu.sync_copy(zbuf, acc2_sh.at[pl.ds(row0, TILE_NP)])
    plsc.subcore_barrier()

    def issue_idx(k, b):
        chunk = wid + NW * k

        @pl.when(chunk < NCHUNK)
        def _():
            off = chunk * CH
            pltpu.async_copy(d1.at[pl.ds(off, CH)], d1b.at[b], isem)
            pltpu.async_copy(d2.at[pl.ds(off, CH)], d2b.at[b], isem)

    issue_idx(0, 0)

    def wait_scatters(b):
        pltpu.make_async_copy(ones_v, acc1_sh.at[d1b.at[b]], ssem).wait()
        pltpu.make_async_copy(ones_v, acc2_sh.at[d2b.at[b]], ssem).wait()

    def body(k2, _):
        for b in (0, 1):
            k = 2 * k2 + b
            chunk = wid + NW * k

            @pl.when(chunk < NCHUNK)
            def _():
                off = chunk * CH
                pltpu.make_async_copy(d1.at[pl.ds(off, CH)], d1b.at[b],
                                      isem).wait()
                pltpu.make_async_copy(d2.at[pl.ds(off, CH)], d2b.at[b],
                                      isem).wait()

                @pl.when(k >= 1)
                def _w():
                    wait_scatters(1 - b)

                issue_idx(k + 1, 1 - b)
                pltpu.async_copy(ones_v, acc1_sh.at[d1b.at[b]], ssem,
                                 add=True)
                pltpu.async_copy(ones_v, acc2_sh.at[d2b.at[b]], ssem,
                                 add=True)
        return ()

    lax.fori_loop(0, -(-KMAX // 2), body, (), unroll=False)
    wait_scatters(0)
    plsc.subcore_barrier()
    pltpu.sync_copy(acc1_sh.at[pl.ds(row0, TILE_NP)],
                    deg1_out.at[pl.ds(cid * NP + row0, TILE_NP)])
    pltpu.sync_copy(acc2_sh.at[pl.ds(row0, TILE_NP)],
                    deg2_out.at[pl.ds(cid * NP + row0, TILE_NP)])


@functools.partial(
    pl.kernel,
    out_type=tuple(_SDS((NC * NP,), _f32) for _ in range(4)),
    mesh=_mesh(),
    compiler_params=_SC_PARAMS,
    scratch_types=[
        pltpu.VMEM((2, CH), _i32),
        pltpu.VMEM((2, CH), _i32),
        pltpu.VMEM((2, CH), _i32),
        pltpu.VMEM((2, CH), _i32),
        pltpu.VMEM((2, CH), _f32),
        pltpu.VMEM((2, CH), _f32),
        pltpu.VMEM((2, CH), _f32),
        pltpu.VMEM((2, CH), _f32),
        pltpu.VMEM((TILE_NP,), _f32),
        pltpu.SemaphoreType.DMA,
        pltpu.SemaphoreType.DMA,
        pltpu.SemaphoreType.DMA,
        pltpu.VMEM_SHARED((NP,), _f32),
        pltpu.VMEM_SHARED((NP,), _f32),
        pltpu.VMEM_SHARED((NP,), _f32),
        pltpu.VMEM_SHARED((NP,), _f32),
        pltpu.VMEM_SHARED((NP,), _f32),
        pltpu.VMEM_SHARED((NP,), _f32),
        pltpu.VMEM_SHARED((NP,), _f32),
        pltpu.VMEM_SHARED((NP,), _f32),
    ],
)
def _conv_kernel(s1, d1, s2, d2, px1, py1, px2, py2,
                 ax1_out, ay1_out, ax2_out, ay2_out,
                 s1b, d1b, s2b, d2b, gx1_v, gy1_v, gx2_v, gy2_v, zbuf,
                 isem, gsem, ssem,
                 tx1_sh, ty1_sh, tx2_sh, ty2_sh,
                 ax1_sh, ay1_sh, ax2_sh, ay2_sh):
    cid = lax.axis_index("c")
    sid = lax.axis_index("s")
    wid = cid * NS + sid
    row0 = sid * TILE_NP
    sl = pl.ds(row0, TILE_NP)

    pltpu.sync_copy(px1.at[sl], tx1_sh.at[sl])
    pltpu.sync_copy(py1.at[sl], ty1_sh.at[sl])
    pltpu.sync_copy(px2.at[sl], tx2_sh.at[sl])
    pltpu.sync_copy(py2.at[sl], ty2_sh.at[sl])
    _zero_fill(zbuf, TILE_NP)
    pltpu.sync_copy(zbuf, ax1_sh.at[sl])
    pltpu.sync_copy(zbuf, ay1_sh.at[sl])
    pltpu.sync_copy(zbuf, ax2_sh.at[sl])
    pltpu.sync_copy(zbuf, ay2_sh.at[sl])
    plsc.subcore_barrier()

    def issue_idx(k, b):
        chunk = wid + NW * k

        @pl.when(chunk < NCHUNK)
        def _():
            off = chunk * CH
            pltpu.async_copy(s1.at[pl.ds(off, CH)], s1b.at[b], isem)
            pltpu.async_copy(d1.at[pl.ds(off, CH)], d1b.at[b], isem)
            pltpu.async_copy(s2.at[pl.ds(off, CH)], s2b.at[b], isem)
            pltpu.async_copy(d2.at[pl.ds(off, CH)], d2b.at[b], isem)

    issue_idx(0, 0)

    def wait_scatters(b):
        for gv, axsh, db in ((gx1_v, ax1_sh, d1b), (gy1_v, ay1_sh, d1b),
                             (gx2_v, ax2_sh, d2b), (gy2_v, ay2_sh, d2b)):
            pltpu.make_async_copy(gv.at[b], axsh.at[db.at[b]], ssem).wait()

    def body(k2, _):
        for b in (0, 1):
            k = 2 * k2 + b
            chunk = wid + NW * k

            @pl.when(chunk < NCHUNK)
            def _():
                off = chunk * CH
                for s, d, sb, db in ((s1, d1, s1b, d1b), (s2, d2, s2b, d2b)):
                    pltpu.make_async_copy(s.at[pl.ds(off, CH)], sb.at[b],
                                          isem).wait()
                    pltpu.make_async_copy(d.at[pl.ds(off, CH)], db.at[b],
                                          isem).wait()
                cgs = [
                    pltpu.async_copy(tx1_sh.at[s1b.at[b]], gx1_v.at[b], gsem),
                    pltpu.async_copy(ty1_sh.at[s1b.at[b]], gy1_v.at[b], gsem),
                    pltpu.async_copy(tx2_sh.at[s2b.at[b]], gx2_v.at[b], gsem),
                    pltpu.async_copy(ty2_sh.at[s2b.at[b]], gy2_v.at[b], gsem),
                ]

                @pl.when(k >= 1)
                def _w():
                    wait_scatters(1 - b)

                issue_idx(k + 1, 1 - b)
                for cg in cgs:
                    cg.wait()
                pltpu.async_copy(gx1_v.at[b], ax1_sh.at[d1b.at[b]], ssem,
                                 add=True)
                pltpu.async_copy(gy1_v.at[b], ay1_sh.at[d1b.at[b]], ssem,
                                 add=True)
                pltpu.async_copy(gx2_v.at[b], ax2_sh.at[d2b.at[b]], ssem,
                                 add=True)
                pltpu.async_copy(gy2_v.at[b], ay2_sh.at[d2b.at[b]], ssem,
                                 add=True)
        return ()

    lax.fori_loop(0, -(-KMAX // 2), body, (), unroll=False)
    wait_scatters(0)
    plsc.subcore_barrier()
    osl = pl.ds(cid * NP + row0, TILE_NP)
    pltpu.sync_copy(ax1_sh.at[sl], ax1_out.at[osl])
    pltpu.sync_copy(ay1_sh.at[sl], ay1_out.at[osl])
    pltpu.sync_copy(ax2_sh.at[sl], ax2_out.at[osl])
    pltpu.sync_copy(ay2_sh.at[sl], ay2_out.at[osl])


@functools.partial(
    pl.kernel,
    out_type=tuple(_SDS((PA,), _f32) for _ in range(4)),
    mesh=_mesh(),
    compiler_params=_SC_PARAMS_NL,
    scratch_types=[
        pltpu.VMEM((2, ACH), _i32),
        pltpu.VMEM((2, ACH), _i32),
        pltpu.VMEM((ACH,), _f32),
        pltpu.VMEM((ACH,), _f32),
        pltpu.VMEM((ACH,), _f32),
        pltpu.VMEM((ACH,), _f32),
        pltpu.SemaphoreType.DMA,
        pltpu.SemaphoreType.DMA,
        pltpu.SemaphoreType.DMA,
    ],
)
def _anchor_kernel(ex1, ey1, ex2, ey2, idx1, idx2,
                   sx1_out, sy1_out, sx2_out, sy2_out,
                   i1b, i2b, gx1_v, gy1_v, gx2_v, gy2_v, isem, gsem, osem):
    cid = lax.axis_index("c")
    sid = lax.axis_index("s")
    wid = cid * NS + sid

    def issue_idx(k, b):
        chunk = wid + NW * k

        @pl.when(chunk < NACH)
        def _():
            off = chunk * ACH
            pltpu.async_copy(idx1.at[pl.ds(off, ACH)], i1b.at[b], isem)
            pltpu.async_copy(idx2.at[pl.ds(off, ACH)], i2b.at[b], isem)

    issue_idx(0, 0)
    issue_idx(1, 1)

    def body(k, b):
        chunk = wid + NW * k

        @pl.when(chunk < NACH)
        def _():
            off = chunk * ACH
            pltpu.make_async_copy(idx1.at[pl.ds(off, ACH)], i1b.at[b],
                                  isem).wait()
            pltpu.make_async_copy(idx2.at[pl.ds(off, ACH)], i2b.at[b],
                                  isem).wait()
            cgs = [
                pltpu.async_copy(ex1.at[i1b.at[b]], gx1_v, gsem),
                pltpu.async_copy(ey1.at[i1b.at[b]], gy1_v, gsem),
                pltpu.async_copy(ex2.at[i2b.at[b]], gx2_v, gsem),
                pltpu.async_copy(ey2.at[i2b.at[b]], gy2_v, gsem),
            ]
            for cg in cgs:
                cg.wait()

            def norm_vec(i, _):
                vsl = pl.ds(i * 16, 16)
                for gx_v, gy_v in ((gx1_v, gy1_v), (gx2_v, gy2_v)):
                    x = gx_v[vsl]
                    y = gy_v[vsl]
                    n2 = jnp.maximum(x * x + y * y, 1e-24)
                    bits = plsc.bitcast(n2, _i32)
                    seed = 0x5F3759DF - lax.shift_right_logical(bits, 1)
                    s = plsc.bitcast(seed, _f32)
                    s = s * (1.5 - 0.5 * n2 * s * s)
                    s = s * (1.5 - 0.5 * n2 * s * s)
                    s = s * (1.5 - 0.5 * n2 * s * s)
                    gx_v[vsl] = x * s
                    gy_v[vsl] = y * s
                return ()

            lax.fori_loop(0, ACH // 16, norm_vec, (), unroll=False)
            cos = [
                pltpu.async_copy(gx1_v, sx1_out.at[pl.ds(off, ACH)], osem),
                pltpu.async_copy(gy1_v, sy1_out.at[pl.ds(off, ACH)], osem),
                pltpu.async_copy(gx2_v, sx2_out.at[pl.ds(off, ACH)], osem),
                pltpu.async_copy(gy2_v, sy2_out.at[pl.ds(off, ACH)], osem),
            ]
            for co in cos:
                co.wait()

    body(0, 0)
    body(1, 1)


_BN = 1024
_NB = NP // _BN


def _t1_body(x1_ref, x2_ref, w_ref, d1a_ref, d1b_ref, d2a_ref, d2b_ref,
             px1_ref, py1_ref, px2_ref, py2_ref, di1_ref, di2_ref):
    w = w_ref[...]
    for x_ref, da_ref, db_ref, px_ref, py_ref, di_ref in (
        (x1_ref, d1a_ref, d1b_ref, px1_ref, py1_ref, di1_ref),
        (x2_ref, d2a_ref, d2b_ref, px2_ref, py2_ref, di2_ref),
    ):
        h = lax.dot_general(w, x_ref[...], (((1,), (1,)), ((), ())),
                            preferred_element_type=_f32)
        deg = da_ref[...] + db_ref[...] + 1.0
        dinv = lax.rsqrt(deg)
        di_ref[...] = dinv
        px_ref[...] = h[0] * dinv
        py_ref[...] = h[1] * dinv


def _t1(x1p, x2p, w1t, degp1, degp2):
    blk = pl.BlockSpec((_BN,), lambda i: (i,))
    blk_hi = pl.BlockSpec((_BN,), lambda i: (i + _NB,))
    out = [_SDS((NP,), _f32) for _ in range(6)]
    return pl.pallas_call(
        _t1_body,
        grid=(_NB,),
        in_specs=[
            pl.BlockSpec((_BN, D), lambda i: (i, 0)),
            pl.BlockSpec((_BN, D), lambda i: (i, 0)),
            pl.BlockSpec((8, D), lambda i: (0, 0)),
            blk, blk_hi, blk, blk_hi,
        ],
        out_specs=[blk] * 6,
        out_shape=out,
    )(x1p, x2p, w1t, degp1, degp1, degp2, degp2)


def _t2_body(ax1a, ax1b, ay1a, ay1b, ax2a, ax2b, ay2a, ay2b,
             px1, py1, px2, py2, di1, di2, w2, alpha, b1,
             qx1, qy1, qx2, qy2):
    w00 = w2[0, 0]
    w01 = w2[0, 1]
    w10 = w2[1, 0]
    w11 = w2[1, 1]
    a0 = alpha[0]
    a1 = alpha[1]
    b10 = b1[0]
    b11 = b1[1]
    for axa, axb, aya, ayb, px, py, di, qx, qy in (
        (ax1a, ax1b, ay1a, ay1b, px1, py1, di1, qx1, qy1),
        (ax2a, ax2b, ay2a, ay2b, px2, py2, di2, qx2, qy2),
    ):
        dinv = di[...]
        hx = dinv * (axa[...] + axb[...] + px[...]) + b10
        hy = dinv * (aya[...] + ayb[...] + py[...]) + b11
        gx = jnp.where(hx >= 0.0, hx, a0 * hx)
        gy = jnp.where(hy >= 0.0, hy, a1 * hy)
        qx[...] = dinv * (gx * w00 + gy * w10)
        qy[...] = dinv * (gx * w01 + gy * w11)


def _t2(acc1, acc2, p1, p2, dinv1, dinv2, w2, alpha, b1):
    blk = pl.BlockSpec((_BN,), lambda i: (i,))
    blk_hi = pl.BlockSpec((_BN,), lambda i: (i + _NB,))
    smem = pl.BlockSpec(memory_space=pltpu.SMEM)
    accs = []
    for a in (*acc1, *acc2):
        accs.extend([a, a])
    return pl.pallas_call(
        _t2_body,
        grid=(_NB,),
        in_specs=[blk, blk_hi] * 4 + [blk] * 6 + [smem] * 3,
        out_specs=[blk] * 4,
        out_shape=[_SDS((NP,), _f32) for _ in range(4)],
    )(*accs, *p1, *p2, dinv1, dinv2, w2, alpha, b1)


def _t3_body(ax1a, ax1b, ay1a, ay1b, ax2a, ax2b, ay2a, ay2b,
             qx1, qy1, qx2, qy2, di1, di2, b2,
             ex1, ey1, ex2, ey2):
    b20 = b2[0]
    b21 = b2[1]
    for axa, axb, aya, ayb, qx, qy, di, ex, ey in (
        (ax1a, ax1b, ay1a, ay1b, qx1, qy1, di1, ex1, ey1),
        (ax2a, ax2b, ay2a, ay2b, qx2, qy2, di2, ex2, ey2),
    ):
        dinv = di[...]
        ex[...] = dinv * (axa[...] + axb[...] + qx[...]) + b20
        ey[...] = dinv * (aya[...] + ayb[...] + qy[...]) + b21


def _t3(acc1, acc2, q1, q2, dinv1, dinv2, b2):
    blk = pl.BlockSpec((_BN,), lambda i: (i,))
    blk_hi = pl.BlockSpec((_BN,), lambda i: (i + _NB,))
    smem = pl.BlockSpec(memory_space=pltpu.SMEM)
    accs = []
    for a in (*acc1, *acc2):
        accs.extend([a, a])
    return pl.pallas_call(
        _t3_body,
        grid=(_NB,),
        in_specs=[blk, blk_hi] * 4 + [blk] * 6 + [smem],
        out_specs=[blk] * 4,
        out_shape=[_SDS((NP,), _f32) for _ in range(4)],
    )(*accs, *q1, *q2, dinv1, dinv2, b2)


def kernel(x1, edge_index1, x2, edge_index2, pos_anchor_edge_index,
           neg_anchor_edge_index, W1, b1, alpha, W2, b2):
    e1 = edge_index1.astype(_i32)
    e2 = edge_index2.astype(_i32)
    s1, d1 = e1[0], e1[1]
    s2, d2 = e2[0], e2[1]
    x1p = x1.astype(_f32)
    x2p = x2.astype(_f32)
    w1t = jnp.zeros((8, D), _f32).at[0:2, :].set(W1.astype(_f32).T)

    pad_idx = (jnp.arange(PA - 2 * P, dtype=_i32) * 37) % N
    t1_idx = jnp.concatenate([pos_anchor_edge_index[0].astype(_i32),
                              neg_anchor_edge_index[0].astype(_i32), pad_idx])
    t2_idx = jnp.concatenate([pos_anchor_edge_index[1].astype(_i32),
                              neg_anchor_edge_index[1].astype(_i32), pad_idx])

    degp1, degp2 = _deg_kernel(d1, d2)
    px1, py1, px2, py2, dinv1, dinv2 = _t1(x1p, x2p, w1t, degp1, degp2)
    acc = _conv_kernel(s1, d1, s2, d2, px1, py1, px2, py2)
    qx1, qy1, qx2, qy2 = _t2(acc[0:2], acc[2:4], (px1, py1), (px2, py2),
                             dinv1, dinv2, W2.astype(_f32),
                             alpha.astype(_f32), b1.astype(_f32))
    acc2 = _conv_kernel(s1, d1, s2, d2, qx1, qy1, qx2, qy2)
    ex1, ey1, ex2, ey2 = _t3(acc2[0:2], acc2[2:4], (qx1, qy1), (qx2, qy2),
                             dinv1, dinv2, b2.astype(_f32))
    ox1, oy1, ox2, oy2 = _anchor_kernel(ex1, ey1, ex2, ey2, t1_idx, t2_idx)
    o1 = jnp.stack([ox1[: 2 * P], oy1[: 2 * P]], axis=-1)
    o2 = jnp.stack([ox2[: 2 * P], oy2[: 2 * P]], axis=-1)
    return o1, o2

# --- scband reference (transcript-rebuilt; emitter-appended) ---
"""Pipeline reference for scband-siamese-gnn-43344809951534 (READ-ONLY COPY).

The authoritative reference and input builder live on the scoring server;
editing this copy changes nothing except your own understanding.
"""

import jax, jax.numpy as jnp
import numpy as np

N = 10000
E = 320000
D = 128
H = 2
O = 2
P = 4000


def setup_inputs(seed: int = 0) -> dict:
    key = jax.random.key(seed)
    ks = jax.random.split(key, 12)
    x1 = jax.random.normal(ks[0], (N, D), dtype=jnp.float32)
    x2 = jax.random.normal(ks[1], (N, D), dtype=jnp.float32)
    edge_index1 = jax.random.randint(ks[2], (2, E), 0, N)
    edge_index2 = jax.random.randint(ks[3], (2, E), 0, N)
    pos_anchor_edge_index = jax.random.randint(ks[4], (2, P), 0, N)
    neg_anchor_edge_index = jax.random.randint(ks[5], (2, P), 0, N)
    W1 = jax.random.normal(ks[6], (D, H), dtype=jnp.float32) * (1.0 / np.sqrt(D))
    b1 = jnp.zeros((H,), dtype=jnp.float32)
    alpha = 0.25 * jnp.ones((H,), dtype=jnp.float32)
    W2 = jax.random.normal(ks[7], (H, O), dtype=jnp.float32) * (1.0 / np.sqrt(H))
    b2 = jnp.zeros((O,), dtype=jnp.float32)
    return {"x1": x1, "edge_index1": edge_index1, "x2": x2, "edge_index2": edge_index2,
            "pos_anchor_edge_index": pos_anchor_edge_index, "neg_anchor_edge_index": neg_anchor_edge_index,
            "W1": W1, "b1": b1, "alpha": alpha, "W2": W2, "b2": b2}


def _gcn_conv(x, edge_index, W, b):
    # GCNConv with self-loops and symmetric normalization (PyG defaults)
    loop = jnp.arange(N)
    src = jnp.concatenate([edge_index[0], loop])
    dst = jnp.concatenate([edge_index[1], loop])
    h = x @ W
    deg = jnp.zeros((N,), dtype=h.dtype).at[dst].add(1.0)
    dinv = jnp.where(deg > 0, jax.lax.rsqrt(deg), 0.0)
    norm = dinv[src] * dinv[dst]
    out = jnp.zeros((N, h.shape[1]), dtype=h.dtype).at[dst].add(norm[:, None] * h[src])
    return out + b


def _embed_graph(x, edge_index, W1, b1, alpha, W2, b2):
    h = _gcn_conv(x, edge_index, W1, b1)
    h = jnp.where(h >= 0, h, alpha * h)  # PReLU(hidden_dim)
    h = _gcn_conv(h, edge_index, W2, b2)
    n = jnp.maximum(jnp.linalg.norm(h, axis=-1, keepdims=True), 1e-12)
    return h / n  # F.normalize(p=2, dim=-1)


def reference(x1, edge_index1, x2, edge_index2, pos_anchor_edge_index, neg_anchor_edge_index, W1, b1, alpha, W2, b2):
    e1 = _embed_graph(x1, edge_index1, W1, b1, alpha, W2, b2)
    e2 = _embed_graph(x2, edge_index2, W1, b1, alpha, W2, b2)
    total = jnp.concatenate([pos_anchor_edge_index, neg_anchor_edge_index], axis=-1)
    sel1 = jnp.take(e1, total[0], axis=0)
    sel2 = jnp.take(e2, total[1], axis=0)
    return (sel1, sel2)

if __name__ == "__main__":
    import jax
    _d = setup_inputs()
    print(jax.jit(kernel)(*tuple(_d.values())))

</pallas_src>

<mosaic_0001>
#map = affine_map<(d0, d1) -> (0)>
module attributes {stable_mosaic.version = 14 : i64} {
  func.func @_deg_kernel(%arg0: i32, %arg1: i32, %arg2: memref<320000xi32, #tpu.memory_space<hbm>>, %arg3: memref<320000xi32, #tpu.memory_space<hbm>>, %arg4: memref<20480xf32, #tpu.memory_space<hbm>>, %arg5: memref<20480xf32, #tpu.memory_space<hbm>>, %arg6: memref<2x2560xi32, #tpu.memory_space<vmem>>, %arg7: memref<2x2560xi32, #tpu.memory_space<vmem>>, %arg8: memref<2560xf32, #tpu.memory_space<vmem>>, %arg9: memref<640xf32, #tpu.memory_space<vmem>>, %arg10: memref<!tpu.dma_semaphore, #tpu.memory_space<semaphore_mem>>, %arg11: memref<!tpu.dma_semaphore, #tpu.memory_space<semaphore_mem>>, %arg12: memref<10240xf32, #tpu.memory_space<vmem_shared>>, %arg13: memref<10240xf32, #tpu.memory_space<vmem_shared>>) attributes {dimension_semantics = [#tpu.dimension_semantics<core_parallel>, #tpu.dimension_semantics<subcore_parallel>], iteration_bounds = array<i64: 2, 16>, scalar_prefetch = 0 : i64, scratch_operands = 8 : i64, tpu.core_type = #tpu.core_type<sc_vector_subcore>, window_params = [{transform_indices = #map}, {transform_indices = #map}, {transform_indices = #map}, {transform_indices = #map}]} {
    %mul3A = arith.constant 16 : i32
    %mul3A_0 = arith.muli %arg0, %mul3A : i32
    %add3A = arith.addi %mul3A_0, %arg1 : i32
    %mul3A_1 = arith.constant 640 : i32
    %mul3A_2 = arith.muli %arg1, %mul3A_1 : i32
    %broadcast_in_dim3A = arith.constant 1.000000e+00 : f32
    %broadcast_in_dim3A_3 = vector.broadcast %broadcast_in_dim3A : f32 to vector<16xf32>
    %scan3A = arith.constant 0 : i32
    %scan3A_4 = arith.constant 160 : i32
    %scan3A_5 = arith.addi %scan3A, %scan3A_4 : i32
    %scan3A_6 = arith.constant 1 : i32
    scf.for %scan3A_42 = %scan3A to %scan3A_5 step %scan3A_6  : i32 {
      %mul3A_43 = arith.constant 16 : i32
      %mul3A_44 = arith.muli %scan3A_42, %mul3A_43 : i32
      %swap3A = arith.index_cast %mul3A_44 : i32 to index
      %swap3A_45 = tpu.vector_load %arg8[%swap3A] {strides = array<i32>} : memref<2560xf32, #tpu.memory_space<vmem>>, vector<16xf32>,
      %swap3A_46 = vector.shape_cast %swap3A_45 : vector<16xf32> to vector<16xf32>
      %swap3A_47 = vector.shape_cast %broadcast_in_dim3A_3 : vector<16xf32> to vector<16xf32>
      tpu.vector_store %arg8[%swap3A], %swap3A_47 {strides = array<i32>} : memref<2560xf32, #tpu.memory_space<vmem>>, vector<16xf32>,
    }
    %scan3A_7 = arith.constant 160 : i32
    %broadcast_in_dim3A_8 = arith.constant 0.000000e+00 : f32
    %broadcast_in_dim3A_9 = vector.broadcast %broadcast_in_dim3A_8 : f32 to vector<16xf32>
    %scan3A_10 = arith.constant 0 : i32
    %scan3A_11 = arith.constant 40 : i32
    %scan3A_12 = arith.addi %scan3A_10, %scan3A_11 : i32
    %scan3A_13 = arith.constant 1 : i32
    scf.for %scan3A_42 = %scan3A_10 to %scan3A_12 step %scan3A_13  : i32 {
      %mul3A_43 = arith.constant 16 : i32
      %mul3A_44 = arith.muli %scan3A_42, %mul3A_43 : i32
      %swap3A = arith.index_cast %mul3A_44 : i32 to index
      %swap3A_45 = tpu.vector_load %arg9[%swap3A] {strides = array<i32>} : memref<640xf32, #tpu.memory_space<vmem>>, vector<16xf32>,
      %swap3A_46 = vector.shape_cast %swap3A_45 : vector<16xf32> to vector<16xf32>
      %swap3A_47 = vector.shape_cast %broadcast_in_dim3A_9 : vector<16xf32> to vector<16xf32>
      tpu.vector_store %arg9[%swap3A], %swap3A_47 {strides = array<i32>} : memref<640xf32, #tpu.memory_space<vmem>>, vector<16xf32>,
    }
    %scan3A_14 = arith.constant 40 : i32
    "tpu.region"() ({
      %run_scoped3A = tpu.sem_alloc : memref<!tpu.dma_semaphore, #tpu.memory_space<semaphore_mem>>
      %dma_start3A = tpu.memref_slice %arg12[%mul3A_2] : memref<10240xf32, #tpu.memory_space<vmem_shared>> -> memref<640xf32, #tpu.memory_space<vmem_shared>>
      %dma_start3A_42 = tpu.memref_slice %arg12[%mul3A_2] : memref<10240xf32, #tpu.memory_space<vmem_shared>> -> memref<640xf32, #tpu.memory_space<vmem_shared>>
      tpu.enqueue_dma source(%arg9 : memref<640xf32, #tpu.memory_space<vmem>>) target(%dma_start3A_42 : memref<640xf32, #tpu.memory_space<vmem_shared>>) target_semaphore(%run_scoped3A : memref<!tpu.dma_semaphore, #tpu.memory_space<semaphore_mem>>)
      %dma_wait3A_43 = tpu.memref_slice %arg12[%mul3A_2] : memref<10240xf32, #tpu.memory_space<vmem_shared>> -> memref<640xf32, #tpu.memory_space<vmem_shared>>
      %dma_wait3A_44 = tpu.memref_slice %arg12[%mul3A_2] : memref<10240xf32, #tpu.memory_space<vmem_shared>> -> memref<640xf32, #tpu.memory_space<vmem_shared>>
      tpu.wait_dma2 semaphore(%run_scoped3A : memref<!tpu.dma_semaphore, #tpu.memory_space<semaphore_mem>>) src(%arg9 : memref<640xf32, #tpu.memory_space<vmem>>) dst(%dma_wait3A_44 : memref<640xf32, #tpu.memory_space<vmem_shared>>)
      tpu.yield
    }) : () -> ()
    "tpu.region"() ({
      %run_scoped3A = tpu.sem_alloc : memref<!tpu.dma_semaphore, #tpu.memory_space<semaphore_mem>>
      %dma_start3A = tpu.memref_slice %arg13[%mul3A_2] : memref<10240xf32, #tpu.memory_space<vmem_shared>> -> memref<640xf32, #tpu.memory_space<vmem_shared>>
      %dma_start3A_42 = tpu.memref_slice %arg13[%mul3A_2] : memref<10240xf32, #tpu.memory_space<vmem_shared>> -> memref<640xf32, #tpu.memory_space<vmem_shared>>
      tpu.enqueue_dma source(%arg9 : memref<640xf32, #tpu.memory_space<vmem>>) target(%dma_start3A_42 : memref<640xf32, #tpu.memory_space<vmem_shared>>) target_semaphore(%run_scoped3A : memref<!tpu.dma_semaphore, #tpu.memory_space<semaphore_mem>>)
      %dma_wait3A_43 = tpu.memref_slice %arg13[%mul3A_2] : memref<10240xf32, #tpu.memory_space<vmem_shared>> -> memref<640xf32, #tpu.memory_space<vmem_shared>>
      %dma_wait3A_44 = tpu.memref_slice %arg13[%mul3A_2] : memref<10240xf32, #tpu.memory_space<vmem_shared>> -> memref<640xf32, #tpu.memory_space<vmem_shared>>
      tpu.wait_dma2 semaphore(%run_scoped3A : memref<!tpu.dma_semaphore, #tpu.memory_space<semaphore_mem>>) src(%arg9 : memref<640xf32, #tpu.memory_space<vmem>>) dst(%dma_wait3A_44 : memref<640xf32, #tpu.memory_space<vmem_shared>>)
      tpu.yield
    }) : () -> ()
    %barrier3A = arith.constant 0 : index
    tpu.barrier barrier_id(%barrier3A)
    %add3A_15 = arith.constant 0 : i32
    %add3A_16 = arith.addi %add3A, %add3A_15 : i32
    %lt3A = arith.constant 125 : i32
    %lt3A_17 = arith.cmpi slt, %add3A_16, %lt3A : i32
    %convert_element_type3A = arith.extui %lt3A_17 : i1 to i32
    %cond3A = arith.constant 0 : i32
    %cond3A_18 = arith.cmpi ne, %convert_element_type3A, %cond3A : i32
    scf.if %cond3A_18 {
      %mul3A_42 = arith.constant 2560 : i32
      %mul3A_43 = arith.muli %add3A_16, %mul3A_42 : i32
      %dma_start3A = arith.constant 0 : i32
      %dma_start3A_44 = arith.constant 0 : i32
      %dma_start3A_45 = tpu.memref_slice %arg6[%dma_start3A, %dma_start3A_44] : memref<2x2560xi32, #tpu.memory_space<vmem>> -> memref<1x2560xi32, #tpu.memory_space<vmem>>
      %dma_start3A_46 = tpu.memref_squeeze %dma_start3A_45 : memref<1x2560xi32, #tpu.memory_space<vmem>> -> memref<2560xi32, #tpu.memory_space<vmem>>
      %dma_start3A_47 = tpu.memref_slice %arg2[%mul3A_43] : memref<320000xi32, #tpu.memory_space<hbm>> -> memref<2560xi32, #tpu.memory_space<hbm>>
      %dma_start3A_48 = arith.constant 0 : i32
      %dma_start3A_49 = tpu.memref_slice %arg6[%dma_start3A, %dma_start3A_48] : memref<2x2560xi32, #tpu.memory_space<vmem>> -> memref<1x2560xi32, #tpu.memory_space<vmem>>
      %dma_start3A_50 = tpu.memref_squeeze %dma_start3A_49 : memref<1x2560xi32, #tpu.memory_space<vmem>> -> memref<2560xi32, #tpu.memory_space<vmem>>
      %dma_start3A_51 = tpu.memref_slice %arg2[%mul3A_43] : memref<320000xi32, #tpu.memory_space<hbm>> -> memref<2560xi32, #tpu.memory_space<hbm>>
      tpu.enqueue_dma source(%dma_start3A_51 : memref<2560xi32, #tpu.memory_space<hbm>>) target(%dma_start3A_50 : memref<2560xi32, #tpu.memory_space<vmem>>) target_semaphore(%arg10 : memref<!tpu.dma_semaphore, #tpu.memory_space<semaphore_mem>>)
      %dma_start3A_52 = arith.constant 0 : i32
      %dma_start3A_53 = arith.constant 0 : i32
      %dma_start3A_54 = tpu.memref_slice %arg7[%dma_start3A_52, %dma_start3A_53] : memref<2x2560xi32, #tpu.memory_space<vmem>> -> memref<1x2560xi32, #tpu.memory_space<vmem>>
      %dma_start3A_55 = tpu.memref_squeeze %dma_start3A_54 : memref<1x2560xi32, #tpu.memory_space<vmem>> -> memref<2560xi32, #tpu.memory_space<vmem>>
      %dma_start3A_56 = tpu.memref_slice %arg3[%mul3A_43] : memref<320000xi32, #tpu.memory_space<hbm>> -> memref<2560xi32, #tpu.memory_space<hbm>>
      %dma_start3A_57 = arith.constant 0 : i32
      %dma_start3A_58 = tpu.memref_slice %arg7[%dma_start3A_52, %dma_start3A_57] : memref<2x2560xi32, #tpu.memory_space<vmem>> -> memref<1x2560xi32, #tpu.memory_space<vmem>>
      %dma_start3A_59 = tpu.memref_squeeze %dma_start3A_58 : memref<1x2560xi32, #tpu.memory_space<vmem>> -> memref<2560xi32, #tpu.memory_space<vmem>>
      %dma_start3A_60 = tpu.memref_slice %arg3[%mul3A_43] : memref<320000xi32, #tpu.memory_space<hbm>> -> memref<2560xi32, #tpu.memory_space<hbm>>
      tpu.enqueue_dma source(%dma_start3A_60 : memref<2560xi32, #tpu.memory_space<hbm>>) target(%dma_start3A_59 : memref<2560xi32, #tpu.memory_space<vmem>>) target_semaphore(%arg10 : memref<!tpu.dma_semaphore, #tpu.memory_space<semaphore_mem>>)
    } else {
    }
    %scan3A_19 = arith.constant 0 : i32
    %scan3A_20 = arith.constant 2 : i32
    %scan3A_21 = arith.addi %scan3A_19, %scan3A_20 : i32
    %scan3A_22 = arith.constant 1 : i32
    scf.for %scan3A_42 = %scan3A_19 to %scan3A_21 step %scan3A_22  : i32 {
      %mul3A_43 = arith.constant 2 : i32
      %mul3A_44 = arith.muli %mul3A_43, %scan3A_42 : i32
      %add3A_45 = arith.constant 0 : i32
      %add3A_46 = arith.addi %mul3A_44, %add3A_45 : i32
      %mul3A_47 = arith.constant 32 : i32
      %mul3A_48 = arith.muli %mul3A_47, %add3A_46 : i32
      %add3A_49 = arith.addi %add3A, %mul3A_48 : i32
      %lt3A_50 = arith.constant 125 : i32
      %lt3A_51 = arith.cmpi slt, %add3A_49, %lt3A_50 : i32
      %convert_element_type3A_52 = arith.extui %lt3A_51 : i1 to i32
      %cond3A_53 = arith.constant 0 : i32
      %cond3A_54 = arith.cmpi ne, %convert_element_type3A_52, %cond3A_53 : i32
      scf.if %cond3A_54 {
        %mul3A_67 = arith.constant 2560 : i32
        %mul3A_68 = arith.muli %add3A_49, %mul3A_67 : i32
        %dma_wait3A_69 = arith.constant 0 : i32
        %dma_wait3A_70 = arith.constant 0 : i32
        %dma_wait3A_71 = tpu.memref_slice %arg6[%dma_wait3A_69, %dma_wait3A_70] : memref<2x2560xi32, #tpu.memory_space<vmem>> -> memref<1x2560xi32, #tpu.memory_space<vmem>>
        %dma_wait3A_72 = tpu.memref_squeeze %dma_wait3A_71 : memref<1x2560xi32, #tpu.memory_space<vmem>> -> memref<2560xi32, #tpu.memory_space<vmem>>
        %dma_wait3A_73 = tpu.memref_slice %arg2[%mul3A_68] : memref<320000xi32, #tpu.memory_space<hbm>> -> memref<2560xi32, #tpu.memory_space<hbm>>
        %dma_wait3A_74 = arith.constant 0 : i32
        %dma_wait3A_75 = tpu.memref_slice %arg6[%dma_wait3A_69, %dma_wait3A_74] : memref<2x2560xi32, #tpu.memory_space<vmem>> -> memref<1x2560xi32, #tpu.memory_space<vmem>>
        %dma_wait3A_76 = tpu.memref_squeeze %dma_wait3A_75 : memref<1x2560xi32, #tpu.memory_space<vmem>> -> memref<2560xi32, #tpu.memory_space<vmem>>
        %dma_wait3A_77 = tpu.memref_slice %arg2[%mul3A_68] : memref<320000xi32, #tpu.memory_space<hbm>> -> memref<2560xi32, #tpu.memory_space<hbm>>
        tpu.wait_dma2 semaphore(%arg10 : memref<!tpu.dma_semaphore, #tpu.memory_space<semaphore_mem>>) src(%dma_wait3A_77 : memref<2560xi32, #tpu.memory_space<hbm>>) dst(%dma_wait3A_76 : memref<2560xi32, #tpu.memory_space<vmem>>)
        %dma_wait3A_78 = arith.constant 0 : i32
        %dma_wait3A_79 = arith.constant 0 : i32
        %dma_wait3A_80 = tpu.memref_slice %arg7[%dma_wait3A_78, %dma_wait3A_79] : memref<2x2560xi32, #tpu.memory_space<vmem>> -> memref<1x2560xi32, #tpu.memory_space<vmem>>
        %dma_wait3A_81 = tpu.memref_squeeze %dma_wait3A_80 : memref<1x2560xi32, #tpu.memory_space<vmem>> -> memref<2560xi32, #tpu.memory_space<vmem>>
        %dma_wait3A_82 = tpu.memref_slice %arg3[%mul3A_68] : memref<320000xi32, #tpu.memory_space<hbm>> -> memref<2560xi32, #tpu.memory_space<hbm>>
        %dma_wait3A_83 = arith.constant 0 : i32
        %dma_wait3A_84 = tpu.memref_slice %arg7[%dma_wait3A_78, %dma_wait3A_83] : memref<2x2560xi32, #tpu.memory_space<vmem>> -> memref<1x2560xi32, #tpu.memory_space<vmem>>
        %dma_wait3A_85 = tpu.memref_squeeze %dma_wait3A_84 : memref<1x2560xi32, #tpu.memory_space<vmem>> -> memref<2560xi32, #tpu.memory_space<vmem>>
        %dma_wait3A_86 = tpu.memref_slice %arg3[%mul3A_68] : memref<320000xi32, #tpu.memory_space<hbm>> -> memref<2560xi32, #tpu.memory_space<hbm>>
        tpu.wait_dma2 semaphore(%arg10 : memref<!tpu.dma_semaphore, #tpu.memory_space<semaphore_mem>>) src(%dma_wait3A_86 : memref<2560xi32, #tpu.memory_space<hbm>>) dst(%dma_wait3A_85 : memref<2560xi32, #tpu.memory_space<vmem>>)
        %ge3A = arith.constant 1 : i32
        %ge3A_87 = arith.cmpi sge, %add3A_46, %ge3A : i32
        %convert_element_type3A_88 = arith.extui %ge3A_87 : i1 to i32
        %cond3A_89 = arith.constant 0 : i32
        %cond3A_90 = arith.cmpi ne, %convert_element_type3A_88, %cond3A_89 : i32
        scf.if %cond3A_90 {
          %dma_wait3A_112 = arith.constant 1 : i32
          %dma_wait3A_113 = arith.constant 0 : i32
          %dma_wait3A_114 = tpu.memref_slice %arg6[%dma_wait3A_112, %dma_wait3A_113] : memref<2x2560xi32, #tpu.memory_space<vmem>> -> memref<1x2560xi32, #tpu.memory_space<vmem>>
          %dma_wait3A_115 = tpu.memref_squeeze %dma_wait3A_114 : memref<1x2560xi32, #tpu.memory_space<vmem>> -> memref<2560xi32, #tpu.memory_space<vmem>>
          %dma_wait3A_116 = arith.constant 0 : i32
          %dma_wait3A_117 = tpu.memref_slice %arg12[%dma_wait3A_116] : memref<10240xf32, #tpu.memory_space<vmem_shared>> -> memref<10240xf32, #tpu.memory_space<vmem_shared>>
          tpu.wait_indirect_dma semaphore(%arg11 : memref<!tpu.dma_semaphore, #tpu.memory_space<semaphore_mem>>) src(%arg8 : memref<2560xf32, #tpu.memory_space<vmem>>) dst(%dma_wait3A_117 : memref<10240xf32, #tpu.memory_space<vmem_shared>>)
          %dma_wait3A_118 = arith.constant 1 : i32
          %dma_wait3A_119 = arith.constant 0 : i32
          %dma_wait3A_120 = tpu.memref_slice %arg7[%dma_wait3A_118, %dma_wait3A_119] : memref<2x2560xi32, #tpu.memory_space<vmem>> -> memref<1x2560xi32, #tpu.memory_space<vmem>>
          %dma_wait3A_121 = tpu.memref_squeeze %dma_wait3A_120 : memref<1x2560xi32, #tpu.memory_space<vmem>> -> memref<2560xi32, #tpu.memory_space<vmem>>
          %dma_wait3A_122 = arith.constant 0 : i32
          %dma_wait3A_123 = tpu.memref_slice %arg13[%dma_wait3A_122] : memref<10240xf32, #tpu.memory_space<vmem_shared>> -> memref<10240xf32, #tpu.memory_space<vmem_shared>>
          tpu.wait_indirect_dma semaphore(%arg11 : memref<!tpu.dma_semaphore, #tpu.memory_space<semaphore_mem>>) src(%arg8 : memref<2560xf32, #tpu.memory_space<vmem>>) dst(%dma_wait3A_123 : memref<10240xf32, #tpu.memory_space<vmem_shared>>)
        } else {
        }
        %add3A_91 = arith.constant 1 : i32
        %add3A_92 = arith.addi %add3A_46, %add3A_91 : i32
        %mul3A_93 = arith.constant 32 : i32
        %mul3A_94 = arith.muli %mul3A_93, %add3A_92 : i32
        %add3A_95 = arith.addi %add3A, %mul3A_94 : i32
        %lt3A_96 = arith.constant 125 : i32
        %lt3A_97 = arith.cmpi slt, %add3A_95, %lt3A_96 : i32
        %convert_element_type3A_98 = arith.extui %lt3A_97 : i1 to i32
        %cond3A_99 = arith.constant 0 : i32
        %cond3A_100 = arith.cmpi ne, %convert_element_type3A_98, %cond3A_99 : i32
        scf.if %cond3A_100 {
          %mul3A_112 = arith.constant 2560 : i32
          %mul3A_113 = arith.muli %add3A_95, %mul3A_112 : i32
          %dma_start3A_114 = arith.constant 1 : i32
          %dma_start3A_115 = arith.constant 0 : i32
          %dma_start3A_116 = tpu.memref_slice %arg6[%dma_start3A_114, %dma_start3A_115] : memref<2x2560xi32, #tpu.memory_space<vmem>> -> memref<1x2560xi32, #tpu.memory_space<vmem>>
          %dma_start3A_117 = tpu.memref_squeeze %dma_start3A_116 : memref<1x2560xi32, #tpu.memory_space<vmem>> -> memref<2560xi32, #tpu.memory_space<vmem>>
          %dma_start3A_118 = tpu.memref_slice %arg2[%mul3A_113] : memref<320000xi32, #tpu.memory_space<hbm>> -> memref<2560xi32, #tpu.memory_space<hbm>>
          %dma_start3A_119 = arith.constant 0 : i32
          %dma_start3A_120 = tpu.memref_slice %arg6[%dma_start3A_114, %dma_start3A_119] : memref<2x2560xi32, #tpu.memory_space<vmem>> -> memref<1x2560xi32, #tpu.memory_space<vmem>>
          %dma_start3A_121 = tpu.memref_squeeze %dma_start3A_120 : memref<1x2560xi32, #tpu.memory_space<vmem>> -> memref<2560xi32, #tpu.memory_space<vmem>>
          %dma_start3A_122 = tpu.memref_slice %arg2[%mul3A_113] : memref<320000xi32, #tpu.memory_space<hbm>> -> memref<2560xi32, #tpu.memory_space<hbm>>
          tpu.enqueue_dma source(%dma_start3A_122 : memref<2560xi32, #tpu.memory_space<hbm>>) target(%dma_start3A_121 : memref<2560xi32, #tpu.memory_space<vmem>>) target_semaphore(%arg10 : memref<!tpu.dma_semaphore, #tpu.memory_space<semaphore_mem>>)
          %dma_start3A_123 = arith.constant 1 : i32
          %dma_start3A_124 = arith.constant 0 : i32
          %dma_start3A_125 = tpu.memref_slice %arg7[%dma_start3A_123, %dma_start3A_124] : memref<2x2560xi32, #tpu.memory_space<vmem>> -> memref<1x2560xi32, #tpu.memory_space<vmem>>
          %dma_start3A_126 = tpu.memref_squeeze %dma_start3A_125 : memref<1x2560xi32, #tpu.memory_space<vmem>> -> memref<2560xi32, #tpu.memory_space<vmem>>
          %dma_start3A_127 = tpu.memref_slice %arg3[%mul3A_113] : memref<320000xi32, #tpu.memory_space<hbm>> -> memref<2560xi32, #tpu.memory_space<hbm>>
          %dma_start3A_128 = arith.constant 0 : i32
          %dma_start3A_129 = tpu.memref_slice %arg7[%dma_start3A_123, %dma_start3A_128] : memref<2x2560xi32, #tpu.memory_space<vmem>> -> memref<1x2560xi32, #tpu.memory_space<vmem>>
          %dma_start3A_130 = tpu.memref_squeeze %dma_start3A_129 : memref<1x2560xi32, #tpu.memory_space<vmem>> -> memref<2560xi32, #tpu.memory_space<vmem>>
          %dma_start3A_131 = tpu.memref_slice %arg3[%mul3A_113] : memref<320000xi32, #tpu.memory_space<hbm>> -> memref<2560xi32, #tpu.memory_space<hbm>>
          tpu.enqueue_dma source(%dma_start3A_131 : memref<2560xi32, #tpu.memory_space<hbm>>) target(%dma_start3A_130 : memref<2560xi32, #tpu.memory_space<vmem>>) target_semaphore(%arg10 : memref<!tpu.dma_semaphore, #tpu.memory_space<semaphore_mem>>)
        } else {
        }
        %dma_start3A = arith.constant 0 : i32
        %dma_start3A_101 = arith.constant 0 : i32
        %dma_start3A_102 = tpu.memref_slice %arg6[%dma_start3A, %dma_start3A_101] : memref<2x2560xi32, #tpu.memory_space<vmem>> -> memref<1x2560xi32, #tpu.memory_space<vmem>>
        %dma_start3A_103 = tpu.memref_squeeze %dma_start3A_102 : memref<1x2560xi32, #tpu.memory_space<vmem>> -> memref<2560xi32, #tpu.memory_space<vmem>>
        %dma_start3A_104 = arith.constant 0 : i32
        %dma_start3A_105 = tpu.memref_slice %arg12[%dma_start3A_104] : memref<10240xf32, #tpu.memory_space<vmem_shared>> -> memref<10240xf32, #tpu.memory_space<vmem_shared>>
        tpu.enqueue_indirect_dma source(%arg8 : memref<2560xf32, #tpu.memory_space<vmem>>) target(%dma_start3A_105 : memref<10240xf32, #tpu.memory_space<vmem_shared>>) offsets(%dma_start3A_103 : memref<2560xi32, #tpu.memory_space<vmem>>) semaphore(%arg11 : memref<!tpu.dma_semaphore, #tpu.memory_space<semaphore_mem>>) {add = true}
        %dma_start3A_106 = arith.constant 0 : i32
        %dma_start3A_107 = arith.constant 0 : i32
        %dma_start3A_108 = tpu.memref_slice %arg7[%dma_start3A_106, %dma_start3A_107] : memref<2x2560xi32, #tpu.memory_space<vmem>> -> memref<1x2560xi32, #tpu.memory_space<vmem>>
        %dma_start3A_109 = tpu.memref_squeeze %dma_start3A_108 : memref<1x2560xi32, #tpu.memory_space<vmem>> -> memref<2560xi32, #tpu.memory_space<vmem>>
        %dma_start3A_110 = arith.constant 0 : i32
        %dma_start3A_111 = tpu.memref_slice %arg13[%dma_start3A_110] : memref<10240xf32, #tpu.memory_space<vmem_shared>> -> memref<10240xf32, #tpu.memory_space<vmem_shared>>
        tpu.enqueue_indirect_dma source(%arg8 : memref<2560xf32, #tpu.memory_space<vmem>>) target(%dma_start3A_111 : memref<10240xf32, #tpu.memory_space<vmem_shared>>) offsets(%dma_start3A_109 : memref<2560xi32, #tpu.memory_space<vmem>>) semaphore(%arg11 : memref<!tpu.dma_semaphore, #tpu.memory_space<semaphore_mem>>) {add = true}
      } else {
      }
      %mul3A_55 = arith.constant 2 : i32
      %mul3A_56 = arith.muli %mul3A_55, %scan3A_42 : i32
      %add3A_57 = arith.constant 1 : i32
      %add3A_58 = arith.addi %mul3A_56, %add3A_57 : i32
      %mul3A_59 = arith.constant 32 : i32
      %mul3A_60 = arith.muli %mul3A_59, %add3A_58 : i32
      %add3A_61 = arith.addi %add3A, %mul3A_60 : i32
      %lt3A_62 = arith.constant 125 : i32
      %lt3A_63 = arith.cmpi slt, %add3A_61, %lt3A_62 : i32
      %convert_element_type3A_64 = arith.extui %lt3A_63 : i1 to i32
      %cond3A_65 = arith.constant 0 : i32
      %cond3A_66 = arith.cmpi ne, %convert_element_type3A_64, %cond3A_65 : i32
      scf.if %cond3A_66 {
        %mul3A_67 = arith.constant 2560 : i32
        %mul3A_68 = arith.muli %add3A_61, %mul3A_67 : i32
        %dma_wait3A_69 = arith.constant 1 : i32
        %dma_wait3A_70 = arith.constant 0 : i32
        %dma_wait3A_71 = tpu.memref_slice %arg6[%dma_wait3A_69, %dma_wait3A_70] : memref<2x2560xi32, #tpu.memory_space<vmem>> -> memref<1x2560xi32, #tpu.memory_space<vmem>>
        %dma_wait3A_72 = tpu.memref_squeeze %dma_wait3A_71 : memref<1x2560xi32, #tpu.memory_space<vmem>> -> memref<2560xi32, #tpu.memory_space<vmem>>
        %dma_wait3A_73 = tpu.memref_slice %arg2[%mul3A_68] : memref<320000xi32, #tpu.memory_space<hbm>> -> memref<2560xi32, #tpu.memory_space<hbm>>
        %dma_wait3A_74 = arith.constant 0 : i32
        %dma_wait3A_75 = tpu.memref_slice %arg6[%dma_wait3A_69, %dma_wait3A_74] : memref<2x2560xi32, #tpu.memory_space<vmem>> -> memref<1x2560xi32, #tpu.memory_space<vmem>>
        %dma_wait3A_76 = tpu.memref_squeeze %dma_wait3A_75 : memref<1x2560xi32, #tpu.memory_space<vmem>> -> memref<2560xi32, #tpu.memory_space<vmem>>
        %dma_wait3A_77 = tpu.memref_slice %arg2[%mul3A_68] : memref<320000xi32, #tpu.memory_space<hbm>> -> memref<2560xi32, #tpu.memory_space<hbm>>
        tpu.wait_dma2 semaphore(%arg10 : memref<!tpu.dma_semaphore, #tpu.memory_space<semaphore_mem>>) src(%dma_wait3A_77 : memref<2560xi32, #tpu.memory_space<hbm>>) dst(%dma_wait3A_76 : memref<2560xi32, #tpu.memory_space<vmem>>)
        %dma_wait3A_78 = arith.constant 1 : i32
        %dma_wait3A_79 = arith.constant 0 : i32
        %dma_wait3A_80 = tpu.memref_slice %arg7[%dma_wait3A_78, %dma_wait3A_79] : memref<2x2560xi32, #tpu.memory_space<vmem>> -> memref<1x2560xi32, #tpu.memory_space<vmem>>
        %dma_wait3A_81 = tpu.memref_squeeze %dma_wait3A_80 : memref<1x2560xi32, #tpu.memory_space<vmem>> -> memref<2560xi32, #tpu.memory_space<vmem>>
        %dma_wait3A_82 = tpu.memref_slice %arg3[%mul3A_68] : memref<320000xi32, #tpu.memory_space<hbm>> -> memref<2560xi32, #tpu.memory_space<hbm>>
        %dma_wait3A_83 = arith.constant 0 : i32
        %dma_wait3A_84 = tpu.memref_slice %arg7[%dma_wait3A_78, %dma_wait3A_83] : memref<2x2560xi32, #tpu.memory_space<vmem>> -> memref<1x2560xi32, #tpu.memory_space<vmem>>
        %dma_wait3A_85 = tpu.memref_squeeze %dma_wait3A_84 : memref<1x2560xi32, #tpu.memory_space<vmem>> -> memref<2560xi32, #tpu.memory_space<vmem>>
        %dma_wait3A_86 = tpu.memref_slice %arg3[%mul3A_68] : memref<320000xi32, #tpu.memory_space<hbm>> -> memref<2560xi32, #tpu.memory_space<hbm>>
        tpu.wait_dma2 semaphore(%arg10 : memref<!tpu.dma_semaphore, #tpu.memory_space<semaphore_mem>>) src(%dma_wait3A_86 : memref<2560xi32, #tpu.memory_space<hbm>>) dst(%dma_wait3A_85 : memref<2560xi32, #tpu.memory_space<vmem>>)
        %ge3A = arith.constant 1 : i32
        %ge3A_87 = arith.cmpi sge, %add3A_58, %ge3A : i32
        %convert_element_type3A_88 = arith.extui %ge3A_87 : i1 to i32
        %cond3A_89 = arith.constant 0 : i32
        %cond3A_90 = arith.cmpi ne, %convert_element_type3A_88, %cond3A_89 : i32
        scf.if %cond3A_90 {
          %dma_wait3A_112 = arith.constant 0 : i32
          %dma_wait3A_113 = arith.constant 0 : i32
          %dma_wait3A_114 = tpu.memref_slice %arg6[%dma_wait3A_112, %dma_wait3A_113] : memref<2x2560xi32, #tpu.memory_space<vmem>> -> memref<1x2560xi32, #tpu.memory_space<vmem>>
          %dma_wait3A_115 = tpu.memref_squeeze %dma_wait3A_114 : memref<1x2560xi32, #tpu.memory_space<vmem>> -> memref<2560xi32, #tpu.memory_space<vmem>>
          %dma_wait3A_116 = arith.constant 0 : i32
          %dma_wait3A_117 = tpu.memref_slice %arg12[%dma_wait3A_116] : memref<10240xf32, #tpu.memory_space<vmem_shared>> -> memref<10240xf32, #tpu.memory_space<vmem_shared>>
          tpu.wait_indirect_dma semaphore(%arg11 : memref<!tpu.dma_semaphore, #tpu.memory_space<semaphore_mem>>) src(%arg8 : memref<2560xf32, #tpu.memory_space<vmem>>) dst(%dma_wait3A_117 : memref<10240xf32, #tpu.memory_space<vmem_shared>>)
          %dma_wait3A_118 = arith.constant 0 : i32
          %dma_wait3A_119 = arith.constant 0 : i32
          %dma_wait3A_120 = tpu.memref_slice %arg7[%dma_wait3A_118, %dma_wait3A_119] : memref<2x2560xi32, #tpu.memory_space<vmem>> -> memref<1x2560xi32, #tpu.memory_space<vmem>>
          %dma_wait3A_121 = tpu.memref_squeeze %dma_wait3A_120 : memref<1x2560xi32, #tpu.memory_space<vmem>> -> memref<2560xi32, #tpu.memory_space<vmem>>
          %dma_wait3A_122 = arith.constant 0 : i32
          %dma_wait3A_123 = tpu.memref_slice %arg13[%dma_wait3A_122] : memref<10240xf32, #tpu.memory_space<vmem_shared>> -> memref<10240xf32, #tpu.memory_space<vmem_shared>>
          tpu.wait_indirect_dma semaphore(%arg11 : memref<!tpu.dma_semaphore, #tpu.memory_space<semaphore_mem>>) src(%arg8 : memref<2560xf32, #tpu.memory_space<vmem>>) dst(%dma_wait3A_123 : memref<10240xf32, #tpu.memory_space<vmem_shared>>)
        } else {
        }
        %add3A_91 = arith.constant 1 : i32
        %add3A_92 = arith.addi %add3A_58, %add3A_91 : i32
        %mul3A_93 = arith.constant 32 : i32
        %mul3A_94 = arith.muli %mul3A_93, %add3A_92 : i32
        %add3A_95 = arith.addi %add3A, %mul3A_94 : i32
        %lt3A_96 = arith.constant 125 : i32
        %lt3A_97 = arith.cmpi slt, %add3A_95, %lt3A_96 : i32
        %convert_element_type3A_98 = arith.extui %lt3A_97 : i1 to i32
        %cond3A_99 = arith.constant 0 : i32
        %cond3A_100 = arith.cmpi ne, %convert_element_type3A_98, %cond3A_99 : i32
        scf.if %cond3A_100 {
          %mul3A_112 = arith.constant 2560 : i32
          %mul3A_113 = arith.muli %add3A_95, %mul3A_112 : i32
          %dma_start3A_114 = arith.constant 0 : i32
          %dma_start3A_115 = arith.constant 0 : i32
          %dma_start3A_116 = tpu.memref_slice %arg6[%dma_start3A_114, %dma_start3A_115] : memref<2x2560xi32, #tpu.memory_space<vmem>> -> memref<1x2560xi32, #tpu.memory_space<vmem>>
          %dma_start3A_117 = tpu.memref_squeeze %dma_start3A_116 : memref<1x2560xi32, #tpu.memory_space<vmem>> -> memref<2560xi32, #tpu.memory_space<vmem>>
          %dma_start3A_118 = tpu.memref_slice %arg2[%mul3A_113] : memref<320000xi32, #tpu.memory_space<hbm>> -> memref<2560xi32, #tpu.memory_space<hbm>>
          %dma_start3A_119 = arith.constant 0 : i32
          %dma_start3A_120 = tpu.memref_slice %arg6[%dma_start3A_114, %dma_start3A_119] : memref<2x2560xi32, #tpu.memory_space<vmem>> -> memref<1x2560xi32, #tpu.memory_space<vmem>>
          %dma_start3A_121 = tpu.memref_squeeze %dma_start3A_120 : memref<1x2560xi32, #tpu.memory_space<vmem>> -> memref<2560xi32, #tpu.memory_space<vmem>>
          %dma_start3A_122 = tpu.memref_slice %arg2[%mul3A_113] : memref<320000xi32, #tpu.memory_space<hbm>> -> memref<2560xi32, #tpu.memory_space<hbm>>
          tpu.enqueue_dma source(%dma_start3A_122 : memref<2560xi32, #tpu.memory_space<hbm>>) target(%dma_start3A_121 : memref<2560xi32, #tpu.memory_space<vmem>>) target_semaphore(%arg10 : memref<!tpu.dma_semaphore, #tpu.memory_space<semaphore_mem>>)
          %dma_start3A_123 = arith.constant 0 : i32
          %dma_start3A_124 = arith.constant 0 : i32
          %dma_start3A_125 = tpu.memref_slice %arg7[%dma_start3A_123, %dma_start3A_124] : memref<2x2560xi32, #tpu.memory_space<vmem>> -> memref<1x2560xi32, #tpu.memory_space<vmem>>
          %dma_start3A_126 = tpu.memref_squeeze %dma_start3A_125 : memref<1x2560xi32, #tpu.memory_space<vmem>> -> memref<2560xi32, #tpu.memory_space<vmem>>
          %dma_start3A_127 = tpu.memref_slice %arg3[%mul3A_113] : memref<320000xi32, #tpu.memory_space<hbm>> -> memref<2560xi32, #tpu.memory_space<hbm>>
          %dma_start3A_128 = arith.constant 0 : i32
          %dma_start3A_129 = tpu.memref_slice %arg7[%dma_start3A_123, %dma_start3A_128] : memref<2x2560xi32, #tpu.memory_space<vmem>> -> memref<1x2560xi32, #tpu.memory_space<vmem>>
          %dma_start3A_130 = tpu.memref_squeeze %dma_start3A_129 : memref<1x2560xi32, #tpu.memory_space<vmem>> -> memref<2560xi32, #tpu.memory_space<vmem>>
          %dma_start3A_131 = tpu.memref_slice %arg3[%mul3A_113] : memref<320000xi32, #tpu.memory_space<hbm>> -> memref<2560xi32, #tpu.memory_space<hbm>>
          tpu.enqueue_dma source(%dma_start3A_131 : memref<2560xi32, #tpu.memory_space<hbm>>) target(%dma_start3A_130 : memref<2560xi32, #tpu.memory_space<vmem>>) target_semaphore(%arg10 : memref<!tpu.dma_semaphore, #tpu.memory_space<semaphore_mem>>)
        } else {
        }
        %dma_start3A = arith.constant 1 : i32
        %dma_start3A_101 = arith.constant 0 : i32
        %dma_start3A_102 = tpu.memref_slice %arg6[%dma_start3A, %dma_start3A_101] : memref<2x2560xi32, #tpu.memory_space<vmem>> -> memref<1x2560xi32, #tpu.memory_space<vmem>>
        %dma_start3A_103 = tpu.memref_squeeze %dma_start3A_102 : memref<1x2560xi32, #tpu.memory_space<vmem>> -> memref<2560xi32, #tpu.memory_space<vmem>>
        %dma_start3A_104 = arith.constant 0 : i32
        %dma_start3A_105 = tpu.memref_slice %arg12[%dma_start3A_104] : memref<10240xf32, #tpu.memory_space<vmem_shared>> -> memref<10240xf32, #tpu.memory_space<vmem_shared>>
        tpu.enqueue_indirect_dma source(%arg8 : memref<2560xf32, #tpu.memory_space<vmem>>) target(%dma_start3A_105 : memref<10240xf32, #tpu.memory_space<vmem_shared>>) offsets(%dma_start3A_103 : memref<2560xi32, #tpu.memory_space<vmem>>) semaphore(%arg11 : memref<!tpu.dma_semaphore, #tpu.memory_space<semaphore_mem>>) {add = true}
        %dma_start3A_106 = arith.constant 1 : i32
        %dma_start3A_107 = arith.constant 0 : i32
        %dma_start3A_108 = tpu.memref_slice %arg7[%dma_start3A_106, %dma_start3A_107] : memref<2x2560xi32, #tpu.memory_space<vmem>> -> memref<1x2560xi32, #tpu.memory_space<vmem>>
        %dma_start3A_109 = tpu.memref_squeeze %dma_start3A_108 : memref<1x2560xi32, #tpu.memory_space<vmem>> -> memref<2560xi32, #tpu.memory_space<vmem>>
        %dma_start3A_110 = arith.constant 0 : i32
        %dma_start3A_111 = tpu.memref_slice %arg13[%dma_start3A_110] : memref<10240xf32, #tpu.memory_space<vmem_shared>> -> memref<10240xf32, #tpu.memory_space<vmem_shared>>
        tpu.enqueue_indirect_dma source(%arg8 : memref<2560xf32, #tpu.memory_space<vmem>>) target(%dma_start3A_111 : memref<10240xf32, #tpu.memory_space<vmem_shared>>) offsets(%dma_start3A_109 : memref<2560xi32, #tpu.memory_space<vmem>>) semaphore(%arg11 : memref<!tpu.dma_semaphore, #tpu.memory_space<semaphore_mem>>) {add = true}
      } else {
      }
    }
    %scan3A_23 = arith.constant 2 : i32
    %dma_wait3A = arith.constant 0 : i32
    %dma_wait3A_24 = arith.constant 0 : i32
    %dma_wait3A_25 = tpu.memref_slice %arg6[%dma_wait3A, %dma_wait3A_24] : memref<2x2560xi32, #tpu.memory_space<vmem>> -> memref<1x2560xi32, #tpu.memory_space<vmem>>
    %dma_wait3A_26 = tpu.memref_squeeze %dma_wait3A_25 : memref<1x2560xi32, #tpu.memory_space<vmem>> -> memref<2560xi32, #tpu.memory_space<vmem>>
    %dma_wait3A_27 = arith.constant 0 : i32
    %dma_wait3A_28 = tpu.memref_slice %arg12[%dma_wait3A_27] : memref<10240xf32, #tpu.memory_space<vmem_shared>> -> memref<10240xf32, #tpu.memory_space<vmem_shared>>
    tpu.wait_indirect_dma semaphore(%arg11 : memref<!tpu.dma_semaphore, #tpu.memory_space<semaphore_mem>>) src(%arg8 : memref<2560xf32, #tpu.memory_space<vmem>>) dst(%dma_wait3A_28 : memref<10240xf32, #tpu.memory_space<vmem_shared>>)
    %dma_wait3A_29 = arith.constant 0 : i32
    %dma_wait3A_30 = arith.constant 0 : i32
    %dma_wait3A_31 = tpu.memref_slice %arg7[%dma_wait3A_29, %dma_wait3A_30] : memref<2x2560xi32, #tpu.memory_space<vmem>> -> memref<1x2560xi32, #tpu.memory_space<vmem>>
    %dma_wait3A_32 = tpu.memref_squeeze %dma_wait3A_31 : memref<1x2560xi32, #tpu.memory_space<vmem>> -> memref<2560xi32, #tpu.memory_space<vmem>>
    %dma_wait3A_33 = arith.constant 0 : i32
    %dma_wait3A_34 = tpu.memref_slice %arg13[%dma_wait3A_33] : memref<10240xf32, #tpu.memory_space<vmem_shared>> -> memref<10240xf32, #tpu.memory_space<vmem_shared>>
    tpu.wait_indirect_dma semaphore(%arg11 : memref<!tpu.dma_semaphore, #tpu.memory_space<semaphore_mem>>) src(%arg8 : memref<2560xf32, #tpu.memory_space<vmem>>) dst(%dma_wait3A_34 : memref<10240xf32, #tpu.memory_space<vmem_shared>>)
    %barrier3A_35 = arith.constant 0 : index
    tpu.barrier barrier_id(%barrier3A_35)
    %mul3A_36 = arith.constant 10240 : i32
    %mul3A_37 = arith.muli %arg0, %mul3A_36 : i32
    %add3A_38 = arith.addi %mul3A_37, %mul3A_2 : i32
    "tpu.region"() ({
      %run_scoped3A = tpu.sem_alloc : memref<!tpu.dma_semaphore, #tpu.memory_space<semaphore_mem>>
      %dma_start3A = tpu.memref_slice %arg4[%add3A_38] : memref<20480xf32, #tpu.memory_space<hbm>> -> memref<640xf32, #tpu.memory_space<hbm>>
      %dma_start3A_42 = tpu.memref_slice %arg12[%mul3A_2] : memref<10240xf32, #tpu.memory_space<vmem_shared>> -> memref<640xf32, #tpu.memory_space<vmem_shared>>
      tpu.enqueue_dma source(%dma_start3A_42 : memref<640xf32, #tpu.memory_space<vmem_shared>>) target(%dma_start3A : memref<640xf32, #tpu.memory_space<hbm>>) target_semaphore(%run_scoped3A : memref<!tpu.dma_semaphore, #tpu.memory_space<semaphore_mem>>)
      %dma_wait3A_43 = tpu.memref_slice %arg4[%add3A_38] : memref<20480xf32, #tpu.memory_space<hbm>> -> memref<640xf32, #tpu.memory_space<hbm>>
      %dma_wait3A_44 = tpu.memref_slice %arg12[%mul3A_2] : memref<10240xf32, #tpu.memory_space<vmem_shared>> -> memref<640xf32, #tpu.memory_space<vmem_shared>>
      tpu.wait_dma2 semaphore(%run_scoped3A : memref<!tpu.dma_semaphore, #tpu.memory_space<semaphore_mem>>) src(%dma_wait3A_44 : memref<640xf32, #tpu.memory_space<vmem_shared>>) dst(%dma_wait3A_43 : memref<640xf32, #tpu.memory_space<hbm>>)
      tpu.yield
    }) : () -> ()
    %mul3A_39 = arith.constant 10240 : i32
    %mul3A_40 = arith.muli %arg0, %mul3A_39 : i32
    %add3A_41 = arith.addi %mul3A_40, %mul3A_2 : i32
    "tpu.region"() ({
      %run_scoped3A = tpu.sem_alloc : memref<!tpu.dma_semaphore, #tpu.memory_space<semaphore_mem>>
      %dma_start3A = tpu.memref_slice %arg5[%add3A_41] : memref<20480xf32, #tpu.memory_space<hbm>> -> memref<640xf32, #tpu.memory_space<hbm>>
      %dma_start3A_42 = tpu.memref_slice %arg13[%mul3A_2] : memref<10240xf32, #tpu.memory_space<vmem_shared>> -> memref<640xf32, #tpu.memory_space<vmem_shared>>
      tpu.enqueue_dma source(%dma_start3A_42 : memref<640xf32, #tpu.memory_space<vmem_shared>>) target(%dma_start3A : memref<640xf32, #tpu.memory_space<hbm>>) target_semaphore(%run_scoped3A : memref<!tpu.dma_semaphore, #tpu.memory_space<semaphore_mem>>)
      %dma_wait3A_43 = tpu.memref_slice %arg5[%add3A_41] : memref<20480xf32, #tpu.memory_space<hbm>> -> memref<640xf32, #tpu.memory_space<hbm>>
      %dma_wait3A_44 = tpu.memref_slice %arg13[%mul3A_2] : memref<10240xf32, #tpu.memory_space<vmem_shared>> -> memref<640xf32, #tpu.memory_space<vmem_shared>>
      tpu.wait_dma2 semaphore(%run_scoped3A : memref<!tpu.dma_semaphore, #tpu.memory_space<semaphore_mem>>) src(%dma_wait3A_44 : memref<640xf32, #tpu.memory_space<vmem_shared>>) dst(%dma_wait3A_43 : memref<640xf32, #tpu.memory_space<hbm>>)
      tpu.yield
    }) : () -> ()
    return
  }
}

#map = affine_map<(d0, d1) -> (0)>
module attributes {stable_mosaic.version = 14 : i64} {
  func.func @_conv_kernel(%arg0: i32, %arg1: i32, %arg2: memref<320000xi32, #tpu.memory_space<hbm>>, %arg3: memref<320000xi32, #tpu.memory_space<hbm>>, %arg4: memref<320000xi32, #tpu.memory_space<hbm>>, %arg5: memref<320000xi32, #tpu.memory_space<hbm>>, %arg6: memref<10240xf32, #tpu.memory_space<hbm>>, %arg7: memref<10240xf32, #tpu.memory_space<hbm>>, %arg8: memref<10240xf32, #tpu.memory_space<hbm>>, %arg9: memref<10240xf32, #tpu.memory_space<hbm>>, %arg10: memref<20480xf32, #tpu.memory_space<hbm>>, %arg11: memref<20480xf32, #tpu.memory_space<hbm>>, %arg12: memref<20480xf32, #tpu.memory_space<hbm>>, %arg13: memref<20480xf32, #tpu.memory_space<hbm>>, %arg14: memref<2x2560xi32, #tpu.memory_space<vmem>>, %arg15: memref<2x2560xi32, #tpu.memory_space<vmem>>, %arg16: memref<2x2560xi32, #tpu.memory_space<vmem>>, %arg17: memref<2x2560xi32, #tpu.memory_space<vmem>>, %arg18: memref<2x2560xf32, #tpu.memory_space<vmem>>, %arg19: memref<2x2560xf32, #tpu.memory_space<vmem>>, %arg20: memref<2x2560xf32, #tpu.memory_space<vmem>>, %arg21: memref<2x2560xf32, #tpu.memory_space<vmem>>, %arg22: memref<640xf32, #tpu.memory_space<vmem>>, %arg23: memref<!tpu.dma_semaphore, #tpu.memory_space<semaphore_mem>>, %arg24: memref<!tpu.dma_semaphore, #tpu.memory_space<semaphore_mem>>, %arg25: memref<!tpu.dma_semaphore, #tpu.memory_space<semaphore_mem>>, %arg26: memref<10240xf32, #tpu.memory_space<vmem_shared>>, %arg27: memref<10240xf32, #tpu.memory_space<vmem_shared>>, %arg28: memref<10240xf32, #tpu.memory_space<vmem_shared>>, %arg29: memref<10240xf32, #tpu.memory_space<vmem_shared>>, %arg30: memref<10240xf32, #tpu.memory_space<vmem_shared>>, %arg31: memref<10240xf32, #tpu.memory_space<vmem_shared>>, %arg32: memref<10240xf32, #tpu.memory_space<vmem_shared>>, %arg33: memref<10240xf32, #tpu.memory_space<vmem_shared>>) attributes {dimension_semantics = [#tpu.dimension_semantics<core_parallel>, #tpu.dimension_semantics<subcore_parallel>], iteration_bounds = array<i64: 2, 16>, scalar_prefetch = 0 : i64, scratch_operands = 20 : i64, tpu.core_type = #tpu.core_type<sc_vector_subcore>, window_params = [{transform_indices = #map}, {transform_indices = #map}, {transform_indices = #map}, {transform_indices = #map}, {transform_indices = #map}, {transform_indices = #map}, {transform_indices = #map}, {transform_indices = #map}, {transform_indices = #map}, {transform_indices = #map}, {transform_indices = #map}, {transform_indices = #map}]} {
    %mul3A = arith.constant 16 : i32
    %mul3A_0 = arith.muli %arg0, %mul3A : i32
    %add3A = arith.addi %mul3A_0, %arg1 : i32
    %mul3A_1 = arith.constant 640 : i32
    %mul3A_2 = arith.muli %arg1, %mul3A_1 : i32
    "tpu.region"() ({
      %run_scoped3A = tpu.sem_alloc : memref<!tpu.dma_semaphore, #tpu.memory_space<semaphore_mem>>
      %dma_start3A = tpu.memref_slice %arg26[%mul3A_2] : memref<10240xf32, #tpu.memory_space<vmem_shared>> -> memref<640xf32, #tpu.memory_space<vmem_shared>>
      %dma_start3A_60 = tpu.memref_slice %arg6[%mul3A_2] : memref<10240xf32, #tpu.memory_space<hbm>> -> memref<640xf32, #tpu.memory_space<hbm>>
      tpu.enqueue_dma source(%dma_start3A_60 : memref<640xf32, #tpu.memory_space<hbm>>) target(%dma_start3A : memref<640xf32, #tpu.memory_space<vmem_shared>>) target_semaphore(%run_scoped3A : memref<!tpu.dma_semaphore, #tpu.memory_space<semaphore_mem>>)
      %dma_wait3A_61 = tpu.memref_slice %arg26[%mul3A_2] : memref<10240xf32, #tpu.memory_space<vmem_shared>> -> memref<640xf32, #tpu.memory_space<vmem_shared>>
      %dma_wait3A_62 = tpu.memref_slice %arg6[%mul3A_2] : memref<10240xf32, #tpu.memory_space<hbm>> -> memref<640xf32, #tpu.memory_space<hbm>>
      tpu.wait_dma2 semaphore(%run_scoped3A : memref<!tpu.dma_semaphore, #tpu.memory_space<semaphore_mem>>) src(%dma_wait3A_62 : memref<640xf32, #tpu.memory_space<hbm>>) dst(%dma_wait3A_61 : memref<640xf32, #tpu.memory_space<vmem_shared>>)
      tpu.yield
    }) : () -> ()
    "tpu.region"() ({
      %run_scoped3A = tpu.sem_alloc : memref<!tpu.dma_semaphore, #tpu.memory_space<semaphore_mem>>
      %dma_start3A = tpu.memref_slice %arg27[%mul3A_2] : memref<10240xf32, #tpu.memory_space<vmem_shared>> -> memref<640xf32, #tpu.memory_space<vmem_shared>>
      %dma_start3A_60 = tpu.memref_slice %arg7[%mul3A_2] : memref<10240xf32, #tpu.memory_space<hbm>> -> memref<640xf32, #tpu.memory_space<hbm>>
      tpu.enqueue_dma source(%dma_start3A_60 : memref<640xf32, #tpu.memory_space<hbm>>) target(%dma_start3A : memref<640xf32, #tpu.memory_space<vmem_shared>>) target_semaphore(%run_scoped3A : memref<!tpu.dma_semaphore, #tpu.memory_space<semaphore_mem>>)
      %dma_wait3A_61 = tpu.memref_slice %arg27[%mul3A_2] : memref<10240xf32, #tpu.memory_space<vmem_shared>> -> memref<640xf32, #tpu.memory_space<vmem_shared>>
      %dma_wait3A_62 = tpu.memref_slice %arg7[%mul3A_2] : memref<10240xf32, #tpu.memory_space<hbm>> -> memref<640xf32, #tpu.memory_space<hbm>>
      tpu.wait_dma2 semaphore(%run_scoped3A : memref<!tpu.dma_semaphore, #tpu.memory_space<semaphore_mem>>) src(%dma_wait3A_62 : memref<640xf32, #tpu.memory_space<hbm>>) dst(%dma_wait3A_61 : memref<640xf32, #tpu.memory_space<vmem_shared>>)
      tpu.yield
    }) : () -> ()
    "tpu.region"() ({
      %run_scoped3A = tpu.sem_alloc : memref<!tpu.dma_semaphore, #tpu.memory_space<semaphore_mem>>
      %dma_start3A = tpu.memref_slice %arg28[%mul3A_2] : memref<10240xf32, #tpu.memory_space<vmem_shared>> -> memref<640xf32, #tpu.memory_space<vmem_shared>>
      %dma_start3A_60 = tpu.memref_slice %arg8[%mul3A_2] : memref<10240xf32, #tpu.memory_space<hbm>> -> memref<640xf32, #tpu.memory_space<hbm>>
      tpu.enqueue_dma source(%dma_start3A_60 : memref<640xf32, #tpu.memory_space<hbm>>) target(%dma_start3A : memref<640xf32, #tpu.memory_space<vmem_shared>>) target_semaphore(%run_scoped3A : memref<!tpu.dma_semaphore, #tpu.memory_space<semaphore_mem>>)
      %dma_wait3A_61 = tpu.memref_slice %arg28[%mul3A_2] : memref<10240xf32, #tpu.memory_space<vmem_shared>> -> memref<640xf32, #tpu.memory_space<vmem_shared>>
      %dma_wait3A_62 = tpu.memref_slice %arg8[%mul3A_2] : memref<10240xf32, #tpu.memory_space<hbm>> -> memref<640xf32, #tpu.memory_space<hbm>>
      tpu.wait_dma2 semaphore(%run_scoped3A : memref<!tpu.dma_semaphore, #tpu.memory_space<semaphore_mem>>) src(%dma_wait3A_62 : memref<640xf32, #tpu.memory_space<hbm>>) dst(%dma_wait3A_61 : memref<640xf32, #tpu.memory_space<vmem_shared>>)
      tpu.yield
    }) : () -> ()
    "tpu.region"() ({
      %run_scoped3A = tpu.sem_alloc : memref<!tpu.dma_semaphore, #tpu.memory_space<semaphore_mem>>
      %dma_start3A = tpu.memref_slice %arg29[%mul3A_2] : memref<10240xf32, #tpu.memory_space<vmem_shared>> -> memref<640xf32, #tpu.memory_space<vmem_shared>>
      %dma_start3A_60 = tpu.memref_slice %arg9[%mul3A_2] : memref<10240xf32, #tpu.memory_space<hbm>> -> memref<640xf32, #tpu.memory_space<hbm>>
      tpu.enqueue_dma source(%dma_start3A_60 : memref<640xf32, #tpu.memory_space<hbm>>) target(%dma_start3A : memref<640xf32, #tpu.memory_space<vmem_shared>>) target_semaphore(%run_scoped3A : memref<!tpu.dma_semaphore, #tpu.memory_space<semaphore_mem>>)
      %dma_wait3A_61 = tpu.memref_slice %arg29[%mul3A_2] : memref<10240xf32, #tpu.memory_space<vmem_shared>> -> memref<640xf32, #tpu.memory_space<vmem_shared>>
      %dma_wait3A_62 = tpu.memref_slice %arg9[%mul3A_2] : memref<10240xf32, #tpu.memory_space<hbm>> -> memref<640xf32, #tpu.memory_space<hbm>>
      tpu.wait_dma2 semaphore(%run_scoped3A : memref<!tpu.dma_semaphore, #tpu.memory_space<semaphore_mem>>) src(%dma_wait3A_62 : memref<640xf32, #tpu.memory_space<hbm>>) dst(%dma_wait3A_61 : memref<640xf32, #tpu.memory_space<vmem_shared>>)
      tpu.yield
    }) : () -> ()
    %broadcast_in_dim3A = arith.constant 0.000000e+00 : f32
    %broadcast_in_dim3A_3 = vector.broadcast %broadcast_in_dim3A : f32 to vector<16xf32>
    %scan3A = arith.constant 0 : i32
    %scan3A_4 = arith.constant 40 : i32
    %scan3A_5 = arith.addi %scan3A, %scan3A_4 : i32
    %scan3A_6 = arith.constant 1 : i32
    scf.for %scan3A_60 = %scan3A to %scan3A_5 step %scan3A_6  : i32 {
      %mul3A_61 = arith.constant 16 : i32
      %mul3A_62 = arith.muli %scan3A_60, %mul3A_61 : i32
      %swap3A = arith.index_cast %mul3A_62 : i32 to index
      %swap3A_63 = tpu.vector_load %arg22[%swap3A] {strides = array<i32>} : memref<640xf32, #tpu.memory_space<vmem>>, vector<16xf32>,
      %swap3A_64 = vector.shape_cast %swap3A_63 : vector<16xf32> to vector<16xf32>
      %swap3A_65 = vector.shape_cast %broadcast_in_dim3A_3 : vector<16xf32> to vector<16xf32>
      tpu.vector_store %arg22[%swap3A], %swap3A_65 {strides = array<i32>} : memref<640xf32, #tpu.memory_space<vmem>>, vector<16xf32>,
    }
    %scan3A_7 = arith.constant 40 : i32
    "tpu.region"() ({
      %run_scoped3A = tpu.sem_alloc : memref<!tpu.dma_semaphore, #tpu.memory_space<semaphore_mem>>
      %dma_start3A = tpu.memref_slice %arg30[%mul3A_2] : memref<10240xf32, #tpu.memory_space<vmem_shared>> -> memref<640xf32, #tpu.memory_space<vmem_shared>>
      %dma_start3A_60 = tpu.memref_slice %arg30[%mul3A_2] : memref<10240xf32, #tpu.memory_space<vmem_shared>> -> memref<640xf32, #tpu.memory_space<vmem_shared>>
      tpu.enqueue_dma source(%arg22 : memref<640xf32, #tpu.memory_space<vmem>>) target(%dma_start3A_60 : memref<640xf32, #tpu.memory_space<vmem_shared>>) target_semaphore(%run_scoped3A : memref<!tpu.dma_semaphore, #tpu.memory_space<semaphore_mem>>)
      %dma_wait3A_61 = tpu.memref_slice %arg30[%mul3A_2] : memref<10240xf32, #tpu.memory_space<vmem_shared>> -> memref<640xf32, #tpu.memory_space<vmem_shared>>
      %dma_wait3A_62 = tpu.memref_slice %arg30[%mul3A_2] : memref<10240xf32, #tpu.memory_space<vmem_shared>> -> memref<640xf32, #tpu.memory_space<vmem_shared>>
      tpu.wait_dma2 semaphore(%run_scoped3A : memref<!tpu.dma_semaphore, #tpu.memory_space<semaphore_mem>>) src(%arg22 : memref<640xf32, #tpu.memory_space<vmem>>) dst(%dma_wait3A_62 : memref<640xf32, #tpu.memory_space<vmem_shared>>)
      tpu.yield
    }) : () -> ()
    "tpu.region"() ({
      %run_scoped3A = tpu.sem_alloc : memref<!tpu.dma_semaphore, #tpu.memory_space<semaphore_mem>>
      %dma_start3A = tpu.memref_slice %arg31[%mul3A_2] : memref<10240xf32, #tpu.memory_space<vmem_shared>> -> memref<640xf32, #tpu.memory_space<vmem_shared>>
      %dma_start3A_60 = tpu.memref_slice %arg31[%mul3A_2] : memref<10240xf32, #tpu.memory_space<vmem_shared>> -> memref<640xf32, #tpu.memory_space<vmem_shared>>
      tpu.enqueue_dma source(%arg22 : memref<640xf32, #tpu.memory_space<vmem>>) target(%dma_start3A_60 : memref<640xf32, #tpu.memory_space<vmem_shared>>) target_semaphore(%run_scoped3A : memref<!tpu.dma_semaphore, #tpu.memory_space<semaphore_mem>>)
      %dma_wait3A_61 = tpu.memref_slice %arg31[%mul3A_2] : memref<10240xf32, #tpu.memory_space<vmem_shared>> -> memref<640xf32, #tpu.memory_space<vmem_shared>>
      %dma_wait3A_62 = tpu.memref_slice %arg31[%mul3A_2] : memref<10240xf32, #tpu.memory_space<vmem_shared>> -> memref<640xf32, #tpu.memory_space<vmem_shared>>
      tpu.wait_dma2 semaphore(%run_scoped3A : memref<!tpu.dma_semaphore, #tpu.memory_space<semaphore_mem>>) src(%arg22 : memref<640xf32, #tpu.memory_space<vmem>>) dst(%dma_wait3A_62 : memref<640xf32, #tpu.memory_space<vmem_shared>>)
      tpu.yield
    }) : () -> ()
    "tpu.region"() ({
      %run_scoped3A = tpu.sem_alloc : memref<!tpu.dma_semaphore, #tpu.memory_space<semaphore_mem>>
      %dma_start3A = tpu.memref_slice %arg32[%mul3A_2] : memref<10240xf32, #tpu.memory_space<vmem_shared>> -> memref<640xf32, #tpu.memory_space<vmem_shared>>
      %dma_start3A_60 = tpu.memref_slice %arg32[%mul3A_2] : memref<10240xf32, #tpu.memory_space<vmem_shared>> -> memref<640xf32, #tpu.memory_space<vmem_shared>>
      tpu.enqueue_dma source(%arg22 : memref<640xf32, #tpu.memory_space<vmem>>) target(%dma_start3A_60 : memref<640xf32, #tpu.memory_space<vmem_shared>>) target_semaphore(%run_scoped3A : memref<!tpu.dma_semaphore, #tpu.memory_space<semaphore_mem>>)
      %dma_wait3A_61 = tpu.memref_slice %arg32[%mul3A_2] : memref<10240xf32, #tpu.memory_space<vmem_shared>> -> memref<640xf32, #tpu.memory_space<vmem_shared>>
      %dma_wait3A_62 = tpu.memref_slice %arg32[%mul3A_2] : memref<10240xf32, #tpu.memory_space<vmem_shared>> -> memref<640xf32, #tpu.memory_space<vmem_shared>>
      tpu.wait_dma2 semaphore(%run_scoped3A : memref<!tpu.dma_semaphore, #tpu.memory_space<semaphore_mem>>) src(%arg22 : memref<640xf32, #tpu.memory_space<vmem>>) dst(%dma_wait3A_62 : memref<640xf32, #tpu.memory_space<vmem_shared>>)
      tpu.yield
    }) : () -> ()
    "tpu.region"() ({
      %run_scoped3A = tpu.sem_alloc : memref<!tpu.dma_semaphore, #tpu.memory_space<semaphore_mem>>
      %dma_start3A = tpu.memref_slice %arg33[%mul3A_2] : memref<10240xf32, #tpu.memory_space<vmem_shared>> -> memref<640xf32, #tpu.memory_space<vmem_shared>>
      %dma_start3A_60 = tpu.memref_slice %arg33[%mul3A_2] : memref<10240xf32, #tpu.memory_space<vmem_shared>> -> memref<640xf32, #tpu.memory_space<vmem_shared>>
      tpu.enqueue_dma source(%arg22 : memref<640xf32, #tpu.memory_space<vmem>>) target(%dma_start3A_60 : memref<640xf32, #tpu.memory_space<vmem_shared>>) target_semaphore(%run_scoped3A : memref<!tpu.dma_semaphore, #tpu.memory_space<semaphore_mem>>)
      %dma_wait3A_61 = tpu.memref_slice %arg33[%mul3A_2] : memref<10240xf32, #tpu.memory_space<vmem_shared>> -> memref<640xf32, #tpu.memory_space<vmem_shared>>
      %dma_wait3A_62 = tpu.memref_slice %arg33[%mul3A_2] : memref<10240xf32, #tpu.memory_space<vmem_shared>> -> memref<640xf32, #tpu.memory_space<vmem_shared>>
      tpu.wait_dma2 semaphore(%run_scoped3A : memref<!tpu.dma_semaphore, #tpu.memory_space<semaphore_mem>>) src(%arg22 : memref<640xf32, #tpu.memory_space<vmem>>) dst(%dma_wait3A_62 : memref<640xf32, #tpu.memory_space<vmem_shared>>)
      tpu.yield
    }) : () -> ()
    %barrier3A = arith.constant 0 : index
    tpu.barrier barrier_id(%barrier3A)
    %add3A_8 = arith.constant 0 : i32
    %add3A_9 = arith.addi %add3A, %add3A_8 : i32
    %lt3A = arith.constant 125 : i32
    %lt3A_10 = arith.cmpi slt, %add3A_9, %lt3A : i32
    %convert_element_type3A = arith.extui %lt3A_10 : i1 to i32
    %cond3A = arith.constant 0 : i32
    %cond3A_11 = arith.cmpi ne, %convert_element_type3A, %cond3A : i32
    scf.if %cond3A_11 {
      %mul3A_60 = arith.constant 2560 : i32
      %mul3A_61 = arith.muli %add3A_9, %mul3A_60 : i32
      %dma_start3A = arith.constant 0 : i32
      %dma_start3A_62 = arith.constant 0 : i32
      %dma_start3A_63 = tpu.memref_slice %arg14[%dma_start3A, %dma_start3A_62] : memref<2x2560xi32, #tpu.memory_space<vmem>> -> memref<1x2560xi32, #tpu.memory_space<vmem>>
      %dma_start3A_64 = tpu.memref_squeeze %dma_start3A_63 : memref<1x2560xi32, #tpu.memory_space<vmem>> -> memref<2560xi32, #tpu.memory_space<vmem>>
      %dma_start3A_65 = tpu.memref_slice %arg2[%mul3A_61] : memref<320000xi32, #tpu.memory_space<hbm>> -> memref<2560xi32, #tpu.memory_space<hbm>>
      %dma_start3A_66 = arith.constant 0 : i32
      %dma_start3A_67 = tpu.memref_slice %arg14[%dma_start3A, %dma_start3A_66] : memref<2x2560xi32, #tpu.memory_space<vmem>> -> memref<1x2560xi32, #tpu.memory_space<vmem>>
      %dma_start3A_68 = tpu.memref_squeeze %dma_start3A_67 : memref<1x2560xi32, #tpu.memory_space<vmem>> -> memref<2560xi32, #tpu.memory_space<vmem>>
      %dma_start3A_69 = tpu.memref_slice %arg2[%mul3A_61] : memref<320000xi32, #tpu.memory_space<hbm>> -> memref<2560xi32, #tpu.memory_space<hbm>>
      tpu.enqueue_dma source(%dma_start3A_69 : memref<2560xi32, #tpu.memory_space<hbm>>) target(%dma_start3A_68 : memref<2560xi32, #tpu.memory_space<vmem>>) target_semaphore(%arg23 : memref<!tpu.dma_semaphore, #tpu.memory_space<semaphore_mem>>)
      %dma_start3A_70 = arith.constant 0 : i32
      %dma_start3A_71 = arith.constant 0 : i32
      %dma_start3A_72 = tpu.memref_slice %arg15[%dma_start3A_70, %dma_start3A_71] : memref<2x2560xi32, #tpu.memory_space<vmem>> -> memref<1x2560xi32, #tpu.memory_space<vmem>>
      %dma_start3A_73 = tpu.memref_squeeze %dma_start3A_72 : memref<1x2560xi32, #tpu.memory_space<vmem>> -> memref<2560xi32, #tpu.memory_space<vmem>>
      %dma_start3A_74 = tpu.memref_slice %arg3[%mul3A_61] : memref<320000xi32, #tpu.memory_space<hbm>> -> memref<2560xi32, #tpu.memory_space<hbm>>
      %dma_start3A_75 = arith.constant 0 : i32
      %dma_start3A_76 = tpu.memref_slice %arg15[%dma_start3A_70, %dma_start3A_75] : memref<2x2560xi32, #tpu.memory_space<vmem>> -> memref<1x2560xi32, #tpu.memory_space<vmem>>
      %dma_start3A_77 = tpu.memref_squeeze %dma_start3A_76 : memref<1x2560xi32, #tpu.memory_space<vmem>> -> memref<2560xi32, #tpu.memory_space<vmem>>
      %dma_start3A_78 = tpu.memref_slice %arg3[%mul3A_61] : memref<320000xi32, #tpu.memory_space<hbm>> -> memref<2560xi32, #tpu.memory_space<hbm>>
      tpu.enqueue_dma source(%dma_start3A_78 : memref<2560xi32, #tpu.memory_space<hbm>>) target(%dma_start3A_77 : memref<2560xi32, #tpu.memory_space<vmem>>) target_semaphore(%arg23 : memref<!tpu.dma_semaphore, #tpu.memory_space<semaphore_mem>>)
      %dma_start3A_79 = arith.constant 0 : i32
      %dma_start3A_80 = arith.constant 0 : i32
      %dma_start3A_81 = tpu.memref_slice %arg16[%dma_start3A_79, %dma_start3A_80] : memref<2x2560xi32, #tpu.memory_space<vmem>> -> memref<1x2560xi32, #tpu.memory_space<vmem>>
      %dma_start3A_82 = tpu.memref_squeeze %dma_start3A_81 : memref<1x2560xi32, #tpu.memory_space<vmem>> -> memref<2560xi32, #tpu.memory_space<vmem>>
      %dma_start3A_83 = tpu.memref_slice %arg4[%mul3A_61] : memref<320000xi32, #tpu.memory_space<hbm>> -> memref<2560xi32, #tpu.memory_space<hbm>>
      %dma_start3A_84 = arith.constant 0 : i32
      %dma_start3A_85 = tpu.memref_slice %arg16[%dma_start3A_79, %dma_start3A_84] : memref<2x2560xi32, #tpu.memory_space<vmem>> -> memref<1x2560xi32, #tpu.memory_space<vmem>>
      %dma_start3A_86 = tpu.memref_squeeze %dma_start3A_85 : memref<1x2560xi32, #tpu.memory_space<vmem>> -> memref<2560xi32, #tpu.memory_space<vmem>>
      %dma_start3A_87 = tpu.memref_slice %arg4[%mul3A_61] : memref<320000xi32, #tpu.memory_space<hbm>> -> memref<2560xi32, #tpu.memory_space<hbm>>
      tpu.enqueue_dma source(%dma_start3A_87 : memref<2560xi32, #tpu.memory_space<hbm>>) target(%dma_start3A_86 : memref<2560xi32, #tpu.memory_space<vmem>>) target_semaphore(%arg23 : memref<!tpu.dma_semaphore, #tpu.memory_space<semaphore_mem>>)
      %dma_start3A_88 = arith.constant 0 : i32
      %dma_start3A_89 = arith.constant 0 : i32
      %dma_start3A_90 = tpu.memref_slice %arg17[%dma_start3A_88, %dma_start3A_89] : memref<2x2560xi32, #tpu.memory_space<vmem>> -> memref<1x2560xi32, #tpu.memory_space<vmem>>
      %dma_start3A_91 = tpu.memref_squeeze %dma_start3A_90 : memref<1x2560xi32, #tpu.memory_space<vmem>> -> memref<2560xi32, #tpu.memory_space<vmem>>
      %dma_start3A_92 = tpu.memref_slice %arg5[%mul3A_61] : memref<320000xi32, #tpu.memory_space<hbm>> -> memref<2560xi32, #tpu.memory_space<hbm>>
      %dma_start3A_93 = arith.constant 0 : i32
      %dma_start3A_94 = tpu.memref_slice %arg17[%dma_start3A_88, %dma_start3A_93] : memref<2x2560xi32, #tpu.memory_space<vmem>> -> memref<1x2560xi32, #tpu.memory_space<vmem>>
      %dma_start3A_95 = tpu.memref_squeeze %dma_start3A_94 : memref<1x2560xi32, #tpu.memory_space<vmem>> -> memref<2560xi32, #tpu.memory_space<vmem>>
      %dma_start3A_96 = tpu.memref_slice %arg5[%mul3A_61] : memref<320000xi32, #tpu.memory_space<hbm>> -> memref<2560xi32, #tpu.memory_space<hbm>>
      tpu.enqueue_dma source(%dma_start3A_96 : memref<2560xi32, #tpu.memory_space<hbm>>) target(%dma_start3A_95 : memref<2560xi32, #tpu.memory_space<vmem>>) target_semaphore(%arg23 : memref<!tpu.dma_semaphore, #tpu.memory_space<semaphore_mem>>)
    } else {
    }
    %scan3A_12 = arith.constant 0 : i32
    %scan3A_13 = arith.constant 2 : i32
    %scan3A_14 = arith.addi %scan3A_12, %scan3A_13 : i32
    %scan3A_15 = arith.constant 1 : i32
    scf.for %scan3A_60 = %scan3A_12 to %scan3A_14 step %scan3A_15  : i32 {
      %mul3A_61 = arith.constant 2 : i32
      %mul3A_62 = arith.muli %mul3A_61, %scan3A_60 : i32
      %add3A_63 = arith.constant 0 : i32
      %add3A_64 = arith.addi %mul3A_62, %add3A_63 : i32
      %mul3A_65 = arith.constant 32 : i32
      %mul3A_66 = arith.muli %mul3A_65, %add3A_64 : i32
      %add3A_67 = arith.addi %add3A, %mul3A_66 : i32
      %lt3A_68 = arith.constant 125 : i32
      %lt3A_69 = arith.cmpi slt, %add3A_67, %lt3A_68 : i32
      %convert_element_type3A_70 = arith.extui %lt3A_69 : i1 to i32
      %cond3A_71 = arith.constant 0 : i32
      %cond3A_72 = arith.cmpi ne, %convert_element_type3A_70, %cond3A_71 : i32
      scf.if %cond3A_72 {
        %mul3A_85 = arith.constant 2560 : i32
        %mul3A_86 = arith.muli %add3A_67, %mul3A_85 : i32
        %dma_wait3A_87 = arith.constant 0 : i32
        %dma_wait3A_88 = arith.constant 0 : i32
        %dma_wait3A_89 = tpu.memref_slice %arg14[%dma_wait3A_87, %dma_wait3A_88] : memref<2x2560xi32, #tpu.memory_space<vmem>> -> memref<1x2560xi32, #tpu.memory_space<vmem>>
        %dma_wait3A_90 = tpu.memref_squeeze %dma_wait3A_89 : memref<1x2560xi32, #tpu.memory_space<vmem>> -> memref<2560xi32, #tpu.memory_space<vmem>>
        %dma_wait3A_91 = tpu.memref_slice %arg2[%mul3A_86] : memref<320000xi32, #tpu.memory_space<hbm>> -> memref<2560xi32, #tpu.memory_space<hbm>>
        %dma_wait3A_92 = arith.constant 0 : i32
        %dma_wait3A_93 = tpu.memref_slice %arg14[%dma_wait3A_87, %dma_wait3A_92] : memref<2x2560xi32, #tpu.memory_space<vmem>> -> memref<1x2560xi32, #tpu.memory_space<vmem>>
        %dma_wait3A_94 = tpu.memref_squeeze %dma_wait3A_93 : memref<1x2560xi32, #tpu.memory_space<vmem>> -> memref<2560xi32, #tpu.memory_space<vmem>>
        %dma_wait3A_95 = tpu.memref_slice %arg2[%mul3A_86] : memref<320000xi32, #tpu.memory_space<hbm>> -> memref<2560xi32, #tpu.memory_space<hbm>>
        tpu.wait_dma2 semaphore(%arg23 : memref<!tpu.dma_semaphore, #tpu.memory_space<semaphore_mem>>) src(%dma_wait3A_95 : memref<2560xi32, #tpu.memory_space<hbm>>) dst(%dma_wait3A_94 : memref<2560xi32, #tpu.memory_space<vmem>>)
        %dma_wait3A_96 = arith.constant 0 : i32
        %dma_wait3A_97 = arith.constant 0 : i32
        %dma_wait3A_98 = tpu.memref_slice %arg15[%dma_wait3A_96, %dma_wait3A_97] : memref<2x2560xi32, #tpu.memory_space<vmem>> -> memref<1x2560xi32, #tpu.memory_space<vmem>>
        %dma_wait3A_99 = tpu.memref_squeeze %dma_wait3A_98 : memref<1x2560xi32, #tpu.memory_space<vmem>> -> memref<2560xi32, #tpu.memory_space<vmem>>
        %dma_wait3A_100 = tpu.memref_slice %arg3[%mul3A_86] : memref<320000xi32, #tpu.memory_space<hbm>> -> memref<2560xi32, #tpu.memory_space<hbm>>
        %dma_wait3A_101 = arith.constant 0 : i32
        %dma_wait3A_102 = tpu.memref_slice %arg15[%dma_wait3A_96, %dma_wait3A_101] : memref<2x2560xi32, #tpu.memory_space<vmem>> -> memref<1x2560xi32, #tpu.memory_space<vmem>>
        %dma_wait3A_103 = tpu.memref_squeeze %dma_wait3A_102 : memref<1x2560xi32, #tpu.memory_space<vmem>> -> memref<2560xi32, #tpu.memory_space<vmem>>
        %dma_wait3A_104 = tpu.memref_slice %arg3[%mul3A_86] : memref<320000xi32, #tpu.memory_space<hbm>> -> memref<2560xi32, #tpu.memory_space<hbm>>
        tpu.wait_dma2 semaphore(%arg23 : memref<!tpu.dma_semaphore, #tpu.memory_space<semaphore_mem>>) src(%dma_wait3A_104 : memref<2560xi32, #tpu.memory_space<hbm>>) dst(%dma_wait3A_103 : memref<2560xi32, #tpu.memory_space<vmem>>)
        %dma_wait3A_105 = arith.constant 0 : i32
        %dma_wait3A_106 = arith.constant 0 : i32
        %dma_wait3A_107 = tpu.memref_slice %arg16[%dma_wait3A_105, %dma_wait3A_106] : memref<2x2560xi32, #tpu.memory_space<vmem>> -> memref<1x2560xi32, #tpu.memory_space<vmem>>
        %dma_wait3A_108 = tpu.memref_squeeze %dma_wait3A_107 : memref<1x2560xi32, #tpu.memory_space<vmem>> -> memref<2560xi32, #tpu.memory_space<vmem>>
        %dma_wait3A_109 = tpu.memref_slice %arg4[%mul3A_86] : memref<320000xi32, #tpu.memory_space<hbm>> -> memref<2560xi32, #tpu.memory_space<hbm>>
        %dma_wait3A_110 = arith.constant 0 : i32
        %dma_wait3A_111 = tpu.memref_slice %arg16[%dma_wait3A_105, %dma_wait3A_110] : memref<2x2560xi32, #tpu.memory_space<vmem>> -> memref<1x2560xi32, #tpu.memory_space<vmem>>
        %dma_wait3A_112 = tpu.memref_squeeze %dma_wait3A_111 : memref<1x2560xi32, #tpu.memory_space<vmem>> -> memref<2560xi32, #tpu.memory_space<vmem>>
        %dma_wait3A_113 = tpu.memref_slice %arg4[%mul3A_86] : memref<320000xi32, #tpu.memory_space<hbm>> -> memref<2560xi32, #tpu.memory_space<hbm>>
        tpu.wait_dma2 semaphore(%arg23 : memref<!tpu.dma_semaphore, #tpu.memory_space<semaphore_mem>>) src(%dma_wait3A_113 : memref<2560xi32, #tpu.memory_space<hbm>>) dst(%dma_wait3A_112 : memref<2560xi32, #tpu.memory_space<vmem>>)
        %dma_wait3A_114 = arith.constant 0 : i32
        %dma_wait3A_115 = arith.constant 0 : i32
        %dma_wait3A_116 = tpu.memref_slice %arg17[%dma_wait3A_114, %dma_wait3A_115] : memref<2x2560xi32, #tpu.memory_space<vmem>> -> memref<1x2560xi32, #tpu.memory_space<vmem>>
        %dma_wait3A_117 = tpu.memref_squeeze %dma_wait3A_116 : memref<1x2560xi32, #tpu.memory_space<vmem>> -> memref<2560xi32, #tpu.memory_space<vmem>>
        %dma_wait3A_118 = tpu.memref_slice %arg5[%mul3A_86] : memref<320000xi32, #tpu.memory_space<hbm>> -> memref<2560xi32, #tpu.memory_space<hbm>>
        %dma_wait3A_119 = arith.constant 0 : i32
        %dma_wait3A_120 = tpu.memref_slice %arg17[%dma_wait3A_114, %dma_wait3A_119] : memref<2x2560xi32, #tpu.memory_space<vmem>> -> memref<1x2560xi32, #tpu.memory_space<vmem>>
        %dma_wait3A_121 = tpu.memref_squeeze %dma_wait3A_120 : memref<1x2560xi32, #tpu.memory_space<vmem>> -> memref<2560xi32, #tpu.memory_space<vmem>>
        %dma_wait3A_122 = tpu.memref_slice %arg5[%mul3A_86] : memref<320000xi32, #tpu.memory_space<hbm>> -> memref<2560xi32, #tpu.memory_space<hbm>>
        tpu.wait_dma2 semaphore(%arg23 : memref<!tpu.dma_semaphore, #tpu.memory_space<semaphore_mem>>) src(%dma_wait3A_122 : memref<2560xi32, #tpu.memory_space<hbm>>) dst(%dma_wait3A_121 : memref<2560xi32, #tpu.memory_space<vmem>>)
        %dma_start3A = arith.constant 0 : i32
        %dma_start3A_123 = arith.constant 0 : i32
        %dma_start3A_124 = arith.constant 0 : i32
        %dma_start3A_125 = tpu.memref_slice %arg18[%dma_start3A_123, %dma_start3A_124] : memref<2x2560xf32, #tpu.memory_space<vmem>> -> memref<1x2560xf32, #tpu.memory_space<vmem>>
        %dma_start3A_126 = tpu.memref_squeeze %dma_start3A_125 : memref<1x2560xf32, #tpu.memory_space<vmem>> -> memref<2560xf32, #tpu.memory_space<vmem>>
        %dma_start3A_127 = arith.constant 0 : i32
        %dma_start3A_128 = tpu.memref_slice %arg14[%dma_start3A, %dma_start3A_127] : memref<2x2560xi32, #tpu.memory_space<vmem>> -> memref<1x2560xi32, #tpu.memory_space<vmem>>
        %dma_start3A_129 = tpu.memref_squeeze %dma_start3A_128 : memref<1x2560xi32, #tpu.memory_space<vmem>> -> memref<2560xi32, #tpu.memory_space<vmem>>
        %dma_start3A_130 = arith.constant 0 : i32
        %dma_start3A_131 = tpu.memref_slice %arg26[%dma_start3A_130] : memref<10240xf32, #tpu.memory_space<vmem_shared>> -> memref<10240xf32, #tpu.memory_space<vmem_shared>>
        tpu.enqueue_indirect_dma source(%dma_start3A_131 : memref<10240xf32, #tpu.memory_space<vmem_shared>>) target(%dma_start3A_126 : memref<2560xf32, #tpu.memory_space<vmem>>) offsets(%dma_start3A_129 : memref<2560xi32, #tpu.memory_space<vmem>>) semaphore(%arg24 : memref<!tpu.dma_semaphore, #tpu.memory_space<semaphore_mem>>)
        %dma_start3A_132 = arith.constant 0 : i32
        %dma_start3A_133 = arith.constant 0 : i32
        %dma_start3A_134 = arith.constant 0 : i32
        %dma_start3A_135 = tpu.memref_slice %arg19[%dma_start3A_133, %dma_start3A_134] : memref<2x2560xf32, #tpu.memory_space<vmem>> -> memref<1x2560xf32, #tpu.memory_space<vmem>>
        %dma_start3A_136 = tpu.memref_squeeze %dma_start3A_135 : memref<1x2560xf32, #tpu.memory_space<vmem>> -> memref<2560xf32, #tpu.memory_space<vmem>>
        %dma_start3A_137 = arith.constant 0 : i32
        %dma_start3A_138 = tpu.memref_slice %arg14[%dma_start3A_132, %dma_start3A_137] : memref<2x2560xi32, #tpu.memory_space<vmem>> -> memref<1x2560xi32, #tpu.memory_space<vmem>>
        %dma_start3A_139 = tpu.memref_squeeze %dma_start3A_138 : memref<1x2560xi32, #tpu.memory_space<vmem>> -> memref<2560xi32, #tpu.memory_space<vmem>>
        %dma_start3A_140 = arith.constant 0 : i32
        %dma_start3A_141 = tpu.memref_slice %arg27[%dma_start3A_140] : memref<10240xf32, #tpu.memory_space<vmem_shared>> -> memref<10240xf32, #tpu.memory_space<vmem_shared>>
        tpu.enqueue_indirect_dma source(%dma_start3A_141 : memref<10240xf32, #tpu.memory_space<vmem_shared>>) target(%dma_start3A_136 : memref<2560xf32, #tpu.memory_space<vmem>>) offsets(%dma_start3A_139 : memref<2560xi32, #tpu.memory_space<vmem>>) semaphore(%arg24 : memref<!tpu.dma_semaphore, #tpu.memory_space<semaphore_mem>>)
        %dma_start3A_142 = arith.constant 0 : i32
        %dma_start3A_143 = arith.constant 0 : i32
        %dma_start3A_144 = arith.constant 0 : i32
        %dma_start3A_145 = tpu.memref_slice %arg20[%dma_start3A_143, %dma_start3A_144] : memref<2x2560xf32, #tpu.memory_space<vmem>> -> memref<1x2560xf32, #tpu.memory_space<vmem>>
        %dma_start3A_146 = tpu.memref_squeeze %dma_start3A_145 : memref<1x2560xf32, #tpu.memory_space<vmem>> -> memref<2560xf32, #tpu.memory_space<vmem>>
        %dma_start3A_147 = arith.constant 0 : i32
        %dma_start3A_148 = tpu.memref_slice %arg16[%dma_start3A_142, %dma_start3A_147] : memref<2x2560xi32, #tpu.memory_space<vmem>> -> memref<1x2560xi32, #tpu.memory_space<vmem>>
        %dma_start3A_149 = tpu.memref_squeeze %dma_start3A_148 : memref<1x2560xi32, #tpu.memory_space<vmem>> -> memref<2560xi32, #tpu.memory_space<vmem>>
        %dma_start3A_150 = arith.constant 0 : i32
        %dma_start3A_151 = tpu.memref_slice %arg28[%dma_start3A_150] : memref<10240xf32, #tpu.memory_space<vmem_shared>> -> memref<10240xf32, #tpu.memory_space<vmem_shared>>
        tpu.enqueue_indirect_dma source(%dma_start3A_151 : memref<10240xf32, #tpu.memory_space<vmem_shared>>) target(%dma_start3A_146 : memref<2560xf32, #tpu.memory_space<vmem>>) offsets(%dma_start3A_149 : memref<2560xi32, #tpu.memory_space<vmem>>) semaphore(%arg24 : memref<!tpu.dma_semaphore, #tpu.memory_space<semaphore_mem>>)
        %dma_start3A_152 = arith.constant 0 : i32
        %dma_start3A_153 = arith.constant 0 : i32
        %dma_start3A_154 = arith.constant 0 : i32
        %dma_start3A_155 = tpu.memref_slice %arg21[%dma_start3A_153, %dma_start3A_154] : memref<2x2560xf32, #tpu.memory_space<vmem>> -> memref<1x2560xf32, #tpu.memory_space<vmem>>
        %dma_start3A_156 = tpu.memref_squeeze %dma_start3A_155 : memref<1x2560xf32, #tpu.memory_space<vmem>> -> memref<2560xf32, #tpu.memory_space<vmem>>
        %dma_start3A_157 = arith.constant 0 : i32
        %dma_start3A_158 = tpu.memref_slice %arg16[%dma_start3A_152, %dma_start3A_157] : memref<2x2560xi32, #tpu.memory_space<vmem>> -> memref<1x2560xi32, #tpu.memory_space<vmem>>
        %dma_start3A_159 = tpu.memref_squeeze %dma_start3A_158 : memref<1x2560xi32, #tpu.memory_space<vmem>> -> memref<2560xi32, #tpu.memory_space<vmem>>
        %dma_start3A_160 = arith.constant 0 : i32
        %dma_start3A_161 = tpu.memref_slice %arg29[%dma_start3A_160] : memref<10240xf32, #tpu.memory_space<vmem_shared>> -> memref<10240xf32, #tpu.memory_space<vmem_shared>>
        tpu.enqueue_indirect_dma source(%dma_start3A_161 : memref<10240xf32, #tpu.memory_space<vmem_shared>>) target(%dma_start3A_156 : memref<2560xf32, #tpu.memory_space<vmem>>) offsets(%dma_start3A_159 : memref<2560xi32, #tpu.memory_space<vmem>>) semaphore(%arg24 : memref<!tpu.dma_semaphore, #tpu.memory_space<semaphore_mem>>)
        %ge3A = arith.constant 1 : i32
        %ge3A_162 = arith.cmpi sge, %add3A_64, %ge3A : i32
        %convert_element_type3A_163 = arith.extui %ge3A_162 : i1 to i32
        %cond3A_164 = arith.constant 0 : i32
        %cond3A_165 = arith.cmpi ne, %convert_element_type3A_163, %cond3A_164 : i32
        scf.if %cond3A_165 {
          %dma_wait3A_256 = arith.constant 1 : i32
          %dma_wait3A_257 = arith.constant 1 : i32
          %dma_wait3A_258 = arith.constant 0 : i32
          %dma_wait3A_259 = tpu.memref_slice %arg18[%dma_wait3A_256, %dma_wait3A_258] : memref<2x2560xf32, #tpu.memory_space<vmem>> -> memref<1x2560xf32, #tpu.memory_space<vmem>>
          %dma_wait3A_260 = tpu.memref_squeeze %dma_wait3A_259 : memref<1x2560xf32, #tpu.memory_space<vmem>> -> memref<2560xf32, #tpu.memory_space<vmem>>
          %dma_wait3A_261 = arith.constant 0 : i32
          %dma_wait3A_262 = tpu.memref_slice %arg15[%dma_wait3A_257, %dma_wait3A_261] : memref<2x2560xi32, #tpu.memory_space<vmem>> -> memref<1x2560xi32, #tpu.memory_space<vmem>>
          %dma_wait3A_263 = tpu.memref_squeeze %dma_wait3A_262 : memref<1x2560xi32, #tpu.memory_space<vmem>> -> memref<2560xi32, #tpu.memory_space<vmem>>
          %dma_wait3A_264 = arith.constant 0 : i32
          %dma_wait3A_265 = tpu.memref_slice %arg30[%dma_wait3A_264] : memref<10240xf32, #tpu.memory_space<vmem_shared>> -> memref<10240xf32, #tpu.memory_space<vmem_shared>>
          tpu.wait_indirect_dma semaphore(%arg25 : memref<!tpu.dma_semaphore, #tpu.memory_space<semaphore_mem>>) src(%dma_wait3A_260 : memref<2560xf32, #tpu.memory_space<vmem>>) dst(%dma_wait3A_265 : memref<10240xf32, #tpu.memory_space<vmem_shared>>)
          %dma_wait3A_266 = arith.constant 1 : i32
          %dma_wait3A_267 = arith.constant 1 : i32
          %dma_wait3A_268 = arith.constant 0 : i32
          %dma_wait3A_269 = tpu.memref_slice %arg19[%dma_wait3A_266, %dma_wait3A_268] : memref<2x2560xf32, #tpu.memory_space<vmem>> -> memref<1x2560xf32, #tpu.memory_space<vmem>>
          %dma_wait3A_270 = tpu.memref_squeeze %dma_wait3A_269 : memref<1x2560xf32, #tpu.memory_space<vmem>> -> memref<2560xf32, #tpu.memory_space<vmem>>
          %dma_wait3A_271 = arith.constant 0 : i32
          %dma_wait3A_272 = tpu.memref_slice %arg15[%dma_wait3A_267, %dma_wait3A_271] : memref<2x2560xi32, #tpu.memory_space<vmem>> -> memref<1x2560xi32, #tpu.memory_space<vmem>>
          %dma_wait3A_273 = tpu.memref_squeeze %dma_wait3A_272 : memref<1x2560xi32, #tpu.memory_space<vmem>> -> memref<2560xi32, #tpu.memory_space<vmem>>
          %dma_wait3A_274 = arith.constant 0 : i32
          %dma_wait3A_275 = tpu.memref_slice %arg31[%dma_wait3A_274] : memref<10240xf32, #tpu.memory_space<vmem_shared>> -> memref<10240xf32, #tpu.memory_space<vmem_shared>>
          tpu.wait_indirect_dma semaphore(%arg25 : memref<!tpu.dma_semaphore, #tpu.memory_space<semaphore_mem>>) src(%dma_wait3A_270 : memref<2560xf32, #tpu.memory_space<vmem>>) dst(%dma_wait3A_275 : memref<10240xf32, #tpu.memory_space<vmem_shared>>)
          %dma_wait3A_276 = arith.constant 1 : i32
          %dma_wait3A_277 = arith.constant 1 : i32
          %dma_wait3A_278 = arith.constant 0 : i32
          %dma_wait3A_279 = tpu.memref_slice %arg20[%dma_wait3A_276, %dma_wait3A_278] : memref<2x2560xf32, #tpu.memory_space<vmem>> -> memref<1x2560xf32, #tpu.memory_space<vmem>>
          %dma_wait3A_280 = tpu.memref_squeeze %dma_wait3A_279 : memref<1x2560xf32, #tpu.memory_space<vmem>> -> memref<2560xf32, #tpu.memory_space<vmem>>
          %dma_wait3A_281 = arith.constant 0 : i32
          %dma_wait3A_282 = tpu.memref_slice %arg17[%dma_wait3A_277, %dma_wait3A_281] : memref<2x2560xi32, #tpu.memory_space<vmem>> -> memref<1x2560xi32, #tpu.memory_space<vmem>>
          %dma_wait3A_283 = tpu.memref_squeeze %dma_wait3A_282 : memref<1x2560xi32, #tpu.memory_space<vmem>> -> memref<2560xi32, #tpu.memory_space<vmem>>
          %dma_wait3A_284 = arith.constant 0 : i32
          %dma_wait3A_285 = tpu.memref_slice %arg32[%dma_wait3A_284] : memref<10240xf32, #tpu.memory_space<vmem_shared>> -> memref<10240xf32, #tpu.memory_space<vmem_shared>>
          tpu.wait_indirect_dma semaphore(%arg25 : memref<!tpu.dma_semaphore, #tpu.memory_space<semaphore_mem>>) src(%dma_wait3A_280 : memref<2560xf32, #tpu.memory_space<vmem>>) dst(%dma_wait3A_285 : memref<10240xf32, #tpu.memory_space<vmem_shared>>)
          %dma_wait3A_286 = arith.constant 1 : i32
          %dma_wait3A_287 = arith.constant 1 : i32
          %dma_wait3A_288 = arith.constant 0 : i32
          %dma_wait3A_289 = tpu.memref_slice %arg21[%dma_wait3A_286, %dma_wait3A_288] : memref<2x2560xf32, #tpu.memory_space<vmem>> -> memref<1x2560xf32, #tpu.memory_space<vmem>>
          %dma_wait3A_290 = tpu.memref_squeeze %dma_wait3A_289 : memref<1x2560xf32, #tpu.memory_space<vmem>> -> memref<2560xf32, #tpu.memory_space<vmem>>
          %dma_wait3A_291 = arith.constant 0 : i32
          %dma_wait3A_292 = tpu.memref_slice %arg17[%dma_wait3A_287, %dma_wait3A_291] : memref<2x2560xi32, #tpu.memory_space<vmem>> -> memref<1x2560xi32, #tpu.memory_space<vmem>>
          %dma_wait3A_293 = tpu.memref_squeeze %dma_wait3A_292 : memref<1x2560xi32, #tpu.memory_space<vmem>> -> memref<2560xi32, #tpu.memory_space<vmem>>
          %dma_wait3A_294 = arith.constant 0 : i32
          %dma_wait3A_295 = tpu.memref_slice %arg33[%dma_wait3A_294] : memref<10240xf32, #tpu.memory_space<vmem_shared>> -> memref<10240xf32, #tpu.memory_space<vmem_shared>>
          tpu.wait_indirect_dma semaphore(%arg25 : memref<!tpu.dma_semaphore, #tpu.memory_space<semaphore_mem>>) src(%dma_wait3A_290 : memref<2560xf32, #tpu.memory_space<vmem>>) dst(%dma_wait3A_295 : memref<10240xf32, #tpu.memory_space<vmem_shared>>)
        } else {
        }
        %add3A_166 = arith.constant 1 : i32
        %add3A_167 = arith.addi %add3A_64, %add3A_166 : i32
        %mul3A_168 = arith.constant 32 : i32
        %mul3A_169 = arith.muli %mul3A_168, %add3A_167 : i32
        %add3A_170 = arith.addi %add3A, %mul3A_169 : i32
        %lt3A_171 = arith.constant 125 : i32
        %lt3A_172 = arith.cmpi slt, %add3A_170, %lt3A_171 : i32
        %convert_element_type3A_173 = arith.extui %lt3A_172 : i1 to i32
        %cond3A_174 = arith.constant 0 : i32
        %cond3A_175 = arith.cmpi ne, %convert_element_type3A_173, %cond3A_174 : i32
        scf.if %cond3A_175 {
          %mul3A_256 = arith.constant 2560 : i32
          %mul3A_257 = arith.muli %add3A_170, %mul3A_256 : i32
          %dma_start3A_258 = arith.constant 1 : i32
          %dma_start3A_259 = arith.constant 0 : i32
          %dma_start3A_260 = tpu.memref_slice %arg14[%dma_start3A_258, %dma_start3A_259] : memref<2x2560xi32, #tpu.memory_space<vmem>> -> memref<1x2560xi32, #tpu.memory_space<vmem>>
          %dma_start3A_261 = tpu.memref_squeeze %dma_start3A_260 : memref<1x2560xi32, #tpu.memory_space<vmem>> -> memref<2560xi32, #tpu.memory_space<vmem>>
          %dma_start3A_262 = tpu.memref_slice %arg2[%mul3A_257] : memref<320000xi32, #tpu.memory_space<hbm>> -> memref<2560xi32, #tpu.memory_space<hbm>>
          %dma_start3A_263 = arith.constant 0 : i32
          %dma_start3A_264 = tpu.memref_slice %arg14[%dma_start3A_258, %dma_start3A_263] : memref<2x2560xi32, #tpu.memory_space<vmem>> -> memref<1x2560xi32, #tpu.memory_space<vmem>>
          %dma_start3A_265 = tpu.memref_squeeze %dma_start3A_264 : memref<1x2560xi32, #tpu.memory_space<vmem>> -> memref<2560xi32, #tpu.memory_space<vmem>>
          %dma_start3A_266 = tpu.memref_slice %arg2[%mul3A_257] : memref<320000xi32, #tpu.memory_space<hbm>> -> memref<2560xi32, #tpu.memory_space<hbm>>
          tpu.enqueue_dma source(%dma_start3A_266 : memref<2560xi32, #tpu.memory_space<hbm>>) target(%dma_start3A_265 : memref<2560xi32, #tpu.memory_space<vmem>>) target_semaphore(%arg23 : memref<!tpu.dma_semaphore, #tpu.memory_space<semaphore_mem>>)
          %dma_start3A_267 = arith.constant 1 : i32
          %dma_start3A_268 = arith.constant 0 : i32
          %dma_start3A_269 = tpu.memref_slice %arg15[%dma_start3A_267, %dma_start3A_268] : memref<2x2560xi32, #tpu.memory_space<vmem>> -> memref<1x2560xi32, #tpu.memory_space<vmem>>
          %dma_start3A_270 = tpu.memref_squeeze %dma_start3A_269 : memref<1x2560xi32, #tpu.memory_space<vmem>> -> memref<2560xi32, #tpu.memory_space<vmem>>
          %dma_start3A_271 = tpu.memref_slice %arg3[%mul3A_257] : memref<320000xi32, #tpu.memory_space<hbm>> -> memref<2560xi32, #tpu.memory_space<hbm>>
          %dma_start3A_272 = arith.constant 0 : i32
          %dma_start3A_273 = tpu.memref_slice %arg15[%dma_start3A_267, %dma_start3A_272] : memref<2x2560xi32, #tpu.memory_space<vmem>> -> memref<1x2560xi32, #tpu.memory_space<vmem>>
          %dma_start3A_274 = tpu.memref_squeeze %dma_start3A_273 : memref<1x2560xi32, #tpu.memory_space<vmem>> -> memref<2560xi32, #tpu.memory_space<vmem>>
          %dma_start3A_275 = tpu.memref_slice %arg3[%mul3A_257] : memref<320000xi32, #tpu.memory_space<hbm>> -> memref<2560xi32, #tpu.memory_space<hbm>>
          tpu.enqueue_dma source(%dma_start3A_275 : memref<2560xi32, #tpu.memory_space<hbm>>) target(%dma_start3A_274 : memref<2560xi32, #tpu.memory_space<vmem>>) target_semaphore(%arg23 : memref<!tpu.dma_semaphore, #tpu.memory_space<semaphore_mem>>)
          %dma_start3A_276 = arith.constant 1 : i32
          %dma_start3A_277 = arith.constant 0 : i32
          %dma_start3A_278 = tpu.memref_slice %arg16[%dma_start3A_276, %dma_start3A_277] : memref<2x2560xi32, #tpu.memory_space<vmem>> -> memref<1x2560xi32, #tpu.memory_space<vmem>>
          %dma_start3A_279 = tpu.memref_squeeze %dma_start3A_278 : memref<1x2560xi32, #tpu.memory_space<vmem>> -> memref<2560xi32, #tpu.memory_space<vmem>>
          %dma_start3A_280 = tpu.memref_slice %arg4[%mul3A_257] : memref<320000xi32, #tpu.memory_space<hbm>> -> memref<2560xi32, #tpu.memory_space<hbm>>
          %dma_start3A_281 = arith.constant 0 : i32
          %dma_start3A_282 = tpu.memref_slice %arg16[%dma_start3A_276, %dma_start3A_281] : memref<2x2560xi32, #tpu.memory_space<vmem>> -> memref<1x2560xi32, #tpu.memory_space<vmem>>
          %dma_start3A_283 = tpu.memref_squeeze %dma_start3A_282 : memref<1x2560xi32, #tpu.memory_space<vmem>> -> memref<2560xi32, #tpu.memory_space<vmem>>
          %dma_start3A_284 = tpu.memref_slice %arg4[%mul3A_257] : memref<320000xi32, #tpu.memory_space<hbm>> -> memref<2560xi32, #tpu.memory_space<hbm>>
          tpu.enqueue_dma source(%dma_start3A_284 : memref<2560xi32, #tpu.memory_space<hbm>>) target(%dma_start3A_283 : memref<2560xi32, #tpu.memory_space<vmem>>) target_semaphore(%arg23 : memref<!tpu.dma_semaphore, #tpu.memory_space<semaphore_mem>>)
          %dma_start3A_285 = arith.constant 1 : i32
          %dma_start3A_286 = arith.constant 0 : i32
          %dma_start3A_287 = tpu.memref_slice %arg17[%dma_start3A_285, %dma_start3A_286] : memref<2x2560xi32, #tpu.memory_space<vmem>> -> memref<1x2560xi32, #tpu.memory_space<vmem>>
          %dma_start3A_288 = tpu.memref_squeeze %dma_start3A_287 : memref<1x2560xi32, #tpu.memory_space<vmem>> -> memref<2560xi32, #tpu.memory_space<vmem>>
          %dma_start3A_289 = tpu.memref_slice %arg5[%mul3A_257] : memref<320000xi32, #tpu.memory_space<hbm>> -> memref<2560xi32, #tpu.memory_space<hbm>>
          %dma_start3A_290 = arith.constant 0 : i32
          %dma_start3A_291 = tpu.memref_slice %arg17[%dma_start3A_285, %dma_start3A_290] : memref<2x2560xi32, #tpu.memory_space<vmem>> -> memref<1x2560xi32, #tpu.memory_space<vmem>>
          %dma_start3A_292 = tpu.memref_squeeze %dma_start3A_291 : memref<1x2560xi32, #tpu.memory_space<vmem>> -> memref<2560xi32, #tpu.memory_space<vmem>>
          %dma_start3A_293 = tpu.memref_slice %arg5[%mul3A_257] : memref<320000xi32, #tpu.memory_space<hbm>> -> memref<2560xi32, #tpu.memory_space<hbm>>
          tpu.enqueue_dma source(%dma_start3A_293 : memref<2560xi32, #tpu.memory_space<hbm>>) target(%dma_start3A_292 : memref<2560xi32, #tpu.memory_space<vmem>>) target_semaphore(%arg23 : memref<!tpu.dma_semaphore, #tpu.memory_space<semaphore_mem>>)
        } else {
        }
        %dma_wait3A_176 = arith.constant 0 : i32
        %dma_wait3A_177 = arith.constant 0 : i32
        %dma_wait3A_178 = arith.constant 0 : i32
        %dma_wait3A_179 = tpu.memref_slice %arg18[%dma_wait3A_177, %dma_wait3A_178] : memref<2x2560xf32, #tpu.memory_space<vmem>> -> memref<1x2560xf32, #tpu.memory_space<vmem>>
        %dma_wait3A_180 = tpu.memref_squeeze %dma_wait3A_179 : memref<1x2560xf32, #tpu.memory_space<vmem>> -> memref<2560xf32, #tpu.memory_space<vmem>>
        %dma_wait3A_181 = arith.constant 0 : i32
        %dma_wait3A_182 = tpu.memref_slice %arg14[%dma_wait3A_176, %dma_wait3A_181] : memref<2x2560xi32, #tpu.memory_space<vmem>> -> memref<1x2560xi32, #tpu.memory_space<vmem>>
        %dma_wait3A_183 = tpu.memref_squeeze %dma_wait3A_182 : memref<1x2560xi32, #tpu.memory_space<vmem>> -> memref<2560xi32, #tpu.memory_space<vmem>>
        %dma_wait3A_184 = arith.constant 0 : i32
        %dma_wait3A_185 = tpu.memref_slice %arg26[%dma_wait3A_184] : memref<10240xf32, #tpu.memory_space<vmem_shared>> -> memref<10240xf32, #tpu.memory_space<vmem_shared>>
        tpu.wait_indirect_dma semaphore(%arg24 : memref<!tpu.dma_semaphore, #tpu.memory_space<semaphore_mem>>) src(%dma_wait3A_185 : memref<10240xf32, #tpu.memory_space<vmem_shared>>) dst(%dma_wait3A_180 : memref<2560xf32, #tpu.memory_space<vmem>>)
        %dma_wait3A_186 = arith.constant 0 : i32
        %dma_wait3A_187 = arith.constant 0 : i32
        %dma_wait3A_188 = arith.constant 0 : i32
        %dma_wait3A_189 = tpu.memref_slice %arg19[%dma_wait3A_187, %dma_wait3A_188] : memref<2x2560xf32, #tpu.memory_space<vmem>> -> memref<1x2560xf32, #tpu.memory_space<vmem>>
        %dma_wait3A_190 = tpu.memref_squeeze %dma_wait3A_189 : memref<1x2560xf32, #tpu.memory_space<vmem>> -> memref<2560xf32, #tpu.memory_space<vmem>>
        %dma_wait3A_191 = arith.constant 0 : i32
        %dma_wait3A_192 = tpu.memref_slice %arg14[%dma_wait3A_186, %dma_wait3A_191] : memref<2x2560xi32, #tpu.memory_space<vmem>> -> memref<1x2560xi32, #tpu.memory_space<vmem>>
        %dma_wait3A_193 = tpu.memref_squeeze %dma_wait3A_192 : memref<1x2560xi32, #tpu.memory_space<vmem>> -> memref<2560xi32, #tpu.memory_space<vmem>>
        %dma_wait3A_194 = arith.constant 0 : i32
        %dma_wait3A_195 = tpu.memref_slice %arg27[%dma_wait3A_194] : memref<10240xf32, #tpu.memory_space<vmem_shared>> -> memref<10240xf32, #tpu.memory_space<vmem_shared>>
        tpu.wait_indirect_dma semaphore(%arg24 : memref<!tpu.dma_semaphore, #tpu.memory_space<semaphore_mem>>) src(%dma_wait3A_195 : memref<10240xf32, #tpu.memory_space<vmem_shared>>) dst(%dma_wait3A_190 : memref<2560xf32, #tpu.memory_space<vmem>>)
        %dma_wait3A_196 = arith.constant 0 : i32
        %dma_wait3A_197 = arith.constant 0 : i32
        %dma_wait3A_198 = arith.constant 0 : i32
        %dma_wait3A_199 = tpu.memref_slice %arg20[%dma_wait3A_197, %dma_wait3A_198] : memref<2x2560xf32, #tpu.memory_space<vmem>> -> memref<1x2560xf32, #tpu.memory_space<vmem>>
        %dma_wait3A_200 = tpu.memref_squeeze %dma_wait3A_199 : memref<1x2560xf32, #tpu.memory_space<vmem>> -> memref<2560xf32, #tpu.memory_space<vmem>>
        %dma_wait3A_201 = arith.constant 0 : i32
        %dma_wait3A_202 = tpu.memref_slice %arg16[%dma_wait3A_196, %dma_wait3A_201] : memref<2x2560xi32, #tpu.memory_space<vmem>> -> memref<1x2560xi32, #tpu.memory_space<vmem>>
        %dma_wait3A_203 = tpu.memref_squeeze %dma_wait3A_202 : memref<1x2560xi32, #tpu.memory_space<vmem>> -> memref<2560xi32, #tpu.memory_space<vmem>>
        %dma_wait3A_204 = arith.constant 0 : i32
        %dma_wait3A_205 = tpu.memref_slice %arg28[%dma_wait3A_204] : memref<10240xf32, #tpu.memory_space<vmem_shared>> -> memref<10240xf32, #tpu.memory_space<vmem_shared>>
        tpu.wait_indirect_dma semaphore(%arg24 : memref<!tpu.dma_semaphore, #tpu.memory_space<semaphore_mem>>) src(%dma_wait3A_205 : memref<10240xf32, #tpu.memory_space<vmem_shared>>) dst(%dma_wait3A_200 : memref<2560xf32, #tpu.memory_space<vmem>>)
        %dma_wait3A_206 = arith.constant 0 : i32
        %dma_wait3A_207 = arith.constant 0 : i32
        %dma_wait3A_208 = arith.constant 0 : i32
        %dma_wait3A_209 = tpu.memref_slice %arg21[%dma_wait3A_207, %dma_wait3A_208] : memref<2x2560xf32, #tpu.memory_space<vmem>> -> memref<1x2560xf32, #tpu.memory_space<vmem>>
        %dma_wait3A_210 = tpu.memref_squeeze %dma_wait3A_209 : memref<1x2560xf32, #tpu.memory_space<vmem>> -> memref<2560xf32, #tpu.memory_space<vmem>>
        %dma_wait3A_211 = arith.constant 0 : i32
        %dma_wait3A_212 = tpu.memref_slice %arg16[%dma_wait3A_206, %dma_wait3A_211] : memref<2x2560xi32, #tpu.memory_space<vmem>> -> memref<1x2560xi32, #tpu.memory_space<vmem>>
        %dma_wait3A_213 = tpu.memref_squeeze %dma_wait3A_212 : memref<1x2560xi32, #tpu.memory_space<vmem>> -> memref<2560xi32, #tpu.memory_space<vmem>>
        %dma_wait3A_214 = arith.constant 0 : i32
        %dma_wait3A_215 = tpu.memref_slice %arg29[%dma_wait3A_214] : memref<10240xf32, #tpu.memory_space<vmem_shared>> -> memref<10240xf32, #tpu.memory_space<vmem_shared>>
        tpu.wait_indirect_dma semaphore(%arg24 : memref<!tpu.dma_semaphore, #tpu.memory_space<semaphore_mem>>) src(%dma_wait3A_215 : memref<10240xf32, #tpu.memory_space<vmem_shared>>) dst(%dma_wait3A_210 : memref<2560xf32, #tpu.memory_space<vmem>>)
        %dma_start3A_216 = arith.constant 0 : i32
        %dma_start3A_217 = arith.constant 0 : i32
        %dma_start3A_218 = arith.constant 0 : i32
        %dma_start3A_219 = tpu.memref_slice %arg18[%dma_start3A_216, %dma_start3A_218] : memref<2x2560xf32, #tpu.memory_space<vmem>> -> memref<1x2560xf32, #tpu.memory_space<vmem>>
        %dma_start3A_220 = tpu.memref_squeeze %dma_start3A_219 : memref<1x2560xf32, #tpu.memory_space<vmem>> -> memref<2560xf32, #tpu.memory_space<vmem>>
        %dma_start3A_221 = arith.constant 0 : i32
        %dma_start3A_222 = tpu.memref_slice %arg15[%dma_start3A_217, %dma_start3A_221] : memref<2x2560xi32, #tpu.memory_space<vmem>> -> memref<1x2560xi32, #tpu.memory_space<vmem>>
        %dma_start3A_223 = tpu.memref_squeeze %dma_start3A_222 : memref<1x2560xi32, #tpu.memory_space<vmem>> -> memref<2560xi32, #tpu.memory_space<vmem>>
        %dma_start3A_224 = arith.constant 0 : i32
        %dma_start3A_225 = tpu.memref_slice %arg30[%dma_start3A_224] : memref<10240xf32, #tpu.memory_space<vmem_shared>> -> memref<10240xf32, #tpu.memory_space<vmem_shared>>
        tpu.enqueue_indirect_dma source(%dma_start3A_220 : memref<2560xf32, #tpu.memory_space<vmem>>) target(%dma_start3A_225 : memref<10240xf32, #tpu.memory_space<vmem_shared>>) offsets(%dma_start3A_223 : memref<2560xi32, #tpu.memory_space<vmem>>) semaphore(%arg25 : memref<!tpu.dma_semaphore, #tpu.memory_space<semaphore_mem>>) {add = true}
        %dma_start3A_226 = arith.constant 0 : i32
        %dma_start3A_227 = arith.constant 0 : i32
        %dma_start3A_228 = arith.constant 0 : i32
        %dma_start3A_229 = tpu.memref_slice %arg19[%dma_start3A_226, %dma_start3A_228] : memref<2x2560xf32, #tpu.memory_space<vmem>> -> memref<1x2560xf32, #tpu.memory_space<vmem>>
        %dma_start3A_230 = tpu.memref_squeeze %dma_start3A_229 : memref<1x2560xf32, #tpu.memory_space<vmem>> -> memref<2560xf32, #tpu.memory_space<vmem>>
        %dma_start3A_231 = arith.constant 0 : i32
        %dma_start3A_232 = tpu.memref_slice %arg15[%dma_start3A_227, %dma_start3A_231] : memref<2x2560xi32, #tpu.memory_space<vmem>> -> memref<1x2560xi32, #tpu.memory_space<vmem>>
        %dma_start3A_233 = tpu.memref_squeeze %dma_start3A_232 : memref<1x2560xi32, #tpu.memory_space<vmem>> -> memref<2560xi32, #tpu.memory_space<vmem>>
        %dma_start3A_234 = arith.constant 0 : i32
        %dma_start3A_235 = tpu.memref_slice %arg31[%dma_start3A_234] : memref<10240xf32, #tpu.memory_space<vmem_shared>> -> memref<10240xf32, #tpu.memory_space<vmem_shared>>
        tpu.enqueue_indirect_dma source(%dma_start3A_230 : memref<2560xf32, #tpu.memory_space<vmem>>) target(%dma_start3A_235 : memref<10240xf32, #tpu.memory_space<vmem_shared>>) offsets(%dma_start3A_233 : memref<2560xi32, #tpu.memory_space<vmem>>) semaphore(%arg25 : memref<!tpu.dma_semaphore, #tpu.memory_space<semaphore_mem>>) {add = true}
        %dma_start3A_236 = arith.constant 0 : i32
        %dma_start3A_237 = arith.constant 0 : i32
        %dma_start3A_238 = arith.constant 0 : i32
        %dma_start3A_239 = tpu.memref_slice %arg20[%dma_start3A_236, %dma_start3A_238] : memref<2x2560xf32, #tpu.memory_space<vmem>> -> memref<1x2560xf32, #tpu.memory_space<vmem>>
        %dma_start3A_240 = tpu.memref_squeeze %dma_start3A_239 : memref<1x2560xf32, #tpu.memory_space<vmem>> -> memref<2560xf32, #tpu.memory_space<vmem>>
        %dma_start3A_241 = arith.constant 0 : i32
        %dma_start3A_242 = tpu.memref_slice %arg17[%dma_start3A_237, %dma_start3A_241] : memref<2x2560xi32, #tpu.memory_space<vmem>> -> memref<1x2560xi32, #tpu.memory_space<vmem>>
        %dma_start3A_243 = tpu.memref_squeeze %dma_start3A_242 : memref<1x2560xi32, #tpu.memory_space<vmem>> -> memref<2560xi32, #tpu.memory_space<vmem>>
        %dma_start3A_244 = arith.constant 0 : i32
        %dma_start3A_245 = tpu.memref_slice %arg32[%dma_start3A_244] : memref<10240xf32, #tpu.memory_space<vmem_shared>> -> memref<10240xf32, #tpu.memory_space<vmem_shared>>
        tpu.enqueue_indirect_dma source(%dma_start3A_240 : memref<2560xf32, #tpu.memory_space<vmem>>) target(%dma_start3A_245 : memref<10240xf32, #tpu.memory_space<vmem_shared>>) offsets(%dma_start3A_243 : memref<2560xi32, #tpu.memory_space<vmem>>) semaphore(%arg25 : memref<!tpu.dma_semaphore, #tpu.memory_space<semaphore_mem>>) {add = true}
        %dma_start3A_246 = arith.constant 0 : i32
        %dma_start3A_247 = arith.constant 0 : i32
        %dma_start3A_248 = arith.constant 0 : i32
        %dma_start3A_249 = tpu.memref_slice %arg21[%dma_start3A_246, %dma_start3A_248] : memref<2x2560xf32, #tpu.memory_space<vmem>> -> memref<1x2560xf32, #tpu.memory_space<vmem>>
        %dma_start3A_250 = tpu.memref_squeeze %dma_start3A_249 : memref<1x2560xf32, #tpu.memory_space<vmem>> -> memref<2560xf32, #tpu.memory_space<vmem>>
        %dma_start3A_251 = arith.constant 0 : i32
        %dma_start3A_252 = tpu.memref_slice %arg17[%dma_start3A_247, %dma_start3A_251] : memref<2x2560xi32, #tpu.memory_space<vmem>> -> memref<1x2560xi32, #tpu.memory_space<vmem>>
        %dma_start3A_253 = tpu.memref_squeeze %dma_start3A_252 : memref<1x2560xi32, #tpu.memory_space<vmem>> -> memref<2560xi32, #tpu.memory_space<vmem>>
        %dma_start3A_254 = arith.constant 0 : i32
        %dma_start3A_255 = tpu.memref_slice %arg33[%dma_start3A_254] : memref<10240xf32, #tpu.memory_space<vmem_shared>> -> memref<10240xf32, #tpu.memory_space<vmem_shared>>
        tpu.enqueue_indirect_dma source(%dma_start3A_250 : memref<2560xf32, #tpu.memory_space<vmem>>) target(%dma_start3A_255 : memref<10240xf32, #tpu.memory_space<vmem_shared>>) offsets(%dma_start3A_253 : memref<2560xi32, #tpu.memory_space<vmem>>) semaphore(%arg25 : memref<!tpu.dma_semaphore, #tpu.memory_space<semaphore_mem>>) {add = true}
      } else {
      }
      %mul3A_73 = arith.constant 2 : i32
      %mul3A_74 = arith.muli %mul3A_73, %scan3A_60 : i32
      %add3A_75 = arith.constant 1 : i32
      %add3A_76 = arith.addi %mul3A_74, %add3A_75 : i32
      %mul3A_77 = arith.constant 32 : i32
      %mul3A_78 = arith.muli %mul3A_77, %add3A_76 : i32
      %add3A_79 = arith.addi %add3A, %mul3A_78 : i32
      %lt3A_80 = arith.constant 125 : i32
      %lt3A_81 = arith.cmpi slt, %add3A_79, %lt3A_80 : i32
      %convert_element_type3A_82 = arith.extui %lt3A_81 : i1 to i32
      %cond3A_83 = arith.constant 0 : i32
      %cond3A_84 = arith.cmpi ne, %convert_element_type3A_82, %cond3A_83 : i32
      scf.if %cond3A_84 {
        %mul3A_85 = arith.constant 2560 : i32
        %mul3A_86 = arith.muli %add3A_79, %mul3A_85 : i32
        %dma_wait3A_87 = arith.constant 1 : i32
        %dma_wait3A_88 = arith.constant 0 : i32
        %dma_wait3A_89 = tpu.memref_slice %arg14[%dma_wait3A_87, %dma_wait3A_88] : memref<2x2560xi32, #tpu.memory_space<vmem>> -> memref<1x2560xi32, #tpu.memory_space<vmem>>
        %dma_wait3A_90 = tpu.memref_squeeze %dma_wait3A_89 : memref<1x2560xi32, #tpu.memory_space<vmem>> -> memref<2560xi32, #tpu.memory_space<vmem>>
        %dma_wait3A_91 = tpu.memref_slice %arg2[%mul3A_86] : memref<320000xi32, #tpu.memory_space<hbm>> -> memref<2560xi32, #tpu.memory_space<hbm>>
        %dma_wait3A_92 = arith.constant 0 : i32
        %dma_wait3A_93 = tpu.memref_slice %arg14[%dma_wait3A_87, %dma_wait3A_92] : memref<2x2560xi32, #tpu.memory_space<vmem>> -> memref<1x2560xi32, #tpu.memory_space<vmem>>
        %dma_wait3A_94 = tpu.memref_squeeze %dma_wait3A_93 : memref<1x2560xi32, #tpu.memory_space<vmem>> -> memref<2560xi32, #tpu.memory_space<vmem>>
        %dma_wait3A_95 = tpu.memref_slice %arg2[%mul3A_86] : memref<320000xi32, #tpu.memory_space<hbm>> -> memref<2560xi32, #tpu.memory_space<hbm>>
        tpu.wait_dma2 semaphore(%arg23 : memref<!tpu.dma_semaphore, #tpu.memory_space<semaphore_mem>>) src(%dma_wait3A_95 : memref<2560xi32, #tpu.memory_space<hbm>>) dst(%dma_wait3A_94 : memref<2560xi32, #tpu.memory_space<vmem>>)
        %dma_wait3A_96 = arith.constant 1 : i32
        %dma_wait3A_97 = arith.constant 0 : i32
        %dma_wait3A_98 = tpu.memref_slice %arg15[%dma_wait3A_96, %dma_wait3A_97] : memref<2x2560xi32, #tpu.memory_space<vmem>> -> memref<1x2560xi32, #tpu.memory_space<vmem>>
        %dma_wait3A_99 = tpu.memref_squeeze %dma_wait3A_98 : memref<1x2560xi32, #tpu.memory_space<vmem>> -> memref<2560xi32, #tpu.memory_space<vmem>>
        %dma_wait3A_100 = tpu.memref_slice %arg3[%mul3A_86] : memref<320000xi32, #tpu.memory_space<hbm>> -> memref<2560xi32, #tpu.memory_space<hbm>>
        %dma_wait3A_101 = arith.constant 0 : i32
        %dma_wait3A_102 = tpu.memref_slice %arg15[%dma_wait3A_96, %dma_wait3A_101] : memref<2x2560xi32, #tpu.memory_space<vmem>> -> memref<1x2560xi32, #tpu.memory_space<vmem>>
        %dma_wait3A_103 = tpu.memref_squeeze %dma_wait3A_102 : memref<1x2560xi32, #tpu.memory_space<vmem>> -> memref<2560xi32, #tpu.memory_space<vmem>>
        %dma_wait3A_104 = tpu.memref_slice %arg3[%mul3A_86] : memref<320000xi32, #tpu.memory_space<hbm>> -> memref<2560xi32, #tpu.memory_space<hbm>>
        tpu.wait_dma2 semaphore(%arg23 : memref<!tpu.dma_semaphore, #tpu.memory_space<semaphore_mem>>) src(%dma_wait3A_104 : memref<2560xi32, #tpu.memory_space<hbm>>) dst(%dma_wait3A_103 : memref<2560xi32, #tpu.memory_space<vmem>>)
        %dma_wait3A_105 = arith.constant 1 : i32
        %dma_wait3A_106 = arith.constant 0 : i32
        %dma_wait3A_107 = tpu.memref_slice %arg16[%dma_wait3A_105, %dma_wait3A_106] : memref<2x2560xi32, #tpu.memory_space<vmem>> -> memref<1x2560xi32, #tpu.memory_space<vmem>>
        %dma_wait3A_108 = tpu.memref_squeeze %dma_wait3A_107 : memref<1x2560xi32, #tpu.memory_space<vmem>> -> memref<2560xi32, #tpu.memory_space<vmem>>
        %dma_wait3A_109 = tpu.memref_slice %arg4[%mul3A_86] : memref<320000xi32, #tpu.memory_space<hbm>> -> memref<2560xi32, #tpu.memory_space<hbm>>
        %dma_wait3A_110 = arith.constant 0 : i32
        %dma_wait3A_111 = tpu.memref_slice %arg16[%dma_wait3A_105, %dma_wait3A_110] : memref<2x2560xi32, #tpu.memory_space<vmem>> -> memref<1x2560xi32, #tpu.memory_space<vmem>>
        %dma_wait3A_112 = tpu.memref_squeeze %dma_wait3A_111 : memref<1x2560xi32, #tpu.memory_space<vmem>> -> memref<2560xi32, #tpu.memory_space<vmem>>
        %dma_wait3A_113 = tpu.memref_slice %arg4[%mul3A_86] : memref<320000xi32, #tpu.memory_space<hbm>> -> memref<2560xi32, #tpu.memory_space<hbm>>
        tpu.wait_dma2 semaphore(%arg23 : memref<!tpu.dma_semaphore, #tpu.memory_space<semaphore_mem>>) src(%dma_wait3A_113 : memref<2560xi32, #tpu.memory_space<hbm>>) dst(%dma_wait3A_112 : memref<2560xi32, #tpu.memory_space<vmem>>)
        %dma_wait3A_114 = arith.constant 1 : i32
        %dma_wait3A_115 = arith.constant 0 : i32
        %dma_wait3A_116 = tpu.memref_slice %arg17[%dma_wait3A_114, %dma_wait3A_115] : memref<2x2560xi32, #tpu.memory_space<vmem>> -> memref<1x2560xi32, #tpu.memory_space<vmem>>
        %dma_wait3A_117 = tpu.memref_squeeze %dma_wait3A_116 : memref<1x2560xi32, #tpu.memory_space<vmem>> -> memref<2560xi32, #tpu.memory_space<vmem>>
        %dma_wait3A_118 = tpu.memref_slice %arg5[%mul3A_86] : memref<320000xi32, #tpu.memory_space<hbm>> -> memref<2560xi32, #tpu.memory_space<hbm>>
        %dma_wait3A_119 = arith.constant 0 : i32
        %dma_wait3A_120 = tpu.memref_slice %arg17[%dma_wait3A_114, %dma_wait3A_119] : memref<2x2560xi32, #tpu.memory_space<vmem>> -> memref<1x2560xi32, #tpu.memory_space<vmem>>
        %dma_wait3A_121 = tpu.memref_squeeze %dma_wait3A_120 : memref<1x2560xi32, #tpu.memory_space<vmem>> -> memref<2560xi32, #tpu.memory_space<vmem>>
        %dma_wait3A_122 = tpu.memref_slice %arg5[%mul3A_86] : memref<320000xi32, #tpu.memory_space<hbm>> -> memref<2560xi32, #tpu.memory_space<hbm>>
        tpu.wait_dma2 semaphore(%arg23 : memref<!tpu.dma_semaphore, #tpu.memory_space<semaphore_mem>>) src(%dma_wait3A_122 : memref<2560xi32, #tpu.memory_space<hbm>>) dst(%dma_wait3A_121 : memref<2560xi32, #tpu.memory_space<vmem>>)
        %dma_start3A = arith.constant 1 : i32
        %dma_start3A_123 = arith.constant 1 : i32
        %dma_start3A_124 = arith.constant 0 : i32
        %dma_start3A_125 = tpu.memref_slice %arg18[%dma_start3A_123, %dma_start3A_124] : memref<2x2560xf32, #tpu.memory_space<vmem>> -> memref<1x2560xf32, #tpu.memory_space<vmem>>
        %dma_start3A_126 = tpu.memref_squeeze %dma_start3A_125 : memref<1x2560xf32, #tpu.memory_space<vmem>> -> memref<2560xf32, #tpu.memory_space<vmem>>
        %dma_start3A_127 = arith.constant 0 : i32
        %dma_start3A_128 = tpu.memref_slice %arg14[%dma_start3A, %dma_start3A_127] : memref<2x2560xi32, #tpu.memory_space<vmem>> -> memref<1x2560xi32, #tpu.memory_space<vmem>>
        %dma_start3A_129 = tpu.memref_squeeze %dma_start3A_128 : memref<1x2560xi32, #tpu.memory_space<vmem>> -> memref<2560xi32, #tpu.memory_space<vmem>>
        %dma_start3A_130 = arith.constant 0 : i32
        %dma_start3A_131 = tpu.memref_slice %arg26[%dma_start3A_130] : memref<10240xf32, #tpu.memory_space<vmem_shared>> -> memref<10240xf32, #tpu.memory_space<vmem_shared>>
        tpu.enqueue_indirect_dma source(%dma_start3A_131 : memref<10240xf32, #tpu.memory_space<vmem_shared>>) target(%dma_start3A_126 : memref<2560xf32, #tpu.memory_space<vmem>>) offsets(%dma_start3A_129 : memref<2560xi32, #tpu.memory_space<vmem>>) semaphore(%arg24 : memref<!tpu.dma_semaphore, #tpu.memory_space<semaphore_mem>>)
        %dma_start3A_132 = arith.constant 1 : i32
        %dma_start3A_133 = arith.constant 1 : i32
        %dma_start3A_134 = arith.constant 0 : i32
        %dma_start3A_135 = tpu.memref_slice %arg19[%dma_start3A_133, %dma_start3A_134] : memref<2x2560xf32, #tpu.memory_space<vmem>> -> memref<1x2560xf32, #tpu.memory_space<vmem>>
        %dma_start3A_136 = tpu.memref_squeeze %dma_start3A_135 : memref<1x2560xf32, #tpu.memory_space<vmem>> -> memref<2560xf32, #tpu.memory_space<vmem>>
        %dma_start3A_137 = arith.constant 0 : i32
        %dma_start3A_138 = tpu.memref_slice %arg14[%dma_start3A_132, %dma_start3A_137] : memref<2x2560xi32, #tpu.memory_space<vmem>> -> memref<1x2560xi32, #tpu.memory_space<vmem>>
        %dma_start3A_139 = tpu.memref_squeeze %dma_start3A_138 : memref<1x2560xi32, #tpu.memory_space<vmem>> -> memref<2560xi32, #tpu.memory_space<vmem>>
        %dma_start3A_140 = arith.constant 0 : i32
        %dma_start3A_141 = tpu.memref_slice %arg27[%dma_start3A_140] : memref<10240xf32, #tpu.memory_space<vmem_shared>> -> memref<10240xf32, #tpu.memory_space<vmem_shared>>
        tpu.enqueue_indirect_dma source(%dma_start3A_141 : memref<10240xf32, #tpu.memory_space<vmem_shared>>) target(%dma_start3A_136 : memref<2560xf32, #tpu.memory_space<vmem>>) offsets(%dma_start3A_139 : memref<2560xi32, #tpu.memory_space<vmem>>) semaphore(%arg24 : memref<!tpu.dma_semaphore, #tpu.memory_space<semaphore_mem>>)
        %dma_start3A_142 = arith.constant 1 : i32
        %dma_start3A_143 = arith.constant 1 : i32
        %dma_start3A_144 = arith.constant 0 : i32
        %dma_start3A_145 = tpu.memref_slice %arg20[%dma_start3A_143, %dma_start3A_144] : memref<2x2560xf32, #tpu.memory_space<vmem>> -> memref<1x2560xf32, #tpu.memory_space<vmem>>
        %dma_start3A_146 = tpu.memref_squeeze %dma_start3A_145 : memref<1x2560xf32, #tpu.memory_space<vmem>> -> memref<2560xf32, #tpu.memory_space<vmem>>
        %dma_start3A_147 = arith.constant 0 : i32
        %dma_start3A_148 = tpu.memref_slice %arg16[%dma_start3A_142, %dma_start3A_147] : memref<2x2560xi32, #tpu.memory_space<vmem>> -> memref<1x2560xi32, #tpu.memory_space<vmem>>
        %dma_start3A_149 = tpu.memref_squeeze %dma_start3A_148 : memref<1x2560xi32, #tpu.memory_space<vmem>> -> memref<2560xi32, #tpu.memory_space<vmem>>
        %dma_start3A_150 = arith.constant 0 : i32
        %dma_start3A_151 = tpu.memref_slice %arg28[%dma_start3A_150] : memref<10240xf32, #tpu.memory_space<vmem_shared>> -> memref<10240xf32, #tpu.memory_space<vmem_shared>>
        tpu.enqueue_indirect_dma source(%dma_start3A_151 : memref<10240xf32, #tpu.memory_space<vmem_shared>>) target(%dma_start3A_146 : memref<2560xf32, #tpu.memory_space<vmem>>) offsets(%dma_start3A_149 : memref<2560xi32, #tpu.memory_space<vmem>>) semaphore(%arg24 : memref<!tpu.dma_semaphore, #tpu.memory_space<semaphore_mem>>)
        %dma_start3A_152 = arith.constant 1 : i32
        %dma_start3A_153 = arith.constant 1 : i32
        %dma_start3A_154 = arith.constant 0 : i32
        %dma_start3A_155 = tpu.memref_slice %arg21[%dma_start3A_153, %dma_start3A_154] : memref<2x2560xf32, #tpu.memory_space<vmem>> -> memref<1x2560xf32, #tpu.memory_space<vmem>>
        %dma_start3A_156 = tpu.memref_squeeze %dma_start3A_155 : memref<1x2560xf32, #tpu.memory_space<vmem>> -> memref<2560xf32, #tpu.memory_space<vmem>>
        %dma_start3A_157 = arith.constant 0 : i32
        %dma_start3A_158 = tpu.memref_slice %arg16[%dma_start3A_152, %dma_start3A_157] : memref<2x2560xi32, #tpu.memory_space<vmem>> -> memref<1x2560xi32, #tpu.memory_space<vmem>>
        %dma_start3A_159 = tpu.memref_squeeze %dma_start3A_158 : memref<1x2560xi32, #tpu.memory_space<vmem>> -> memref<2560xi32, #tpu.memory_space<vmem>>
        %dma_start3A_160 = arith.constant 0 : i32
        %dma_start3A_161 = tpu.memref_slice %arg29[%dma_start3A_160] : memref<10240xf32, #tpu.memory_space<vmem_shared>> -> memref<10240xf32, #tpu.memory_space<vmem_shared>>
        tpu.enqueue_indirect_dma source(%dma_start3A_161 : memref<10240xf32, #tpu.memory_space<vmem_shared>>) target(%dma_start3A_156 : memref<2560xf32, #tpu.memory_space<vmem>>) offsets(%dma_start3A_159 : memref<2560xi32, #tpu.memory_space<vmem>>) semaphore(%arg24 : memref<!tpu.dma_semaphore, #tpu.memory_space<semaphore_mem>>)
        %ge3A = arith.constant 1 : i32
        %ge3A_162 = arith.cmpi sge, %add3A_76, %ge3A : i32
        %convert_element_type3A_163 = arith.extui %ge3A_162 : i1 to i32
        %cond3A_164 = arith.constant 0 : i32
        %cond3A_165 = arith.cmpi ne, %convert_element_type3A_163, %cond3A_164 : i32
        scf.if %cond3A_165 {
          %dma_wait3A_256 = arith.constant 0 : i32
          %dma_wait3A_257 = arith.constant 0 : i32
          %dma_wait3A_258 = arith.constant 0 : i32
          %dma_wait3A_259 = tpu.memref_slice %arg18[%dma_wait3A_256, %dma_wait3A_258] : memref<2x2560xf32, #tpu.memory_space<vmem>> -> memref<1x2560xf32, #tpu.memory_space<vmem>>
          %dma_wait3A_260 = tpu.memref_squeeze %dma_wait3A_259 : memref<1x2560xf32, #tpu.memory_space<vmem>> -> memref<2560xf32, #tpu.memory_space<vmem>>
          %dma_wait3A_261 = arith.constant 0 : i32
          %dma_wait3A_262 = tpu.memref_slice %arg15[%dma_wait3A_257, %dma_wait3A_261] : memref<2x2560xi32, #tpu.memory_space<vmem>> -> memref<1x2560xi32, #tpu.memory_space<vmem>>
          %dma_wait3A_263 = tpu.memref_squeeze %dma_wait3A_262 : memref<1x2560xi32, #tpu.memory_space<vmem>> -> memref<2560xi32, #tpu.memory_space<vmem>>
          %dma_wait3A_264 = arith.constant 0 : i32
          %dma_wait3A_265 = tpu.memref_slice %arg30[%dma_wait3A_264] : memref<10240xf32, #tpu.memory_space<vmem_shared>> -> memref<10240xf32, #tpu.memory_space<vmem_shared>>
          tpu.wait_indirect_dma semaphore(%arg25 : memref<!tpu.dma_semaphore, #tpu.memory_space<semaphore_mem>>) src(%dma_wait3A_260 : memref<2560xf32, #tpu.memory_space<vmem>>) dst(%dma_wait3A_265 : memref<10240xf32, #tpu.memory_space<vmem_shared>>)
          %dma_wait3A_266 = arith.constant 0 : i32
          %dma_wait3A_267 = arith.constant 0 : i32
          %dma_wait3A_268 = arith.constant 0 : i32
          %dma_wait3A_269 = tpu.memref_slice %arg19[%dma_wait3A_266, %dma_wait3A_268] : memref<2x2560xf32, #tpu.memory_space<vmem>> -> memref<1x2560xf32, #tpu.memory_space<vmem>>
          %dma_wait3A_270 = tpu.memref_squeeze %dma_wait3A_269 : memref<1x2560xf32, #tpu.memory_space<vmem>> -> memref<2560xf32, #tpu.memory_space<vmem>>
          %dma_wait3A_271 = arith.constant 0 : i32
          %dma_wait3A_272 = tpu.memref_slice %arg15[%dma_wait3A_267, %dma_wait3A_271] : memref<2x2560xi32, #tpu.memory_space<vmem>> -> memref<1x2560xi32, #tpu.memory_space<vmem>>
          %dma_wait3A_273 = tpu.memref_squeeze %dma_wait3A_272 : memref<1x2560xi32, #tpu.memory_space<vmem>> -> memref<2560xi32, #tpu.memory_space<vmem>>
          %dma_wait3A_274 = arith.constant 0 : i32
          %dma_wait3A_275 = tpu.memref_slice %arg31[%dma_wait3A_274] : memref<10240xf32, #tpu.memory_space<vmem_shared>> -> memref<10240xf32, #tpu.memory_space<vmem_shared>>
          tpu.wait_indirect_dma semaphore(%arg25 : memref<!tpu.dma_semaphore, #tpu.memory_space<semaphore_mem>>) src(%dma_wait3A_270 : memref<2560xf32, #tpu.memory_space<vmem>>) dst(%dma_wait3A_275 : memref<10240xf32, #tpu.memory_space<vmem_shared>>)
          %dma_wait3A_276 = arith.constant 0 : i32
          %dma_wait3A_277 = arith.constant 0 : i32
          %dma_wait3A_278 = arith.constant 0 : i32
          %dma_wait3A_279 = tpu.memref_slice %arg20[%dma_wait3A_276, %dma_wait3A_278] : memref<2x2560xf32, #tpu.memory_space<vmem>> -> memref<1x2560xf32, #tpu.memory_space<vmem>>
          %dma_wait3A_280 = tpu.memref_squeeze %dma_wait3A_279 : memref<1x2560xf32, #tpu.memory_space<vmem>> -> memref<2560xf32, #tpu.memory_space<vmem>>
          %dma_wait3A_281 = arith.constant 0 : i32
          %dma_wait3A_282 = tpu.memref_slice %arg17[%dma_wait3A_277, %dma_wait3A_281] : memref<2x2560xi32, #tpu.memory_space<vmem>> -> memref<1x2560xi32, #tpu.memory_space<vmem>>
          %dma_wait3A_283 = tpu.memref_squeeze %dma_wait3A_282 : memref<1x2560xi32, #tpu.memory_space<vmem>> -> memref<2560xi32, #tpu.memory_space<vmem>>
          %dma_wait3A_284 = arith.constant 0 : i32
          %dma_wait3A_285 = tpu.memref_slice %arg32[%dma_wait3A_284] : memref<10240xf32, #tpu.memory_space<vmem_shared>> -> memref<10240xf32, #tpu.memory_space<vmem_shared>>
          tpu.wait_indirect_dma semaphore(%arg25 : memref<!tpu.dma_semaphore, #tpu.memory_space<semaphore_mem>>) src(%dma_wait3A_280 : memref<2560xf32, #tpu.memory_space<vmem>>) dst(%dma_wait3A_285 : memref<10240xf32, #tpu.memory_space<vmem_shared>>)
          %dma_wait3A_286 = arith.constant 0 : i32
          %dma_wait3A_287 = arith.constant 0 : i32
          %dma_wait3A_288 = arith.constant 0 : i32
          %dma_wait3A_289 = tpu.memref_slice %arg21[%dma_wait3A_286, %dma_wait3A_288] : memref<2x2560xf32, #tpu.memory_space<vmem>> -> memref<1x2560xf32, #tpu.memory_space<vmem>>
          %dma_wait3A_290 = tpu.memref_squeeze %dma_wait3A_289 : memref<1x2560xf32, #tpu.memory_space<vmem>> -> memref<2560xf32, #tpu.memory_space<vmem>>
          %dma_wait3A_291 = arith.constant 0 : i32
          %dma_wait3A_292 = tpu.memref_slice %arg17[%dma_wait3A_287, %dma_wait3A_291] : memref<2x2560xi32, #tpu.memory_space<vmem>> -> memref<1x2560xi32, #tpu.memory_space<vmem>>
          %dma_wait3A_293 = tpu.memref_squeeze %dma_wait3A_292 : memref<1x2560xi32, #tpu.memory_space<vmem>> -> memref<2560xi32, #tpu.memory_space<vmem>>
          %dma_wait3A_294 = arith.constant 0 : i32
          %dma_wait3A_295 = tpu.memref_slice %arg33[%dma_wait3A_294] : memref<10240xf32, #tpu.memory_space<vmem_shared>> -> memref<10240xf32, #tpu.memory_space<vmem_shared>>
          tpu.wait_indirect_dma semaphore(%arg25 : memref<!tpu.dma_semaphore, #tpu.memory_space<semaphore_mem>>) src(%dma_wait3A_290 : memref<2560xf32, #tpu.memory_space<vmem>>) dst(%dma_wait3A_295 : memref<10240xf32, #tpu.memory_space<vmem_shared>>)
        } else {
        }
        %add3A_166 = arith.constant 1 : i32
        %add3A_167 = arith.addi %add3A_76, %add3A_166 : i32
        %mul3A_168 = arith.constant 32 : i32
        %mul3A_169 = arith.muli %mul3A_168, %add3A_167 : i32
        %add3A_170 = arith.addi %add3A, %mul3A_169 : i32
        %lt3A_171 = arith.constant 125 : i32
        %lt3A_172 = arith.cmpi slt, %add3A_170, %lt3A_171 : i32
        %convert_element_type3A_173 = arith.extui %lt3A_172 : i1 to i32
        %cond3A_174 = arith.constant 0 : i32
        %cond3A_175 = arith.cmpi ne, %convert_element_type3A_173, %cond3A_174 : i32
        scf.if %cond3A_175 {
          %mul3A_256 = arith.constant 2560 : i32
          %mul3A_257 = arith.muli %add3A_170, %mul3A_256 : i32
          %dma_start3A_258 = arith.constant 0 : i32
          %dma_start3A_259 = arith.constant 0 : i32
          %dma_start3A_260 = tpu.memref_slice %arg14[%dma_start3A_258, %dma_start3A_259] : memref<2x2560xi32, #tpu.memory_space<vmem>> -> memref<1x2560xi32, #tpu.memory_space<vmem>>
          %dma_start3A_261 = tpu.memref_squeeze %dma_start3A_260 : memref<1x2560xi32, #tpu.memory_space<vmem>> -> memref<2560xi32, #tpu.memory_space<vmem>>
          %dma_start3A_262 = tpu.memref_slice %arg2[%mul3A_257] : memref<320000xi32, #tpu.memory_space<hbm>> -> memref<2560xi32, #tpu.memory_space<hbm>>
          %dma_start3A_263 = arith.constant 0 : i32
          %dma_start3A_264 = tpu.memref_slice %arg14[%dma_start3A_258, %dma_start3A_263] : memref<2x2560xi32, #tpu.memory_space<vmem>> -> memref<1x2560xi32, #tpu.memory_space<vmem>>
          %dma_start3A_265 = tpu.memref_squeeze %dma_start3A_264 : memref<1x2560xi32, #tpu.memory_space<vmem>> -> memref<2560xi32, #tpu.memory_space<vmem>>
          %dma_start3A_266 = tpu.memref_slice %arg2[%mul3A_257] : memref<320000xi32, #tpu.memory_space<hbm>> -> memref<2560xi32, #tpu.memory_space<hbm>>
          tpu.enqueue_dma source(%dma_start3A_266 : memref<2560xi32, #tpu.memory_space<hbm>>) target(%dma_start3A_265 : memref<2560xi32, #tpu.memory_space<vmem>>) target_semaphore(%arg23 : memref<!tpu.dma_semaphore, #tpu.memory_space<semaphore_mem>>)
          %dma_start3A_267 = arith.constant 0 : i32
          %dma_start3A_268 = arith.constant 0 : i32
          %dma_start3A_269 = tpu.memref_slice %arg15[%dma_start3A_267, %dma_start3A_268] : memref<2x2560xi32, #tpu.memory_space<vmem>> -> memref<1x2560xi32, #tpu.memory_space<vmem>>
          %dma_start3A_270 = tpu.memref_squeeze %dma_start3A_269 : memref<1x2560xi32, #tpu.memory_space<vmem>> -> memref<2560xi32, #tpu.memory_space<vmem>>
          %dma_start3A_271 = tpu.memref_slice %arg3[%mul3A_257] : memref<320000xi32, #tpu.memory_space<hbm>> -> memref<2560xi32, #tpu.memory_space<hbm>>
          %dma_start3A_272 = arith.constant 0 : i32
          %dma_start3A_273 = tpu.memref_slice %arg15[%dma_start3A_267, %dma_start3A_272] : memref<2x2560xi32, #tpu.memory_space<vmem>> -> memref<1x2560xi32, #tpu.memory_space<vmem>>
          %dma_start3A_274 = tpu.memref_squeeze %dma_start3A_273 : memref<1x2560xi32, #tpu.memory_space<vmem>> -> memref<2560xi32, #tpu.memory_space<vmem>>
          %dma_start3A_275 = tpu.memref_slice %arg3[%mul3A_257] : memref<320000xi32, #tpu.memory_space<hbm>> -> memref<2560xi32, #tpu.memory_space<hbm>>
          tpu.enqueue_dma source(%dma_start3A_275 : memref<2560xi32, #tpu.memory_space<hbm>>) target(%dma_start3A_274 : memref<2560xi32, #tpu.memory_space<vmem>>) target_semaphore(%arg23 : memref<!tpu.dma_semaphore, #tpu.memory_space<semaphore_mem>>)
          %dma_start3A_276 = arith.constant 0 : i32
          %dma_start3A_277 = arith.constant 0 : i32
          %dma_start3A_278 = tpu.memref_slice %arg16[%dma_start3A_276, %dma_start3A_277] : memref<2x2560xi32, #tpu.memory_space<vmem>> -> memref<1x2560xi32, #tpu.memory_space<vmem>>
          %dma_start3A_279 = tpu.memref_squeeze %dma_start3A_278 : memref<1x2560xi32, #tpu.memory_space<vmem>> -> memref<2560xi32, #tpu.memory_space<vmem>>
          %dma_start3A_280 = tpu.memref_slice %arg4[%mul3A_257] : memref<320000xi32, #tpu.memory_space<hbm>> -> memref<2560xi32, #tpu.memory_space<hbm>>
          %dma_start3A_281 = arith.constant 0 : i32
          %dma_start3A_282 = tpu.memref_slice %arg16[%dma_start3A_276, %dma_start3A_281] : memref<2x2560xi32, #tpu.memory_space<vmem>> -> memref<1x2560xi32, #tpu.memory_space<vmem>>
          %dma_start3A_283 = tpu.memref_squeeze %dma_start3A_282 : memref<1x2560xi32, #tpu.memory_space<vmem>> -> memref<2560xi32, #tpu.memory_space<vmem>>
          %dma_start3A_284 = tpu.memref_slice %arg4[%mul3A_257] : memref<320000xi32, #tpu.memory_space<hbm>> -> memref<2560xi32, #tpu.memory_space<hbm>>
          tpu.enqueue_dma source(%dma_start3A_284 : memref<2560xi32, #tpu.memory_space<hbm>>) target(%dma_start3A_283 : memref<2560xi32, #tpu.memory_space<vmem>>) target_semaphore(%arg23 : memref<!tpu.dma_semaphore, #tpu.memory_space<semaphore_mem>>)
          %dma_start3A_285 = arith.constant 0 : i32
          %dma_start3A_286 = arith.constant 0 : i32
          %dma_start3A_287 = tpu.memref_slice %arg17[%dma_start3A_285, %dma_start3A_286] : memref<2x2560xi32, #tpu.memory_space<vmem>> -> memref<1x2560xi32, #tpu.memory_space<vmem>>
          %dma_start3A_288 = tpu.memref_squeeze %dma_start3A_287 : memref<1x2560xi32, #tpu.memory_space<vmem>> -> memref<2560xi32, #tpu.memory_space<vmem>>
          %dma_start3A_289 = tpu.memref_slice %arg5[%mul3A_257] : memref<320000xi32, #tpu.memory_space<hbm>> -> memref<2560xi32, #tpu.memory_space<hbm>>
          %dma_start3A_290 = arith.constant 0 : i32
          %dma_start3A_291 = tpu.memref_slice %arg17[%dma_start3A_285, %dma_start3A_290] : memref<2x2560xi32, #tpu.memory_space<vmem>> -> memref<1x2560xi32, #tpu.memory_space<vmem>>
          %dma_start3A_292 = tpu.memref_squeeze %dma_start3A_291 : memref<1x2560xi32, #tpu.memory_space<vmem>> -> memref<2560xi32, #tpu.memory_space<vmem>>
          %dma_start3A_293 = tpu.memref_slice %arg5[%mul3A_257] : memref<320000xi32, #tpu.memory_space<hbm>> -> memref<2560xi32, #tpu.memory_space<hbm>>
          tpu.enqueue_dma source(%dma_start3A_293 : memref<2560xi32, #tpu.memory_space<hbm>>) target(%dma_start3A_292 : memref<2560xi32, #tpu.memory_space<vmem>>) target_semaphore(%arg23 : memref<!tpu.dma_semaphore, #tpu.memory_space<semaphore_mem>>)
        } else {
        }
        %dma_wait3A_176 = arith.constant 1 : i32
        %dma_wait3A_177 = arith.constant 1 : i32
        %dma_wait3A_178 = arith.constant 0 : i32
        %dma_wait3A_179 = tpu.memref_slice %arg18[%dma_wait3A_177, %dma_wait3A_178] : memref<2x2560xf32, #tpu.memory_space<vmem>> -> memref<1x2560xf32, #tpu.memory_space<vmem>>
        %dma_wait3A_180 = tpu.memref_squeeze %dma_wait3A_179 : memref<1x2560xf32, #tpu.memory_space<vmem>> -> memref<2560xf32, #tpu.memory_space<vmem>>
        %dma_wait3A_181 = arith.constant 0 : i32
        %dma_wait3A_182 = tpu.memref_slice %arg14[%dma_wait3A_176, %dma_wait3A_181] : memref<2x2560xi32, #tpu.memory_space<vmem>> -> memref<1x2560xi32, #tpu.memory_space<vmem>>
        %dma_wait3A_183 = tpu.memref_squeeze %dma_wait3A_182 : memref<1x2560xi32, #tpu.memory_space<vmem>> -> memref<2560xi32, #tpu.memory_space<vmem>>
        %dma_wait3A_184 = arith.constant 0 : i32
        %dma_wait3A_185 = tpu.memref_slice %arg26[%dma_wait3A_184] : memref<10240xf32, #tpu.memory_space<vmem_shared>> -> memref<10240xf32, #tpu.memory_space<vmem_shared>>
        tpu.wait_indirect_dma semaphore(%arg24 : memref<!tpu.dma_semaphore, #tpu.memory_space<semaphore_mem>>) src(%dma_wait3A_185 : memref<10240xf32, #tpu.memory_space<vmem_shared>>) dst(%dma_wait3A_180 : memref<2560xf32, #tpu.memory_space<vmem>>)
        %dma_wait3A_186 = arith.constant 1 : i32
        %dma_wait3A_187 = arith.constant 1 : i32
        %dma_wait3A_188 = arith.constant 0 : i32
        %dma_wait3A_189 = tpu.memref_slice %arg19[%dma_wait3A_187, %dma_wait3A_188] : memref<2x2560xf32, #tpu.memory_space<vmem>> -> memref<1x2560xf32, #tpu.memory_space<vmem>>
        %dma_wait3A_190 = tpu.memref_squeeze %dma_wait3A_189 : memref<1x2560xf32, #tpu.memory_space<vmem>> -> memref<2560xf32, #tpu.memory_space<vmem>>
        %dma_wait3A_191 = arith.constant 0 : i32
        %dma_wait3A_192 = tpu.memref_slice %arg14[%dma_wait3A_186, %dma_wait3A_191] : memref<2x2560xi32, #tpu.memory_space<vmem>> -> memref<1x2560xi32, #tpu.memory_space<vmem>>
        %dma_wait3A_193 = tpu.memref_squeeze %dma_wait3A_192 : memref<1x2560xi32, #tpu.memory_space<vmem>> -> memref<2560xi32, #tpu.memory_space<vmem>>
        %dma_wait3A_194 = arith.constant 0 : i32
        %dma_wait3A_195 = tpu.memref_slice %arg27[%dma_wait3A_194] : memref<10240xf32, #tpu.memory_space<vmem_shared>> -> memref<10240xf32, #tpu.memory_space<vmem_shared>>
        tpu.wait_indirect_dma semaphore(%arg24 : memref<!tpu.dma_semaphore, #tpu.memory_space<semaphore_mem>>) src(%dma_wait3A_195 : memref<10240xf32, #tpu.memory_space<vmem_shared>>) dst(%dma_wait3A_190 : memref<2560xf32, #tpu.memory_space<vmem>>)
        %dma_wait3A_196 = arith.constant 1 : i32
        %dma_wait3A_197 = arith.constant 1 : i32
        %dma_wait3A_198 = arith.constant 0 : i32
        %dma_wait3A_199 = tpu.memref_slice %arg20[%dma_wait3A_197, %dma_wait3A_198] : memref<2x2560xf32, #tpu.memory_space<vmem>> -> memref<1x2560xf32, #tpu.memory_space<vmem>>
        %dma_wait3A_200 = tpu.memref_squeeze %dma_wait3A_199 : memref<1x2560xf32, #tpu.memory_space<vmem>> -> memref<2560xf32, #tpu.memory_space<vmem>>
        %dma_wait3A_201 = arith.constant 0 : i32
        %dma_wait3A_202 = tpu.memref_slice %arg16[%dma_wait3A_196, %dma_wait3A_201] : memref<2x2560xi32, #tpu.memory_space<vmem>> -> memref<1x2560xi32, #tpu.memory_space<vmem>>
        %dma_wait3A_203 = tpu.memref_squeeze %dma_wait3A_202 : memref<1x2560xi32, #tpu.memory_space<vmem>> -> memref<2560xi32, #tpu.memory_space<vmem>>
        %dma_wait3A_204 = arith.constant 0 : i32
        %dma_wait3A_205 = tpu.memref_slice %arg28[%dma_wait3A_204] : memref<10240xf32, #tpu.memory_space<vmem_shared>> -> memref<10240xf32, #tpu.memory_space<vmem_shared>>
        tpu.wait_indirect_dma semaphore(%arg24 : memref<!tpu.dma_semaphore, #tpu.memory_space<semaphore_mem>>) src(%dma_wait3A_205 : memref<10240xf32, #tpu.memory_space<vmem_shared>>) dst(%dma_wait3A_200 : memref<2560xf32, #tpu.memory_space<vmem>>)
        %dma_wait3A_206 = arith.constant 1 : i32
        %dma_wait3A_207 = arith.constant 1 : i32
        %dma_wait3A_208 = arith.constant 0 : i32
        %dma_wait3A_209 = tpu.memref_slice %arg21[%dma_wait3A_207, %dma_wait3A_208] : memref<2x2560xf32, #tpu.memory_space<vmem>> -> memref<1x2560xf32, #tpu.memory_space<vmem>>
        %dma_wait3A_210 = tpu.memref_squeeze %dma_wait3A_209 : memref<1x2560xf32, #tpu.memory_space<vmem>> -> memref<2560xf32, #tpu.memory_space<vmem>>
        %dma_wait3A_211 = arith.constant 0 : i32
        %dma_wait3A_212 = tpu.memref_slice %arg16[%dma_wait3A_206, %dma_wait3A_211] : memref<2x2560xi32, #tpu.memory_space<vmem>> -> memref<1x2560xi32, #tpu.memory_space<vmem>>
        %dma_wait3A_213 = tpu.memref_squeeze %dma_wait3A_212 : memref<1x2560xi32, #tpu.memory_space<vmem>> -> memref<2560xi32, #tpu.memory_space<vmem>>
        %dma_wait3A_214 = arith.constant 0 : i32
        %dma_wait3A_215 = tpu.memref_slice %arg29[%dma_wait3A_214] : memref<10240xf32, #tpu.memory_space<vmem_shared>> -> memref<10240xf32, #tpu.memory_space<vmem_shared>>
        tpu.wait_indirect_dma semaphore(%arg24 : memref<!tpu.dma_semaphore, #tpu.memory_space<semaphore_mem>>) src(%dma_wait3A_215 : memref<10240xf32, #tpu.memory_space<vmem_shared>>) dst(%dma_wait3A_210 : memref<2560xf32, #tpu.memory_space<vmem>>)
        %dma_start3A_216 = arith.constant 1 : i32
        %dma_start3A_217 = arith.constant 1 : i32
        %dma_start3A_218 = arith.constant 0 : i32
        %dma_start3A_219 = tpu.memref_slice %arg18[%dma_start3A_216, %dma_start3A_218] : memref<2x2560xf32, #tpu.memory_space<vmem>> -> memref<1x2560xf32, #tpu.memory_space<vmem>>
        %dma_start3A_220 = tpu.memref_squeeze %dma_start3A_219 : memref<1x2560xf32, #tpu.memory_space<vmem>> -> memref<2560xf32, #tpu.memory_space<vmem>>
        %dma_start3A_221 = arith.constant 0 : i32
        %dma_start3A_222 = tpu.memref_slice %arg15[%dma_start3A_217, %dma_start3A_221] : memref<2x2560xi32, #tpu.memory_space<vmem>> -> memref<1x2560xi32, #tpu.memory_space<vmem>>
        %dma_start3A_223 = tpu.memref_squeeze %dma_start3A_222 : memref<1x2560xi32, #tpu.memory_space<vmem>> -> memref<2560xi32, #tpu.memory_space<vmem>>
        %dma_start3A_224 = arith.constant 0 : i32
        %dma_start3A_225 = tpu.memref_slice %arg30[%dma_start3A_224] : memref<10240xf32, #tpu.memory_space<vmem_shared>> -> memref<10240xf32, #tpu.memory_space<vmem_shared>>
        tpu.enqueue_indirect_dma source(%dma_start3A_220 : memref<2560xf32, #tpu.memory_space<vmem>>) target(%dma_start3A_225 : memref<10240xf32, #tpu.memory_space<vmem_shared>>) offsets(%dma_start3A_223 : memref<2560xi32, #tpu.memory_space<vmem>>) semaphore(%arg25 : memref<!tpu.dma_semaphore, #tpu.memory_space<semaphore_mem>>) {add = true}
        %dma_start3A_226 = arith.constant 1 : i32
        %dma_start3A_227 = arith.constant 1 : i32
        %dma_start3A_228 = arith.constant 0 : i32
        %dma_start3A_229 = tpu.memref_slice %arg19[%dma_start3A_226, %dma_start3A_228] : memref<2x2560xf32, #tpu.memory_space<vmem>> -> memref<1x2560xf32, #tpu.memory_space<vmem>>
        %dma_start3A_230 = tpu.memref_squeeze %dma_start3A_229 : memref<1x2560xf32, #tpu.memory_space<vmem>> -> memref<2560xf32, #tpu.memory_space<vmem>>
        %dma_start3A_231 = arith.constant 0 : i32
        %dma_start3A_232 = tpu.memref_slice %arg15[%dma_start3A_227, %dma_start3A_231] : memref<2x2560xi32, #tpu.memory_space<vmem>> -> memref<1x2560xi32, #tpu.memory_space<vmem>>
        %dma_start3A_233 = tpu.memref_squeeze %dma_start3A_232 : memref<1x2560xi32, #tpu.memory_space<vmem>> -> memref<2560xi32, #tpu.memory_space<vmem>>
        %dma_start3A_234 = arith.constant 0 : i32
        %dma_start3A_235 = tpu.memref_slice %arg31[%dma_start3A_234] : memref<10240xf32, #tpu.memory_space<vmem_shared>> -> memref<10240xf32, #tpu.memory_space<vmem_shared>>
        tpu.enqueue_indirect_dma source(%dma_start3A_230 : memref<2560xf32, #tpu.memory_space<vmem>>) target(%dma_start3A_235 : memref<10240xf32, #tpu.memory_space<vmem_shared>>) offsets(%dma_start3A_233 : memref<2560xi32, #tpu.memory_space<vmem>>) semaphore(%arg25 : memref<!tpu.dma_semaphore, #tpu.memory_space<semaphore_mem>>) {add = true}
        %dma_start3A_236 = arith.constant 1 : i32
        %dma_start3A_237 = arith.constant 1 : i32
        %dma_start3A_238 = arith.constant 0 : i32
        %dma_start3A_239 = tpu.memref_slice %arg20[%dma_start3A_236, %dma_start3A_238] : memref<2x2560xf32, #tpu.memory_space<vmem>> -> memref<1x2560xf32, #tpu.memory_space<vmem>>
        %dma_start3A_240 = tpu.memref_squeeze %dma_start3A_239 : memref<1x2560xf32, #tpu.memory_space<vmem>> -> memref<2560xf32, #tpu.memory_space<vmem>>
        %dma_start3A_241 = arith.constant 0 : i32
        %dma_start3A_242 = tpu.memref_slice %arg17[%dma_start3A_237, %dma_start3A_241] : memref<2x2560xi32, #tpu.memory_space<vmem>> -> memref<1x2560xi32, #tpu.memory_space<vmem>>
        %dma_start3A_243 = tpu.memref_squeeze %dma_start3A_242 : memref<1x2560xi32, #tpu.memory_space<vmem>> -> memref<2560xi32, #tpu.memory_space<vmem>>
        %dma_start3A_244 = arith.constant 0 : i32
        %dma_start3A_245 = tpu.memref_slice %arg32[%dma_start3A_244] : memref<10240xf32, #tpu.memory_space<vmem_shared>> -> memref<10240xf32, #tpu.memory_space<vmem_shared>>
        tpu.enqueue_indirect_dma source(%dma_start3A_240 : memref<2560xf32, #tpu.memory_space<vmem>>) target(%dma_start3A_245 : memref<10240xf32, #tpu.memory_space<vmem_shared>>) offsets(%dma_start3A_243 : memref<2560xi32, #tpu.memory_space<vmem>>) semaphore(%arg25 : memref<!tpu.dma_semaphore, #tpu.memory_space<semaphore_mem>>) {add = true}
        %dma_start3A_246 = arith.constant 1 : i32
        %dma_start3A_247 = arith.constant 1 : i32
        %dma_start3A_248 = arith.constant 0 : i32
        %dma_start3A_249 = tpu.memref_slice %arg21[%dma_start3A_246, %dma_start3A_248] : memref<2x2560xf32, #tpu.memory_space<vmem>> -> memref<1x2560xf32, #tpu.memory_space<vmem>>
        %dma_start3A_250 = tpu.memref_squeeze %dma_start3A_249 : memref<1x2560xf32, #tpu.memory_space<vmem>> -> memref<2560xf32, #tpu.memory_space<vmem>>
        %dma_start3A_251 = arith.constant 0 : i32
        %dma_start3A_252 = tpu.memref_slice %arg17[%dma_start3A_247, %dma_start3A_251] : memref<2x2560xi32, #tpu.memory_space<vmem>> -> memref<1x2560xi32, #tpu.memory_space<vmem>>
        %dma_start3A_253 = tpu.memref_squeeze %dma_start3A_252 : memref<1x2560xi32, #tpu.memory_space<vmem>> -> memref<2560xi32, #tpu.memory_space<vmem>>
        %dma_start3A_254 = arith.constant 0 : i32
        %dma_start3A_255 = tpu.memref_slice %arg33[%dma_start3A_254] : memref<10240xf32, #tpu.memory_space<vmem_shared>> -> memref<10240xf32, #tpu.memory_space<vmem_shared>>
        tpu.enqueue_indirect_dma source(%dma_start3A_250 : memref<2560xf32, #tpu.memory_space<vmem>>) target(%dma_start3A_255 : memref<10240xf32, #tpu.memory_space<vmem_shared>>) offsets(%dma_start3A_253 : memref<2560xi32, #tpu.memory_space<vmem>>) semaphore(%arg25 : memref<!tpu.dma_semaphore, #tpu.memory_space<semaphore_mem>>) {add = true}
      } else {
      }
    }
    %scan3A_16 = arith.constant 2 : i32
    %dma_wait3A = arith.constant 0 : i32
    %dma_wait3A_17 = arith.constant 0 : i32
    %dma_wait3A_18 = arith.constant 0 : i32
    %dma_wait3A_19 = tpu.memref_slice %arg18[%dma_wait3A, %dma_wait3A_18] : memref<2x2560xf32, #tpu.memory_space<vmem>> -> memref<1x2560xf32, #tpu.memory_space<vmem>>
    %dma_wait3A_20 = tpu.memref_squeeze %dma_wait3A_19 : memref<1x2560xf32, #tpu.memory_space<vmem>> -> memref<2560xf32, #tpu.memory_space<vmem>>
    %dma_wait3A_21 = arith.constant 0 : i32
    %dma_wait3A_22 = tpu.memref_slice %arg15[%dma_wait3A_17, %dma_wait3A_21] : memref<2x2560xi32, #tpu.memory_space<vmem>> -> memref<1x2560xi32, #tpu.memory_space<vmem>>
    %dma_wait3A_23 = tpu.memref_squeeze %dma_wait3A_22 : memref<1x2560xi32, #tpu.memory_space<vmem>> -> memref<2560xi32, #tpu.memory_space<vmem>>
    %dma_wait3A_24 = arith.constant 0 : i32
    %dma_wait3A_25 = tpu.memref_slice %arg30[%dma_wait3A_24] : memref<10240xf32, #tpu.memory_space<vmem_shared>> -> memref<10240xf32, #tpu.memory_space<vmem_shared>>
    tpu.wait_indirect_dma semaphore(%arg25 : memref<!tpu.dma_semaphore, #tpu.memory_space<semaphore_mem>>) src(%dma_wait3A_20 : memref<2560xf32, #tpu.memory_space<vmem>>) dst(%dma_wait3A_25 : memref<10240xf32, #tpu.memory_space<vmem_shared>>)
    %dma_wait3A_26 = arith.constant 0 : i32
    %dma_wait3A_27 = arith.constant 0 : i32
    %dma_wait3A_28 = arith.constant 0 : i32
    %dma_wait3A_29 = tpu.memref_slice %arg19[%dma_wait3A_26, %dma_wait3A_28] : memref<2x2560xf32, #tpu.memory_space<vmem>> -> memref<1x2560xf32, #tpu.memory_space<vmem>>
    %dma_wait3A_30 = tpu.memref_squeeze %dma_wait3A_29 : memref<1x2560xf32, #tpu.memory_space<vmem>> -> memref<2560xf32, #tpu.memory_space<vmem>>
    %dma_wait3A_31 = arith.constant 0 : i32
    %dma_wait3A_32 = tpu.memref_slice %arg15[%dma_wait3A_27, %dma_wait3A_31] : memref<2x2560xi32, #tpu.memory_space<vmem>> -> memref<1x2560xi32, #tpu.memory_space<vmem>>
    %dma_wait3A_33 = tpu.memref_squeeze %dma_wait3A_32 : memref<1x2560xi32, #tpu.memory_space<vmem>> -> memref<2560xi32, #tpu.memory_space<vmem>>
    %dma_wait3A_34 = arith.constant 0 : i32
    %dma_wait3A_35 = tpu.memref_slice %arg31[%dma_wait3A_34] : memref<10240xf32, #tpu.memory_space<vmem_shared>> -> memref<10240xf32, #tpu.memory_space<vmem_shared>>
    tpu.wait_indirect_dma semaphore(%arg25 : memref<!tpu.dma_semaphore, #tpu.memory_space<semaphore_mem>>) src(%dma_wait3A_30 : memref<2560xf32, #tpu.memory_space<vmem>>) dst(%dma_wait3A_35 : memref<10240xf32, #tpu.memory_space<vmem_shared>>)
    %dma_wait3A_36 = arith.constant 0 : i32
    %dma_wait3A_37 = arith.constant 0 : i32
    %dma_wait3A_38 = arith.constant 0 : i32
    %dma_wait3A_39 = tpu.memref_slice %arg20[%dma_wait3A_36, %dma_wait3A_38] : memref<2x2560xf32, #tpu.memory_space<vmem>> -> memref<1x2560xf32, #tpu.memory_space<vmem>>
    %dma_wait3A_40 = tpu.memref_squeeze %dma_wait3A_39 : memref<1x2560xf32, #tpu.memory_space<vmem>> -> memref<2560xf32, #tpu.memory_space<vmem>>
    %dma_wait3A_41 = arith.constant 0 : i32
    %dma_wait3A_42 = tpu.memref_slice %arg17[%dma_wait3A_37, %dma_wait3A_41] : memref<2x2560xi32, #tpu.memory_space<vmem>> -> memref<1x2560xi32, #tpu.memory_space<vmem>>
    %dma_wait3A_43 = tpu.memref_squeeze %dma_wait3A_42 : memref<1x2560xi32, #tpu.memory_space<vmem>> -> memref<2560xi32, #tpu.memory_space<vmem>>
    %dma_wait3A_44 = arith.constant 0 : i32
    %dma_wait3A_45 = tpu.memref_slice %arg32[%dma_wait3A_44] : memref<10240xf32, #tpu.memory_space<vmem_shared>> -> memref<10240xf32, #tpu.memory_space<vmem_shared>>
    tpu.wait_indirect_dma semaphore(%arg25 : memref<!tpu.dma_semaphore, #tpu.memory_space<semaphore_mem>>) src(%dma_wait3A_40 : memref<2560xf32, #tpu.memory_space<vmem>>) dst(%dma_wait3A_45 : memref<10240xf32, #tpu.memory_space<vmem_shared>>)
    %dma_wait3A_46 = arith.constant 0 : i32
    %dma_wait3A_47 = arith.constant 0 : i32
    %dma_wait3A_48 = arith.constant 0 : i32
    %dma_wait3A_49 = tpu.memref_slice %arg21[%dma_wait3A_46, %dma_wait3A_48] : memref<2x2560xf32, #tpu.memory_space<vmem>> -> memref<1x2560xf32, #tpu.memory_space<vmem>>
    %dma_wait3A_50 = tpu.memref_squeeze %dma_wait3A_49 : memref<1x2560xf32, #tpu.memory_space<vmem>> -> memref<2560xf32, #tpu.memory_space<vmem>>
    %dma_wait3A_51 = arith.constant 0 : i32
    %dma_wait3A_52 = tpu.memref_slice %arg17[%dma_wait3A_47, %dma_wait3A_51] : memref<2x2560xi32, #tpu.memory_space<vmem>> -> memref<1x2560xi32, #tpu.memory_space<vmem>>
    %dma_wait3A_53 = tpu.memref_squeeze %dma_wait3A_52 : memref<1x2560xi32, #tpu.memory_space<vmem>> -> memref<2560xi32, #tpu.memory_space<vmem>>
    %dma_wait3A_54 = arith.constant 0 : i32
    %dma_wait3A_55 = tpu.memref_slice %arg33[%dma_wait3A_54] : memref<10240xf32, #tpu.memory_space<vmem_shared>> -> memref<10240xf32, #tpu.memory_space<vmem_shared>>
    tpu.wait_indirect_dma semaphore(%arg25 : memref<!tpu.dma_semaphore, #tpu.memory_space<semaphore_mem>>) src(%dma_wait3A_50 : memref<2560xf32, #tpu.memory_space<vmem>>) dst(%dma_wait3A_55 : memref<10240xf32, #tpu.memory_space<vmem_shared>>)
    %barrier3A_56 = arith.constant 0 : index
    tpu.barrier barrier_id(%barrier3A_56)
    %mul3A_57 = arith.constant 10240 : i32
    %mul3A_58 = arith.muli %arg0, %mul3A_57 : i32
    %add3A_59 = arith.addi %mul3A_58, %mul3A_2 : i32
    "tpu.region"() ({
      %run_scoped3A = tpu.sem_alloc : memref<!tpu.dma_semaphore, #tpu.memory_space<semaphore_mem>>
      %dma_start3A = tpu.memref_slice %arg10[%add3A_59] : memref<20480xf32, #tpu.memory_space<hbm>> -> memref<640xf32, #tpu.memory_space<hbm>>
      %dma_start3A_60 = tpu.memref_slice %arg30[%mul3A_2] : memref<10240xf32, #tpu.memory_space<vmem_shared>> -> memref<640xf32, #tpu.memory_space<vmem_shared>>
      tpu.enqueue_dma source(%dma_start3A_60 : memref<640xf32, #tpu.memory_space<vmem_shared>>) target(%dma_start3A : memref<640xf32, #tpu.memory_space<hbm>>) target_semaphore(%run_scoped3A : memref<!tpu.dma_semaphore, #tpu.memory_space<semaphore_mem>>)
      %dma_wait3A_61 = tpu.memref_slice %arg10[%add3A_59] : memref<20480xf32, #tpu.memory_space<hbm>> -> memref<640xf32, #tpu.memory_space<hbm>>
      %dma_wait3A_62 = tpu.memref_slice %arg30[%mul3A_2] : memref<10240xf32, #tpu.memory_space<vmem_shared>> -> memref<640xf32, #tpu.memory_space<vmem_shared>>
      tpu.wait_dma2 semaphore(%run_scoped3A : memref<!tpu.dma_semaphore, #tpu.memory_space<semaphore_mem>>) src(%dma_wait3A_62 : memref<640xf32, #tpu.memory_space<vmem_shared>>) dst(%dma_wait3A_61 : memref<640xf32, #tpu.memory_space<hbm>>)
      tpu.yield
    }) : () -> ()
    "tpu.region"() ({
      %run_scoped3A = tpu.sem_alloc : memref<!tpu.dma_semaphore, #tpu.memory_space<semaphore_mem>>
      %dma_start3A = tpu.memref_slice %arg11[%add3A_59] : memref<20480xf32, #tpu.memory_space<hbm>> -> memref<640xf32, #tpu.memory_space<hbm>>
      %dma_start3A_60 = tpu.memref_slice %arg31[%mul3A_2] : memref<10240xf32, #tpu.memory_space<vmem_shared>> -> memref<640xf32, #tpu.memory_space<vmem_shared>>
      tpu.enqueue_dma source(%dma_start3A_60 : memref<640xf32, #tpu.memory_space<vmem_shared>>) target(%dma_start3A : memref<640xf32, #tpu.memory_space<hbm>>) target_semaphore(%run_scoped3A : memref<!tpu.dma_semaphore, #tpu.memory_space<semaphore_mem>>)
      %dma_wait3A_61 = tpu.memref_slice %arg11[%add3A_59] : memref<20480xf32, #tpu.memory_space<hbm>> -> memref<640xf32, #tpu.memory_space<hbm>>
      %dma_wait3A_62 = tpu.memref_slice %arg31[%mul3A_2] : memref<10240xf32, #tpu.memory_space<vmem_shared>> -> memref<640xf32, #tpu.memory_space<vmem_shared>>
      tpu.wait_dma2 semaphore(%run_scoped3A : memref<!tpu.dma_semaphore, #tpu.memory_space<semaphore_mem>>) src(%dma_wait3A_62 : memref<640xf32, #tpu.memory_space<vmem_shared>>) dst(%dma_wait3A_61 : memref<640xf32, #tpu.memory_space<hbm>>)
      tpu.yield
    }) : () -> ()
    "tpu.region"() ({
      %run_scoped3A = tpu.sem_alloc : memref<!tpu.dma_semaphore, #tpu.memory_space<semaphore_mem>>
      %dma_start3A = tpu.memref_slice %arg12[%add3A_59] : memref<20480xf32, #tpu.memory_space<hbm>> -> memref<640xf32, #tpu.memory_space<hbm>>
      %dma_start3A_60 = tpu.memref_slice %arg32[%mul3A_2] : memref<10240xf32, #tpu.memory_space<vmem_shared>> -> memref<640xf32, #tpu.memory_space<vmem_shared>>
      tpu.enqueue_dma source(%dma_start3A_60 : memref<640xf32, #tpu.memory_space<vmem_shared>>) target(%dma_start3A : memref<640xf32, #tpu.memory_space<hbm>>) target_semaphore(%run_scoped3A : memref<!tpu.dma_semaphore, #tpu.memory_space<semaphore_mem>>)
      %dma_wait3A_61 = tpu.memref_slice %arg12[%add3A_59] : memref<20480xf32, #tpu.memory_space<hbm>> -> memref<640xf32, #tpu.memory_space<hbm>>
      %dma_wait3A_62 = tpu.memref_slice %arg32[%mul3A_2] : memref<10240xf32, #tpu.memory_space<vmem_shared>> -> memref<640xf32, #tpu.memory_space<vmem_shared>>
      tpu.wait_dma2 semaphore(%run_scoped3A : memref<!tpu.dma_semaphore, #tpu.memory_space<semaphore_mem>>) src(%dma_wait3A_62 : memref<640xf32, #tpu.memory_space<vmem_shared>>) dst(%dma_wait3A_61 : memref<640xf32, #tpu.memory_space<hbm>>)
      tpu.yield
    }) : () -> ()
    "tpu.region"() ({
      %run_scoped3A = tpu.sem_alloc : memref<!tpu.dma_semaphore, #tpu.memory_space<semaphore_mem>>
      %dma_start3A = tpu.memref_slice %arg13[%add3A_59] : memref<20480xf32, #tpu.memory_space<hbm>> -> memref<640xf32, #tpu.memory_space<hbm>>
      %dma_start3A_60 = tpu.memref_slice %arg33[%mul3A_2] : memref<10240xf32, #tpu.memory_space<vmem_shared>> -> memref<640xf32, #tpu.memory_space<vmem_shared>>
      tpu.enqueue_dma source(%dma_start3A_60 : memref<640xf32, #tpu.memory_space<vmem_shared>>) target(%dma_start3A : memref<640xf32, #tpu.memory_space<hbm>>) target_semaphore(%run_scoped3A : memref<!tpu.dma_semaphore, #tpu.memory_space<semaphore_mem>>)
      %dma_wait3A_61 = tpu.memref_slice %arg13[%add3A_59] : memref<20480xf32, #tpu.memory_space<hbm>> -> memref<640xf32, #tpu.memory_space<hbm>>
      %dma_wait3A_62 = tpu.memref_slice %arg33[%mul3A_2] : memref<10240xf32, #tpu.memory_space<vmem_shared>> -> memref<640xf32, #tpu.memory_space<vmem_shared>>
      tpu.wait_dma2 semaphore(%run_scoped3A : memref<!tpu.dma_semaphore, #tpu.memory_space<semaphore_mem>>) src(%dma_wait3A_62 : memref<640xf32, #tpu.memory_space<vmem_shared>>) dst(%dma_wait3A_61 : memref<640xf32, #tpu.memory_space<hbm>>)
      tpu.yield
    }) : () -> ()
    return
  }
}

#map = affine_map<(d0, d1) -> (0)>
module attributes {stable_mosaic.version = 14 : i64} {
  func.func @_conv_kernel(%arg0: i32, %arg1: i32, %arg2: memref<320000xi32, #tpu.memory_space<hbm>>, %arg3: memref<320000xi32, #tpu.memory_space<hbm>>, %arg4: memref<320000xi32, #tpu.memory_space<hbm>>, %arg5: memref<320000xi32, #tpu.memory_space<hbm>>, %arg6: memref<10240xf32, #tpu.memory_space<hbm>>, %arg7: memref<10240xf32, #tpu.memory_space<hbm>>, %arg8: memref<10240xf32, #tpu.memory_space<hbm>>, %arg9: memref<10240xf32, #tpu.memory_space<hbm>>, %arg10: memref<20480xf32, #tpu.memory_space<hbm>>, %arg11: memref<20480xf32, #tpu.memory_space<hbm>>, %arg12: memref<20480xf32, #tpu.memory_space<hbm>>, %arg13: memref<20480xf32, #tpu.memory_space<hbm>>, %arg14: memref<2x2560xi32, #tpu.memory_space<vmem>>, %arg15: memref<2x2560xi32, #tpu.memory_space<vmem>>, %arg16: memref<2x2560xi32, #tpu.memory_space<vmem>>, %arg17: memref<2x2560xi32, #tpu.memory_space<vmem>>, %arg18: memref<2x2560xf32, #tpu.memory_space<vmem>>, %arg19: memref<2x2560xf32, #tpu.memory_space<vmem>>, %arg20: memref<2x2560xf32, #tpu.memory_space<vmem>>, %arg21: memref<2x2560xf32, #tpu.memory_space<vmem>>, %arg22: memref<640xf32, #tpu.memory_space<vmem>>, %arg23: memref<!tpu.dma_semaphore, #tpu.memory_space<semaphore_mem>>, %arg24: memref<!tpu.dma_semaphore, #tpu.memory_space<semaphore_mem>>, %arg25: memref<!tpu.dma_semaphore, #tpu.memory_space<semaphore_mem>>, %arg26: memref<10240xf32, #tpu.memory_space<vmem_shared>>, %arg27: memref<10240xf32, #tpu.memory_space<vmem_shared>>, %arg28: memref<10240xf32, #tpu.memory_space<vmem_shared>>, %arg29: memref<10240xf32, #tpu.memory_space<vmem_shared>>, %arg30: memref<10240xf32, #tpu.memory_space<vmem_shared>>, %arg31: memref<10240xf32, #tpu.memory_space<vmem_shared>>, %arg32: memref<10240xf32, #tpu.memory_space<vmem_shared>>, %arg33: memref<10240xf32, #tpu.memory_space<vmem_shared>>) attributes {dimension_semantics = [#tpu.dimension_semantics<core_parallel>, #tpu.dimension_semantics<subcore_parallel>], iteration_bounds = array<i64: 2, 16>, scalar_prefetch = 0 : i64, scratch_operands = 20 : i64, tpu.core_type = #tpu.core_type<sc_vector_subcore>, window_params = [{transform_indices = #map}, {transform_indices = #map}, {transform_indices = #map}, {transform_indices = #map}, {transform_indices = #map}, {transform_indices = #map}, {transform_indices = #map}, {transform_indices = #map}, {transform_indices = #map}, {transform_indices = #map}, {transform_indices = #map}, {transform_indices = #map}]} {
    %mul3A = arith.constant 16 : i32
    %mul3A_0 = arith.muli %arg0, %mul3A : i32
    %add3A = arith.addi %mul3A_0, %arg1 : i32
    %mul3A_1 = arith.constant 640 : i32
    %mul3A_2 = arith.muli %arg1, %mul3A_1 : i32
    "tpu.region"() ({
      %run_scoped3A = tpu.sem_alloc : memref<!tpu.dma_semaphore, #tpu.memory_space<semaphore_mem>>
      %dma_start3A = tpu.memref_slice %arg26[%mul3A_2] : memref<10240xf32, #tpu.memory_space<vmem_shared>> -> memref<640xf32, #tpu.memory_space<vmem_shared>>
      %dma_start3A_60 = tpu.memref_slice %arg6[%mul3A_2] : memref<10240xf32, #tpu.memory_space<hbm>> -> memref<640xf32, #tpu.memory_space<hbm>>
      tpu.enqueue_dma source(%dma_start3A_60 : memref<640xf32, #tpu.memory_space<hbm>>) target(%dma_start3A : memref<640xf32, #tpu.memory_space<vmem_shared>>) target_semaphore(%run_scoped3A : memref<!tpu.dma_semaphore, #tpu.memory_space<semaphore_mem>>)
      %dma_wait3A_61 = tpu.memref_slice %arg26[%mul3A_2] : memref<10240xf32, #tpu.memory_space<vmem_shared>> -> memref<640xf32, #tpu.memory_space<vmem_shared>>
      %dma_wait3A_62 = tpu.memref_slice %arg6[%mul3A_2] : memref<10240xf32, #tpu.memory_space<hbm>> -> memref<640xf32, #tpu.memory_space<hbm>>
      tpu.wait_dma2 semaphore(%run_scoped3A : memref<!tpu.dma_semaphore, #tpu.memory_space<semaphore_mem>>) src(%dma_wait3A_62 : memref<640xf32, #tpu.memory_space<hbm>>) dst(%dma_wait3A_61 : memref<640xf32, #tpu.memory_space<vmem_shared>>)
      tpu.yield
    }) : () -> ()
    "tpu.region"() ({
      %run_scoped3A = tpu.sem_alloc : memref<!tpu.dma_semaphore, #tpu.memory_space<semaphore_mem>>
      %dma_start3A = tpu.memref_slice %arg27[%mul3A_2] : memref<10240xf32, #tpu.memory_space<vmem_shared>> -> memref<640xf32, #tpu.memory_space<vmem_shared>>
      %dma_start3A_60 = tpu.memref_slice %arg7[%mul3A_2] : memref<10240xf32, #tpu.memory_space<hbm>> -> memref<640xf32, #tpu.memory_space<hbm>>
      tpu.enqueue_dma source(%dma_start3A_60 : memref<640xf32, #tpu.memory_space<hbm>>) target(%dma_start3A : memref<640xf32, #tpu.memory_space<vmem_shared>>) target_semaphore(%run_scoped3A : memref<!tpu.dma_semaphore, #tpu.memory_space<semaphore_mem>>)
      %dma_wait3A_61 = tpu.memref_slice %arg27[%mul3A_2] : memref<10240xf32, #tpu.memory_space<vmem_shared>> -> memref<640xf32, #tpu.memory_space<vmem_shared>>
      %dma_wait3A_62 = tpu.memref_slice %arg7[%mul3A_2] : memref<10240xf32, #tpu.memory_space<hbm>> -> memref<640xf32, #tpu.memory_space<hbm>>
      tpu.wait_dma2 semaphore(%run_scoped3A : memref<!tpu.dma_semaphore, #tpu.memory_space<semaphore_mem>>) src(%dma_wait3A_62 : memref<640xf32, #tpu.memory_space<hbm>>) dst(%dma_wait3A_61 : memref<640xf32, #tpu.memory_space<vmem_shared>>)
      tpu.yield
    }) : () -> ()
    "tpu.region"() ({
      %run_scoped3A = tpu.sem_alloc : memref<!tpu.dma_semaphore, #tpu.memory_space<semaphore_mem>>
      %dma_start3A = tpu.memref_slice %arg28[%mul3A_2] : memref<10240xf32, #tpu.memory_space<vmem_shared>> -> memref<640xf32, #tpu.memory_space<vmem_shared>>
      %dma_start3A_60 = tpu.memref_slice %arg8[%mul3A_2] : memref<10240xf32, #tpu.memory_space<hbm>> -> memref<640xf32, #tpu.memory_space<hbm>>
      tpu.enqueue_dma source(%dma_start3A_60 : memref<640xf32, #tpu.memory_space<hbm>>) target(%dma_start3A : memref<640xf32, #tpu.memory_space<vmem_shared>>) target_semaphore(%run_scoped3A : memref<!tpu.dma_semaphore, #tpu.memory_space<semaphore_mem>>)
      %dma_wait3A_61 = tpu.memref_slice %arg28[%mul3A_2] : memref<10240xf32, #tpu.memory_space<vmem_shared>> -> memref<640xf32, #tpu.memory_space<vmem_shared>>
      %dma_wait3A_62 = tpu.memref_slice %arg8[%mul3A_2] : memref<10240xf32, #tpu.memory_space<hbm>> -> memref<640xf32, #tpu.memory_space<hbm>>
      tpu.wait_dma2 semaphore(%run_scoped3A : memref<!tpu.dma_semaphore, #tpu.memory_space<semaphore_mem>>) src(%dma_wait3A_62 : memref<640xf32, #tpu.memory_space<hbm>>) dst(%dma_wait3A_61 : memref<640xf32, #tpu.memory_space<vmem_shared>>)
      tpu.yield
    }) : () -> ()
    "tpu.region"() ({
      %run_scoped3A = tpu.sem_alloc : memref<!tpu.dma_semaphore, #tpu.memory_space<semaphore_mem>>
      %dma_start3A = tpu.memref_slice %arg29[%mul3A_2] : memref<10240xf32, #tpu.memory_space<vmem_shared>> -> memref<640xf32, #tpu.memory_space<vmem_shared>>
      %dma_start3A_60 = tpu.memref_slice %arg9[%mul3A_2] : memref<10240xf32, #tpu.memory_space<hbm>> -> memref<640xf32, #tpu.memory_space<hbm>>
      tpu.enqueue_dma source(%dma_start3A_60 : memref<640xf32, #tpu.memory_space<hbm>>) target(%dma_start3A : memref<640xf32, #tpu.memory_space<vmem_shared>>) target_semaphore(%run_scoped3A : memref<!tpu.dma_semaphore, #tpu.memory_space<semaphore_mem>>)
      %dma_wait3A_61 = tpu.memref_slice %arg29[%mul3A_2] : memref<10240xf32, #tpu.memory_space<vmem_shared>> -> memref<640xf32, #tpu.memory_space<vmem_shared>>
      %dma_wait3A_62 = tpu.memref_slice %arg9[%mul3A_2] : memref<10240xf32, #tpu.memory_space<hbm>> -> memref<640xf32, #tpu.memory_space<hbm>>
      tpu.wait_dma2 semaphore(%run_scoped3A : memref<!tpu.dma_semaphore, #tpu.memory_space<semaphore_mem>>) src(%dma_wait3A_62 : memref<640xf32, #tpu.memory_space<hbm>>) dst(%dma_wait3A_61 : memref<640xf32, #tpu.memory_space<vmem_shared>>)
      tpu.yield
    }) : () -> ()
    %broadcast_in_dim3A = arith.constant 0.000000e+00 : f32
    %broadcast_in_dim3A_3 = vector.broadcast %broadcast_in_dim3A : f32 to vector<16xf32>
    %scan3A = arith.constant 0 : i32
    %scan3A_4 = arith.constant 40 : i32
    %scan3A_5 = arith.addi %scan3A, %scan3A_4 : i32
    %scan3A_6 = arith.constant 1 : i32
    scf.for %scan3A_60 = %scan3A to %scan3A_5 step %scan3A_6  : i32 {
      %mul3A_61 = arith.constant 16 : i32
      %mul3A_62 = arith.muli %scan3A_60, %mul3A_61 : i32
      %swap3A = arith.index_cast %mul3A_62 : i32 to index
      %swap3A_63 = tpu.vector_load %arg22[%swap3A] {strides = array<i32>} : memref<640xf32, #tpu.memory_space<vmem>>, vector<16xf32>,
      %swap3A_64 = vector.shape_cast %swap3A_63 : vector<16xf32> to vector<16xf32>
      %swap3A_65 = vector.shape_cast %broadcast_in_dim3A_3 : vector<16xf32> to vector<16xf32>
      tpu.vector_store %arg22[%swap3A], %swap3A_65 {strides = array<i32>} : memref<640xf32, #tpu.memory_space<vmem>>, vector<16xf32>,
    }
    %scan3A_7 = arith.constant 40 : i32
    "tpu.region"() ({
      %run_scoped3A = tpu.sem_alloc : memref<!tpu.dma_semaphore, #tpu.memory_space<semaphore_mem>>
      %dma_start3A = tpu.memref_slice %arg30[%mul3A_2] : memref<10240xf32, #tpu.memory_space<vmem_shared>> -> memref<640xf32, #tpu.memory_space<vmem_shared>>
      %dma_start3A_60 = tpu.memref_slice %arg30[%mul3A_2] : memref<10240xf32, #tpu.memory_space<vmem_shared>> -> memref<640xf32, #tpu.memory_space<vmem_shared>>
      tpu.enqueue_dma source(%arg22 : memref<640xf32, #tpu.memory_space<vmem>>) target(%dma_start3A_60 : memref<640xf32, #tpu.memory_space<vmem_shared>>) target_semaphore(%run_scoped3A : memref<!tpu.dma_semaphore, #tpu.memory_space<semaphore_mem>>)
      %dma_wait3A_61 = tpu.memref_slice %arg30[%mul3A_2] : memref<10240xf32, #tpu.memory_space<vmem_shared>> -> memref<640xf32, #tpu.memory_space<vmem_shared>>
      %dma_wait3A_62 = tpu.memref_slice %arg30[%mul3A_2] : memref<10240xf32, #tpu.memory_space<vmem_shared>> -> memref<640xf32, #tpu.memory_space<vmem_shared>>
      tpu.wait_dma2 semaphore(%run_scoped3A : memref<!tpu.dma_semaphore, #tpu.memory_space<semaphore_mem>>) src(%arg22 : memref<640xf32, #tpu.memory_space<vmem>>) dst(%dma_wait3A_62 : memref<640xf32, #tpu.memory_space<vmem_shared>>)
      tpu.yield
    }) : () -> ()
    "tpu.region"() ({
      %run_scoped3A = tpu.sem_alloc : memref<!tpu.dma_semaphore, #tpu.memory_space<semaphore_mem>>
      %dma_start3A = tpu.memref_slice %arg31[%mul3A_2] : memref<10240xf32, #tpu.memory_space<vmem_shared>> -> memref<640xf32, #tpu.memory_space<vmem_shared>>
      %dma_start3A_60 = tpu.memref_slice %arg31[%mul3A_2] : memref<10240xf32, #tpu.memory_space<vmem_shared>> -> memref<640xf32, #tpu.memory_space<vmem_shared>>
      tpu.enqueue_dma source(%arg22 : memref<640xf32, #tpu.memory_space<vmem>>) target(%dma_start3A_60 : memref<640xf32, #tpu.memory_space<vmem_shared>>) target_semaphore(%run_scoped3A : memref<!tpu.dma_semaphore, #tpu.memory_space<semaphore_mem>>)
      %dma_wait3A_61 = tpu.memref_slice %arg31[%mul3A_2] : memref<10240xf32, #tpu.memory_space<vmem_shared>> -> memref<640xf32, #tpu.memory_space<vmem_shared>>
      %dma_wait3A_62 = tpu.memref_slice %arg31[%mul3A_2] : memref<10240xf32, #tpu.memory_space<vmem_shared>> -> memref<640xf32, #tpu.memory_space<vmem_shared>>
      tpu.wait_dma2 semaphore(%run_scoped3A : memref<!tpu.dma_semaphore, #tpu.memory_space<semaphore_mem>>) src(%arg22 : memref<640xf32, #tpu.memory_space<vmem>>) dst(%dma_wait3A_62 : memref<640xf32, #tpu.memory_space<vmem_shared>>)
      tpu.yield
    }) : () -> ()
    "tpu.region"() ({
      %run_scoped3A = tpu.sem_alloc : memref<!tpu.dma_semaphore, #tpu.memory_space<semaphore_mem>>
      %dma_start3A = tpu.memref_slice %arg32[%mul3A_2] : memref<10240xf32, #tpu.memory_space<vmem_shared>> -> memref<640xf32, #tpu.memory_space<vmem_shared>>
      %dma_start3A_60 = tpu.memref_slice %arg32[%mul3A_2] : memref<10240xf32, #tpu.memory_space<vmem_shared>> -> memref<640xf32, #tpu.memory_space<vmem_shared>>
      tpu.enqueue_dma source(%arg22 : memref<640xf32, #tpu.memory_space<vmem>>) target(%dma_start3A_60 : memref<640xf32, #tpu.memory_space<vmem_shared>>) target_semaphore(%run_scoped3A : memref<!tpu.dma_semaphore, #tpu.memory_space<semaphore_mem>>)
      %dma_wait3A_61 = tpu.memref_slice %arg32[%mul3A_2] : memref<10240xf32, #tpu.memory_space<vmem_shared>> -> memref<640xf32, #tpu.memory_space<vmem_shared>>
      %dma_wait3A_62 = tpu.memref_slice %arg32[%mul3A_2] : memref<10240xf32, #tpu.memory_space<vmem_shared>> -> memref<640xf32, #tpu.memory_space<vmem_shared>>
      tpu.wait_dma2 semaphore(%run_scoped3A : memref<!tpu.dma_semaphore, #tpu.memory_space<semaphore_mem>>) src(%arg22 : memref<640xf32, #tpu.memory_space<vmem>>) dst(%dma_wait3A_62 : memref<640xf32, #tpu.memory_space<vmem_shared>>)
      tpu.yield
    }) : () -> ()
    "tpu.region"() ({
      %run_scoped3A = tpu.sem_alloc : memref<!tpu.dma_semaphore, #tpu.memory_space<semaphore_mem>>
      %dma_start3A = tpu.memref_slice %arg33[%mul3A_2] : memref<10240xf32, #tpu.memory_space<vmem_shared>> -> memref<640xf32, #tpu.memory_space<vmem_shared>>
      %dma_start3A_60 = tpu.memref_slice %arg33[%mul3A_2] : memref<10240xf32, #tpu.memory_space<vmem_shared>> -> memref<640xf32, #tpu.memory_space<vmem_shared>>
      tpu.enqueue_dma source(%arg22 : memref<640xf32, #tpu.memory_space<vmem>>) target(%dma_start3A_60 : memref<640xf32, #tpu.memory_space<vmem_shared>>) target_semaphore(%run_scoped3A : memref<!tpu.dma_semaphore, #tpu.memory_space<semaphore_mem>>)
      %dma_wait3A_61 = tpu.memref_slice %arg33[%mul3A_2] : memref<10240xf32, #tpu.memory_space<vmem_shared>> -> memref<640xf32, #tpu.memory_space<vmem_shared>>
      %dma_wait3A_62 = tpu.memref_slice %arg33[%mul3A_2] : memref<10240xf32, #tpu.memory_space<vmem_shared>> -> memref<640xf32, #tpu.memory_space<vmem_shared>>
      tpu.wait_dma2 semaphore(%run_scoped3A : memref<!tpu.dma_semaphore, #tpu.memory_space<semaphore_mem>>) src(%arg22 : memref<640xf32, #tpu.memory_space<vmem>>) dst(%dma_wait3A_62 : memref<640xf32, #tpu.memory_space<vmem_shared>>)
      tpu.yield
    }) : () -> ()
    %barrier3A = arith.constant 0 : index
    tpu.barrier barrier_id(%barrier3A)
    %add3A_8 = arith.constant 0 : i32
    %add3A_9 = arith.addi %add3A, %add3A_8 : i32
    %lt3A = arith.constant 125 : i32
    %lt3A_10 = arith.cmpi slt, %add3A_9, %lt3A : i32
    %convert_element_type3A = arith.extui %lt3A_10 : i1 to i32
    %cond3A = arith.constant 0 : i32
    %cond3A_11 = arith.cmpi ne, %convert_element_type3A, %cond3A : i32
    scf.if %cond3A_11 {
      %mul3A_60 = arith.constant 2560 : i32
      %mul3A_61 = arith.muli %add3A_9, %mul3A_60 : i32
      %dma_start3A = arith.constant 0 : i32
      %dma_start3A_62 = arith.constant 0 : i32
      %dma_start3A_63 = tpu.memref_slice %arg14[%dma_start3A, %dma_start3A_62] : memref<2x2560xi32, #tpu.memory_space<vmem>> -> memref<1x2560xi32, #tpu.memory_space<vmem>>
      %dma_start3A_64 = tpu.memref_squeeze %dma_start3A_63 : memref<1x2560xi32, #tpu.memory_space<vmem>> -> memref<2560xi32, #tpu.memory_space<vmem>>
      %dma_start3A_65 = tpu.memref_slice %arg2[%mul3A_61] : memref<320000xi32, #tpu.memory_space<hbm>> -> memref<2560xi32, #tpu.memory_space<hbm>>
      %dma_start3A_66 = arith.constant 0 : i32
      %dma_start3A_67 = tpu.memref_slice %arg14[%dma_start3A, %dma_start3A_66] : memref<2x2560xi32, #tpu.memory_space<vmem>> -> memref<1x2560xi32, #tpu.memory_space<vmem>>
      %dma_start3A_68 = tpu.memref_squeeze %dma_start3A_67 : memref<1x2560xi32, #tpu.memory_space<vmem>> -> memref<2560xi32, #tpu.memory_space<vmem>>
      %dma_start3A_69 = tpu.memref_slice %arg2[%mul3A_61] : memref<320000xi32, #tpu.memory_space<hbm>> -> memref<2560xi32, #tpu.memory_space<hbm>>
      tpu.enqueue_dma source(%dma_start3A_69 : memref<2560xi32, #tpu.memory_space<hbm>>) target(%dma_start3A_68 : memref<2560xi32, #tpu.memory_space<vmem>>) target_semaphore(%arg23 : memref<!tpu.dma_semaphore, #tpu.memory_space<semaphore_mem>>)
      %dma_start3A_70 = arith.constant 0 : i32
      %dma_start3A_71 = arith.constant 0 : i32
      %dma_start3A_72 = tpu.memref_slice %arg15[%dma_start3A_70, %dma_start3A_71] : memref<2x2560xi32, #tpu.memory_space<vmem>> -> memref<1x2560xi32, #tpu.memory_space<vmem>>
      %dma_start3A_73 = tpu.memref_squeeze %dma_start3A_72 : memref<1x2560xi32, #tpu.memory_space<vmem>> -> memref<2560xi32, #tpu.memory_space<vmem>>
      %dma_start3A_74 = tpu.memref_slice %arg3[%mul3A_61] : memref<320000xi32, #tpu.memory_space<hbm>> -> memref<2560xi32, #tpu.memory_space<hbm>>
      %dma_start3A_75 = arith.constant 0 : i32
      %dma_start3A_76 = tpu.memref_slice %arg15[%dma_start3A_70, %dma_start3A_75] : memref<2x2560xi32, #tpu.memory_space<vmem>> -> memref<1x2560xi32, #tpu.memory_space<vmem>>
      %dma_start3A_77 = tpu.memref_squeeze %dma_start3A_76 : memref<1x2560xi32, #tpu.memory_space<vmem>> -> memref<2560xi32, #tpu.memory_space<vmem>>
      %dma_start3A_78 = tpu.memref_slice %arg3[%mul3A_61] : memref<320000xi32, #tpu.memory_space<hbm>> -> memref<2560xi32, #tpu.memory_space<hbm>>
      tpu.enqueue_dma source(%dma_start3A_78 : memref<2560xi32, #tpu.memory_space<hbm>>) target(%dma_start3A_77 : memref<2560xi32, #tpu.memory_space<vmem>>) target_semaphore(%arg23 : memref<!tpu.dma_semaphore, #tpu.memory_space<semaphore_mem>>)
      %dma_start3A_79 = arith.constant 0 : i32
      %dma_start3A_80 = arith.constant 0 : i32
      %dma_start3A_81 = tpu.memref_slice %arg16[%dma_start3A_79, %dma_start3A_80] : memref<2x2560xi32, #tpu.memory_space<vmem>> -> memref<1x2560xi32, #tpu.memory_space<vmem>>
      %dma_start3A_82 = tpu.memref_squeeze %dma_start3A_81 : memref<1x2560xi32, #tpu.memory_space<vmem>> -> memref<2560xi32, #tpu.memory_space<vmem>>
      %dma_start3A_83 = tpu.memref_slice %arg4[%mul3A_61] : memref<320000xi32, #tpu.memory_space<hbm>> -> memref<2560xi32, #tpu.memory_space<hbm>>
      %dma_start3A_84 = arith.constant 0 : i32
      %dma_start3A_85 = tpu.memref_slice %arg16[%dma_start3A_79, %dma_start3A_84] : memref<2x2560xi32, #tpu.memory_space<vmem>> -> memref<1x2560xi32, #tpu.memory_space<vmem>>
      %dma_start3A_86 = tpu.memref_squeeze %dma_start3A_85 : memref<1x2560xi32, #tpu.memory_space<vmem>> -> memref<2560xi32, #tpu.memory_space<vmem>>
      %dma_start3A_87 = tpu.memref_slice %arg4[%mul3A_61] : memref<320000xi32, #tpu.memory_space<hbm>> -> memref<2560xi32, #tpu.memory_space<hbm>>
      tpu.enqueue_dma source(%dma_start3A_87 : memref<2560xi32, #tpu.memory_space<hbm>>) target(%dma_start3A_86 : memref<2560xi32, #tpu.memory_space<vmem>>) target_semaphore(%arg23 : memref<!tpu.dma_semaphore, #tpu.memory_space<semaphore_mem>>)
      %dma_start3A_88 = arith.constant 0 : i32
      %dma_start3A_89 = arith.constant 0 : i32
      %dma_start3A_90 = tpu.memref_slice %arg17[%dma_start3A_88, %dma_start3A_89] : memref<2x2560xi32, #tpu.memory_space<vmem>> -> memref<1x2560xi32, #tpu.memory_space<vmem>>
      %dma_start3A_91 = tpu.memref_squeeze %dma_start3A_90 : memref<1x2560xi32, #tpu.memory_space<vmem>> -> memref<2560xi32, #tpu.memory_space<vmem>>
      %dma_start3A_92 = tpu.memref_slice %arg5[%mul3A_61] : memref<320000xi32, #tpu.memory_space<hbm>> -> memref<2560xi32, #tpu.memory_space<hbm>>
      %dma_start3A_93 = arith.constant 0 : i32
      %dma_start3A_94 = tpu.memref_slice %arg17[%dma_start3A_88, %dma_start3A_93] : memref<2x2560xi32, #tpu.memory_space<vmem>> -> memref<1x2560xi32, #tpu.memory_space<vmem>>
      %dma_start3A_95 = tpu.memref_squeeze %dma_start3A_94 : memref<1x2560xi32, #tpu.memory_space<vmem>> -> memref<2560xi32, #tpu.memory_space<vmem>>
      %dma_start3A_96 = tpu.memref_slice %arg5[%mul3A_61] : memref<320000xi32, #tpu.memory_space<hbm>> -> memref<2560xi32, #tpu.memory_space<hbm>>
      tpu.enqueue_dma source(%dma_start3A_96 : memref<2560xi32, #tpu.memory_space<hbm>>) target(%dma_start3A_95 : memref<2560xi32, #tpu.memory_space<vmem>>) target_semaphore(%arg23 : memref<!tpu.dma_semaphore, #tpu.memory_space<semaphore_mem>>)
    } else {
    }
    %scan3A_12 = arith.constant 0 : i32
    %scan3A_13 = arith.constant 2 : i32
    %scan3A_14 = arith.addi %scan3A_12, %scan3A_13 : i32
    %scan3A_15 = arith.constant 1 : i32
    scf.for %scan3A_60 = %scan3A_12 to %scan3A_14 step %scan3A_15  : i32 {
      %mul3A_61 = arith.constant 2 : i32
      %mul3A_62 = arith.muli %mul3A_61, %scan3A_60 : i32
      %add3A_63 = arith.constant 0 : i32
      %add3A_64 = arith.addi %mul3A_62, %add3A_63 : i32
      %mul3A_65 = arith.constant 32 : i32
      %mul3A_66 = arith.muli %mul3A_65, %add3A_64 : i32
      %add3A_67 = arith.addi %add3A, %mul3A_66 : i32
      %lt3A_68 = arith.constant 125 : i32
      %lt3A_69 = arith.cmpi slt, %add3A_67, %lt3A_68 : i32
      %convert_element_type3A_70 = arith.extui %lt3A_69 : i1 to i32
      %cond3A_71 = arith.constant 0 : i32
      %cond3A_72 = arith.cmpi ne, %convert_element_type3A_70, %cond3A_71 : i32
      scf.if %cond3A_72 {
        %mul3A_85 = arith.constant 2560 : i32
        %mul3A_86 = arith.muli %add3A_67, %mul3A_85 : i32
        %dma_wait3A_87 = arith.constant 0 : i32
        %dma_wait3A_88 = arith.constant 0 : i32
        %dma_wait3A_89 = tpu.memref_slice %arg14[%dma_wait3A_87, %dma_wait3A_88] : memref<2x2560xi32, #tpu.memory_space<vmem>> -> memref<1x2560xi32, #tpu.memory_space<vmem>>
        %dma_wait3A_90 = tpu.memref_squeeze %dma_wait3A_89 : memref<1x2560xi32, #tpu.memory_space<vmem>> -> memref<2560xi32, #tpu.memory_space<vmem>>
        %dma_wait3A_91 = tpu.memref_slice %arg2[%mul3A_86] : memref<320000xi32, #tpu.memory_space<hbm>> -> memref<2560xi32, #tpu.memory_space<hbm>>
        %dma_wait3A_92 = arith.constant 0 : i32
        %dma_wait3A_93 = tpu.memref_slice %arg14[%dma_wait3A_87, %dma_wait3A_92] : memref<2x2560xi32, #tpu.memory_space<vmem>> -> memref<1x2560xi32, #tpu.memory_space<vmem>>
        %dma_wait3A_94 = tpu.memref_squeeze %dma_wait3A_93 : memref<1x2560xi32, #tpu.memory_space<vmem>> -> memref<2560xi32, #tpu.memory_space<vmem>>
        %dma_wait3A_95 = tpu.memref_slice %arg2[%mul3A_86] : memref<320000xi32, #tpu.memory_space<hbm>> -> memref<2560xi32, #tpu.memory_space<hbm>>
        tpu.wait_dma2 semaphore(%arg23 : memref<!tpu.dma_semaphore, #tpu.memory_space<semaphore_mem>>) src(%dma_wait3A_95 : memref<2560xi32, #tpu.memory_space<hbm>>) dst(%dma_wait3A_94 : memref<2560xi32, #tpu.memory_space<vmem>>)
        %dma_wait3A_96 = arith.constant 0 : i32
        %dma_wait3A_97 = arith.constant 0 : i32
        %dma_wait3A_98 = tpu.memref_slice %arg15[%dma_wait3A_96, %dma_wait3A_97] : memref<2x2560xi32, #tpu.memory_space<vmem>> -> memref<1x2560xi32, #tpu.memory_space<vmem>>
        %dma_wait3A_99 = tpu.memref_squeeze %dma_wait3A_98 : memref<1x2560xi32, #tpu.memory_space<vmem>> -> memref<2560xi32, #tpu.memory_space<vmem>>
        %dma_wait3A_100 = tpu.memref_slice %arg3[%mul3A_86] : memref<320000xi32, #tpu.memory_space<hbm>> -> memref<2560xi32, #tpu.memory_space<hbm>>
        %dma_wait3A_101 = arith.constant 0 : i32
        %dma_wait3A_102 = tpu.memref_slice %arg15[%dma_wait3A_96, %dma_wait3A_101] : memref<2x2560xi32, #tpu.memory_space<vmem>> -> memref<1x2560xi32, #tpu.memory_space<vmem>>
        %dma_wait3A_103 = tpu.memref_squeeze %dma_wait3A_102 : memref<1x2560xi32, #tpu.memory_space<vmem>> -> memref<2560xi32, #tpu.memory_space<vmem>>
        %dma_wait3A_104 = tpu.memref_slice %arg3[%mul3A_86] : memref<320000xi32, #tpu.memory_space<hbm>> -> memref<2560xi32, #tpu.memory_space<hbm>>
        tpu.wait_dma2 semaphore(%arg23 : memref<!tpu.dma_semaphore, #tpu.memory_space<semaphore_mem>>) src(%dma_wait3A_104 : memref<2560xi32, #tpu.memory_space<hbm>>) dst(%dma_wait3A_103 : memref<2560xi32, #tpu.memory_space<vmem>>)
        %dma_wait3A_105 = arith.constant 0 : i32
        %dma_wait3A_106 = arith.constant 0 : i32
        %dma_wait3A_107 = tpu.memref_slice %arg16[%dma_wait3A_105, %dma_wait3A_106] : memref<2x2560xi32, #tpu.memory_space<vmem>> -> memref<1x2560xi32, #tpu.memory_space<vmem>>
        %dma_wait3A_108 = tpu.memref_squeeze %dma_wait3A_107 : memref<1x2560xi32, #tpu.memory_space<vmem>> -> memref<2560xi32, #tpu.memory_space<vmem>>
        %dma_wait3A_109 = tpu.memref_slice %arg4[%mul3A_86] : memref<320000xi32, #tpu.memory_space<hbm>> -> memref<2560xi32, #tpu.memory_space<hbm>>
        %dma_wait3A_110 = arith.constant 0 : i32
        %dma_wait3A_111 = tpu.memref_slice %arg16[%dma_wait3A_105, %dma_wait3A_110] : memref<2x2560xi32, #tpu.memory_space<vmem>> -> memref<1x2560xi32, #tpu.memory_space<vmem>>
        %dma_wait3A_112 = tpu.memref_squeeze %dma_wait3A_111 : memref<1x2560xi32, #tpu.memory_space<vmem>> -> memref<2560xi32, #tpu.memory_space<vmem>>
        %dma_wait3A_113 = tpu.memref_slice %arg4[%mul3A_86] : memref<320000xi32, #tpu.memory_space<hbm>> -> memref<2560xi32, #tpu.memory_space<hbm>>
        tpu.wait_dma2 semaphore(%arg23 : memref<!tpu.dma_semaphore, #tpu.memory_space<semaphore_mem>>) src(%dma_wait3A_113 : memref<2560xi32, #tpu.memory_space<hbm>>) dst(%dma_wait3A_112 : memref<2560xi32, #tpu.memory_space<vmem>>)
        %dma_wait3A_114 = arith.constant 0 : i32
        %dma_wait3A_115 = arith.constant 0 : i32
        %dma_wait3A_116 = tpu.memref_slice %arg17[%dma_wait3A_114, %dma_wait3A_115] : memref<2x2560xi32, #tpu.memory_space<vmem>> -> memref<1x2560xi32, #tpu.memory_space<vmem>>
        %dma_wait3A_117 = tpu.memref_squeeze %dma_wait3A_116 : memref<1x2560xi32, #tpu.memory_space<vmem>> -> memref<2560xi32, #tpu.memory_space<vmem>>
        %dma_wait3A_118 = tpu.memref_slice %arg5[%mul3A_86] : memref<320000xi32, #tpu.memory_space<hbm>> -> memref<2560xi32, #tpu.memory_space<hbm>>
        %dma_wait3A_119 = arith.constant 0 : i32
        %dma_wait3A_120 = tpu.memref_slice %arg17[%dma_wait3A_114, %dma_wait3A_119] : memref<2x2560xi32, #tpu.memory_space<vmem>> -> memref<1x2560xi32, #tpu.memory_space<vmem>>
        %dma_wait3A_121 = tpu.memref_squeeze %dma_wait3A_120 : memref<1x2560xi32, #tpu.memory_space<vmem>> -> memref<2560xi32, #tpu.memory_space<vmem>>
        %dma_wait3A_122 = tpu.memref_slice %arg5[%mul3A_86] : memref<320000xi32, #tpu.memory_space<hbm>> -> memref<2560xi32, #tpu.memory_space<hbm>>
        tpu.wait_dma2 semaphore(%arg23 : memref<!tpu.dma_semaphore, #tpu.memory_space<semaphore_mem>>) src(%dma_wait3A_122 : memref<2560xi32, #tpu.memory_space<hbm>>) dst(%dma_wait3A_121 : memref<2560xi32, #tpu.memory_space<vmem>>)
        %dma_start3A = arith.constant 0 : i32
        %dma_start3A_123 = arith.constant 0 : i32
        %dma_start3A_124 = arith.constant 0 : i32
        %dma_start3A_125 = tpu.memref_slice %arg18[%dma_start3A_123, %dma_start3A_124] : memref<2x2560xf32, #tpu.memory_space<vmem>> -> memref<1x2560xf32, #tpu.memory_space<vmem>>
        %dma_start3A_126 = tpu.memref_squeeze %dma_start3A_125 : memref<1x2560xf32, #tpu.memory_space<vmem>> -> memref<2560xf32, #tpu.memory_space<vmem>>
        %dma_start3A_127 = arith.constant 0 : i32
        %dma_start3A_128 = tpu.memref_slice %arg14[%dma_start3A, %dma_start3A_127] : memref<2x2560xi32, #tpu.memory_space<vmem>> -> memref<1x2560xi32, #tpu.memory_space<vmem>>
        %dma_start3A_129 = tpu.memref_squeeze %dma_start3A_128 : memref<1x2560xi32, #tpu.memory_space<vmem>> -> memref<2560xi32, #tpu.memory_space<vmem>>
        %dma_start3A_130 = arith.constant 0 : i32
        %dma_start3A_131 = tpu.memref_slice %arg26[%dma_start3A_130] : memref<10240xf32, #tpu.memory_space<vmem_shared>> -> memref<10240xf32, #tpu.memory_space<vmem_shared>>
        tpu.enqueue_indirect_dma source(%dma_start3A_131 : memref<10240xf32, #tpu.memory_space<vmem_shared>>) target(%dma_start3A_126 : memref<2560xf32, #tpu.memory_space<vmem>>) offsets(%dma_start3A_129 : memref<2560xi32, #tpu.memory_space<vmem>>) semaphore(%arg24 : memref<!tpu.dma_semaphore, #tpu.memory_space<semaphore_mem>>)
        %dma_start3A_132 = arith.constant 0 : i32
        %dma_start3A_133 = arith.constant 0 : i32
        %dma_start3A_134 = arith.constant 0 : i32
        %dma_start3A_135 = tpu.memref_slice %arg19[%dma_start3A_133, %dma_start3A_134] : memref<2x2560xf32, #tpu.memory_space<vmem>> -> memref<1x2560xf32, #tpu.memory_space<vmem>>
        %dma_start3A_136 = tpu.memref_squeeze %dma_start3A_135 : memref<1x2560xf32, #tpu.memory_space<vmem>> -> memref<2560xf32, #tpu.memory_space<vmem>>
        %dma_start3A_137 = arith.constant 0 : i32
        %dma_start3A_138 = tpu.memref_slice %arg14[%dma_start3A_132, %dma_start3A_137] : memref<2x2560xi32, #tpu.memory_space<vmem>> -> memref<1x2560xi32, #tpu.memory_space<vmem>>
        %dma_start3A_139 = tpu.memref_squeeze %dma_start3A_138 : memref<1x2560xi32, #tpu.memory_space<vmem>> -> memref<2560xi32, #tpu.memory_space<vmem>>
        %dma_start3A_140 = arith.constant 0 : i32
        %dma_start3A_141 = tpu.memref_slice %arg27[%dma_start3A_140] : memref<10240xf32, #tpu.memory_space<vmem_shared>> -> memref<10240xf32, #tpu.memory_space<vmem_shared>>
        tpu.enqueue_indirect_dma source(%dma_start3A_141 : memref<10240xf32, #tpu.memory_space<vmem_shared>>) target(%dma_start3A_136 : memref<2560xf32, #tpu.memory_space<vmem>>) offsets(%dma_start3A_139 : memref<2560xi32, #tpu.memory_space<vmem>>) semaphore(%arg24 : memref<!tpu.dma_semaphore, #tpu.memory_space<semaphore_mem>>)
        %dma_start3A_142 = arith.constant 0 : i32
        %dma_start3A_143 = arith.constant 0 : i32
        %dma_start3A_144 = arith.constant 0 : i32
        %dma_start3A_145 = tpu.memref_slice %arg20[%dma_start3A_143, %dma_start3A_144] : memref<2x2560xf32, #tpu.memory_space<vmem>> -> memref<1x2560xf32, #tpu.memory_space<vmem>>
        %dma_start3A_146 = tpu.memref_squeeze %dma_start3A_145 : memref<1x2560xf32, #tpu.memory_space<vmem>> -> memref<2560xf32, #tpu.memory_space<vmem>>
        %dma_start3A_147 = arith.constant 0 : i32
        %dma_start3A_148 = tpu.memref_slice %arg16[%dma_start3A_142, %dma_start3A_147] : memref<2x2560xi32, #tpu.memory_space<vmem>> -> memref<1x2560xi32, #tpu.memory_space<vmem>>
        %dma_start3A_149 = tpu.memref_squeeze %dma_start3A_148 : memref<1x2560xi32, #tpu.memory_space<vmem>> -> memref<2560xi32, #tpu.memory_space<vmem>>
        %dma_start3A_150 = arith.constant 0 : i32
        %dma_start3A_151 = tpu.memref_slice %arg28[%dma_start3A_150] : memref<10240xf32, #tpu.memory_space<vmem_shared>> -> memref<10240xf32, #tpu.memory_space<vmem_shared>>
        tpu.enqueue_indirect_dma source(%dma_start3A_151 : memref<10240xf32, #tpu.memory_space<vmem_shared>>) target(%dma_start3A_146 : memref<2560xf32, #tpu.memory_space<vmem>>) offsets(%dma_start3A_149 : memref<2560xi32, #tpu.memory_space<vmem>>) semaphore(%arg24 : memref<!tpu.dma_semaphore, #tpu.memory_space<semaphore_mem>>)
        %dma_start3A_152 = arith.constant 0 : i32
        %dma_start3A_153 = arith.constant 0 : i32
        %dma_start3A_154 = arith.constant 0 : i32
        %dma_start3A_155 = tpu.memref_slice %arg21[%dma_start3A_153, %dma_start3A_154] : memref<2x2560xf32, #tpu.memory_space<vmem>> -> memref<1x2560xf32, #tpu.memory_space<vmem>>
        %dma_start3A_156 = tpu.memref_squeeze %dma_start3A_155 : memref<1x2560xf32, #tpu.memory_space<vmem>> -> memref<2560xf32, #tpu.memory_space<vmem>>
        %dma_start3A_157 = arith.constant 0 : i32
        %dma_start3A_158 = tpu.memref_slice %arg16[%dma_start3A_152, %dma_start3A_157] : memref<2x2560xi32, #tpu.memory_space<vmem>> -> memref<1x2560xi32, #tpu.memory_space<vmem>>
        %dma_start3A_159 = tpu.memref_squeeze %dma_start3A_158 : memref<1x2560xi32, #tpu.memory_space<vmem>> -> memref<2560xi32, #tpu.memory_space<vmem>>
        %dma_start3A_160 = arith.constant 0 : i32
        %dma_start3A_161 = tpu.memref_slice %arg29[%dma_start3A_160] : memref<10240xf32, #tpu.memory_space<vmem_shared>> -> memref<10240xf32, #tpu.memory_space<vmem_shared>>
        tpu.enqueue_indirect_dma source(%dma_start3A_161 : memref<10240xf32, #tpu.memory_space<vmem_shared>>) target(%dma_start3A_156 : memref<2560xf32, #tpu.memory_space<vmem>>) offsets(%dma_start3A_159 : memref<2560xi32, #tpu.memory_space<vmem>>) semaphore(%arg24 : memref<!tpu.dma_semaphore, #tpu.memory_space<semaphore_mem>>)
        %ge3A = arith.constant 1 : i32
        %ge3A_162 = arith.cmpi sge, %add3A_64, %ge3A : i32
        %convert_element_type3A_163 = arith.extui %ge3A_162 : i1 to i32
        %cond3A_164 = arith.constant 0 : i32
        %cond3A_165 = arith.cmpi ne, %convert_element_type3A_163, %cond3A_164 : i32
        scf.if %cond3A_165 {
          %dma_wait3A_256 = arith.constant 1 : i32
          %dma_wait3A_257 = arith.constant 1 : i32
          %dma_wait3A_258 = arith.constant 0 : i32
          %dma_wait3A_259 = tpu.memref_slice %arg18[%dma_wait3A_256, %dma_wait3A_258] : memref<2x2560xf32, #tpu.memory_space<vmem>> -> memref<1x2560xf32, #tpu.memory_space<vmem>>
          %dma_wait3A_260 = tpu.memref_squeeze %dma_wait3A_259 : memref<1x2560xf32, #tpu.memory_space<vmem>> -> memref<2560xf32, #tpu.memory_space<vmem>>
          %dma_wait3A_261 = arith.constant 0 : i32
          %dma_wait3A_262 = tpu.memref_slice %arg15[%dma_wait3A_257, %dma_wait3A_261] : memref<2x2560xi32, #tpu.memory_space<vmem>> -> memref<1x2560xi32, #tpu.memory_space<vmem>>
          %dma_wait3A_263 = tpu.memref_squeeze %dma_wait3A_262 : memref<1x2560xi32, #tpu.memory_space<vmem>> -> memref<2560xi32, #tpu.memory_space<vmem>>
          %dma_wait3A_264 = arith.constant 0 : i32
          %dma_wait3A_265 = tpu.memref_slice %arg30[%dma_wait3A_264] : memref<10240xf32, #tpu.memory_space<vmem_shared>> -> memref<10240xf32, #tpu.memory_space<vmem_shared>>
          tpu.wait_indirect_dma semaphore(%arg25 : memref<!tpu.dma_semaphore, #tpu.memory_space<semaphore_mem>>) src(%dma_wait3A_260 : memref<2560xf32, #tpu.memory_space<vmem>>) dst(%dma_wait3A_265 : memref<10240xf32, #tpu.memory_space<vmem_shared>>)
          %dma_wait3A_266 = arith.constant 1 : i32
          %dma_wait3A_267 = arith.constant 1 : i32
          %dma_wait3A_268 = arith.constant 0 : i32
          %dma_wait3A_269 = tpu.memref_slice %arg19[%dma_wait3A_266, %dma_wait3A_268] : memref<2x2560xf32, #tpu.memory_space<vmem>> -> memref<1x2560xf32, #tpu.memory_space<vmem>>
          %dma_wait3A_270 = tpu.memref_squeeze %dma_wait3A_269 : memref<1x2560xf32, #tpu.memory_space<vmem>> -> memref<2560xf32, #tpu.memory_space<vmem>>
          %dma_wait3A_271 = arith.constant 0 : i32
          %dma_wait3A_272 = tpu.memref_slice %arg15[%dma_wait3A_267, %dma_wait3A_271] : memref<2x2560xi32, #tpu.memory_space<vmem>> -> memref<1x2560xi32, #tpu.memory_space<vmem>>
          %dma_wait3A_273 = tpu.memref_squeeze %dma_wait3A_272 : memref<1x2560xi32, #tpu.memory_space<vmem>> -> memref<2560xi32, #tpu.memory_space<vmem>>
          %dma_wait3A_274 = arith.constant 0 : i32
          %dma_wait3A_275 = tpu.memref_slice %arg31[%dma_wait3A_274] : memref<10240xf32, #tpu.memory_space<vmem_shared>> -> memref<10240xf32, #tpu.memory_space<vmem_shared>>
          tpu.wait_indirect_dma semaphore(%arg25 : memref<!tpu.dma_semaphore, #tpu.memory_space<semaphore_mem>>) src(%dma_wait3A_270 : memref<2560xf32, #tpu.memory_space<vmem>>) dst(%dma_wait3A_275 : memref<10240xf32, #tpu.memory_space<vmem_shared>>)
          %dma_wait3A_276 = arith.constant 1 : i32
          %dma_wait3A_277 = arith.constant 1 : i32
          %dma_wait3A_278 = arith.constant 0 : i32
          %dma_wait3A_279 = tpu.memref_slice %arg20[%dma_wait3A_276, %dma_wait3A_278] : memref<2x2560xf32, #tpu.memory_space<vmem>> -> memref<1x2560xf32, #tpu.memory_space<vmem>>
          %dma_wait3A_280 = tpu.memref_squeeze %dma_wait3A_279 : memref<1x2560xf32, #tpu.memory_space<vmem>> -> memref<2560xf32, #tpu.memory_space<vmem>>
          %dma_wait3A_281 = arith.constant 0 : i32
          %dma_wait3A_282 = tpu.memref_slice %arg17[%dma_wait3A_277, %dma_wait3A_281] : memref<2x2560xi32, #tpu.memory_space<vmem>> -> memref<1x2560xi32, #tpu.memory_space<vmem>>
          %dma_wait3A_283 = tpu.memref_squeeze %dma_wait3A_282 : memref<1x2560xi32, #tpu.memory_space<vmem>> -> memref<2560xi32, #tpu.memory_space<vmem>>
          %dma_wait3A_284 = arith.constant 0 : i32
          %dma_wait3A_285 = tpu.memref_slice %arg32[%dma_wait3A_284] : memref<10240xf32, #tpu.memory_space<vmem_shared>> -> memref<10240xf32, #tpu.memory_space<vmem_shared>>
          tpu.wait_indirect_dma semaphore(%arg25 : memref<!tpu.dma_semaphore, #tpu.memory_space<semaphore_mem>>) src(%dma_wait3A_280 : memref<2560xf32, #tpu.memory_space<vmem>>) dst(%dma_wait3A_285 : memref<10240xf32, #tpu.memory_space<vmem_shared>>)
          %dma_wait3A_286 = arith.constant 1 : i32
          %dma_wait3A_287 = arith.constant 1 : i32
          %dma_wait3A_288 = arith.constant 0 : i32
          %dma_wait3A_289 = tpu.memref_slice %arg21[%dma_wait3A_286, %dma_wait3A_288] : memref<2x2560xf32, #tpu.memory_space<vmem>> -> memref<1x2560xf32, #tpu.memory_space<vmem>>
          %dma_wait3A_290 = tpu.memref_squeeze %dma_wait3A_289 : memref<1x2560xf32, #tpu.memory_space<vmem>> -> memref<2560xf32, #tpu.memory_space<vmem>>
          %dma_wait3A_291 = arith.constant 0 : i32
          %dma_wait3A_292 = tpu.memref_slice %arg17[%dma_wait3A_287, %dma_wait3A_291] : memref<2x2560xi32, #tpu.memory_space<vmem>> -> memref<1x2560xi32, #tpu.memory_space<vmem>>
          %dma_wait3A_293 = tpu.memref_squeeze %dma_wait3A_292 : memref<1x2560xi32, #tpu.memory_space<vmem>> -> memref<2560xi32, #tpu.memory_space<vmem>>
          %dma_wait3A_294 = arith.constant 0 : i32
          %dma_wait3A_295 = tpu.memref_slice %arg33[%dma_wait3A_294] : memref<10240xf32, #tpu.memory_space<vmem_shared>> -> memref<10240xf32, #tpu.memory_space<vmem_shared>>
          tpu.wait_indirect_dma semaphore(%arg25 : memref<!tpu.dma_semaphore, #tpu.memory_space<semaphore_mem>>) src(%dma_wait3A_290 : memref<2560xf32, #tpu.memory_space<vmem>>) dst(%dma_wait3A_295 : memref<10240xf32, #tpu.memory_space<vmem_shared>>)
        } else {
        }
        %add3A_166 = arith.constant 1 : i32
        %add3A_167 = arith.addi %add3A_64, %add3A_166 : i32
        %mul3A_168 = arith.constant 32 : i32
        %mul3A_169 = arith.muli %mul3A_168, %add3A_167 : i32
        %add3A_170 = arith.addi %add3A, %mul3A_169 : i32
        %lt3A_171 = arith.constant 125 : i32
        %lt3A_172 = arith.cmpi slt, %add3A_170, %lt3A_171 : i32
        %convert_element_type3A_173 = arith.extui %lt3A_172 : i1 to i32
        %cond3A_174 = arith.constant 0 : i32
        %cond3A_175 = arith.cmpi ne, %convert_element_type3A_173, %cond3A_174 : i32
        scf.if %cond3A_175 {
          %mul3A_256 = arith.constant 2560 : i32
          %mul3A_257 = arith.muli %add3A_170, %mul3A_256 : i32
          %dma_start3A_258 = arith.constant 1 : i32
          %dma_start3A_259 = arith.constant 0 : i32
          %dma_start3A_260 = tpu.memref_slice %arg14[%dma_start3A_258, %dma_start3A_259] : memref<2x2560xi32, #tpu.memory_space<vmem>> -> memref<1x2560xi32, #tpu.memory_space<vmem>>
          %dma_start3A_261 = tpu.memref_squeeze %dma_start3A_260 : memref<1x2560xi32, #tpu.memory_space<vmem>> -> memref<2560xi32, #tpu.memory_space<vmem>>
          %dma_start3A_262 = tpu.memref_slice %arg2[%mul3A_257] : memref<320000xi32, #tpu.memory_space<hbm>> -> memref<2560xi32, #tpu.memory_space<hbm>>
          %dma_start3A_263 = arith.constant 0 : i32
          %dma_start3A_264 = tpu.memref_slice %arg14[%dma_start3A_258, %dma_start3A_263] : memref<2x2560xi32, #tpu.memory_space<vmem>> -> memref<1x2560xi32, #tpu.memory_space<vmem>>
          %dma_start3A_265 = tpu.memref_squeeze %dma_start3A_264 : memref<1x2560xi32, #tpu.memory_space<vmem>> -> memref<2560xi32, #tpu.memory_space<vmem>>
          %dma_start3A_266 = tpu.memref_slice %arg2[%mul3A_257] : memref<320000xi32, #tpu.memory_space<hbm>> -> memref<2560xi32, #tpu.memory_space<hbm>>
          tpu.enqueue_dma source(%dma_start3A_266 : memref<2560xi32, #tpu.memory_space<hbm>>) target(%dma_start3A_265 : memref<2560xi32, #tpu.memory_space<vmem>>) target_semaphore(%arg23 : memref<!tpu.dma_semaphore, #tpu.memory_space<semaphore_mem>>)
          %dma_start3A_267 = arith.constant 1 : i32
          %dma_start3A_268 = arith.constant 0 : i32
          %dma_start3A_269 = tpu.memref_slice %arg15[%dma_start3A_267, %dma_start3A_268] : memref<2x2560xi32, #tpu.memory_space<vmem>> -> memref<1x2560xi32, #tpu.memory_space<vmem>>
          %dma_start3A_270 = tpu.memref_squeeze %dma_start3A_269 : memref<1x2560xi32, #tpu.memory_space<vmem>> -> memref<2560xi32, #tpu.memory_space<vmem>>
          %dma_start3A_271 = tpu.memref_slice %arg3[%mul3A_257] : memref<320000xi32, #tpu.memory_space<hbm>> -> memref<2560xi32, #tpu.memory_space<hbm>>
          %dma_start3A_272 = arith.constant 0 : i32
          %dma_start3A_273 = tpu.memref_slice %arg15[%dma_start3A_267, %dma_start3A_272] : memref<2x2560xi32, #tpu.memory_space<vmem>> -> memref<1x2560xi32, #tpu.memory_space<vmem>>
          %dma_start3A_274 = tpu.memref_squeeze %dma_start3A_273 : memref<1x2560xi32, #tpu.memory_space<vmem>> -> memref<2560xi32, #tpu.memory_space<vmem>>
          %dma_start3A_275 = tpu.memref_slice %arg3[%mul3A_257] : memref<320000xi32, #tpu.memory_space<hbm>> -> memref<2560xi32, #tpu.memory_space<hbm>>
          tpu.enqueue_dma source(%dma_start3A_275 : memref<2560xi32, #tpu.memory_space<hbm>>) target(%dma_start3A_274 : memref<2560xi32, #tpu.memory_space<vmem>>) target_semaphore(%arg23 : memref<!tpu.dma_semaphore, #tpu.memory_space<semaphore_mem>>)
          %dma_start3A_276 = arith.constant 1 : i32
          %dma_start3A_277 = arith.constant 0 : i32
          %dma_start3A_278 = tpu.memref_slice %arg16[%dma_start3A_276, %dma_start3A_277] : memref<2x2560xi32, #tpu.memory_space<vmem>> -> memref<1x2560xi32, #tpu.memory_space<vmem>>
          %dma_start3A_279 = tpu.memref_squeeze %dma_start3A_278 : memref<1x2560xi32, #tpu.memory_space<vmem>> -> memref<2560xi32, #tpu.memory_space<vmem>>
          %dma_start3A_280 = tpu.memref_slice %arg4[%mul3A_257] : memref<320000xi32, #tpu.memory_space<hbm>> -> memref<2560xi32, #tpu.memory_space<hbm>>
          %dma_start3A_281 = arith.constant 0 : i32
          %dma_start3A_282 = tpu.memref_slice %arg16[%dma_start3A_276, %dma_start3A_281] : memref<2x2560xi32, #tpu.memory_space<vmem>> -> memref<1x2560xi32, #tpu.memory_space<vmem>>
          %dma_start3A_283 = tpu.memref_squeeze %dma_start3A_282 : memref<1x2560xi32, #tpu.memory_space<vmem>> -> memref<2560xi32, #tpu.memory_space<vmem>>
          %dma_start3A_284 = tpu.memref_slice %arg4[%mul3A_257] : memref<320000xi32, #tpu.memory_space<hbm>> -> memref<2560xi32, #tpu.memory_space<hbm>>
          tpu.enqueue_dma source(%dma_start3A_284 : memref<2560xi32, #tpu.memory_space<hbm>>) target(%dma_start3A_283 : memref<2560xi32, #tpu.memory_space<vmem>>) target_semaphore(%arg23 : memref<!tpu.dma_semaphore, #tpu.memory_space<semaphore_mem>>)
          %dma_start3A_285 = arith.constant 1 : i32
          %dma_start3A_286 = arith.constant 0 : i32
          %dma_start3A_287 = tpu.memref_slice %arg17[%dma_start3A_285, %dma_start3A_286] : memref<2x2560xi32, #tpu.memory_space<vmem>> -> memref<1x2560xi32, #tpu.memory_space<vmem>>
          %dma_start3A_288 = tpu.memref_squeeze %dma_start3A_287 : memref<1x2560xi32, #tpu.memory_space<vmem>> -> memref<2560xi32, #tpu.memory_space<vmem>>
          %dma_start3A_289 = tpu.memref_slice %arg5[%mul3A_257] : memref<320000xi32, #tpu.memory_space<hbm>> -> memref<2560xi32, #tpu.memory_space<hbm>>
          %dma_start3A_290 = arith.constant 0 : i32
          %dma_start3A_291 = tpu.memref_slice %arg17[%dma_start3A_285, %dma_start3A_290] : memref<2x2560xi32, #tpu.memory_space<vmem>> -> memref<1x2560xi32, #tpu.memory_space<vmem>>
          %dma_start3A_292 = tpu.memref_squeeze %dma_start3A_291 : memref<1x2560xi32, #tpu.memory_space<vmem>> -> memref<2560xi32, #tpu.memory_space<vmem>>
          %dma_start3A_293 = tpu.memref_slice %arg5[%mul3A_257] : memref<320000xi32, #tpu.memory_space<hbm>> -> memref<2560xi32, #tpu.memory_space<hbm>>
          tpu.enqueue_dma source(%dma_start3A_293 : memref<2560xi32, #tpu.memory_space<hbm>>) target(%dma_start3A_292 : memref<2560xi32, #tpu.memory_space<vmem>>) target_semaphore(%arg23 : memref<!tpu.dma_semaphore, #tpu.memory_space<semaphore_mem>>)
        } else {
        }
        %dma_wait3A_176 = arith.constant 0 : i32
        %dma_wait3A_177 = arith.constant 0 : i32
        %dma_wait3A_178 = arith.constant 0 : i32
        %dma_wait3A_179 = tpu.memref_slice %arg18[%dma_wait3A_177, %dma_wait3A_178] : memref<2x2560xf32, #tpu.memory_space<vmem>> -> memref<1x2560xf32, #tpu.memory_space<vmem>>
        %dma_wait3A_180 = tpu.memref_squeeze %dma_wait3A_179 : memref<1x2560xf32, #tpu.memory_space<vmem>> -> memref<2560xf32, #tpu.memory_space<vmem>>
        %dma_wait3A_181 = arith.constant 0 : i32
        %dma_wait3A_182 = tpu.memref_slice %arg14[%dma_wait3A_176, %dma_wait3A_181] : memref<2x2560xi32, #tpu.memory_space<vmem>> -> memref<1x2560xi32, #tpu.memory_space<vmem>>
        %dma_wait3A_183 = tpu.memref_squeeze %dma_wait3A_182 : memref<1x2560xi32, #tpu.memory_space<vmem>> -> memref<2560xi32, #tpu.memory_space<vmem>>
        %dma_wait3A_184 = arith.constant 0 : i32
        %dma_wait3A_185 = tpu.memref_slice %arg26[%dma_wait3A_184] : memref<10240xf32, #tpu.memory_space<vmem_shared>> -> memref<10240xf32, #tpu.memory_space<vmem_shared>>
        tpu.wait_indirect_dma semaphore(%arg24 : memref<!tpu.dma_semaphore, #tpu.memory_space<semaphore_mem>>) src(%dma_wait3A_185 : memref<10240xf32, #tpu.memory_space<vmem_shared>>) dst(%dma_wait3A_180 : memref<2560xf32, #tpu.memory_space<vmem>>)
        %dma_wait3A_186 = arith.constant 0 : i32
        %dma_wait3A_187 = arith.constant 0 : i32
        %dma_wait3A_188 = arith.constant 0 : i32
        %dma_wait3A_189 = tpu.memref_slice %arg19[%dma_wait3A_187, %dma_wait3A_188] : memref<2x2560xf32, #tpu.memory_space<vmem>> -> memref<1x2560xf32, #tpu.memory_space<vmem>>
        %dma_wait3A_190 = tpu.memref_squeeze %dma_wait3A_189 : memref<1x2560xf32, #tpu.memory_space<vmem>> -> memref<2560xf32, #tpu.memory_space<vmem>>
        %dma_wait3A_191 = arith.constant 0 : i32
        %dma_wait3A_192 = tpu.memref_slice %arg14[%dma_wait3A_186, %dma_wait3A_191] : memref<2x2560xi32, #tpu.memory_space<vmem>> -> memref<1x2560xi32, #tpu.memory_space<vmem>>
        %dma_wait3A_193 = tpu.memref_squeeze %dma_wait3A_192 : memref<1x2560xi32, #tpu.memory_space<vmem>> -> memref<2560xi32, #tpu.memory_space<vmem>>
        %dma_wait3A_194 = arith.constant 0 : i32
        %dma_wait3A_195 = tpu.memref_slice %arg27[%dma_wait3A_194] : memref<10240xf32, #tpu.memory_space<vmem_shared>> -> memref<10240xf32, #tpu.memory_space<vmem_shared>>
        tpu.wait_indirect_dma semaphore(%arg24 : memref<!tpu.dma_semaphore, #tpu.memory_space<semaphore_mem>>) src(%dma_wait3A_195 : memref<10240xf32, #tpu.memory_space<vmem_shared>>) dst(%dma_wait3A_190 : memref<2560xf32, #tpu.memory_space<vmem>>)
        %dma_wait3A_196 = arith.constant 0 : i32
        %dma_wait3A_197 = arith.constant 0 : i32
        %dma_wait3A_198 = arith.constant 0 : i32
        %dma_wait3A_199 = tpu.memref_slice %arg20[%dma_wait3A_197, %dma_wait3A_198] : memref<2x2560xf32, #tpu.memory_space<vmem>> -> memref<1x2560xf32, #tpu.memory_space<vmem>>
        %dma_wait3A_200 = tpu.memref_squeeze %dma_wait3A_199 : memref<1x2560xf32, #tpu.memory_space<vmem>> -> memref<2560xf32, #tpu.memory_space<vmem>>
        %dma_wait3A_201 = arith.constant 0 : i32
        %dma_wait3A_202 = tpu.memref_slice %arg16[%dma_wait3A_196, %dma_wait3A_201] : memref<2x2560xi32, #tpu.memory_space<vmem>> -> memref<1x2560xi32, #tpu.memory_space<vmem>>
        %dma_wait3A_203 = tpu.memref_squeeze %dma_wait3A_202 : memref<1x2560xi32, #tpu.memory_space<vmem>> -> memref<2560xi32, #tpu.memory_space<vmem>>
        %dma_wait3A_204 = arith.constant 0 : i32
        %dma_wait3A_205 = tpu.memref_slice %arg28[%dma_wait3A_204] : memref<10240xf32, #tpu.memory_space<vmem_shared>> -> memref<10240xf32, #tpu.memory_space<vmem_shared>>
        tpu.wait_indirect_dma semaphore(%arg24 : memref<!tpu.dma_semaphore, #tpu.memory_space<semaphore_mem>>) src(%dma_wait3A_205 : memref<10240xf32, #tpu.memory_space<vmem_shared>>) dst(%dma_wait3A_200 : memref<2560xf32, #tpu.memory_space<vmem>>)
        %dma_wait3A_206 = arith.constant 0 : i32
        %dma_wait3A_207 = arith.constant 0 : i32
        %dma_wait3A_208 = arith.constant 0 : i32
        %dma_wait3A_209 = tpu.memref_slice %arg21[%dma_wait3A_207, %dma_wait3A_208] : memref<2x2560xf32, #tpu.memory_space<vmem>> -> memref<1x2560xf32, #tpu.memory_space<vmem>>
        %dma_wait3A_210 = tpu.memref_squeeze %dma_wait3A_209 : memref<1x2560xf32, #tpu.memory_space<vmem>> -> memref<2560xf32, #tpu.memory_space<vmem>>
        %dma_wait3A_211 = arith.constant 0 : i32
        %dma_wait3A_212 = tpu.memref_slice %arg16[%dma_wait3A_206, %dma_wait3A_211] : memref<2x2560xi32, #tpu.memory_space<vmem>> -> memref<1x2560xi32, #tpu.memory_space<vmem>>
        %dma_wait3A_213 = tpu.memref_squeeze %dma_wait3A_212 : memref<1x2560xi32, #tpu.memory_space<vmem>> -> memref<2560xi32, #tpu.memory_space<vmem>>
        %dma_wait3A_214 = arith.constant 0 : i32
        %dma_wait3A_215 = tpu.memref_slice %arg29[%dma_wait3A_214] : memref<10240xf32, #tpu.memory_space<vmem_shared>> -> memref<10240xf32, #tpu.memory_space<vmem_shared>>
        tpu.wait_indirect_dma semaphore(%arg24 : memref<!tpu.dma_semaphore, #tpu.memory_space<semaphore_mem>>) src(%dma_wait3A_215 : memref<10240xf32, #tpu.memory_space<vmem_shared>>) dst(%dma_wait3A_210 : memref<2560xf32, #tpu.memory_space<vmem>>)
        %dma_start3A_216 = arith.constant 0 : i32
        %dma_start3A_217 = arith.constant 0 : i32
        %dma_start3A_218 = arith.constant 0 : i32
        %dma_start3A_219 = tpu.memref_slice %arg18[%dma_start3A_216, %dma_start3A_218] : memref<2x2560xf32, #tpu.memory_space<vmem>> -> memref<1x2560xf32, #tpu.memory_space<vmem>>
        %dma_start3A_220 = tpu.memref_squeeze %dma_start3A_219 : memref<1x2560xf32, #tpu.memory_space<vmem>> -> memref<2560xf32, #tpu.memory_space<vmem>>
        %dma_start3A_221 = arith.constant 0 : i32
        %dma_start3A_222 = tpu.memref_slice %arg15[%dma_start3A_217, %dma_start3A_221] : memref<2x2560xi32, #tpu.memory_space<vmem>> -> memref<1x2560xi32, #tpu.memory_space<vmem>>
        %dma_start3A_223 = tpu.memref_squeeze %dma_start3A_222 : memref<1x2560xi32, #tpu.memory_space<vmem>> -> memref<2560xi32, #tpu.memory_space<vmem>>
        %dma_start3A_224 = arith.constant 0 : i32
        %dma_start3A_225 = tpu.memref_slice %arg30[%dma_start3A_224] : memref<10240xf32, #tpu.memory_space<vmem_shared>> -> memref<10240xf32, #tpu.memory_space<vmem_shared>>
        tpu.enqueue_indirect_dma source(%dma_start3A_220 : memref<2560xf32, #tpu.memory_space<vmem>>) target(%dma_start3A_225 : memref<10240xf32, #tpu.memory_space<vmem_shared>>) offsets(%dma_start3A_223 : memref<2560xi32, #tpu.memory_space<vmem>>) semaphore(%arg25 : memref<!tpu.dma_semaphore, #tpu.memory_space<semaphore_mem>>) {add = true}
        %dma_start3A_226 = arith.constant 0 : i32
        %dma_start3A_227 = arith.constant 0 : i32
        %dma_start3A_228 = arith.constant 0 : i32
        %dma_start3A_229 = tpu.memref_slice %arg19[%dma_start3A_226, %dma_start3A_228] : memref<2x2560xf32, #tpu.memory_space<vmem>> -> memref<1x2560xf32, #tpu.memory_space<vmem>>
        %dma_start3A_230 = tpu.memref_squeeze %dma_start3A_229 : memref<1x2560xf32, #tpu.memory_space<vmem>> -> memref<2560xf32, #tpu.memory_space<vmem>>
        %dma_start3A_231 = arith.constant 0 : i32
        %dma_start3A_232 = tpu.memref_slice %arg15[%dma_start3A_227, %dma_start3A_231] : memref<2x2560xi32, #tpu.memory_space<vmem>> -> memref<1x2560xi32, #tpu.memory_space<vmem>>
        %dma_start3A_233 = tpu.memref_squeeze %dma_start3A_232 : memref<1x2560xi32, #tpu.memory_space<vmem>> -> memref<2560xi32, #tpu.memory_space<vmem>>
        %dma_start3A_234 = arith.constant 0 : i32
        %dma_start3A_235 = tpu.memref_slice %arg31[%dma_start3A_234] : memref<10240xf32, #tpu.memory_space<vmem_shared>> -> memref<10240xf32, #tpu.memory_space<vmem_shared>>
        tpu.enqueue_indirect_dma source(%dma_start3A_230 : memref<2560xf32, #tpu.memory_space<vmem>>) target(%dma_start3A_235 : memref<10240xf32, #tpu.memory_space<vmem_shared>>) offsets(%dma_start3A_233 : memref<2560xi32, #tpu.memory_space<vmem>>) semaphore(%arg25 : memref<!tpu.dma_semaphore, #tpu.memory_space<semaphore_mem>>) {add = true}
        %dma_start3A_236 = arith.constant 0 : i32
        %dma_start3A_237 = arith.constant 0 : i32
        %dma_start3A_238 = arith.constant 0 : i32
        %dma_start3A_239 = tpu.memref_slice %arg20[%dma_start3A_236, %dma_start3A_238] : memref<2x2560xf32, #tpu.memory_space<vmem>> -> memref<1x2560xf32, #tpu.memory_space<vmem>>
        %dma_start3A_240 = tpu.memref_squeeze %dma_start3A_239 : memref<1x2560xf32, #tpu.memory_space<vmem>> -> memref<2560xf32, #tpu.memory_space<vmem>>
        %dma_start3A_241 = arith.constant 0 : i32
        %dma_start3A_242 = tpu.memref_slice %arg17[%dma_start3A_237, %dma_start3A_241] : memref<2x2560xi32, #tpu.memory_space<vmem>> -> memref<1x2560xi32, #tpu.memory_space<vmem>>
        %dma_start3A_243 = tpu.memref_squeeze %dma_start3A_242 : memref<1x2560xi32, #tpu.memory_space<vmem>> -> memref<2560xi32, #tpu.memory_space<vmem>>
        %dma_start3A_244 = arith.constant 0 : i32
        %dma_start3A_245 = tpu.memref_slice %arg32[%dma_start3A_244] : memref<10240xf32, #tpu.memory_space<vmem_shared>> -> memref<10240xf32, #tpu.memory_space<vmem_shared>>
        tpu.enqueue_indirect_dma source(%dma_start3A_240 : memref<2560xf32, #tpu.memory_space<vmem>>) target(%dma_start3A_245 : memref<10240xf32, #tpu.memory_space<vmem_shared>>) offsets(%dma_start3A_243 : memref<2560xi32, #tpu.memory_space<vmem>>) semaphore(%arg25 : memref<!tpu.dma_semaphore, #tpu.memory_space<semaphore_mem>>) {add = true}
        %dma_start3A_246 = arith.constant 0 : i32
        %dma_start3A_247 = arith.constant 0 : i32
        %dma_start3A_248 = arith.constant 0 : i32
        %dma_start3A_249 = tpu.memref_slice %arg21[%dma_start3A_246, %dma_start3A_248] : memref<2x2560xf32, #tpu.memory_space<vmem>> -> memref<1x2560xf32, #tpu.memory_space<vmem>>
        %dma_start3A_250 = tpu.memref_squeeze %dma_start3A_249 : memref<1x2560xf32, #tpu.memory_space<vmem>> -> memref<2560xf32, #tpu.memory_space<vmem>>
        %dma_start3A_251 = arith.constant 0 : i32
        %dma_start3A_252 = tpu.memref_slice %arg17[%dma_start3A_247, %dma_start3A_251] : memref<2x2560xi32, #tpu.memory_space<vmem>> -> memref<1x2560xi32, #tpu.memory_space<vmem>>
        %dma_start3A_253 = tpu.memref_squeeze %dma_start3A_252 : memref<1x2560xi32, #tpu.memory_space<vmem>> -> memref<2560xi32, #tpu.memory_space<vmem>>
        %dma_start3A_254 = arith.constant 0 : i32
        %dma_start3A_255 = tpu.memref_slice %arg33[%dma_start3A_254] : memref<10240xf32, #tpu.memory_space<vmem_shared>> -> memref<10240xf32, #tpu.memory_space<vmem_shared>>
        tpu.enqueue_indirect_dma source(%dma_start3A_250 : memref<2560xf32, #tpu.memory_space<vmem>>) target(%dma_start3A_255 : memref<10240xf32, #tpu.memory_space<vmem_shared>>) offsets(%dma_start3A_253 : memref<2560xi32, #tpu.memory_space<vmem>>) semaphore(%arg25 : memref<!tpu.dma_semaphore, #tpu.memory_space<semaphore_mem>>) {add = true}
      } else {
      }
      %mul3A_73 = arith.constant 2 : i32
      %mul3A_74 = arith.muli %mul3A_73, %scan3A_60 : i32
      %add3A_75 = arith.constant 1 : i32
      %add3A_76 = arith.addi %mul3A_74, %add3A_75 : i32
      %mul3A_77 = arith.constant 32 : i32
      %mul3A_78 = arith.muli %mul3A_77, %add3A_76 : i32
      %add3A_79 = arith.addi %add3A, %mul3A_78 : i32
      %lt3A_80 = arith.constant 125 : i32
      %lt3A_81 = arith.cmpi slt, %add3A_79, %lt3A_80 : i32
      %convert_element_type3A_82 = arith.extui %lt3A_81 : i1 to i32
      %cond3A_83 = arith.constant 0 : i32
      %cond3A_84 = arith.cmpi ne, %convert_element_type3A_82, %cond3A_83 : i32
      scf.if %cond3A_84 {
        %mul3A_85 = arith.constant 2560 : i32
        %mul3A_86 = arith.muli %add3A_79, %mul3A_85 : i32
        %dma_wait3A_87 = arith.constant 1 : i32
        %dma_wait3A_88 = arith.constant 0 : i32
        %dma_wait3A_89 = tpu.memref_slice %arg14[%dma_wait3A_87, %dma_wait3A_88] : memref<2x2560xi32, #tpu.memory_space<vmem>> -> memref<1x2560xi32, #tpu.memory_space<vmem>>
        %dma_wait3A_90 = tpu.memref_squeeze %dma_wait3A_89 : memref<1x2560xi32, #tpu.memory_space<vmem>> -> memref<2560xi32, #tpu.memory_space<vmem>>
        %dma_wait3A_91 = tpu.memref_slice %arg2[%mul3A_86] : memref<320000xi32, #tpu.memory_space<hbm>> -> memref<2560xi32, #tpu.memory_space<hbm>>
        %dma_wait3A_92 = arith.constant 0 : i32
        %dma_wait3A_93 = tpu.memref_slice %arg14[%dma_wait3A_87, %dma_wait3A_92] : memref<2x2560xi32, #tpu.memory_space<vmem>> -> memref<1x2560xi32, #tpu.memory_space<vmem>>
        %dma_wait3A_94 = tpu.memref_squeeze %dma_wait3A_93 : memref<1x2560xi32, #tpu.memory_space<vmem>> -> memref<2560xi32, #tpu.memory_space<vmem>>
        %dma_wait3A_95 = tpu.memref_slice %arg2[%mul3A_86] : memref<320000xi32, #tpu.memory_space<hbm>> -> memref<2560xi32, #tpu.memory_space<hbm>>
        tpu.wait_dma2 semaphore(%arg23 : memref<!tpu.dma_semaphore, #tpu.memory_space<semaphore_mem>>) src(%dma_wait3A_95 : memref<2560xi32, #tpu.memory_space<hbm>>) dst(%dma_wait3A_94 : memref<2560xi32, #tpu.memory_space<vmem>>)
        %dma_wait3A_96 = arith.constant 1 : i32
        %dma_wait3A_97 = arith.constant 0 : i32
        %dma_wait3A_98 = tpu.memref_slice %arg15[%dma_wait3A_96, %dma_wait3A_97] : memref<2x2560xi32, #tpu.memory_space<vmem>> -> memref<1x2560xi32, #tpu.memory_space<vmem>>
        %dma_wait3A_99 = tpu.memref_squeeze %dma_wait3A_98 : memref<1x2560xi32, #tpu.memory_space<vmem>> -> memref<2560xi32, #tpu.memory_space<vmem>>
        %dma_wait3A_100 = tpu.memref_slice %arg3[%mul3A_86] : memref<320000xi32, #tpu.memory_space<hbm>> -> memref<2560xi32, #tpu.memory_space<hbm>>
        %dma_wait3A_101 = arith.constant 0 : i32
        %dma_wait3A_102 = tpu.memref_slice %arg15[%dma_wait3A_96, %dma_wait3A_101] : memref<2x2560xi32, #tpu.memory_space<vmem>> -> memref<1x2560xi32, #tpu.memory_space<vmem>>
        %dma_wait3A_103 = tpu.memref_squeeze %dma_wait3A_102 : memref<1x2560xi32, #tpu.memory_space<vmem>> -> memref<2560xi32, #tpu.memory_space<vmem>>
        %dma_wait3A_104 = tpu.memref_slice %arg3[%mul3A_86] : memref<320000xi32, #tpu.memory_space<hbm>> -> memref<2560xi32, #tpu.memory_space<hbm>>
        tpu.wait_dma2 semaphore(%arg23 : memref<!tpu.dma_semaphore, #tpu.memory_space<semaphore_mem>>) src(%dma_wait3A_104 : memref<2560xi32, #tpu.memory_space<hbm>>) dst(%dma_wait3A_103 : memref<2560xi32, #tpu.memory_space<vmem>>)
        %dma_wait3A_105 = arith.constant 1 : i32
        %dma_wait3A_106 = arith.constant 0 : i32
        %dma_wait3A_107 = tpu.memref_slice %arg16[%dma_wait3A_105, %dma_wait3A_106] : memref<2x2560xi32, #tpu.memory_space<vmem>> -> memref<1x2560xi32, #tpu.memory_space<vmem>>
        %dma_wait3A_108 = tpu.memref_squeeze %dma_wait3A_107 : memref<1x2560xi32, #tpu.memory_space<vmem>> -> memref<2560xi32, #tpu.memory_space<vmem>>
        %dma_wait3A_109 = tpu.memref_slice %arg4[%mul3A_86] : memref<320000xi32, #tpu.memory_space<hbm>> -> memref<2560xi32, #tpu.memory_space<hbm>>
        %dma_wait3A_110 = arith.constant 0 : i32
        %dma_wait3A_111 = tpu.memref_slice %arg16[%dma_wait3A_105, %dma_wait3A_110] : memref<2x2560xi32, #tpu.memory_space<vmem>> -> memref<1x2560xi32, #tpu.memory_space<vmem>>
        %dma_wait3A_112 = tpu.memref_squeeze %dma_wait3A_111 : memref<1x2560xi32, #tpu.memory_space<vmem>> -> memref<2560xi32, #tpu.memory_space<vmem>>
        %dma_wait3A_113 = tpu.memref_slice %arg4[%mul3A_86] : memref<320000xi32, #tpu.memory_space<hbm>> -> memref<2560xi32, #tpu.memory_space<hbm>>
        tpu.wait_dma2 semaphore(%arg23 : memref<!tpu.dma_semaphore, #tpu.memory_space<semaphore_mem>>) src(%dma_wait3A_113 : memref<2560xi32, #tpu.memory_space<hbm>>) dst(%dma_wait3A_112 : memref<2560xi32, #tpu.memory_space<vmem>>)
        %dma_wait3A_114 = arith.constant 1 : i32
        %dma_wait3A_115 = arith.constant 0 : i32
        %dma_wait3A_116 = tpu.memref_slice %arg17[%dma_wait3A_114, %dma_wait3A_115] : memref<2x2560xi32, #tpu.memory_space<vmem>> -> memref<1x2560xi32, #tpu.memory_space<vmem>>
        %dma_wait3A_117 = tpu.memref_squeeze %dma_wait3A_116 : memref<1x2560xi32, #tpu.memory_space<vmem>> -> memref<2560xi32, #tpu.memory_space<vmem>>
        %dma_wait3A_118 = tpu.memref_slice %arg5[%mul3A_86] : memref<320000xi32, #tpu.memory_space<hbm>> -> memref<2560xi32, #tpu.memory_space<hbm>>
        %dma_wait3A_119 = arith.constant 0 : i32
        %dma_wait3A_120 = tpu.memref_slice %arg17[%dma_wait3A_114, %dma_wait3A_119] : memref<2x2560xi32, #tpu.memory_space<vmem>> -> memref<1x2560xi32, #tpu.memory_space<vmem>>
        %dma_wait3A_121 = tpu.memref_squeeze %dma_wait3A_120 : memref<1x2560xi32, #tpu.memory_space<vmem>> -> memref<2560xi32, #tpu.memory_space<vmem>>
        %dma_wait3A_122 = tpu.memref_slice %arg5[%mul3A_86] : memref<320000xi32, #tpu.memory_space<hbm>> -> memref<2560xi32, #tpu.memory_space<hbm>>
        tpu.wait_dma2 semaphore(%arg23 : memref<!tpu.dma_semaphore, #tpu.memory_space<semaphore_mem>>) src(%dma_wait3A_122 : memref<2560xi32, #tpu.memory_space<hbm>>) dst(%dma_wait3A_121 : memref<2560xi32, #tpu.memory_space<vmem>>)
        %dma_start3A = arith.constant 1 : i32
        %dma_start3A_123 = arith.constant 1 : i32
        %dma_start3A_124 = arith.constant 0 : i32
        %dma_start3A_125 = tpu.memref_slice %arg18[%dma_start3A_123, %dma_start3A_124] : memref<2x2560xf32, #tpu.memory_space<vmem>> -> memref<1x2560xf32, #tpu.memory_space<vmem>>
        %dma_start3A_126 = tpu.memref_squeeze %dma_start3A_125 : memref<1x2560xf32, #tpu.memory_space<vmem>> -> memref<2560xf32, #tpu.memory_space<vmem>>
        %dma_start3A_127 = arith.constant 0 : i32
        %dma_start3A_128 = tpu.memref_slice %arg14[%dma_start3A, %dma_start3A_127] : memref<2x2560xi32, #tpu.memory_space<vmem>> -> memref<1x2560xi32, #tpu.memory_space<vmem>>
        %dma_start3A_129 = tpu.memref_squeeze %dma_start3A_128 : memref<1x2560xi32, #tpu.memory_space<vmem>> -> memref<2560xi32, #tpu.memory_space<vmem>>
        %dma_start3A_130 = arith.constant 0 : i32
        %dma_start3A_131 = tpu.memref_slice %arg26[%dma_start3A_130] : memref<10240xf32, #tpu.memory_space<vmem_shared>> -> memref<10240xf32, #tpu.memory_space<vmem_shared>>
        tpu.enqueue_indirect_dma source(%dma_start3A_131 : memref<10240xf32, #tpu.memory_space<vmem_shared>>) target(%dma_start3A_126 : memref<2560xf32, #tpu.memory_space<vmem>>) offsets(%dma_start3A_129 : memref<2560xi32, #tpu.memory_space<vmem>>) semaphore(%arg24 : memref<!tpu.dma_semaphore, #tpu.memory_space<semaphore_mem>>)
        %dma_start3A_132 = arith.constant 1 : i32
        %dma_start3A_133 = arith.constant 1 : i32
        %dma_start3A_134 = arith.constant 0 : i32
        %dma_start3A_135 = tpu.memref_slice %arg19[%dma_start3A_133, %dma_start3A_134] : memref<2x2560xf32, #tpu.memory_space<vmem>> -> memref<1x2560xf32, #tpu.memory_space<vmem>>
        %dma_start3A_136 = tpu.memref_squeeze %dma_start3A_135 : memref<1x2560xf32, #tpu.memory_space<vmem>> -> memref<2560xf32, #tpu.memory_space<vmem>>
        %dma_start3A_137 = arith.constant 0 : i32
        %dma_start3A_138 = tpu.memref_slice %arg14[%dma_start3A_132, %dma_start3A_137] : memref<2x2560xi32, #tpu.memory_space<vmem>> -> memref<1x2560xi32, #tpu.memory_space<vmem>>
        %dma_start3A_139 = tpu.memref_squeeze %dma_start3A_138 : memref<1x2560xi32, #tpu.memory_space<vmem>> -> memref<2560xi32, #tpu.memory_space<vmem>>
        %dma_start3A_140 = arith.constant 0 : i32
        %dma_start3A_141 = tpu.memref_slice %arg27[%dma_start3A_140] : memref<10240xf32, #tpu.memory_space<vmem_shared>> -> memref<10240xf32, #tpu.memory_space<vmem_shared>>
        tpu.enqueue_indirect_dma source(%dma_start3A_141 : memref<10240xf32, #tpu.memory_space<vmem_shared>>) target(%dma_start3A_136 : memref<2560xf32, #tpu.memory_space<vmem>>) offsets(%dma_start3A_139 : memref<2560xi32, #tpu.memory_space<vmem>>) semaphore(%arg24 : memref<!tpu.dma_semaphore, #tpu.memory_space<semaphore_mem>>)
        %dma_start3A_142 = arith.constant 1 : i32
        %dma_start3A_143 = arith.constant 1 : i32
        %dma_start3A_144 = arith.constant 0 : i32
        %dma_start3A_145 = tpu.memref_slice %arg20[%dma_start3A_143, %dma_start3A_144] : memref<2x2560xf32, #tpu.memory_space<vmem>> -> memref<1x2560xf32, #tpu.memory_space<vmem>>
        %dma_start3A_146 = tpu.memref_squeeze %dma_start3A_145 : memref<1x2560xf32, #tpu.memory_space<vmem>> -> memref<2560xf32, #tpu.memory_space<vmem>>
        %dma_start3A_147 = arith.constant 0 : i32
        %dma_start3A_148 = tpu.memref_slice %arg16[%dma_start3A_142, %dma_start3A_147] : memref<2x2560xi32, #tpu.memory_space<vmem>> -> memref<1x2560xi32, #tpu.memory_space<vmem>>
        %dma_start3A_149 = tpu.memref_squeeze %dma_start3A_148 : memref<1x2560xi32, #tpu.memory_space<vmem>> -> memref<2560xi32, #tpu.memory_space<vmem>>
        %dma_start3A_150 = arith.constant 0 : i32
        %dma_start3A_151 = tpu.memref_slice %arg28[%dma_start3A_150] : memref<10240xf32, #tpu.memory_space<vmem_shared>> -> memref<10240xf32, #tpu.memory_space<vmem_shared>>
        tpu.enqueue_indirect_dma source(%dma_start3A_151 : memref<10240xf32, #tpu.memory_space<vmem_shared>>) target(%dma_start3A_146 : memref<2560xf32, #tpu.memory_space<vmem>>) offsets(%dma_start3A_149 : memref<2560xi32, #tpu.memory_space<vmem>>) semaphore(%arg24 : memref<!tpu.dma_semaphore, #tpu.memory_space<semaphore_mem>>)
        %dma_start3A_152 = arith.constant 1 : i32
        %dma_start3A_153 = arith.constant 1 : i32
        %dma_start3A_154 = arith.constant 0 : i32
        %dma_start3A_155 = tpu.memref_slice %arg21[%dma_start3A_153, %dma_start3A_154] : memref<2x2560xf32, #tpu.memory_space<vmem>> -> memref<1x2560xf32, #tpu.memory_space<vmem>>
        %dma_start3A_156 = tpu.memref_squeeze %dma_start3A_155 : memref<1x2560xf32, #tpu.memory_space<vmem>> -> memref<2560xf32, #tpu.memory_space<vmem>>
        %dma_start3A_157 = arith.constant 0 : i32
        %dma_start3A_158 = tpu.memref_slice %arg16[%dma_start3A_152, %dma_start3A_157] : memref<2x2560xi32, #tpu.memory_space<vmem>> -> memref<1x2560xi32, #tpu.memory_space<vmem>>
        %dma_start3A_159 = tpu.memref_squeeze %dma_start3A_158 : memref<1x2560xi32, #tpu.memory_space<vmem>> -> memref<2560xi32, #tpu.memory_space<vmem>>
        %dma_start3A_160 = arith.constant 0 : i32
        %dma_start3A_161 = tpu.memref_slice %arg29[%dma_start3A_160] : memref<10240xf32, #tpu.memory_space<vmem_shared>> -> memref<10240xf32, #tpu.memory_space<vmem_shared>>
        tpu.enqueue_indirect_dma source(%dma_start3A_161 : memref<10240xf32, #tpu.memory_space<vmem_shared>>) target(%dma_start3A_156 : memref<2560xf32, #tpu.memory_space<vmem>>) offsets(%dma_start3A_159 : memref<2560xi32, #tpu.memory_space<vmem>>) semaphore(%arg24 : memref<!tpu.dma_semaphore, #tpu.memory_space<semaphore_mem>>)
        %ge3A = arith.constant 1 : i32
        %ge3A_162 = arith.cmpi sge, %add3A_76, %ge3A : i32
        %convert_element_type3A_163 = arith.extui %ge3A_162 : i1 to i32
        %cond3A_164 = arith.constant 0 : i32
        %cond3A_165 = arith.cmpi ne, %convert_element_type3A_163, %cond3A_164 : i32
        scf.if %cond3A_165 {
          %dma_wait3A_256 = arith.constant 0 : i32
          %dma_wait3A_257 = arith.constant 0 : i32
          %dma_wait3A_258 = arith.constant 0 : i32
          %dma_wait3A_259 = tpu.memref_slice %arg18[%dma_wait3A_256, %dma_wait3A_258] : memref<2x2560xf32, #tpu.memory_space<vmem>> -> memref<1x2560xf32, #tpu.memory_space<vmem>>
          %dma_wait3A_260 = tpu.memref_squeeze %dma_wait3A_259 : memref<1x2560xf32, #tpu.memory_space<vmem>> -> memref<2560xf32, #tpu.memory_space<vmem>>
          %dma_wait3A_261 = arith.constant 0 : i32
          %dma_wait3A_262 = tpu.memref_slice %arg15[%dma_wait3A_257, %dma_wait3A_261] : memref<2x2560xi32, #tpu.memory_space<vmem>> -> memref<1x2560xi32, #tpu.memory_space<vmem>>
          %dma_wait3A_263 = tpu.memref_squeeze %dma_wait3A_262 : memref<1x2560xi32, #tpu.memory_space<vmem>> -> memref<2560xi32, #tpu.memory_space<vmem>>
          %dma_wait3A_264 = arith.constant 0 : i32
          %dma_wait3A_265 = tpu.memref_slice %arg30[%dma_wait3A_264] : memref<10240xf32, #tpu.memory_space<vmem_shared>> -> memref<10240xf32, #tpu.memory_space<vmem_shared>>
          tpu.wait_indirect_dma semaphore(%arg25 : memref<!tpu.dma_semaphore, #tpu.memory_space<semaphore_mem>>) src(%dma_wait3A_260 : memref<2560xf32, #tpu.memory_space<vmem>>) dst(%dma_wait3A_265 : memref<10240xf32, #tpu.memory_space<vmem_shared>>)
          %dma_wait3A_266 = arith.constant 0 : i32
          %dma_wait3A_267 = arith.constant 0 : i32
          %dma_wait3A_268 = arith.constant 0 : i32
          %dma_wait3A_269 = tpu.memref_slice %arg19[%dma_wait3A_266, %dma_wait3A_268] : memref<2x2560xf32, #tpu.memory_space<vmem>> -> memref<1x2560xf32, #tpu.memory_space<vmem>>
          %dma_wait3A_270 = tpu.memref_squeeze %dma_wait3A_269 : memref<1x2560xf32, #tpu.memory_space<vmem>> -> memref<2560xf32, #tpu.memory_space<vmem>>
          %dma_wait3A_271 = arith.constant 0 : i32
          %dma_wait3A_272 = tpu.memref_slice %arg15[%dma_wait3A_267, %dma_wait3A_271] : memref<2x2560xi32, #tpu.memory_space<vmem>> -> memref<1x2560xi32, #tpu.memory_space<vmem>>
          %dma_wait3A_273 = tpu.memref_squeeze %dma_wait3A_272 : memref<1x2560xi32, #tpu.memory_space<vmem>> -> memref<2560xi32, #tpu.memory_space<vmem>>
          %dma_wait3A_274 = arith.constant 0 : i32
          %dma_wait3A_275 = tpu.memref_slice %arg31[%dma_wait3A_274] : memref<10240xf32, #tpu.memory_space<vmem_shared>> -> memref<10240xf32, #tpu.memory_space<vmem_shared>>
          tpu.wait_indirect_dma semaphore(%arg25 : memref<!tpu.dma_semaphore, #tpu.memory_space<semaphore_mem>>) src(%dma_wait3A_270 : memref<2560xf32, #tpu.memory_space<vmem>>) dst(%dma_wait3A_275 : memref<10240xf32, #tpu.memory_space<vmem_shared>>)
          %dma_wait3A_276 = arith.constant 0 : i32
          %dma_wait3A_277 = arith.constant 0 : i32
          %dma_wait3A_278 = arith.constant 0 : i32
          %dma_wait3A_279 = tpu.memref_slice %arg20[%dma_wait3A_276, %dma_wait3A_278] : memref<2x2560xf32, #tpu.memory_space<vmem>> -> memref<1x2560xf32, #tpu.memory_space<vmem>>
          %dma_wait3A_280 = tpu.memref_squeeze %dma_wait3A_279 : memref<1x2560xf32, #tpu.memory_space<vmem>> -> memref<2560xf32, #tpu.memory_space<vmem>>
          %dma_wait3A_281 = arith.constant 0 : i32
          %dma_wait3A_282 = tpu.memref_slice %arg17[%dma_wait3A_277, %dma_wait3A_281] : memref<2x2560xi32, #tpu.memory_space<vmem>> -> memref<1x2560xi32, #tpu.memory_space<vmem>>
          %dma_wait3A_283 = tpu.memref_squeeze %dma_wait3A_282 : memref<1x2560xi32, #tpu.memory_space<vmem>> -> memref<2560xi32, #tpu.memory_space<vmem>>
          %dma_wait3A_284 = arith.constant 0 : i32
          %dma_wait3A_285 = tpu.memref_slice %arg32[%dma_wait3A_284] : memref<10240xf32, #tpu.memory_space<vmem_shared>> -> memref<10240xf32, #tpu.memory_space<vmem_shared>>
          tpu.wait_indirect_dma semaphore(%arg25 : memref<!tpu.dma_semaphore, #tpu.memory_space<semaphore_mem>>) src(%dma_wait3A_280 : memref<2560xf32, #tpu.memory_space<vmem>>) dst(%dma_wait3A_285 : memref<10240xf32, #tpu.memory_space<vmem_shared>>)
          %dma_wait3A_286 = arith.constant 0 : i32
          %dma_wait3A_287 = arith.constant 0 : i32
          %dma_wait3A_288 = arith.constant 0 : i32
          %dma_wait3A_289 = tpu.memref_slice %arg21[%dma_wait3A_286, %dma_wait3A_288] : memref<2x2560xf32, #tpu.memory_space<vmem>> -> memref<1x2560xf32, #tpu.memory_space<vmem>>
          %dma_wait3A_290 = tpu.memref_squeeze %dma_wait3A_289 : memref<1x2560xf32, #tpu.memory_space<vmem>> -> memref<2560xf32, #tpu.memory_space<vmem>>
          %dma_wait3A_291 = arith.constant 0 : i32
          %dma_wait3A_292 = tpu.memref_slice %arg17[%dma_wait3A_287, %dma_wait3A_291] : memref<2x2560xi32, #tpu.memory_space<vmem>> -> memref<1x2560xi32, #tpu.memory_space<vmem>>
          %dma_wait3A_293 = tpu.memref_squeeze %dma_wait3A_292 : memref<1x2560xi32, #tpu.memory_space<vmem>> -> memref<2560xi32, #tpu.memory_space<vmem>>
          %dma_wait3A_294 = arith.constant 0 : i32
          %dma_wait3A_295 = tpu.memref_slice %arg33[%dma_wait3A_294] : memref<10240xf32, #tpu.memory_space<vmem_shared>> -> memref<10240xf32, #tpu.memory_space<vmem_shared>>
          tpu.wait_indirect_dma semaphore(%arg25 : memref<!tpu.dma_semaphore, #tpu.memory_space<semaphore_mem>>) src(%dma_wait3A_290 : memref<2560xf32, #tpu.memory_space<vmem>>) dst(%dma_wait3A_295 : memref<10240xf32, #tpu.memory_space<vmem_shared>>)
        } else {
        }
        %add3A_166 = arith.constant 1 : i32
        %add3A_167 = arith.addi %add3A_76, %add3A_166 : i32
        %mul3A_168 = arith.constant 32 : i32
        %mul3A_169 = arith.muli %mul3A_168, %add3A_167 : i32
        %add3A_170 = arith.addi %add3A, %mul3A_169 : i32
        %lt3A_171 = arith.constant 125 : i32
        %lt3A_172 = arith.cmpi slt, %add3A_170, %lt3A_171 : i32
        %convert_element_type3A_173 = arith.extui %lt3A_172 : i1 to i32
        %cond3A_174 = arith.constant 0 : i32
        %cond3A_175 = arith.cmpi ne, %convert_element_type3A_173, %cond3A_174 : i32
        scf.if %cond3A_175 {
          %mul3A_256 = arith.constant 2560 : i32
          %mul3A_257 = arith.muli %add3A_170, %mul3A_256 : i32
          %dma_start3A_258 = arith.constant 0 : i32
          %dma_start3A_259 = arith.constant 0 : i32
          %dma_start3A_260 = tpu.memref_slice %arg14[%dma_start3A_258, %dma_start3A_259] : memref<2x2560xi32, #tpu.memory_space<vmem>> -> memref<1x2560xi32, #tpu.memory_space<vmem>>
          %dma_start3A_261 = tpu.memref_squeeze %dma_start3A_260 : memref<1x2560xi32, #tpu.memory_space<vmem>> -> memref<2560xi32, #tpu.memory_space<vmem>>
          %dma_start3A_262 = tpu.memref_slice %arg2[%mul3A_257] : memref<320000xi32, #tpu.memory_space<hbm>> -> memref<2560xi32, #tpu.memory_space<hbm>>
          %dma_start3A_263 = arith.constant 0 : i32
          %dma_start3A_264 = tpu.memref_slice %arg14[%dma_start3A_258, %dma_start3A_263] : memref<2x2560xi32, #tpu.memory_space<vmem>> -> memref<1x2560xi32, #tpu.memory_space<vmem>>
          %dma_start3A_265 = tpu.memref_squeeze %dma_start3A_264 : memref<1x2560xi32, #tpu.memory_space<vmem>> -> memref<2560xi32, #tpu.memory_space<vmem>>
          %dma_start3A_266 = tpu.memref_slice %arg2[%mul3A_257] : memref<320000xi32, #tpu.memory_space<hbm>> -> memref<2560xi32, #tpu.memory_space<hbm>>
          tpu.enqueue_dma source(%dma_start3A_266 : memref<2560xi32, #tpu.memory_space<hbm>>) target(%dma_start3A_265 : memref<2560xi32, #tpu.memory_space<vmem>>) target_semaphore(%arg23 : memref<!tpu.dma_semaphore, #tpu.memory_space<semaphore_mem>>)
          %dma_start3A_267 = arith.constant 0 : i32
          %dma_start3A_268 = arith.constant 0 : i32
          %dma_start3A_269 = tpu.memref_slice %arg15[%dma_start3A_267, %dma_start3A_268] : memref<2x2560xi32, #tpu.memory_space<vmem>> -> memref<1x2560xi32, #tpu.memory_space<vmem>>
          %dma_start3A_270 = tpu.memref_squeeze %dma_start3A_269 : memref<1x2560xi32, #tpu.memory_space<vmem>> -> memref<2560xi32, #tpu.memory_space<vmem>>
          %dma_start3A_271 = tpu.memref_slice %arg3[%mul3A_257] : memref<320000xi32, #tpu.memory_space<hbm>> -> memref<2560xi32, #tpu.memory_space<hbm>>
          %dma_start3A_272 = arith.constant 0 : i32
          %dma_start3A_273 = tpu.memref_slice %arg15[%dma_start3A_267, %dma_start3A_272] : memref<2x2560xi32, #tpu.memory_space<vmem>> -> memref<1x2560xi32, #tpu.memory_space<vmem>>
          %dma_start3A_274 = tpu.memref_squeeze %dma_start3A_273 : memref<1x2560xi32, #tpu.memory_space<vmem>> -> memref<2560xi32, #tpu.memory_space<vmem>>
          %dma_start3A_275 = tpu.memref_slice %arg3[%mul3A_257] : memref<320000xi32, #tpu.memory_space<hbm>> -> memref<2560xi32, #tpu.memory_space<hbm>>
          tpu.enqueue_dma source(%dma_start3A_275 : memref<2560xi32, #tpu.memory_space<hbm>>) target(%dma_start3A_274 : memref<2560xi32, #tpu.memory_space<vmem>>) target_semaphore(%arg23 : memref<!tpu.dma_semaphore, #tpu.memory_space<semaphore_mem>>)
          %dma_start3A_276 = arith.constant 0 : i32
          %dma_start3A_277 = arith.constant 0 : i32
          %dma_start3A_278 = tpu.memref_slice %arg16[%dma_start3A_276, %dma_start3A_277] : memref<2x2560xi32, #tpu.memory_space<vmem>> -> memref<1x2560xi32, #tpu.memory_space<vmem>>
          %dma_start3A_279 = tpu.memref_squeeze %dma_start3A_278 : memref<1x2560xi32, #tpu.memory_space<vmem>> -> memref<2560xi32, #tpu.memory_space<vmem>>
          %dma_start3A_280 = tpu.memref_slice %arg4[%mul3A_257] : memref<320000xi32, #tpu.memory_space<hbm>> -> memref<2560xi32, #tpu.memory_space<hbm>>
          %dma_start3A_281 = arith.constant 0 : i32
          %dma_start3A_282 = tpu.memref_slice %arg16[%dma_start3A_276, %dma_start3A_281] : memref<2x2560xi32, #tpu.memory_space<vmem>> -> memref<1x2560xi32, #tpu.memory_space<vmem>>
          %dma_start3A_283 = tpu.memref_squeeze %dma_start3A_282 : memref<1x2560xi32, #tpu.memory_space<vmem>> -> memref<2560xi32, #tpu.memory_space<vmem>>
          %dma_start3A_284 = tpu.memref_slice %arg4[%mul3A_257] : memref<320000xi32, #tpu.memory_space<hbm>> -> memref<2560xi32, #tpu.memory_space<hbm>>
          tpu.enqueue_dma source(%dma_start3A_284 : memref<2560xi32, #tpu.memory_space<hbm>>) target(%dma_start3A_283 : memref<2560xi32, #tpu.memory_space<vmem>>) target_semaphore(%arg23 : memref<!tpu.dma_semaphore, #tpu.memory_space<semaphore_mem>>)
          %dma_start3A_285 = arith.constant 0 : i32
          %dma_start3A_286 = arith.constant 0 : i32
          %dma_start3A_287 = tpu.memref_slice %arg17[%dma_start3A_285, %dma_start3A_286] : memref<2x2560xi32, #tpu.memory_space<vmem>> -> memref<1x2560xi32, #tpu.memory_space<vmem>>
          %dma_start3A_288 = tpu.memref_squeeze %dma_start3A_287 : memref<1x2560xi32, #tpu.memory_space<vmem>> -> memref<2560xi32, #tpu.memory_space<vmem>>
          %dma_start3A_289 = tpu.memref_slice %arg5[%mul3A_257] : memref<320000xi32, #tpu.memory_space<hbm>> -> memref<2560xi32, #tpu.memory_space<hbm>>
          %dma_start3A_290 = arith.constant 0 : i32
          %dma_start3A_291 = tpu.memref_slice %arg17[%dma_start3A_285, %dma_start3A_290] : memref<2x2560xi32, #tpu.memory_space<vmem>> -> memref<1x2560xi32, #tpu.memory_space<vmem>>
          %dma_start3A_292 = tpu.memref_squeeze %dma_start3A_291 : memref<1x2560xi32, #tpu.memory_space<vmem>> -> memref<2560xi32, #tpu.memory_space<vmem>>
          %dma_start3A_293 = tpu.memref_slice %arg5[%mul3A_257] : memref<320000xi32, #tpu.memory_space<hbm>> -> memref<2560xi32, #tpu.memory_space<hbm>>
          tpu.enqueue_dma source(%dma_start3A_293 : memref<2560xi32, #tpu.memory_space<hbm>>) target(%dma_start3A_292 : memref<2560xi32, #tpu.memory_space<vmem>>) target_semaphore(%arg23 : memref<!tpu.dma_semaphore, #tpu.memory_space<semaphore_mem>>)
        } else {
        }
        %dma_wait3A_176 = arith.constant 1 : i32
        %dma_wait3A_177 = arith.constant 1 : i32
        %dma_wait3A_178 = arith.constant 0 : i32
        %dma_wait3A_179 = tpu.memref_slice %arg18[%dma_wait3A_177, %dma_wait3A_178] : memref<2x2560xf32, #tpu.memory_space<vmem>> -> memref<1x2560xf32, #tpu.memory_space<vmem>>
        %dma_wait3A_180 = tpu.memref_squeeze %dma_wait3A_179 : memref<1x2560xf32, #tpu.memory_space<vmem>> -> memref<2560xf32, #tpu.memory_space<vmem>>
        %dma_wait3A_181 = arith.constant 0 : i32
        %dma_wait3A_182 = tpu.memref_slice %arg14[%dma_wait3A_176, %dma_wait3A_181] : memref<2x2560xi32, #tpu.memory_space<vmem>> -> memref<1x2560xi32, #tpu.memory_space<vmem>>
        %dma_wait3A_183 = tpu.memref_squeeze %dma_wait3A_182 : memref<1x2560xi32, #tpu.memory_space<vmem>> -> memref<2560xi32, #tpu.memory_space<vmem>>
        %dma_wait3A_184 = arith.constant 0 : i32
        %dma_wait3A_185 = tpu.memref_slice %arg26[%dma_wait3A_184] : memref<10240xf32, #tpu.memory_space<vmem_shared>> -> memref<10240xf32, #tpu.memory_space<vmem_shared>>
        tpu.wait_indirect_dma semaphore(%arg24 : memref<!tpu.dma_semaphore, #tpu.memory_space<semaphore_mem>>) src(%dma_wait3A_185 : memref<10240xf32, #tpu.memory_space<vmem_shared>>) dst(%dma_wait3A_180 : memref<2560xf32, #tpu.memory_space<vmem>>)
        %dma_wait3A_186 = arith.constant 1 : i32
        %dma_wait3A_187 = arith.constant 1 : i32
        %dma_wait3A_188 = arith.constant 0 : i32
        %dma_wait3A_189 = tpu.memref_slice %arg19[%dma_wait3A_187, %dma_wait3A_188] : memref<2x2560xf32, #tpu.memory_space<vmem>> -> memref<1x2560xf32, #tpu.memory_space<vmem>>
        %dma_wait3A_190 = tpu.memref_squeeze %dma_wait3A_189 : memref<1x2560xf32, #tpu.memory_space<vmem>> -> memref<2560xf32, #tpu.memory_space<vmem>>
        %dma_wait3A_191 = arith.constant 0 : i32
        %dma_wait3A_192 = tpu.memref_slice %arg14[%dma_wait3A_186, %dma_wait3A_191] : memref<2x2560xi32, #tpu.memory_space<vmem>> -> memref<1x2560xi32, #tpu.memory_space<vmem>>
        %dma_wait3A_193 = tpu.memref_squeeze %dma_wait3A_192 : memref<1x2560xi32, #tpu.memory_space<vmem>> -> memref<2560xi32, #tpu.memory_space<vmem>>
        %dma_wait3A_194 = arith.constant 0 : i32
        %dma_wait3A_195 = tpu.memref_slice %arg27[%dma_wait3A_194] : memref<10240xf32, #tpu.memory_space<vmem_shared>> -> memref<10240xf32, #tpu.memory_space<vmem_shared>>
        tpu.wait_indirect_dma semaphore(%arg24 : memref<!tpu.dma_semaphore, #tpu.memory_space<semaphore_mem>>) src(%dma_wait3A_195 : memref<10240xf32, #tpu.memory_space<vmem_shared>>) dst(%dma_wait3A_190 : memref<2560xf32, #tpu.memory_space<vmem>>)
        %dma_wait3A_196 = arith.constant 1 : i32
        %dma_wait3A_197 = arith.constant 1 : i32
        %dma_wait3A_198 = arith.constant 0 : i32
        %dma_wait3A_199 = tpu.memref_slice %arg20[%dma_wait3A_197, %dma_wait3A_198] : memref<2x2560xf32, #tpu.memory_space<vmem>> -> memref<1x2560xf32, #tpu.memory_space<vmem>>
        %dma_wait3A_200 = tpu.memref_squeeze %dma_wait3A_199 : memref<1x2560xf32, #tpu.memory_space<vmem>> -> memref<2560xf32, #tpu.memory_space<vmem>>
        %dma_wait3A_201 = arith.constant 0 : i32
        %dma_wait3A_202 = tpu.memref_slice %arg16[%dma_wait3A_196, %dma_wait3A_201] : memref<2x2560xi32, #tpu.memory_space<vmem>> -> memref<1x2560xi32, #tpu.memory_space<vmem>>
        %dma_wait3A_203 = tpu.memref_squeeze %dma_wait3A_202 : memref<1x2560xi32, #tpu.memory_space<vmem>> -> memref<2560xi32, #tpu.memory_space<vmem>>
        %dma_wait3A_204 = arith.constant 0 : i32
        %dma_wait3A_205 = tpu.memref_slice %arg28[%dma_wait3A_204] : memref<10240xf32, #tpu.memory_space<vmem_shared>> -> memref<10240xf32, #tpu.memory_space<vmem_shared>>
        tpu.wait_indirect_dma semaphore(%arg24 : memref<!tpu.dma_semaphore, #tpu.memory_space<semaphore_mem>>) src(%dma_wait3A_205 : memref<10240xf32, #tpu.memory_space<vmem_shared>>) dst(%dma_wait3A_200 : memref<2560xf32, #tpu.memory_space<vmem>>)
        %dma_wait3A_206 = arith.constant 1 : i32
        %dma_wait3A_207 = arith.constant 1 : i32
        %dma_wait3A_208 = arith.constant 0 : i32
        %dma_wait3A_209 = tpu.memref_slice %arg21[%dma_wait3A_207, %dma_wait3A_208] : memref<2x2560xf32, #tpu.memory_space<vmem>> -> memref<1x2560xf32, #tpu.memory_space<vmem>>
        %dma_wait3A_210 = tpu.memref_squeeze %dma_wait3A_209 : memref<1x2560xf32, #tpu.memory_space<vmem>> -> memref<2560xf32, #tpu.memory_space<vmem>>
        %dma_wait3A_211 = arith.constant 0 : i32
        %dma_wait3A_212 = tpu.memref_slice %arg16[%dma_wait3A_206, %dma_wait3A_211] : memref<2x2560xi32, #tpu.memory_space<vmem>> -> memref<1x2560xi32, #tpu.memory_space<vmem>>
        %dma_wait3A_213 = tpu.memref_squeeze %dma_wait3A_212 : memref<1x2560xi32, #tpu.memory_space<vmem>> -> memref<2560xi32, #tpu.memory_space<vmem>>
        %dma_wait3A_214 = arith.constant 0 : i32
        %dma_wait3A_215 = tpu.memref_slice %arg29[%dma_wait3A_214] : memref<10240xf32, #tpu.memory_space<vmem_shared>> -> memref<10240xf32, #tpu.memory_space<vmem_shared>>
        tpu.wait_indirect_dma semaphore(%arg24 : memref<!tpu.dma_semaphore, #tpu.memory_space<semaphore_mem>>) src(%dma_wait3A_215 : memref<10240xf32, #tpu.memory_space<vmem_shared>>) dst(%dma_wait3A_210 : memref<2560xf32, #tpu.memory_space<vmem>>)
        %dma_start3A_216 = arith.constant 1 : i32
        %dma_start3A_217 = arith.constant 1 : i32
        %dma_start3A_218 = arith.constant 0 : i32
        %dma_start3A_219 = tpu.memref_slice %arg18[%dma_start3A_216, %dma_start3A_218] : memref<2x2560xf32, #tpu.memory_space<vmem>> -> memref<1x2560xf32, #tpu.memory_space<vmem>>
        %dma_start3A_220 = tpu.memref_squeeze %dma_start3A_219 : memref<1x2560xf32, #tpu.memory_space<vmem>> -> memref<2560xf32, #tpu.memory_space<vmem>>
        %dma_start3A_221 = arith.constant 0 : i32
        %dma_start3A_222 = tpu.memref_slice %arg15[%dma_start3A_217, %dma_start3A_221] : memref<2x2560xi32, #tpu.memory_space<vmem>> -> memref<1x2560xi32, #tpu.memory_space<vmem>>
        %dma_start3A_223 = tpu.memref_squeeze %dma_start3A_222 : memref<1x2560xi32, #tpu.memory_space<vmem>> -> memref<2560xi32, #tpu.memory_space<vmem>>
        %dma_start3A_224 = arith.constant 0 : i32
        %dma_start3A_225 = tpu.memref_slice %arg30[%dma_start3A_224] : memref<10240xf32, #tpu.memory_space<vmem_shared>> -> memref<10240xf32, #tpu.memory_space<vmem_shared>>
        tpu.enqueue_indirect_dma source(%dma_start3A_220 : memref<2560xf32, #tpu.memory_space<vmem>>) target(%dma_start3A_225 : memref<10240xf32, #tpu.memory_space<vmem_shared>>) offsets(%dma_start3A_223 : memref<2560xi32, #tpu.memory_space<vmem>>) semaphore(%arg25 : memref<!tpu.dma_semaphore, #tpu.memory_space<semaphore_mem>>) {add = true}
        %dma_start3A_226 = arith.constant 1 : i32
        %dma_start3A_227 = arith.constant 1 : i32
        %dma_start3A_228 = arith.constant 0 : i32
        %dma_start3A_229 = tpu.memref_slice %arg19[%dma_start3A_226, %dma_start3A_228] : memref<2x2560xf32, #tpu.memory_space<vmem>> -> memref<1x2560xf32, #tpu.memory_space<vmem>>
        %dma_start3A_230 = tpu.memref_squeeze %dma_start3A_229 : memref<1x2560xf32, #tpu.memory_space<vmem>> -> memref<2560xf32, #tpu.memory_space<vmem>>
        %dma_start3A_231 = arith.constant 0 : i32
        %dma_start3A_232 = tpu.memref_slice %arg15[%dma_start3A_227, %dma_start3A_231] : memref<2x2560xi32, #tpu.memory_space<vmem>> -> memref<1x2560xi32, #tpu.memory_space<vmem>>
        %dma_start3A_233 = tpu.memref_squeeze %dma_start3A_232 : memref<1x2560xi32, #tpu.memory_space<vmem>> -> memref<2560xi32, #tpu.memory_space<vmem>>
        %dma_start3A_234 = arith.constant 0 : i32
        %dma_start3A_235 = tpu.memref_slice %arg31[%dma_start3A_234] : memref<10240xf32, #tpu.memory_space<vmem_shared>> -> memref<10240xf32, #tpu.memory_space<vmem_shared>>
        tpu.enqueue_indirect_dma source(%dma_start3A_230 : memref<2560xf32, #tpu.memory_space<vmem>>) target(%dma_start3A_235 : memref<10240xf32, #tpu.memory_space<vmem_shared>>) offsets(%dma_start3A_233 : memref<2560xi32, #tpu.memory_space<vmem>>) semaphore(%arg25 : memref<!tpu.dma_semaphore, #tpu.memory_space<semaphore_mem>>) {add = true}
        %dma_start3A_236 = arith.constant 1 : i32
        %dma_start3A_237 = arith.constant 1 : i32
        %dma_start3A_238 = arith.constant 0 : i32
        %dma_start3A_239 = tpu.memref_slice %arg20[%dma_start3A_236, %dma_start3A_238] : memref<2x2560xf32, #tpu.memory_space<vmem>> -> memref<1x2560xf32, #tpu.memory_space<vmem>>
        %dma_start3A_240 = tpu.memref_squeeze %dma_start3A_239 : memref<1x2560xf32, #tpu.memory_space<vmem>> -> memref<2560xf32, #tpu.memory_space<vmem>>
        %dma_start3A_241 = arith.constant 0 : i32
        %dma_start3A_242 = tpu.memref_slice %arg17[%dma_start3A_237, %dma_start3A_241] : memref<2x2560xi32, #tpu.memory_space<vmem>> -> memref<1x2560xi32, #tpu.memory_space<vmem>>
        %dma_start3A_243 = tpu.memref_squeeze %dma_start3A_242 : memref<1x2560xi32, #tpu.memory_space<vmem>> -> memref<2560xi32, #tpu.memory_space<vmem>>
        %dma_start3A_244 = arith.constant 0 : i32
        %dma_start3A_245 = tpu.memref_slice %arg32[%dma_start3A_244] : memref<10240xf32, #tpu.memory_space<vmem_shared>> -> memref<10240xf32, #tpu.memory_space<vmem_shared>>
        tpu.enqueue_indirect_dma source(%dma_start3A_240 : memref<2560xf32, #tpu.memory_space<vmem>>) target(%dma_start3A_245 : memref<10240xf32, #tpu.memory_space<vmem_shared>>) offsets(%dma_start3A_243 : memref<2560xi32, #tpu.memory_space<vmem>>) semaphore(%arg25 : memref<!tpu.dma_semaphore, #tpu.memory_space<semaphore_mem>>) {add = true}
        %dma_start3A_246 = arith.constant 1 : i32
        %dma_start3A_247 = arith.constant 1 : i32
        %dma_start3A_248 = arith.constant 0 : i32
        %dma_start3A_249 = tpu.memref_slice %arg21[%dma_start3A_246, %dma_start3A_248] : memref<2x2560xf32, #tpu.memory_space<vmem>> -> memref<1x2560xf32, #tpu.memory_space<vmem>>
        %dma_start3A_250 = tpu.memref_squeeze %dma_start3A_249 : memref<1x2560xf32, #tpu.memory_space<vmem>> -> memref<2560xf32, #tpu.memory_space<vmem>>
        %dma_start3A_251 = arith.constant 0 : i32
        %dma_start3A_252 = tpu.memref_slice %arg17[%dma_start3A_247, %dma_start3A_251] : memref<2x2560xi32, #tpu.memory_space<vmem>> -> memref<1x2560xi32, #tpu.memory_space<vmem>>
        %dma_start3A_253 = tpu.memref_squeeze %dma_start3A_252 : memref<1x2560xi32, #tpu.memory_space<vmem>> -> memref<2560xi32, #tpu.memory_space<vmem>>
        %dma_start3A_254 = arith.constant 0 : i32
        %dma_start3A_255 = tpu.memref_slice %arg33[%dma_start3A_254] : memref<10240xf32, #tpu.memory_space<vmem_shared>> -> memref<10240xf32, #tpu.memory_space<vmem_shared>>
        tpu.enqueue_indirect_dma source(%dma_start3A_250 : memref<2560xf32, #tpu.memory_space<vmem>>) target(%dma_start3A_255 : memref<10240xf32, #tpu.memory_space<vmem_shared>>) offsets(%dma_start3A_253 : memref<2560xi32, #tpu.memory_space<vmem>>) semaphore(%arg25 : memref<!tpu.dma_semaphore, #tpu.memory_space<semaphore_mem>>) {add = true}
      } else {
      }
    }
    %scan3A_16 = arith.constant 2 : i32
    %dma_wait3A = arith.constant 0 : i32
    %dma_wait3A_17 = arith.constant 0 : i32
    %dma_wait3A_18 = arith.constant 0 : i32
    %dma_wait3A_19 = tpu.memref_slice %arg18[%dma_wait3A, %dma_wait3A_18] : memref<2x2560xf32, #tpu.memory_space<vmem>> -> memref<1x2560xf32, #tpu.memory_space<vmem>>
    %dma_wait3A_20 = tpu.memref_squeeze %dma_wait3A_19 : memref<1x2560xf32, #tpu.memory_space<vmem>> -> memref<2560xf32, #tpu.memory_space<vmem>>
    %dma_wait3A_21 = arith.constant 0 : i32
    %dma_wait3A_22 = tpu.memref_slice %arg15[%dma_wait3A_17, %dma_wait3A_21] : memref<2x2560xi32, #tpu.memory_space<vmem>> -> memref<1x2560xi32, #tpu.memory_space<vmem>>
    %dma_wait3A_23 = tpu.memref_squeeze %dma_wait3A_22 : memref<1x2560xi32, #tpu.memory_space<vmem>> -> memref<2560xi32, #tpu.memory_space<vmem>>
    %dma_wait3A_24 = arith.constant 0 : i32
    %dma_wait3A_25 = tpu.memref_slice %arg30[%dma_wait3A_24] : memref<10240xf32, #tpu.memory_space<vmem_shared>> -> memref<10240xf32, #tpu.memory_space<vmem_shared>>
    tpu.wait_indirect_dma semaphore(%arg25 : memref<!tpu.dma_semaphore, #tpu.memory_space<semaphore_mem>>) src(%dma_wait3A_20 : memref<2560xf32, #tpu.memory_space<vmem>>) dst(%dma_wait3A_25 : memref<10240xf32, #tpu.memory_space<vmem_shared>>)
    %dma_wait3A_26 = arith.constant 0 : i32
    %dma_wait3A_27 = arith.constant 0 : i32
    %dma_wait3A_28 = arith.constant 0 : i32
    %dma_wait3A_29 = tpu.memref_slice %arg19[%dma_wait3A_26, %dma_wait3A_28] : memref<2x2560xf32, #tpu.memory_space<vmem>> -> memref<1x2560xf32, #tpu.memory_space<vmem>>
    %dma_wait3A_30 = tpu.memref_squeeze %dma_wait3A_29 : memref<1x2560xf32, #tpu.memory_space<vmem>> -> memref<2560xf32, #tpu.memory_space<vmem>>
    %dma_wait3A_31 = arith.constant 0 : i32
    %dma_wait3A_32 = tpu.memref_slice %arg15[%dma_wait3A_27, %dma_wait3A_31] : memref<2x2560xi32, #tpu.memory_space<vmem>> -> memref<1x2560xi32, #tpu.memory_space<vmem>>
    %dma_wait3A_33 = tpu.memref_squeeze %dma_wait3A_32 : memref<1x2560xi32, #tpu.memory_space<vmem>> -> memref<2560xi32, #tpu.memory_space<vmem>>
    %dma_wait3A_34 = arith.constant 0 : i32
    %dma_wait3A_35 = tpu.memref_slice %arg31[%dma_wait3A_34] : memref<10240xf32, #tpu.memory_space<vmem_shared>> -> memref<10240xf32, #tpu.memory_space<vmem_shared>>
    tpu.wait_indirect_dma semaphore(%arg25 : memref<!tpu.dma_semaphore, #tpu.memory_space<semaphore_mem>>) src(%dma_wait3A_30 : memref<2560xf32, #tpu.memory_space<vmem>>) dst(%dma_wait3A_35 : memref<10240xf32, #tpu.memory_space<vmem_shared>>)
    %dma_wait3A_36 = arith.constant 0 : i32
    %dma_wait3A_37 = arith.constant 0 : i32
    %dma_wait3A_38 = arith.constant 0 : i32
    %dma_wait3A_39 = tpu.memref_slice %arg20[%dma_wait3A_36, %dma_wait3A_38] : memref<2x2560xf32, #tpu.memory_space<vmem>> -> memref<1x2560xf32, #tpu.memory_space<vmem>>
    %dma_wait3A_40 = tpu.memref_squeeze %dma_wait3A_39 : memref<1x2560xf32, #tpu.memory_space<vmem>> -> memref<2560xf32, #tpu.memory_space<vmem>>
    %dma_wait3A_41 = arith.constant 0 : i32
    %dma_wait3A_42 = tpu.memref_slice %arg17[%dma_wait3A_37, %dma_wait3A_41] : memref<2x2560xi32, #tpu.memory_space<vmem>> -> memref<1x2560xi32, #tpu.memory_space<vmem>>
    %dma_wait3A_43 = tpu.memref_squeeze %dma_wait3A_42 : memref<1x2560xi32, #tpu.memory_space<vmem>> -> memref<2560xi32, #tpu.memory_space<vmem>>
    %dma_wait3A_44 = arith.constant 0 : i32
    %dma_wait3A_45 = tpu.memref_slice %arg32[%dma_wait3A_44] : memref<10240xf32, #tpu.memory_space<vmem_shared>> -> memref<10240xf32, #tpu.memory_space<vmem_shared>>
    tpu.wait_indirect_dma semaphore(%arg25 : memref<!tpu.dma_semaphore, #tpu.memory_space<semaphore_mem>>) src(%dma_wait3A_40 : memref<2560xf32, #tpu.memory_space<vmem>>) dst(%dma_wait3A_45 : memref<10240xf32, #tpu.memory_space<vmem_shared>>)
    %dma_wait3A_46 = arith.constant 0 : i32
    %dma_wait3A_47 = arith.constant 0 : i32
    %dma_wait3A_48 = arith.constant 0 : i32
    %dma_wait3A_49 = tpu.memref_slice %arg21[%dma_wait3A_46, %dma_wait3A_48] : memref<2x2560xf32, #tpu.memory_space<vmem>> -> memref<1x2560xf32, #tpu.memory_space<vmem>>
    %dma_wait3A_50 = tpu.memref_squeeze %dma_wait3A_49 : memref<1x2560xf32, #tpu.memory_space<vmem>> -> memref<2560xf32, #tpu.memory_space<vmem>>
    %dma_wait3A_51 = arith.constant 0 : i32
    %dma_wait3A_52 = tpu.memref_slice %arg17[%dma_wait3A_47, %dma_wait3A_51] : memref<2x2560xi32, #tpu.memory_space<vmem>> -> memref<1x2560xi32, #tpu.memory_space<vmem>>
    %dma_wait3A_53 = tpu.memref_squeeze %dma_wait3A_52 : memref<1x2560xi32, #tpu.memory_space<vmem>> -> memref<2560xi32, #tpu.memory_space<vmem>>
    %dma_wait3A_54 = arith.constant 0 : i32
    %dma_wait3A_55 = tpu.memref_slice %arg33[%dma_wait3A_54] : memref<10240xf32, #tpu.memory_space<vmem_shared>> -> memref<10240xf32, #tpu.memory_space<vmem_shared>>
    tpu.wait_indirect_dma semaphore(%arg25 : memref<!tpu.dma_semaphore, #tpu.memory_space<semaphore_mem>>) src(%dma_wait3A_50 : memref<2560xf32, #tpu.memory_space<vmem>>) dst(%dma_wait3A_55 : memref<10240xf32, #tpu.memory_space<vmem_shared>>)
    %barrier3A_56 = arith.constant 0 : index
    tpu.barrier barrier_id(%barrier3A_56)
    %mul3A_57 = arith.constant 10240 : i32
    %mul3A_58 = arith.muli %arg0, %mul3A_57 : i32
    %add3A_59 = arith.addi %mul3A_58, %mul3A_2 : i32
    "tpu.region"() ({
      %run_scoped3A = tpu.sem_alloc : memref<!tpu.dma_semaphore, #tpu.memory_space<semaphore_mem>>
      %dma_start3A = tpu.memref_slice %arg10[%add3A_59] : memref<20480xf32, #tpu.memory_space<hbm>> -> memref<640xf32, #tpu.memory_space<hbm>>
      %dma_start3A_60 = tpu.memref_slice %arg30[%mul3A_2] : memref<10240xf32, #tpu.memory_space<vmem_shared>> -> memref<640xf32, #tpu.memory_space<vmem_shared>>
      tpu.enqueue_dma source(%dma_start3A_60 : memref<640xf32, #tpu.memory_space<vmem_shared>>) target(%dma_start3A : memref<640xf32, #tpu.memory_space<hbm>>) target_semaphore(%run_scoped3A : memref<!tpu.dma_semaphore, #tpu.memory_space<semaphore_mem>>)
      %dma_wait3A_61 = tpu.memref_slice %arg10[%add3A_59] : memref<20480xf32, #tpu.memory_space<hbm>> -> memref<640xf32, #tpu.memory_space<hbm>>
      %dma_wait3A_62 = tpu.memref_slice %arg30[%mul3A_2] : memref<10240xf32, #tpu.memory_space<vmem_shared>> -> memref<640xf32, #tpu.memory_space<vmem_shared>>
      tpu.wait_dma2 semaphore(%run_scoped3A : memref<!tpu.dma_semaphore, #tpu.memory_space<semaphore_mem>>) src(%dma_wait3A_62 : memref<640xf32, #tpu.memory_space<vmem_shared>>) dst(%dma_wait3A_61 : memref<640xf32, #tpu.memory_space<hbm>>)
      tpu.yield
    }) : () -> ()
    "tpu.region"() ({
      %run_scoped3A = tpu.sem_alloc : memref<!tpu.dma_semaphore, #tpu.memory_space<semaphore_mem>>
      %dma_start3A = tpu.memref_slice %arg11[%add3A_59] : memref<20480xf32, #tpu.memory_space<hbm>> -> memref<640xf32, #tpu.memory_space<hbm>>
      %dma_start3A_60 = tpu.memref_slice %arg31[%mul3A_2] : memref<10240xf32, #tpu.memory_space<vmem_shared>> -> memref<640xf32, #tpu.memory_space<vmem_shared>>
      tpu.enqueue_dma source(%dma_start3A_60 : memref<640xf32, #tpu.memory_space<vmem_shared>>) target(%dma_start3A : memref<640xf32, #tpu.memory_space<hbm>>) target_semaphore(%run_scoped3A : memref<!tpu.dma_semaphore, #tpu.memory_space<semaphore_mem>>)
      %dma_wait3A_61 = tpu.memref_slice %arg11[%add3A_59] : memref<20480xf32, #tpu.memory_space<hbm>> -> memref<640xf32, #tpu.memory_space<hbm>>
      %dma_wait3A_62 = tpu.memref_slice %arg31[%mul3A_2] : memref<10240xf32, #tpu.memory_space<vmem_shared>> -> memref<640xf32, #tpu.memory_space<vmem_shared>>
      tpu.wait_dma2 semaphore(%run_scoped3A : memref<!tpu.dma_semaphore, #tpu.memory_space<semaphore_mem>>) src(%dma_wait3A_62 : memref<640xf32, #tpu.memory_space<vmem_shared>>) dst(%dma_wait3A_61 : memref<640xf32, #tpu.memory_space<hbm>>)
      tpu.yield
    }) : () -> ()
    "tpu.region"() ({
      %run_scoped3A = tpu.sem_alloc : memref<!tpu.dma_semaphore, #tpu.memory_space<semaphore_mem>>
      %dma_start3A = tpu.memref_slice %arg12[%add3A_59] : memref<20480xf32, #tpu.memory_space<hbm>> -> memref<640xf32, #tpu.memory_space<hbm>>
      %dma_start3A_60 = tpu.memref_slice %arg32[%mul3A_2] : memref<10240xf32, #tpu.memory_space<vmem_shared>> -> memref<640xf32, #tpu.memory_space<vmem_shared>>
      tpu.enqueue_dma source(%dma_start3A_60 : memref<640xf32, #tpu.memory_space<vmem_shared>>) target(%dma_start3A : memref<640xf32, #tpu.memory_space<hbm>>) target_semaphore(%run_scoped3A : memref<!tpu.dma_semaphore, #tpu.memory_space<semaphore_mem>>)
      %dma_wait3A_61 = tpu.memref_slice %arg12[%add3A_59] : memref<20480xf32, #tpu.memory_space<hbm>> -> memref<640xf32, #tpu.memory_space<hbm>>
      %dma_wait3A_62 = tpu.memref_slice %arg32[%mul3A_2] : memref<10240xf32, #tpu.memory_space<vmem_shared>> -> memref<640xf32, #tpu.memory_space<vmem_shared>>
      tpu.wait_dma2 semaphore(%run_scoped3A : memref<!tpu.dma_semaphore, #tpu.memory_space<semaphore_mem>>) src(%dma_wait3A_62 : memref<640xf32, #tpu.memory_space<vmem_shared>>) dst(%dma_wait3A_61 : memref<640xf32, #tpu.memory_space<hbm>>)
      tpu.yield
    }) : () -> ()
    "tpu.region"() ({
      %run_scoped3A = tpu.sem_alloc : memref<!tpu.dma_semaphore, #tpu.memory_space<semaphore_mem>>
      %dma_start3A = tpu.memref_slice %arg13[%add3A_59] : memref<20480xf32, #tpu.memory_space<hbm>> -> memref<640xf32, #tpu.memory_space<hbm>>
      %dma_start3A_60 = tpu.memref_slice %arg33[%mul3A_2] : memref<10240xf32, #tpu.memory_space<vmem_shared>> -> memref<640xf32, #tpu.memory_space<vmem_shared>>
      tpu.enqueue_dma source(%dma_start3A_60 : memref<640xf32, #tpu.memory_space<vmem_shared>>) target(%dma_start3A : memref<640xf32, #tpu.memory_space<hbm>>) target_semaphore(%run_scoped3A : memref<!tpu.dma_semaphore, #tpu.memory_space<semaphore_mem>>)
      %dma_wait3A_61 = tpu.memref_slice %arg13[%add3A_59] : memref<20480xf32, #tpu.memory_space<hbm>> -> memref<640xf32, #tpu.memory_space<hbm>>
      %dma_wait3A_62 = tpu.memref_slice %arg33[%mul3A_2] : memref<10240xf32, #tpu.memory_space<vmem_shared>> -> memref<640xf32, #tpu.memory_space<vmem_shared>>
      tpu.wait_dma2 semaphore(%run_scoped3A : memref<!tpu.dma_semaphore, #tpu.memory_space<semaphore_mem>>) src(%dma_wait3A_62 : memref<640xf32, #tpu.memory_space<vmem_shared>>) dst(%dma_wait3A_61 : memref<640xf32, #tpu.memory_space<hbm>>)
      tpu.yield
    }) : () -> ()
    return
  }
}

#map = affine_map<(d0, d1) -> (0)>
module attributes {stable_mosaic.version = 14 : i64} {
  func.func @_anchor_kernel(%arg0: i32, %arg1: i32, %arg2: memref<10240xf32, #tpu.memory_space<hbm>>, %arg3: memref<10240xf32, #tpu.memory_space<hbm>>, %arg4: memref<10240xf32, #tpu.memory_space<hbm>>, %arg5: memref<10240xf32, #tpu.memory_space<hbm>>, %arg6: memref<8192xi32, #tpu.memory_space<hbm>>, %arg7: memref<8192xi32, #tpu.memory_space<hbm>>, %arg8: memref<8192xf32, #tpu.memory_space<hbm>>, %arg9: memref<8192xf32, #tpu.memory_space<hbm>>, %arg10: memref<8192xf32, #tpu.memory_space<hbm>>, %arg11: memref<8192xf32, #tpu.memory_space<hbm>>, %arg12: memref<2x512xi32, #tpu.memory_space<vmem>>, %arg13: memref<2x512xi32, #tpu.memory_space<vmem>>, %arg14: memref<512xf32, #tpu.memory_space<vmem>>, %arg15: memref<512xf32, #tpu.memory_space<vmem>>, %arg16: memref<512xf32, #tpu.memory_space<vmem>>, %arg17: memref<512xf32, #tpu.memory_space<vmem>>, %arg18: memref<!tpu.dma_semaphore, #tpu.memory_space<semaphore_mem>>, %arg19: memref<!tpu.dma_semaphore, #tpu.memory_space<semaphore_mem>>, %arg20: memref<!tpu.dma_semaphore, #tpu.memory_space<semaphore_mem>>) attributes {dimension_semantics = [#tpu.dimension_semantics<core_parallel>, #tpu.dimension_semantics<subcore_parallel>], iteration_bounds = array<i64: 2, 16>, scalar_prefetch = 0 : i64, scratch_operands = 9 : i64, tpu.core_type = #tpu.core_type<sc_vector_subcore>, window_params = [{transform_indices = #map}, {transform_indices = #map}, {transform_indices = #map}, {transform_indices = #map}, {transform_indices = #map}, {transform_indices = #map}, {transform_indices = #map}, {transform_indices = #map}, {transform_indices = #map}, {transform_indices = #map}]} {
    %mul3A = arith.constant 16 : i32
    %mul3A_0 = arith.muli %arg0, %mul3A : i32
    %add3A = arith.addi %mul3A_0, %arg1 : i32
    %add3A_1 = arith.constant 0 : i32
    %add3A_2 = arith.addi %add3A, %add3A_1 : i32
    %lt3A = arith.constant 16 : i32
    %lt3A_3 = arith.cmpi slt, %add3A_2, %lt3A : i32
    %convert_element_type3A = arith.extui %lt3A_3 : i1 to i32
    %cond3A = arith.constant 0 : i32
    %cond3A_4 = arith.cmpi ne, %convert_element_type3A, %cond3A : i32
    scf.if %cond3A_4 {
      %mul3A_26 = arith.constant 512 : i32
      %mul3A_27 = arith.muli %add3A_2, %mul3A_26 : i32
      %dma_start3A = arith.constant 0 : i32
      %dma_start3A_28 = arith.constant 0 : i32
      %dma_start3A_29 = tpu.memref_slice %arg12[%dma_start3A, %dma_start3A_28] : memref<2x512xi32, #tpu.memory_space<vmem>> -> memref<1x512xi32, #tpu.memory_space<vmem>>
      %dma_start3A_30 = tpu.memref_squeeze %dma_start3A_29 : memref<1x512xi32, #tpu.memory_space<vmem>> -> memref<512xi32, #tpu.memory_space<vmem>>
      %dma_start3A_31 = tpu.memref_slice %arg6[%mul3A_27] : memref<8192xi32, #tpu.memory_space<hbm>> -> memref<512xi32, #tpu.memory_space<hbm>>
      %dma_start3A_32 = arith.constant 0 : i32
      %dma_start3A_33 = tpu.memref_slice %arg12[%dma_start3A, %dma_start3A_32] : memref<2x512xi32, #tpu.memory_space<vmem>> -> memref<1x512xi32, #tpu.memory_space<vmem>>
      %dma_start3A_34 = tpu.memref_squeeze %dma_start3A_33 : memref<1x512xi32, #tpu.memory_space<vmem>> -> memref<512xi32, #tpu.memory_space<vmem>>
      %dma_start3A_35 = tpu.memref_slice %arg6[%mul3A_27] : memref<8192xi32, #tpu.memory_space<hbm>> -> memref<512xi32, #tpu.memory_space<hbm>>
      tpu.enqueue_dma source(%dma_start3A_35 : memref<512xi32, #tpu.memory_space<hbm>>) target(%dma_start3A_34 : memref<512xi32, #tpu.memory_space<vmem>>) target_semaphore(%arg18 : memref<!tpu.dma_semaphore, #tpu.memory_space<semaphore_mem>>)
      %dma_start3A_36 = arith.constant 0 : i32
      %dma_start3A_37 = arith.constant 0 : i32
      %dma_start3A_38 = tpu.memref_slice %arg13[%dma_start3A_36, %dma_start3A_37] : memref<2x512xi32, #tpu.memory_space<vmem>> -> memref<1x512xi32, #tpu.memory_space<vmem>>
      %dma_start3A_39 = tpu.memref_squeeze %dma_start3A_38 : memref<1x512xi32, #tpu.memory_space<vmem>> -> memref<512xi32, #tpu.memory_space<vmem>>
      %dma_start3A_40 = tpu.memref_slice %arg7[%mul3A_27] : memref<8192xi32, #tpu.memory_space<hbm>> -> memref<512xi32, #tpu.memory_space<hbm>>
      %dma_start3A_41 = arith.constant 0 : i32
      %dma_start3A_42 = tpu.memref_slice %arg13[%dma_start3A_36, %dma_start3A_41] : memref<2x512xi32, #tpu.memory_space<vmem>> -> memref<1x512xi32, #tpu.memory_space<vmem>>
      %dma_start3A_43 = tpu.memref_squeeze %dma_start3A_42 : memref<1x512xi32, #tpu.memory_space<vmem>> -> memref<512xi32, #tpu.memory_space<vmem>>
      %dma_start3A_44 = tpu.memref_slice %arg7[%mul3A_27] : memref<8192xi32, #tpu.memory_space<hbm>> -> memref<512xi32, #tpu.memory_space<hbm>>
      tpu.enqueue_dma source(%dma_start3A_44 : memref<512xi32, #tpu.memory_space<hbm>>) target(%dma_start3A_43 : memref<512xi32, #tpu.memory_space<vmem>>) target_semaphore(%arg18 : memref<!tpu.dma_semaphore, #tpu.memory_space<semaphore_mem>>)
    } else {
    }
    %add3A_5 = arith.constant 32 : i32
    %add3A_6 = arith.addi %add3A, %add3A_5 : i32
    %lt3A_7 = arith.constant 16 : i32
    %lt3A_8 = arith.cmpi slt, %add3A_6, %lt3A_7 : i32
    %convert_element_type3A_9 = arith.extui %lt3A_8 : i1 to i32
    %cond3A_10 = arith.constant 0 : i32
    %cond3A_11 = arith.cmpi ne, %convert_element_type3A_9, %cond3A_10 : i32
    scf.if %cond3A_11 {
      %mul3A_26 = arith.constant 512 : i32
      %mul3A_27 = arith.muli %add3A_6, %mul3A_26 : i32
      %dma_start3A = arith.constant 1 : i32
      %dma_start3A_28 = arith.constant 0 : i32
      %dma_start3A_29 = tpu.memref_slice %arg12[%dma_start3A, %dma_start3A_28] : memref<2x512xi32, #tpu.memory_space<vmem>> -> memref<1x512xi32, #tpu.memory_space<vmem>>
      %dma_start3A_30 = tpu.memref_squeeze %dma_start3A_29 : memref<1x512xi32, #tpu.memory_space<vmem>> -> memref<512xi32, #tpu.memory_space<vmem>>
      %dma_start3A_31 = tpu.memref_slice %arg6[%mul3A_27] : memref<8192xi32, #tpu.memory_space<hbm>> -> memref<512xi32, #tpu.memory_space<hbm>>
      %dma_start3A_32 = arith.constant 0 : i32
      %dma_start3A_33 = tpu.memref_slice %arg12[%dma_start3A, %dma_start3A_32] : memref<2x512xi32, #tpu.memory_space<vmem>> -> memref<1x512xi32, #tpu.memory_space<vmem>>
      %dma_start3A_34 = tpu.memref_squeeze %dma_start3A_33 : memref<1x512xi32, #tpu.memory_space<vmem>> -> memref<512xi32, #tpu.memory_space<vmem>>
      %dma_start3A_35 = tpu.memref_slice %arg6[%mul3A_27] : memref<8192xi32, #tpu.memory_space<hbm>> -> memref<512xi32, #tpu.memory_space<hbm>>
      tpu.enqueue_dma source(%dma_start3A_35 : memref<512xi32, #tpu.memory_space<hbm>>) target(%dma_start3A_34 : memref<512xi32, #tpu.memory_space<vmem>>) target_semaphore(%arg18 : memref<!tpu.dma_semaphore, #tpu.memory_space<semaphore_mem>>)
      %dma_start3A_36 = arith.constant 1 : i32
      %dma_start3A_37 = arith.constant 0 : i32
      %dma_start3A_38 = tpu.memref_slice %arg13[%dma_start3A_36, %dma_start3A_37] : memref<2x512xi32, #tpu.memory_space<vmem>> -> memref<1x512xi32, #tpu.memory_space<vmem>>
      %dma_start3A_39 = tpu.memref_squeeze %dma_start3A_38 : memref<1x512xi32, #tpu.memory_space<vmem>> -> memref<512xi32, #tpu.memory_space<vmem>>
      %dma_start3A_40 = tpu.memref_slice %arg7[%mul3A_27] : memref<8192xi32, #tpu.memory_space<hbm>> -> memref<512xi32, #tpu.memory_space<hbm>>
      %dma_start3A_41 = arith.constant 0 : i32
      %dma_start3A_42 = tpu.memref_slice %arg13[%dma_start3A_36, %dma_start3A_41] : memref<2x512xi32, #tpu.memory_space<vmem>> -> memref<1x512xi32, #tpu.memory_space<vmem>>
      %dma_start3A_43 = tpu.memref_squeeze %dma_start3A_42 : memref<1x512xi32, #tpu.memory_space<vmem>> -> memref<512xi32, #tpu.memory_space<vmem>>
      %dma_start3A_44 = tpu.memref_slice %arg7[%mul3A_27] : memref<8192xi32, #tpu.memory_space<hbm>> -> memref<512xi32, #tpu.memory_space<hbm>>
      tpu.enqueue_dma source(%dma_start3A_44 : memref<512xi32, #tpu.memory_space<hbm>>) target(%dma_start3A_43 : memref<512xi32, #tpu.memory_space<vmem>>) target_semaphore(%arg18 : memref<!tpu.dma_semaphore, #tpu.memory_space<semaphore_mem>>)
    } else {
    }
    %add3A_12 = arith.constant 0 : i32
    %add3A_13 = arith.addi %add3A, %add3A_12 : i32
    %lt3A_14 = arith.constant 16 : i32
    %lt3A_15 = arith.cmpi slt, %add3A_13, %lt3A_14 : i32
    %convert_element_type3A_16 = arith.extui %lt3A_15 : i1 to i32
    %cond3A_17 = arith.constant 0 : i32
    %cond3A_18 = arith.cmpi ne, %convert_element_type3A_16, %cond3A_17 : i32
    scf.if %cond3A_18 {
      %mul3A_26 = arith.constant 512 : i32
      %mul3A_27 = arith.muli %add3A_13, %mul3A_26 : i32
      %dma_wait3A = arith.constant 0 : i32
      %dma_wait3A_28 = arith.constant 0 : i32
      %dma_wait3A_29 = tpu.memref_slice %arg12[%dma_wait3A, %dma_wait3A_28] : memref<2x512xi32, #tpu.memory_space<vmem>> -> memref<1x512xi32, #tpu.memory_space<vmem>>
      %dma_wait3A_30 = tpu.memref_squeeze %dma_wait3A_29 : memref<1x512xi32, #tpu.memory_space<vmem>> -> memref<512xi32, #tpu.memory_space<vmem>>
      %dma_wait3A_31 = tpu.memref_slice %arg6[%mul3A_27] : memref<8192xi32, #tpu.memory_space<hbm>> -> memref<512xi32, #tpu.memory_space<hbm>>
      %dma_wait3A_32 = arith.constant 0 : i32
      %dma_wait3A_33 = tpu.memref_slice %arg12[%dma_wait3A, %dma_wait3A_32] : memref<2x512xi32, #tpu.memory_space<vmem>> -> memref<1x512xi32, #tpu.memory_space<vmem>>
      %dma_wait3A_34 = tpu.memref_squeeze %dma_wait3A_33 : memref<1x512xi32, #tpu.memory_space<vmem>> -> memref<512xi32, #tpu.memory_space<vmem>>
      %dma_wait3A_35 = tpu.memref_slice %arg6[%mul3A_27] : memref<8192xi32, #tpu.memory_space<hbm>> -> memref<512xi32, #tpu.memory_space<hbm>>
      tpu.wait_dma2 semaphore(%arg18 : memref<!tpu.dma_semaphore, #tpu.memory_space<semaphore_mem>>) src(%dma_wait3A_35 : memref<512xi32, #tpu.memory_space<hbm>>) dst(%dma_wait3A_34 : memref<512xi32, #tpu.memory_space<vmem>>)
      %dma_wait3A_36 = arith.constant 0 : i32
      %dma_wait3A_37 = arith.constant 0 : i32
      %dma_wait3A_38 = tpu.memref_slice %arg13[%dma_wait3A_36, %dma_wait3A_37] : memref<2x512xi32, #tpu.memory_space<vmem>> -> memref<1x512xi32, #tpu.memory_space<vmem>>
      %dma_wait3A_39 = tpu.memref_squeeze %dma_wait3A_38 : memref<1x512xi32, #tpu.memory_space<vmem>> -> memref<512xi32, #tpu.memory_space<vmem>>
      %dma_wait3A_40 = tpu.memref_slice %arg7[%mul3A_27] : memref<8192xi32, #tpu.memory_space<hbm>> -> memref<512xi32, #tpu.memory_space<hbm>>
      %dma_wait3A_41 = arith.constant 0 : i32
      %dma_wait3A_42 = tpu.memref_slice %arg13[%dma_wait3A_36, %dma_wait3A_41] : memref<2x512xi32, #tpu.memory_space<vmem>> -> memref<1x512xi32, #tpu.memory_space<vmem>>
      %dma_wait3A_43 = tpu.memref_squeeze %dma_wait3A_42 : memref<1x512xi32, #tpu.memory_space<vmem>> -> memref<512xi32, #tpu.memory_space<vmem>>
      %dma_wait3A_44 = tpu.memref_slice %arg7[%mul3A_27] : memref<8192xi32, #tpu.memory_space<hbm>> -> memref<512xi32, #tpu.memory_space<hbm>>
      tpu.wait_dma2 semaphore(%arg18 : memref<!tpu.dma_semaphore, #tpu.memory_space<semaphore_mem>>) src(%dma_wait3A_44 : memref<512xi32, #tpu.memory_space<hbm>>) dst(%dma_wait3A_43 : memref<512xi32, #tpu.memory_space<vmem>>)
      %dma_start3A = arith.constant 0 : i32
      %dma_start3A_45 = arith.constant 0 : i32
      %dma_start3A_46 = tpu.memref_slice %arg12[%dma_start3A, %dma_start3A_45] : memref<2x512xi32, #tpu.memory_space<vmem>> -> memref<1x512xi32, #tpu.memory_space<vmem>>
      %dma_start3A_47 = tpu.memref_squeeze %dma_start3A_46 : memref<1x512xi32, #tpu.memory_space<vmem>> -> memref<512xi32, #tpu.memory_space<vmem>>
      %dma_start3A_48 = arith.constant 0 : i32
      %dma_start3A_49 = tpu.memref_slice %arg2[%dma_start3A_48] : memref<10240xf32, #tpu.memory_space<hbm>> -> memref<10240xf32, #tpu.memory_space<hbm>>
      tpu.enqueue_indirect_dma source(%dma_start3A_49 : memref<10240xf32, #tpu.memory_space<hbm>>) target(%arg14 : memref<512xf32, #tpu.memory_space<vmem>>) offsets(%dma_start3A_47 : memref<512xi32, #tpu.memory_space<vmem>>) semaphore(%arg19 : memref<!tpu.dma_semaphore, #tpu.memory_space<semaphore_mem>>)
      %dma_start3A_50 = arith.constant 0 : i32
      %dma_start3A_51 = arith.constant 0 : i32
      %dma_start3A_52 = tpu.memref_slice %arg12[%dma_start3A_50, %dma_start3A_51] : memref<2x512xi32, #tpu.memory_space<vmem>> -> memref<1x512xi32, #tpu.memory_space<vmem>>
      %dma_start3A_53 = tpu.memref_squeeze %dma_start3A_52 : memref<1x512xi32, #tpu.memory_space<vmem>> -> memref<512xi32, #tpu.memory_space<vmem>>
      %dma_start3A_54 = arith.constant 0 : i32
      %dma_start3A_55 = tpu.memref_slice %arg3[%dma_start3A_54] : memref<10240xf32, #tpu.memory_space<hbm>> -> memref<10240xf32, #tpu.memory_space<hbm>>
      tpu.enqueue_indirect_dma source(%dma_start3A_55 : memref<10240xf32, #tpu.memory_space<hbm>>) target(%arg15 : memref<512xf32, #tpu.memory_space<vmem>>) offsets(%dma_start3A_53 : memref<512xi32, #tpu.memory_space<vmem>>) semaphore(%arg19 : memref<!tpu.dma_semaphore, #tpu.memory_space<semaphore_mem>>)
      %dma_start3A_56 = arith.constant 0 : i32
      %dma_start3A_57 = arith.constant 0 : i32
      %dma_start3A_58 = tpu.memref_slice %arg13[%dma_start3A_56, %dma_start3A_57] : memref<2x512xi32, #tpu.memory_space<vmem>> -> memref<1x512xi32, #tpu.memory_space<vmem>>
      %dma_start3A_59 = tpu.memref_squeeze %dma_start3A_58 : memref<1x512xi32, #tpu.memory_space<vmem>> -> memref<512xi32, #tpu.memory_space<vmem>>
      %dma_start3A_60 = arith.constant 0 : i32
      %dma_start3A_61 = tpu.memref_slice %arg4[%dma_start3A_60] : memref<10240xf32, #tpu.memory_space<hbm>> -> memref<10240xf32, #tpu.memory_space<hbm>>
      tpu.enqueue_indirect_dma source(%dma_start3A_61 : memref<10240xf32, #tpu.memory_space<hbm>>) target(%arg16 : memref<512xf32, #tpu.memory_space<vmem>>) offsets(%dma_start3A_59 : memref<512xi32, #tpu.memory_space<vmem>>) semaphore(%arg19 : memref<!tpu.dma_semaphore, #tpu.memory_space<semaphore_mem>>)
      %dma_start3A_62 = arith.constant 0 : i32
      %dma_start3A_63 = arith.constant 0 : i32
      %dma_start3A_64 = tpu.memref_slice %arg13[%dma_start3A_62, %dma_start3A_63] : memref<2x512xi32, #tpu.memory_space<vmem>> -> memref<1x512xi32, #tpu.memory_space<vmem>>
      %dma_start3A_65 = tpu.memref_squeeze %dma_start3A_64 : memref<1x512xi32, #tpu.memory_space<vmem>> -> memref<512xi32, #tpu.memory_space<vmem>>
      %dma_start3A_66 = arith.constant 0 : i32
      %dma_start3A_67 = tpu.memref_slice %arg5[%dma_start3A_66] : memref<10240xf32, #tpu.memory_space<hbm>> -> memref<10240xf32, #tpu.memory_space<hbm>>
      tpu.enqueue_indirect_dma source(%dma_start3A_67 : memref<10240xf32, #tpu.memory_space<hbm>>) target(%arg17 : memref<512xf32, #tpu.memory_space<vmem>>) offsets(%dma_start3A_65 : memref<512xi32, #tpu.memory_space<vmem>>) semaphore(%arg19 : memref<!tpu.dma_semaphore, #tpu.memory_space<semaphore_mem>>)
      %dma_wait3A_68 = arith.constant 0 : i32
      %dma_wait3A_69 = arith.constant 0 : i32
      %dma_wait3A_70 = tpu.memref_slice %arg12[%dma_wait3A_68, %dma_wait3A_69] : memref<2x512xi32, #tpu.memory_space<vmem>> -> memref<1x512xi32, #tpu.memory_space<vmem>>
      %dma_wait3A_71 = tpu.memref_squeeze %dma_wait3A_70 : memref<1x512xi32, #tpu.memory_space<vmem>> -> memref<512xi32, #tpu.memory_space<vmem>>
      %dma_wait3A_72 = arith.constant 0 : i32
      %dma_wait3A_73 = tpu.memref_slice %arg2[%dma_wait3A_72] : memref<10240xf32, #tpu.memory_space<hbm>> -> memref<10240xf32, #tpu.memory_space<hbm>>
      tpu.wait_indirect_dma semaphore(%arg19 : memref<!tpu.dma_semaphore, #tpu.memory_space<semaphore_mem>>) src(%dma_wait3A_73 : memref<10240xf32, #tpu.memory_space<hbm>>) dst(%arg14 : memref<512xf32, #tpu.memory_space<vmem>>)
      %dma_wait3A_74 = arith.constant 0 : i32
      %dma_wait3A_75 = arith.constant 0 : i32
      %dma_wait3A_76 = tpu.memref_slice %arg12[%dma_wait3A_74, %dma_wait3A_75] : memref<2x512xi32, #tpu.memory_space<vmem>> -> memref<1x512xi32, #tpu.memory_space<vmem>>
      %dma_wait3A_77 = tpu.memref_squeeze %dma_wait3A_76 : memref<1x512xi32, #tpu.memory_space<vmem>> -> memref<512xi32, #tpu.memory_space<vmem>>
      %dma_wait3A_78 = arith.constant 0 : i32
      %dma_wait3A_79 = tpu.memref_slice %arg3[%dma_wait3A_78] : memref<10240xf32, #tpu.memory_space<hbm>> -> memref<10240xf32, #tpu.memory_space<hbm>>
      tpu.wait_indirect_dma semaphore(%arg19 : memref<!tpu.dma_semaphore, #tpu.memory_space<semaphore_mem>>) src(%dma_wait3A_79 : memref<10240xf32, #tpu.memory_space<hbm>>) dst(%arg15 : memref<512xf32, #tpu.memory_space<vmem>>)
      %dma_wait3A_80 = arith.constant 0 : i32
      %dma_wait3A_81 = arith.constant 0 : i32
      %dma_wait3A_82 = tpu.memref_slice %arg13[%dma_wait3A_80, %dma_wait3A_81] : memref<2x512xi32, #tpu.memory_space<vmem>> -> memref<1x512xi32, #tpu.memory_space<vmem>>
      %dma_wait3A_83 = tpu.memref_squeeze %dma_wait3A_82 : memref<1x512xi32, #tpu.memory_space<vmem>> -> memref<512xi32, #tpu.memory_space<vmem>>
      %dma_wait3A_84 = arith.constant 0 : i32
      %dma_wait3A_85 = tpu.memref_slice %arg4[%dma_wait3A_84] : memref<10240xf32, #tpu.memory_space<hbm>> -> memref<10240xf32, #tpu.memory_space<hbm>>
      tpu.wait_indirect_dma semaphore(%arg19 : memref<!tpu.dma_semaphore, #tpu.memory_space<semaphore_mem>>) src(%dma_wait3A_85 : memref<10240xf32, #tpu.memory_space<hbm>>) dst(%arg16 : memref<512xf32, #tpu.memory_space<vmem>>)
      %dma_wait3A_86 = arith.constant 0 : i32
      %dma_wait3A_87 = arith.constant 0 : i32
      %dma_wait3A_88 = tpu.memref_slice %arg13[%dma_wait3A_86, %dma_wait3A_87] : memref<2x512xi32, #tpu.memory_space<vmem>> -> memref<1x512xi32, #tpu.memory_space<vmem>>
      %dma_wait3A_89 = tpu.memref_squeeze %dma_wait3A_88 : memref<1x512xi32, #tpu.memory_space<vmem>> -> memref<512xi32, #tpu.memory_space<vmem>>
      %dma_wait3A_90 = arith.constant 0 : i32
      %dma_wait3A_91 = tpu.memref_slice %arg5[%dma_wait3A_90] : memref<10240xf32, #tpu.memory_space<hbm>> -> memref<10240xf32, #tpu.memory_space<hbm>>
      tpu.wait_indirect_dma semaphore(%arg19 : memref<!tpu.dma_semaphore, #tpu.memory_space<semaphore_mem>>) src(%dma_wait3A_91 : memref<10240xf32, #tpu.memory_space<hbm>>) dst(%arg17 : memref<512xf32, #tpu.memory_space<vmem>>)
      %scan3A = arith.constant 0 : i32
      %scan3A_92 = arith.constant 32 : i32
      %scan3A_93 = arith.addi %scan3A, %scan3A_92 : i32
      %scan3A_94 = arith.constant 1 : i32
      scf.for %scan3A_112 = %scan3A to %scan3A_93 step %scan3A_94  : i32 {
        %mul3A_113 = arith.constant 16 : i32
        %mul3A_114 = arith.muli %scan3A_112, %mul3A_113 : i32
        %get3A = arith.index_cast %mul3A_114 : i32 to index
        %get3A_115 = tpu.vector_load %arg14[%get3A] {strides = array<i32>} : memref<512xf32, #tpu.memory_space<vmem>>, vector<16xf32>,
        %get3A_116 = arith.index_cast %mul3A_114 : i32 to index
        %get3A_117 = tpu.vector_load %arg15[%get3A_116] {strides = array<i32>} : memref<512xf32, #tpu.memory_space<vmem>>, vector<16xf32>,
        %mul3A_118 = arith.mulf %get3A_115, %get3A_115 : vector<16xf32>
        %mul3A_119 = arith.mulf %get3A_117, %get3A_117 : vector<16xf32>
        %add3A_120 = arith.addf %mul3A_118, %mul3A_119 : vector<16xf32>
        %max3A = arith.constant 1.000000e-24 : f32
        %max3A_121 = vector.broadcast %max3A : f32 to vector<16xf32>
        %max3A_122 = arith.maximumf %add3A_120, %max3A_121 : vector<16xf32>
        %bitcast3A = vector.bitcast %max3A_122 : vector<16xf32> to vector<16xi32>
        %shift_right_logical3A = arith.constant 1 : i32
        %shift_right_logical3A_123 = vector.broadcast %shift_right_logical3A : i32 to vector<16xi32>
        %shift_right_logical3A_124 = arith.shrui %bitcast3A, %shift_right_logical3A_123 : vector<16xi32>
        %sub3A = arith.constant 1597463007 : i32
        %sub3A_125 = vector.broadcast %sub3A : i32 to vector<16xi32>
        %sub3A_126 = arith.subi %sub3A_125, %shift_right_logical3A_124 : vector<16xi32>
        %bitcast3A_127 = vector.bitcast %sub3A_126 : vector<16xi32> to vector<16xf32>
        %mul3A_128 = arith.constant 5.000000e-01 : f32
        %mul3A_129 = vector.broadcast %mul3A_128 : f32 to vector<16xf32>
        %mul3A_130 = arith.mulf %mul3A_129, %max3A_122 : vector<16xf32>
        %mul3A_131 = arith.mulf %mul3A_130, %bitcast3A_127 : vector<16xf32>
        %mul3A_132 = arith.mulf %mul3A_131, %bitcast3A_127 : vector<16xf32>
        %sub3A_133 = arith.constant 1.500000e+00 : f32
        %sub3A_134 = vector.broadcast %sub3A_133 : f32 to vector<16xf32>
        %sub3A_135 = arith.subf %sub3A_134, %mul3A_132 : vector<16xf32>
        %mul3A_136 = arith.mulf %bitcast3A_127, %sub3A_135 : vector<16xf32>
        %mul3A_137 = arith.constant 5.000000e-01 : f32
        %mul3A_138 = vector.broadcast %mul3A_137 : f32 to vector<16xf32>
        %mul3A_139 = arith.mulf %mul3A_138, %max3A_122 : vector<16xf32>
        %mul3A_140 = arith.mulf %mul3A_139, %mul3A_136 : vector<16xf32>
        %mul3A_141 = arith.mulf %mul3A_140, %mul3A_136 : vector<16xf32>
        %sub3A_142 = arith.constant 1.500000e+00 : f32
        %sub3A_143 = vector.broadcast %sub3A_142 : f32 to vector<16xf32>
        %sub3A_144 = arith.subf %sub3A_143, %mul3A_141 : vector<16xf32>
        %mul3A_145 = arith.mulf %mul3A_136, %sub3A_144 : vector<16xf32>
        %mul3A_146 = arith.constant 5.000000e-01 : f32
        %mul3A_147 = vector.broadcast %mul3A_146 : f32 to vector<16xf32>
        %mul3A_148 = arith.mulf %mul3A_147, %max3A_122 : vector<16xf32>
        %mul3A_149 = arith.mulf %mul3A_148, %mul3A_145 : vector<16xf32>
        %mul3A_150 = arith.mulf %mul3A_149, %mul3A_145 : vector<16xf32>
        %sub3A_151 = arith.constant 1.500000e+00 : f32
        %sub3A_152 = vector.broadcast %sub3A_151 : f32 to vector<16xf32>
        %sub3A_153 = arith.subf %sub3A_152, %mul3A_150 : vector<16xf32>
        %mul3A_154 = arith.mulf %mul3A_145, %sub3A_153 : vector<16xf32>
        %mul3A_155 = arith.mulf %get3A_115, %mul3A_154 : vector<16xf32>
        %swap3A = arith.index_cast %mul3A_114 : i32 to index
        %swap3A_156 = tpu.vector_load %arg14[%swap3A] {strides = array<i32>} : memref<512xf32, #tpu.memory_space<vmem>>, vector<16xf32>,
        tpu.vector_store %arg14[%swap3A], %mul3A_155 {strides = array<i32>} : memref<512xf32, #tpu.memory_space<vmem>>, vector<16xf32>,
        %mul3A_157 = arith.mulf %get3A_117, %mul3A_154 : vector<16xf32>
        %swap3A_158 = arith.index_cast %mul3A_114 : i32 to index
        %swap3A_159 = tpu.vector_load %arg15[%swap3A_158] {strides = array<i32>} : memref<512xf32, #tpu.memory_space<vmem>>, vector<16xf32>,
        tpu.vector_store %arg15[%swap3A_158], %mul3A_157 {strides = array<i32>} : memref<512xf32, #tpu.memory_space<vmem>>, vector<16xf32>,
        %get3A_160 = arith.index_cast %mul3A_114 : i32 to index
        %get3A_161 = tpu.vector_load %arg16[%get3A_160] {strides = array<i32>} : memref<512xf32, #tpu.memory_space<vmem>>, vector<16xf32>,
        %get3A_162 = arith.index_cast %mul3A_114 : i32 to index
        %get3A_163 = tpu.vector_load %arg17[%get3A_162] {strides = array<i32>} : memref<512xf32, #tpu.memory_space<vmem>>, vector<16xf32>,
        %mul3A_164 = arith.mulf %get3A_161, %get3A_161 : vector<16xf32>
        %mul3A_165 = arith.mulf %get3A_163, %get3A_163 : vector<16xf32>
        %add3A_166 = arith.addf %mul3A_164, %mul3A_165 : vector<16xf32>
        %max3A_167 = arith.constant 1.000000e-24 : f32
        %max3A_168 = vector.broadcast %max3A_167 : f32 to vector<16xf32>
        %max3A_169 = arith.maximumf %add3A_166, %max3A_168 : vector<16xf32>
        %bitcast3A_170 = vector.bitcast %max3A_169 : vector<16xf32> to vector<16xi32>
        %shift_right_logical3A_171 = arith.constant 1 : i32
        %shift_right_logical3A_172 = vector.broadcast %shift_right_logical3A_171 : i32 to vector<16xi32>
        %shift_right_logical3A_173 = arith.shrui %bitcast3A_170, %shift_right_logical3A_172 : vector<16xi32>
        %sub3A_174 = arith.constant 1597463007 : i32
        %sub3A_175 = vector.broadcast %sub3A_174 : i32 to vector<16xi32>
        %sub3A_176 = arith.subi %sub3A_175, %shift_right_logical3A_173 : vector<16xi32>
        %bitcast3A_177 = vector.bitcast %sub3A_176 : vector<16xi32> to vector<16xf32>
        %mul3A_178 = arith.constant 5.000000e-01 : f32
        %mul3A_179 = vector.broadcast %mul3A_178 : f32 to vector<16xf32>
        %mul3A_180 = arith.mulf %mul3A_179, %max3A_169 : vector<16xf32>
        %mul3A_181 = arith.mulf %mul3A_180, %bitcast3A_177 : vector<16xf32>
        %mul3A_182 = arith.mulf %mul3A_181, %bitcast3A_177 : vector<16xf32>
        %sub3A_183 = arith.constant 1.500000e+00 : f32
        %sub3A_184 = vector.broadcast %sub3A_183 : f32 to vector<16xf32>
        %sub3A_185 = arith.subf %sub3A_184, %mul3A_182 : vector<16xf32>
        %mul3A_186 = arith.mulf %bitcast3A_177, %sub3A_185 : vector<16xf32>
        %mul3A_187 = arith.constant 5.000000e-01 : f32
        %mul3A_188 = vector.broadcast %mul3A_187 : f32 to vector<16xf32>
        %mul3A_189 = arith.mulf %mul3A_188, %max3A_169 : vector<16xf32>
        %mul3A_190 = arith.mulf %mul3A_189, %mul3A_186 : vector<16xf32>
        %mul3A_191 = arith.mulf %mul3A_190, %mul3A_186 : vector<16xf32>
        %sub3A_192 = arith.constant 1.500000e+00 : f32
        %sub3A_193 = vector.broadcast %sub3A_192 : f32 to vector<16xf32>
        %sub3A_194 = arith.subf %sub3A_193, %mul3A_191 : vector<16xf32>
        %mul3A_195 = arith.mulf %mul3A_186, %sub3A_194 : vector<16xf32>
        %mul3A_196 = arith.constant 5.000000e-01 : f32
        %mul3A_197 = vector.broadcast %mul3A_196 : f32 to vector<16xf32>
        %mul3A_198 = arith.mulf %mul3A_197, %max3A_169 : vector<16xf32>
        %mul3A_199 = arith.mulf %mul3A_198, %mul3A_195 : vector<16xf32>
        %mul3A_200 = arith.mulf %mul3A_199, %mul3A_195 : vector<16xf32>
        %sub3A_201 = arith.constant 1.500000e+00 : f32
        %sub3A_202 = vector.broadcast %sub3A_201 : f32 to vector<16xf32>
        %sub3A_203 = arith.subf %sub3A_202, %mul3A_200 : vector<16xf32>
        %mul3A_204 = arith.mulf %mul3A_195, %sub3A_203 : vector<16xf32>
        %mul3A_205 = arith.mulf %get3A_161, %mul3A_204 : vector<16xf32>
        %swap3A_206 = arith.index_cast %mul3A_114 : i32 to index
        %swap3A_207 = tpu.vector_load %arg16[%swap3A_206] {strides = array<i32>} : memref<512xf32, #tpu.memory_space<vmem>>, vector<16xf32>,
        tpu.vector_store %arg16[%swap3A_206], %mul3A_205 {strides = array<i32>} : memref<512xf32, #tpu.memory_space<vmem>>, vector<16xf32>,
        %mul3A_208 = arith.mulf %get3A_163, %mul3A_204 : vector<16xf32>
        %swap3A_209 = arith.index_cast %mul3A_114 : i32 to index
        %swap3A_210 = tpu.vector_load %arg17[%swap3A_209] {strides = array<i32>} : memref<512xf32, #tpu.memory_space<vmem>>, vector<16xf32>,
        tpu.vector_store %arg17[%swap3A_209], %mul3A_208 {strides = array<i32>} : memref<512xf32, #tpu.memory_space<vmem>>, vector<16xf32>,
      }
      %scan3A_95 = arith.constant 32 : i32
      %dma_start3A_96 = tpu.memref_slice %arg8[%mul3A_27] : memref<8192xf32, #tpu.memory_space<hbm>> -> memref<512xf32, #tpu.memory_space<hbm>>
      %dma_start3A_97 = tpu.memref_slice %arg8[%mul3A_27] : memref<8192xf32, #tpu.memory_space<hbm>> -> memref<512xf32, #tpu.memory_space<hbm>>
      tpu.enqueue_dma source(%arg14 : memref<512xf32, #tpu.memory_space<vmem>>) target(%dma_start3A_97 : memref<512xf32, #tpu.memory_space<hbm>>) target_semaphore(%arg20 : memref<!tpu.dma_semaphore, #tpu.memory_space<semaphore_mem>>)
      %dma_start3A_98 = tpu.memref_slice %arg9[%mul3A_27] : memref<8192xf32, #tpu.memory_space<hbm>> -> memref<512xf32, #tpu.memory_space<hbm>>
      %dma_start3A_99 = tpu.memref_slice %arg9[%mul3A_27] : memref<8192xf32, #tpu.memory_space<hbm>> -> memref<512xf32, #tpu.memory_space<hbm>>
      tpu.enqueue_dma source(%arg15 : memref<512xf32, #tpu.memory_space<vmem>>) target(%dma_start3A_99 : memref<512xf32, #tpu.memory_space<hbm>>) target_semaphore(%arg20 : memref<!tpu.dma_semaphore, #tpu.memory_space<semaphore_mem>>)
      %dma_start3A_100 = tpu.memref_slice %arg10[%mul3A_27] : memref<8192xf32, #tpu.memory_space<hbm>> -> memref<512xf32, #tpu.memory_space<hbm>>
      %dma_start3A_101 = tpu.memref_slice %arg10[%mul3A_27] : memref<8192xf32, #tpu.memory_space<hbm>> -> memref<512xf32, #tpu.memory_space<hbm>>
      tpu.enqueue_dma source(%arg16 : memref<512xf32, #tpu.memory_space<vmem>>) target(%dma_start3A_101 : memref<512xf32, #tpu.memory_space<hbm>>) target_semaphore(%arg20 : memref<!tpu.dma_semaphore, #tpu.memory_space<semaphore_mem>>)
      %dma_start3A_102 = tpu.memref_slice %arg11[%mul3A_27] : memref<8192xf32, #tpu.memory_space<hbm>> -> memref<512xf32, #tpu.memory_space<hbm>>
      %dma_start3A_103 = tpu.memref_slice %arg11[%mul3A_27] : memref<8192xf32, #tpu.memory_space<hbm>> -> memref<512xf32, #tpu.memory_space<hbm>>
      tpu.enqueue_dma source(%arg17 : memref<512xf32, #tpu.memory_space<vmem>>) target(%dma_start3A_103 : memref<512xf32, #tpu.memory_space<hbm>>) target_semaphore(%arg20 : memref<!tpu.dma_semaphore, #tpu.memory_space<semaphore_mem>>)
      %dma_wait3A_104 = tpu.memref_slice %arg8[%mul3A_27] : memref<8192xf32, #tpu.memory_space<hbm>> -> memref<512xf32, #tpu.memory_space<hbm>>
      %dma_wait3A_105 = tpu.memref_slice %arg8[%mul3A_27] : memref<8192xf32, #tpu.memory_space<hbm>> -> memref<512xf32, #tpu.memory_space<hbm>>
      tpu.wait_dma2 semaphore(%arg20 : memref<!tpu.dma_semaphore, #tpu.memory_space<semaphore_mem>>) src(%arg14 : memref<512xf32, #tpu.memory_space<vmem>>) dst(%dma_wait3A_105 : memref<512xf32, #tpu.memory_space<hbm>>)
      %dma_wait3A_106 = tpu.memref_slice %arg9[%mul3A_27] : memref<8192xf32, #tpu.memory_space<hbm>> -> memref<512xf32, #tpu.memory_space<hbm>>
      %dma_wait3A_107 = tpu.memref_slice %arg9[%mul3A_27] : memref<8192xf32, #tpu.memory_space<hbm>> -> memref<512xf32, #tpu.memory_space<hbm>>
      tpu.wait_dma2 semaphore(%arg20 : memref<!tpu.dma_semaphore, #tpu.memory_space<semaphore_mem>>) src(%arg15 : memref<512xf32, #tpu.memory_space<vmem>>) dst(%dma_wait3A_107 : memref<512xf32, #tpu.memory_space<hbm>>)
      %dma_wait3A_108 = tpu.memref_slice %arg10[%mul3A_27] : memref<8192xf32, #tpu.memory_space<hbm>> -> memref<512xf32, #tpu.memory_space<hbm>>
      %dma_wait3A_109 = tpu.memref_slice %arg10[%mul3A_27] : memref<8192xf32, #tpu.memory_space<hbm>> -> memref<512xf32, #tpu.memory_space<hbm>>
      tpu.wait_dma2 semaphore(%arg20 : memref<!tpu.dma_semaphore, #tpu.memory_space<semaphore_mem>>) src(%arg16 : memref<512xf32, #tpu.memory_space<vmem>>) dst(%dma_wait3A_109 : memref<512xf32, #tpu.memory_space<hbm>>)
      %dma_wait3A_110 = tpu.memref_slice %arg11[%mul3A_27] : memref<8192xf32, #tpu.memory_space<hbm>> -> memref<512xf32, #tpu.memory_space<hbm>>
      %dma_wait3A_111 = tpu.memref_slice %arg11[%mul3A_27] : memref<8192xf32, #tpu.memory_space<hbm>> -> memref<512xf32, #tpu.memory_space<hbm>>
      tpu.wait_dma2 semaphore(%arg20 : memref<!tpu.dma_semaphore, #tpu.memory_space<semaphore_mem>>) src(%arg17 : memref<512xf32, #tpu.memory_space<vmem>>) dst(%dma_wait3A_111 : memref<512xf32, #tpu.memory_space<hbm>>)
    } else {
    }
    %add3A_19 = arith.constant 32 : i32
    %add3A_20 = arith.addi %add3A, %add3A_19 : i32
    %lt3A_21 = arith.constant 16 : i32
    %lt3A_22 = arith.cmpi slt, %add3A_20, %lt3A_21 : i32
    %convert_element_type3A_23 = arith.extui %lt3A_22 : i1 to i32
    %cond3A_24 = arith.constant 0 : i32
    %cond3A_25 = arith.cmpi ne, %convert_element_type3A_23, %cond3A_24 : i32
    scf.if %cond3A_25 {
      %mul3A_26 = arith.constant 512 : i32
      %mul3A_27 = arith.muli %add3A_20, %mul3A_26 : i32
      %dma_wait3A = arith.constant 1 : i32
      %dma_wait3A_28 = arith.constant 0 : i32
      %dma_wait3A_29 = tpu.memref_slice %arg12[%dma_wait3A, %dma_wait3A_28] : memref<2x512xi32, #tpu.memory_space<vmem>> -> memref<1x512xi32, #tpu.memory_space<vmem>>
      %dma_wait3A_30 = tpu.memref_squeeze %dma_wait3A_29 : memref<1x512xi32, #tpu.memory_space<vmem>> -> memref<512xi32, #tpu.memory_space<vmem>>
      %dma_wait3A_31 = tpu.memref_slice %arg6[%mul3A_27] : memref<8192xi32, #tpu.memory_space<hbm>> -> memref<512xi32, #tpu.memory_space<hbm>>
      %dma_wait3A_32 = arith.constant 0 : i32
      %dma_wait3A_33 = tpu.memref_slice %arg12[%dma_wait3A, %dma_wait3A_32] : memref<2x512xi32, #tpu.memory_space<vmem>> -> memref<1x512xi32, #tpu.memory_space<vmem>>
      %dma_wait3A_34 = tpu.memref_squeeze %dma_wait3A_33 : memref<1x512xi32, #tpu.memory_space<vmem>> -> memref<512xi32, #tpu.memory_space<vmem>>
      %dma_wait3A_35 = tpu.memref_slice %arg6[%mul3A_27] : memref<8192xi32, #tpu.memory_space<hbm>> -> memref<512xi32, #tpu.memory_space<hbm>>
      tpu.wait_dma2 semaphore(%arg18 : memref<!tpu.dma_semaphore, #tpu.memory_space<semaphore_mem>>) src(%dma_wait3A_35 : memref<512xi32, #tpu.memory_space<hbm>>) dst(%dma_wait3A_34 : memref<512xi32, #tpu.memory_space<vmem>>)
      %dma_wait3A_36 = arith.constant 1 : i32
      %dma_wait3A_37 = arith.constant 0 : i32
      %dma_wait3A_38 = tpu.memref_slice %arg13[%dma_wait3A_36, %dma_wait3A_37] : memref<2x512xi32, #tpu.memory_space<vmem>> -> memref<1x512xi32, #tpu.memory_space<vmem>>
      %dma_wait3A_39 = tpu.memref_squeeze %dma_wait3A_38 : memref<1x512xi32, #tpu.memory_space<vmem>> -> memref<512xi32, #tpu.memory_space<vmem>>
      %dma_wait3A_40 = tpu.memref_slice %arg7[%mul3A_27] : memref<8192xi32, #tpu.memory_space<hbm>> -> memref<512xi32, #tpu.memory_space<hbm>>
      %dma_wait3A_41 = arith.constant 0 : i32
      %dma_wait3A_42 = tpu.memref_slice %arg13[%dma_wait3A_36, %dma_wait3A_41] : memref<2x512xi32, #tpu.memory_space<vmem>> -> memref<1x512xi32, #tpu.memory_space<vmem>>
      %dma_wait3A_43 = tpu.memref_squeeze %dma_wait3A_42 : memref<1x512xi32, #tpu.memory_space<vmem>> -> memref<512xi32, #tpu.memory_space<vmem>>
      %dma_wait3A_44 = tpu.memref_slice %arg7[%mul3A_27] : memref<8192xi32, #tpu.memory_space<hbm>> -> memref<512xi32, #tpu.memory_space<hbm>>
      tpu.wait_dma2 semaphore(%arg18 : memref<!tpu.dma_semaphore, #tpu.memory_space<semaphore_mem>>) src(%dma_wait3A_44 : memref<512xi32, #tpu.memory_space<hbm>>) dst(%dma_wait3A_43 : memref<512xi32, #tpu.memory_space<vmem>>)
      %dma_start3A = arith.constant 1 : i32
      %dma_start3A_45 = arith.constant 0 : i32
      %dma_start3A_46 = tpu.memref_slice %arg12[%dma_start3A, %dma_start3A_45] : memref<2x512xi32, #tpu.memory_space<vmem>> -> memref<1x512xi32, #tpu.memory_space<vmem>>
      %dma_start3A_47 = tpu.memref_squeeze %dma_start3A_46 : memref<1x512xi32, #tpu.memory_space<vmem>> -> memref<512xi32, #tpu.memory_space<vmem>>
      %dma_start3A_48 = arith.constant 0 : i32
      %dma_start3A_49 = tpu.memref_slice %arg2[%dma_start3A_48] : memref<10240xf32, #tpu.memory_space<hbm>> -> memref<10240xf32, #tpu.memory_space<hbm>>
      tpu.enqueue_indirect_dma source(%dma_start3A_49 : memref<10240xf32, #tpu.memory_space<hbm>>) target(%arg14 : memref<512xf32, #tpu.memory_space<vmem>>) offsets(%dma_start3A_47 : memref<512xi32, #tpu.memory_space<vmem>>) semaphore(%arg19 : memref<!tpu.dma_semaphore, #tpu.memory_space<semaphore_mem>>)
      %dma_start3A_50 = arith.constant 1 : i32
      %dma_start3A_51 = arith.constant 0 : i32
      %dma_start3A_52 = tpu.memref_slice %arg12[%dma_start3A_50, %dma_start3A_51] : memref<2x512xi32, #tpu.memory_space<vmem>> -> memref<1x512xi32, #tpu.memory_space<vmem>>
      %dma_start3A_53 = tpu.memref_squeeze %dma_start3A_52 : memref<1x512xi32, #tpu.memory_space<vmem>> -> memref<512xi32, #tpu.memory_space<vmem>>
      %dma_start3A_54 = arith.constant 0 : i32
      %dma_start3A_55 = tpu.memref_slice %arg3[%dma_start3A_54] : memref<10240xf32, #tpu.memory_space<hbm>> -> memref<10240xf32, #tpu.memory_space<hbm>>
      tpu.enqueue_indirect_dma source(%dma_start3A_55 : memref<10240xf32, #tpu.memory_space<hbm>>) target(%arg15 : memref<512xf32, #tpu.memory_space<vmem>>) offsets(%dma_start3A_53 : memref<512xi32, #tpu.memory_space<vmem>>) semaphore(%arg19 : memref<!tpu.dma_semaphore, #tpu.memory_space<semaphore_mem>>)
      %dma_start3A_56 = arith.constant 1 : i32
      %dma_start3A_57 = arith.constant 0 : i32
      %dma_start3A_58 = tpu.memref_slice %arg13[%dma_start3A_56, %dma_start3A_57] : memref<2x512xi32, #tpu.memory_space<vmem>> -> memref<1x512xi32, #tpu.memory_space<vmem>>
      %dma_start3A_59 = tpu.memref_squeeze %dma_start3A_58 : memref<1x512xi32, #tpu.memory_space<vmem>> -> memref<512xi32, #tpu.memory_space<vmem>>
      %dma_start3A_60 = arith.constant 0 : i32
      %dma_start3A_61 = tpu.memref_slice %arg4[%dma_start3A_60] : memref<10240xf32, #tpu.memory_space<hbm>> -> memref<10240xf32, #tpu.memory_space<hbm>>
      tpu.enqueue_indirect_dma source(%dma_start3A_61 : memref<10240xf32, #tpu.memory_space<hbm>>) target(%arg16 : memref<512xf32, #tpu.memory_space<vmem>>) offsets(%dma_start3A_59 : memref<512xi32, #tpu.memory_space<vmem>>) semaphore(%arg19 : memref<!tpu.dma_semaphore, #tpu.memory_space<semaphore_mem>>)
      %dma_start3A_62 = arith.constant 1 : i32
      %dma_start3A_63 = arith.constant 0 : i32
      %dma_start3A_64 = tpu.memref_slice %arg13[%dma_start3A_62, %dma_start3A_63] : memref<2x512xi32, #tpu.memory_space<vmem>> -> memref<1x512xi32, #tpu.memory_space<vmem>>
      %dma_start3A_65 = tpu.memref_squeeze %dma_start3A_64 : memref<1x512xi32, #tpu.memory_space<vmem>> -> memref<512xi32, #tpu.memory_space<vmem>>
      %dma_start3A_66 = arith.constant 0 : i32
      %dma_start3A_67 = tpu.memref_slice %arg5[%dma_start3A_66] : memref<10240xf32, #tpu.memory_space<hbm>> -> memref<10240xf32, #tpu.memory_space<hbm>>
      tpu.enqueue_indirect_dma source(%dma_start3A_67 : memref<10240xf32, #tpu.memory_space<hbm>>) target(%arg17 : memref<512xf32, #tpu.memory_space<vmem>>) offsets(%dma_start3A_65 : memref<512xi32, #tpu.memory_space<vmem>>) semaphore(%arg19 : memref<!tpu.dma_semaphore, #tpu.memory_space<semaphore_mem>>)
      %dma_wait3A_68 = arith.constant 1 : i32
      %dma_wait3A_69 = arith.constant 0 : i32
      %dma_wait3A_70 = tpu.memref_slice %arg12[%dma_wait3A_68, %dma_wait3A_69] : memref<2x512xi32, #tpu.memory_space<vmem>> -> memref<1x512xi32, #tpu.memory_space<vmem>>
      %dma_wait3A_71 = tpu.memref_squeeze %dma_wait3A_70 : memref<1x512xi32, #tpu.memory_space<vmem>> -> memref<512xi32, #tpu.memory_space<vmem>>
      %dma_wait3A_72 = arith.constant 0 : i32
      %dma_wait3A_73 = tpu.memref_slice %arg2[%dma_wait3A_72] : memref<10240xf32, #tpu.memory_space<hbm>> -> memref<10240xf32, #tpu.memory_space<hbm>>
      tpu.wait_indirect_dma semaphore(%arg19 : memref<!tpu.dma_semaphore, #tpu.memory_space<semaphore_mem>>) src(%dma_wait3A_73 : memref<10240xf32, #tpu.memory_space<hbm>>) dst(%arg14 : memref<512xf32, #tpu.memory_space<vmem>>)
      %dma_wait3A_74 = arith.constant 1 : i32
      %dma_wait3A_75 = arith.constant 0 : i32
      %dma_wait3A_76 = tpu.memref_slice %arg12[%dma_wait3A_74, %dma_wait3A_75] : memref<2x512xi32, #tpu.memory_space<vmem>> -> memref<1x512xi32, #tpu.memory_space<vmem>>
      %dma_wait3A_77 = tpu.memref_squeeze %dma_wait3A_76 : memref<1x512xi32, #tpu.memory_space<vmem>> -> memref<512xi32, #tpu.memory_space<vmem>>
      %dma_wait3A_78 = arith.constant 0 : i32
      %dma_wait3A_79 = tpu.memref_slice %arg3[%dma_wait3A_78] : memref<10240xf32, #tpu.memory_space<hbm>> -> memref<10240xf32, #tpu.memory_space<hbm>>
      tpu.wait_indirect_dma semaphore(%arg19 : memref<!tpu.dma_semaphore, #tpu.memory_space<semaphore_mem>>) src(%dma_wait3A_79 : memref<10240xf32, #tpu.memory_space<hbm>>) dst(%arg15 : memref<512xf32, #tpu.memory_space<vmem>>)
      %dma_wait3A_80 = arith.constant 1 : i32
      %dma_wait3A_81 = arith.constant 0 : i32
      %dma_wait3A_82 = tpu.memref_slice %arg13[%dma_wait3A_80, %dma_wait3A_81] : memref<2x512xi32, #tpu.memory_space<vmem>> -> memref<1x512xi32, #tpu.memory_space<vmem>>
      %dma_wait3A_83 = tpu.memref_squeeze %dma_wait3A_82 : memref<1x512xi32, #tpu.memory_space<vmem>> -> memref<512xi32, #tpu.memory_space<vmem>>
      %dma_wait3A_84 = arith.constant 0 : i32
      %dma_wait3A_85 = tpu.memref_slice %arg4[%dma_wait3A_84] : memref<10240xf32, #tpu.memory_space<hbm>> -> memref<10240xf32, #tpu.memory_space<hbm>>
      tpu.wait_indirect_dma semaphore(%arg19 : memref<!tpu.dma_semaphore, #tpu.memory_space<semaphore_mem>>) src(%dma_wait3A_85 : memref<10240xf32, #tpu.memory_space<hbm>>) dst(%arg16 : memref<512xf32, #tpu.memory_space<vmem>>)
      %dma_wait3A_86 = arith.constant 1 : i32
      %dma_wait3A_87 = arith.constant 0 : i32
      %dma_wait3A_88 = tpu.memref_slice %arg13[%dma_wait3A_86, %dma_wait3A_87] : memref<2x512xi32, #tpu.memory_space<vmem>> -> memref<1x512xi32, #tpu.memory_space<vmem>>
      %dma_wait3A_89 = tpu.memref_squeeze %dma_wait3A_88 : memref<1x512xi32, #tpu.memory_space<vmem>> -> memref<512xi32, #tpu.memory_space<vmem>>
      %dma_wait3A_90 = arith.constant 0 : i32
      %dma_wait3A_91 = tpu.memref_slice %arg5[%dma_wait3A_90] : memref<10240xf32, #tpu.memory_space<hbm>> -> memref<10240xf32, #tpu.memory_space<hbm>>
      tpu.wait_indirect_dma semaphore(%arg19 : memref<!tpu.dma_semaphore, #tpu.memory_space<semaphore_mem>>) src(%dma_wait3A_91 : memref<10240xf32, #tpu.memory_space<hbm>>) dst(%arg17 : memref<512xf32, #tpu.memory_space<vmem>>)
      %scan3A = arith.constant 0 : i32
      %scan3A_92 = arith.constant 32 : i32
      %scan3A_93 = arith.addi %scan3A, %scan3A_92 : i32
      %scan3A_94 = arith.constant 1 : i32
      scf.for %scan3A_112 = %scan3A to %scan3A_93 step %scan3A_94  : i32 {
        %mul3A_113 = arith.constant 16 : i32
        %mul3A_114 = arith.muli %scan3A_112, %mul3A_113 : i32
        %get3A = arith.index_cast %mul3A_114 : i32 to index
        %get3A_115 = tpu.vector_load %arg14[%get3A] {strides = array<i32>} : memref<512xf32, #tpu.memory_space<vmem>>, vector<16xf32>,
        %get3A_116 = arith.index_cast %mul3A_114 : i32 to index
        %get3A_117 = tpu.vector_load %arg15[%get3A_116] {strides = array<i32>} : memref<512xf32, #tpu.memory_space<vmem>>, vector<16xf32>,
        %mul3A_118 = arith.mulf %get3A_115, %get3A_115 : vector<16xf32>
        %mul3A_119 = arith.mulf %get3A_117, %get3A_117 : vector<16xf32>
        %add3A_120 = arith.addf %mul3A_118, %mul3A_119 : vector<16xf32>
        %max3A = arith.constant 1.000000e-24 : f32
        %max3A_121 = vector.broadcast %max3A : f32 to vector<16xf32>
        %max3A_122 = arith.maximumf %add3A_120, %max3A_121 : vector<16xf32>
        %bitcast3A = vector.bitcast %max3A_122 : vector<16xf32> to vector<16xi32>
        %shift_right_logical3A = arith.constant 1 : i32
        %shift_right_logical3A_123 = vector.broadcast %shift_right_logical3A : i32 to vector<16xi32>
        %shift_right_logical3A_124 = arith.shrui %bitcast3A, %shift_right_logical3A_123 : vector<16xi32>
        %sub3A = arith.constant 1597463007 : i32
        %sub3A_125 = vector.broadcast %sub3A : i32 to vector<16xi32>
        %sub3A_126 = arith.subi %sub3A_125, %shift_right_logical3A_124 : vector<16xi32>
        %bitcast3A_127 = vector.bitcast %sub3A_126 : vector<16xi32> to vector<16xf32>
        %mul3A_128 = arith.constant 5.000000e-01 : f32
        %mul3A_129 = vector.broadcast %mul3A_128 : f32 to vector<16xf32>
        %mul3A_130 = arith.mulf %mul3A_129, %max3A_122 : vector<16xf32>
        %mul3A_131 = arith.mulf %mul3A_130, %bitcast3A_127 : vector<16xf32>
        %mul3A_132 = arith.mulf %mul3A_131, %bitcast3A_127 : vector<16xf32>
        %sub3A_133 = arith.constant 1.500000e+00 : f32
        %sub3A_134 = vector.broadcast %sub3A_133 : f32 to vector<16xf32>
        %sub3A_135 = arith.subf %sub3A_134, %mul3A_132 : vector<16xf32>
        %mul3A_136 = arith.mulf %bitcast3A_127, %sub3A_135 : vector<16xf32>
        %mul3A_137 = arith.constant 5.000000e-01 : f32
        %mul3A_138 = vector.broadcast %mul3A_137 : f32 to vector<16xf32>
        %mul3A_139 = arith.mulf %mul3A_138, %max3A_122 : vector<16xf32>
        %mul3A_140 = arith.mulf %mul3A_139, %mul3A_136 : vector<16xf32>
        %mul3A_141 = arith.mulf %mul3A_140, %mul3A_136 : vector<16xf32>
        %sub3A_142 = arith.constant 1.500000e+00 : f32
        %sub3A_143 = vector.broadcast %sub3A_142 : f32 to vector<16xf32>
        %sub3A_144 = arith.subf %sub3A_143, %mul3A_141 : vector<16xf32>
        %mul3A_145 = arith.mulf %mul3A_136, %sub3A_144 : vector<16xf32>
        %mul3A_146 = arith.constant 5.000000e-01 : f32
        %mul3A_147 = vector.broadcast %mul3A_146 : f32 to vector<16xf32>
        %mul3A_148 = arith.mulf %mul3A_147, %max3A_122 : vector<16xf32>
        %mul3A_149 = arith.mulf %mul3A_148, %mul3A_145 : vector<16xf32>
        %mul3A_150 = arith.mulf %mul3A_149, %mul3A_145 : vector<16xf32>
        %sub3A_151 = arith.constant 1.500000e+00 : f32
        %sub3A_152 = vector.broadcast %sub3A_151 : f32 to vector<16xf32>
        %sub3A_153 = arith.subf %sub3A_152, %mul3A_150 : vector<16xf32>
        %mul3A_154 = arith.mulf %mul3A_145, %sub3A_153 : vector<16xf32>
        %mul3A_155 = arith.mulf %get3A_115, %mul3A_154 : vector<16xf32>
        %swap3A = arith.index_cast %mul3A_114 : i32 to index
        %swap3A_156 = tpu.vector_load %arg14[%swap3A] {strides = array<i32>} : memref<512xf32, #tpu.memory_space<vmem>>, vector<16xf32>,
        tpu.vector_store %arg14[%swap3A], %mul3A_155 {strides = array<i32>} : memref<512xf32, #tpu.memory_space<vmem>>, vector<16xf32>,
        %mul3A_157 = arith.mulf %get3A_117, %mul3A_154 : vector<16xf32>
        %swap3A_158 = arith.index_cast %mul3A_114 : i32 to index
        %swap3A_159 = tpu.vector_load %arg15[%swap3A_158] {strides = array<i32>} : memref<512xf32, #tpu.memory_space<vmem>>, vector<16xf32>,
        tpu.vector_store %arg15[%swap3A_158], %mul3A_157 {strides = array<i32>} : memref<512xf32, #tpu.memory_space<vmem>>, vector<16xf32>,
        %get3A_160 = arith.index_cast %mul3A_114 : i32 to index
        %get3A_161 = tpu.vector_load %arg16[%get3A_160] {strides = array<i32>} : memref<512xf32, #tpu.memory_space<vmem>>, vector<16xf32>,
        %get3A_162 = arith.index_cast %mul3A_114 : i32 to index
        %get3A_163 = tpu.vector_load %arg17[%get3A_162] {strides = array<i32>} : memref<512xf32, #tpu.memory_space<vmem>>, vector<16xf32>,
        %mul3A_164 = arith.mulf %get3A_161, %get3A_161 : vector<16xf32>
        %mul3A_165 = arith.mulf %get3A_163, %get3A_163 : vector<16xf32>
        %add3A_166 = arith.addf %mul3A_164, %mul3A_165 : vector<16xf32>
        %max3A_167 = arith.constant 1.000000e-24 : f32
        %max3A_168 = vector.broadcast %max3A_167 : f32 to vector<16xf32>
        %max3A_169 = arith.maximumf %add3A_166, %max3A_168 : vector<16xf32>
        %bitcast3A_170 = vector.bitcast %max3A_169 : vector<16xf32> to vector<16xi32>
        %shift_right_logical3A_171 = arith.constant 1 : i32
        %shift_right_logical3A_172 = vector.broadcast %shift_right_logical3A_171 : i32 to vector<16xi32>
        %shift_right_logical3A_173 = arith.shrui %bitcast3A_170, %shift_right_logical3A_172 : vector<16xi32>
        %sub3A_174 = arith.constant 1597463007 : i32
        %sub3A_175 = vector.broadcast %sub3A_174 : i32 to vector<16xi32>
        %sub3A_176 = arith.subi %sub3A_175, %shift_right_logical3A_173 : vector<16xi32>
        %bitcast3A_177 = vector.bitcast %sub3A_176 : vector<16xi32> to vector<16xf32>
        %mul3A_178 = arith.constant 5.000000e-01 : f32
        %mul3A_179 = vector.broadcast %mul3A_178 : f32 to vector<16xf32>
        %mul3A_180 = arith.mulf %mul3A_179, %max3A_169 : vector<16xf32>
        %mul3A_181 = arith.mulf %mul3A_180, %bitcast3A_177 : vector<16xf32>
        %mul3A_182 = arith.mulf %mul3A_181, %bitcast3A_177 : vector<16xf32>
        %sub3A_183 = arith.constant 1.500000e+00 : f32
        %sub3A_184 = vector.broadcast %sub3A_183 : f32 to vector<16xf32>
        %sub3A_185 = arith.subf %sub3A_184, %mul3A_182 : vector<16xf32>
        %mul3A_186 = arith.mulf %bitcast3A_177, %sub3A_185 : vector<16xf32>
        %mul3A_187 = arith.constant 5.000000e-01 : f32
        %mul3A_188 = vector.broadcast %mul3A_187 : f32 to vector<16xf32>
        %mul3A_189 = arith.mulf %mul3A_188, %max3A_169 : vector<16xf32>
        %mul3A_190 = arith.mulf %mul3A_189, %mul3A_186 : vector<16xf32>
        %mul3A_191 = arith.mulf %mul3A_190, %mul3A_186 : vector<16xf32>
        %sub3A_192 = arith.constant 1.500000e+00 : f32
        %sub3A_193 = vector.broadcast %sub3A_192 : f32 to vector<16xf32>
        %sub3A_194 = arith.subf %sub3A_193, %mul3A_191 : vector<16xf32>
        %mul3A_195 = arith.mulf %mul3A_186, %sub3A_194 : vector<16xf32>
        %mul3A_196 = arith.constant 5.000000e-01 : f32
        %mul3A_197 = vector.broadcast %mul3A_196 : f32 to vector<16xf32>
        %mul3A_198 = arith.mulf %mul3A_197, %max3A_169 : vector<16xf32>
        %mul3A_199 = arith.mulf %mul3A_198, %mul3A_195 : vector<16xf32>
        %mul3A_200 = arith.mulf %mul3A_199, %mul3A_195 : vector<16xf32>
        %sub3A_201 = arith.constant 1.500000e+00 : f32
        %sub3A_202 = vector.broadcast %sub3A_201 : f32 to vector<16xf32>
        %sub3A_203 = arith.subf %sub3A_202, %mul3A_200 : vector<16xf32>
        %mul3A_204 = arith.mulf %mul3A_195, %sub3A_203 : vector<16xf32>
        %mul3A_205 = arith.mulf %get3A_161, %mul3A_204 : vector<16xf32>
        %swap3A_206 = arith.index_cast %mul3A_114 : i32 to index
        %swap3A_207 = tpu.vector_load %arg16[%swap3A_206] {strides = array<i32>} : memref<512xf32, #tpu.memory_space<vmem>>, vector<16xf32>,
        tpu.vector_store %arg16[%swap3A_206], %mul3A_205 {strides = array<i32>} : memref<512xf32, #tpu.memory_space<vmem>>, vector<16xf32>,
        %mul3A_208 = arith.mulf %get3A_163, %mul3A_204 : vector<16xf32>
        %swap3A_209 = arith.index_cast %mul3A_114 : i32 to index
        %swap3A_210 = tpu.vector_load %arg17[%swap3A_209] {strides = array<i32>} : memref<512xf32, #tpu.memory_space<vmem>>, vector<16xf32>,
        tpu.vector_store %arg17[%swap3A_209], %mul3A_208 {strides = array<i32>} : memref<512xf32, #tpu.memory_space<vmem>>, vector<16xf32>,
      }
      %scan3A_95 = arith.constant 32 : i32
      %dma_start3A_96 = tpu.memref_slice %arg8[%mul3A_27] : memref<8192xf32, #tpu.memory_space<hbm>> -> memref<512xf32, #tpu.memory_space<hbm>>
      %dma_start3A_97 = tpu.memref_slice %arg8[%mul3A_27] : memref<8192xf32, #tpu.memory_space<hbm>> -> memref<512xf32, #tpu.memory_space<hbm>>
      tpu.enqueue_dma source(%arg14 : memref<512xf32, #tpu.memory_space<vmem>>) target(%dma_start3A_97 : memref<512xf32, #tpu.memory_space<hbm>>) target_semaphore(%arg20 : memref<!tpu.dma_semaphore, #tpu.memory_space<semaphore_mem>>)
      %dma_start3A_98 = tpu.memref_slice %arg9[%mul3A_27] : memref<8192xf32, #tpu.memory_space<hbm>> -> memref<512xf32, #tpu.memory_space<hbm>>
      %dma_start3A_99 = tpu.memref_slice %arg9[%mul3A_27] : memref<8192xf32, #tpu.memory_space<hbm>> -> memref<512xf32, #tpu.memory_space<hbm>>
      tpu.enqueue_dma source(%arg15 : memref<512xf32, #tpu.memory_space<vmem>>) target(%dma_start3A_99 : memref<512xf32, #tpu.memory_space<hbm>>) target_semaphore(%arg20 : memref<!tpu.dma_semaphore, #tpu.memory_space<semaphore_mem>>)
      %dma_start3A_100 = tpu.memref_slice %arg10[%mul3A_27] : memref<8192xf32, #tpu.memory_space<hbm>> -> memref<512xf32, #tpu.memory_space<hbm>>
      %dma_start3A_101 = tpu.memref_slice %arg10[%mul3A_27] : memref<8192xf32, #tpu.memory_space<hbm>> -> memref<512xf32, #tpu.memory_space<hbm>>
      tpu.enqueue_dma source(%arg16 : memref<512xf32, #tpu.memory_space<vmem>>) target(%dma_start3A_101 : memref<512xf32, #tpu.memory_space<hbm>>) target_semaphore(%arg20 : memref<!tpu.dma_semaphore, #tpu.memory_space<semaphore_mem>>)
      %dma_start3A_102 = tpu.memref_slice %arg11[%mul3A_27] : memref<8192xf32, #tpu.memory_space<hbm>> -> memref<512xf32, #tpu.memory_space<hbm>>
      %dma_start3A_103 = tpu.memref_slice %arg11[%mul3A_27] : memref<8192xf32, #tpu.memory_space<hbm>> -> memref<512xf32, #tpu.memory_space<hbm>>
      tpu.enqueue_dma source(%arg17 : memref<512xf32, #tpu.memory_space<vmem>>) target(%dma_start3A_103 : memref<512xf32, #tpu.memory_space<hbm>>) target_semaphore(%arg20 : memref<!tpu.dma_semaphore, #tpu.memory_space<semaphore_mem>>)
      %dma_wait3A_104 = tpu.memref_slice %arg8[%mul3A_27] : memref<8192xf32, #tpu.memory_space<hbm>> -> memref<512xf32, #tpu.memory_space<hbm>>
      %dma_wait3A_105 = tpu.memref_slice %arg8[%mul3A_27] : memref<8192xf32, #tpu.memory_space<hbm>> -> memref<512xf32, #tpu.memory_space<hbm>>
      tpu.wait_dma2 semaphore(%arg20 : memref<!tpu.dma_semaphore, #tpu.memory_space<semaphore_mem>>) src(%arg14 : memref<512xf32, #tpu.memory_space<vmem>>) dst(%dma_wait3A_105 : memref<512xf32, #tpu.memory_space<hbm>>)
      %dma_wait3A_106 = tpu.memref_slice %arg9[%mul3A_27] : memref<8192xf32, #tpu.memory_space<hbm>> -> memref<512xf32, #tpu.memory_space<hbm>>
      %dma_wait3A_107 = tpu.memref_slice %arg9[%mul3A_27] : memref<8192xf32, #tpu.memory_space<hbm>> -> memref<512xf32, #tpu.memory_space<hbm>>
      tpu.wait_dma2 semaphore(%arg20 : memref<!tpu.dma_semaphore, #tpu.memory_space<semaphore_mem>>) src(%arg15 : memref<512xf32, #tpu.memory_space<vmem>>) dst(%dma_wait3A_107 : memref<512xf32, #tpu.memory_space<hbm>>)
      %dma_wait3A_108 = tpu.memref_slice %arg10[%mul3A_27] : memref<8192xf32, #tpu.memory_space<hbm>> -> memref<512xf32, #tpu.memory_space<hbm>>
      %dma_wait3A_109 = tpu.memref_slice %arg10[%mul3A_27] : memref<8192xf32, #tpu.memory_space<hbm>> -> memref<512xf32, #tpu.memory_space<hbm>>
      tpu.wait_dma2 semaphore(%arg20 : memref<!tpu.dma_semaphore, #tpu.memory_space<semaphore_mem>>) src(%arg16 : memref<512xf32, #tpu.memory_space<vmem>>) dst(%dma_wait3A_109 : memref<512xf32, #tpu.memory_space<hbm>>)
      %dma_wait3A_110 = tpu.memref_slice %arg11[%mul3A_27] : memref<8192xf32, #tpu.memory_space<hbm>> -> memref<512xf32, #tpu.memory_space<hbm>>
      %dma_wait3A_111 = tpu.memref_slice %arg11[%mul3A_27] : memref<8192xf32, #tpu.memory_space<hbm>> -> memref<512xf32, #tpu.memory_space<hbm>>
      tpu.wait_dma2 semaphore(%arg20 : memref<!tpu.dma_semaphore, #tpu.memory_space<semaphore_mem>>) src(%arg17 : memref<512xf32, #tpu.memory_space<vmem>>) dst(%dma_wait3A_111 : memref<512xf32, #tpu.memory_space<hbm>>)
    } else {
    }
    return
  }
}

module attributes {stable_mosaic.version = 14 : i64} {
  func.func @_t2_body(%arg0: i32, %arg1: memref<1024xf32, #tpu.memory_space<vmem>>, %arg2: memref<1024xf32, #tpu.memory_space<vmem>>, %arg3: memref<1024xf32, #tpu.memory_space<vmem>>, %arg4: memref<1024xf32, #tpu.memory_space<vmem>>, %arg5: memref<1024xf32, #tpu.memory_space<vmem>>, %arg6: memref<1024xf32, #tpu.memory_space<vmem>>, %arg7: memref<1024xf32, #tpu.memory_space<vmem>>, %arg8: memref<1024xf32, #tpu.memory_space<vmem>>, %arg9: memref<1024xf32, #tpu.memory_space<vmem>>, %arg10: memref<1024xf32, #tpu.memory_space<vmem>>, %arg11: memref<1024xf32, #tpu.memory_space<vmem>>, %arg12: memref<1024xf32, #tpu.memory_space<vmem>>, %arg13: memref<1024xf32, #tpu.memory_space<vmem>>, %arg14: memref<1024xf32, #tpu.memory_space<vmem>>, %arg15: memref<2x2xf32, #tpu.memory_space<smem>>, %arg16: memref<2xf32, #tpu.memory_space<smem>>, %arg17: memref<2xf32, #tpu.memory_space<smem>>, %arg18: memref<1024xf32, #tpu.memory_space<vmem>>, %arg19: memref<1024xf32, #tpu.memory_space<vmem>>, %arg20: memref<1024xf32, #tpu.memory_space<vmem>>, %arg21: memref<1024xf32, #tpu.memory_space<vmem>>) attributes {dimension_semantics = [#tpu.dimension_semantics<arbitrary>], iteration_bounds = array<i64: 10>, scalar_prefetch = 0 : i64, scratch_operands = 0 : i64, tpu.core_type = #tpu.core_type<tc>, window_params = [{transform_indices = @transform_0, window_bounds = array<i64: 1024>}, {transform_indices = @transform_1, window_bounds = array<i64: 1024>}, {transform_indices = @transform_2, window_bounds = array<i64: 1024>}, {transform_indices = @transform_3, window_bounds = array<i64: 1024>}, {transform_indices = @transform_4, window_bounds = array<i64: 1024>}, {transform_indices = @transform_5, window_bounds = array<i64: 1024>}, {transform_indices = @transform_6, window_bounds = array<i64: 1024>}, {transform_indices = @transform_7, window_bounds = array<i64: 1024>}, {transform_indices = @transform_8, window_bounds = array<i64: 1024>}, {transform_indices = @transform_9, window_bounds = array<i64: 1024>}, {transform_indices = @transform_10, window_bounds = array<i64: 1024>}, {transform_indices = @transform_11, window_bounds = array<i64: 1024>}, {transform_indices = @transform_12, window_bounds = array<i64: 1024>}, {transform_indices = @transform_13, window_bounds = array<i64: 1024>}, {transform_indices = @transform_14, window_bounds = array<i64: 2, 2>}, {transform_indices = @transform_15, window_bounds = array<i64: 2>}, {transform_indices = @transform_16, window_bounds = array<i64: 2>}, {transform_indices = @transform_17, window_bounds = array<i64: 1024>}, {transform_indices = @transform_18, window_bounds = array<i64: 1024>}, {transform_indices = @transform_19, window_bounds = array<i64: 1024>}, {transform_indices = @transform_20, window_bounds = array<i64: 1024>}]} {
    %get3A = arith.constant 0 : index
    %get3A_0 = arith.constant 0 : index
    %get3A_1 = memref.load %arg15[%get3A, %get3A_0] : memref<2x2xf32, #tpu.memory_space<smem>>
    %get3A_2 = arith.constant 0 : index
    %get3A_3 = arith.constant 1 : index
    %get3A_4 = memref.load %arg15[%get3A_2, %get3A_3] : memref<2x2xf32, #tpu.memory_space<smem>>
    %get3A_5 = arith.constant 1 : index
    %get3A_6 = arith.constant 0 : index
    %get3A_7 = memref.load %arg15[%get3A_5, %get3A_6] : memref<2x2xf32, #tpu.memory_space<smem>>
    %get3A_8 = arith.constant 1 : index
    %get3A_9 = arith.constant 1 : index
    %get3A_10 = memref.load %arg15[%get3A_8, %get3A_9] : memref<2x2xf32, #tpu.memory_space<smem>>
    %get3A_11 = arith.constant 0 : index
    %get3A_12 = memref.load %arg16[%get3A_11] : memref<2xf32, #tpu.memory_space<smem>>
    %get3A_13 = arith.constant 1 : index
    %get3A_14 = memref.load %arg16[%get3A_13] : memref<2xf32, #tpu.memory_space<smem>>
    %get3A_15 = arith.constant 0 : index
    %get3A_16 = memref.load %arg17[%get3A_15] : memref<2xf32, #tpu.memory_space<smem>>
    %get3A_17 = arith.constant 1 : index
    %get3A_18 = memref.load %arg17[%get3A_17] : memref<2xf32, #tpu.memory_space<smem>>
    %get3A_19 = arith.constant 0 : index
    %get3A_20 = vector.load %arg13[%get3A_19] : memref<1024xf32, #tpu.memory_space<vmem>>, vector<1024xf32>
    %get3A_21 = arith.constant 0 : index
    %get3A_22 = vector.load %arg1[%get3A_21] : memref<1024xf32, #tpu.memory_space<vmem>>, vector<1024xf32>
    %get3A_23 = arith.constant 0 : index
    %get3A_24 = vector.load %arg2[%get3A_23] : memref<1024xf32, #tpu.memory_space<vmem>>, vector<1024xf32>
    %add3A = arith.addf %get3A_22, %get3A_24 : vector<1024xf32>
    %get3A_25 = arith.constant 0 : index
    %get3A_26 = vector.load %arg9[%get3A_25] : memref<1024xf32, #tpu.memory_space<vmem>>, vector<1024xf32>
    %add3A_27 = arith.addf %add3A, %get3A_26 : vector<1024xf32>
    %mul3A = arith.mulf %get3A_20, %add3A_27 : vector<1024xf32>
    %add3A_28 = vector.broadcast %get3A_16 : f32 to vector<1024xf32>
    %add3A_29 = arith.addf %mul3A, %add3A_28 : vector<1024xf32>
    %get3A_30 = arith.constant 0 : index
    %get3A_31 = vector.load %arg3[%get3A_30] : memref<1024xf32, #tpu.memory_space<vmem>>, vector<1024xf32>
    %get3A_32 = arith.constant 0 : index
    %get3A_33 = vector.load %arg4[%get3A_32] : memref<1024xf32, #tpu.memory_space<vmem>>, vector<1024xf32>
    %add3A_34 = arith.addf %get3A_31, %get3A_33 : vector<1024xf32>
    %get3A_35 = arith.constant 0 : index
    %get3A_36 = vector.load %arg10[%get3A_35] : memref<1024xf32, #tpu.memory_space<vmem>>, vector<1024xf32>
    %add3A_37 = arith.addf %add3A_34, %get3A_36 : vector<1024xf32>
    %mul3A_38 = arith.mulf %get3A_20, %add3A_37 : vector<1024xf32>
    %add3A_39 = vector.broadcast %get3A_18 : f32 to vector<1024xf32>
    %add3A_40 = arith.addf %mul3A_38, %add3A_39 : vector<1024xf32>
    %ge3A = arith.constant 0.000000e+00 : f32
    %ge3A_41 = vector.broadcast %ge3A : f32 to vector<1024xf32>
    %ge3A_42 = arith.cmpf oge, %add3A_29, %ge3A_41 : vector<1024xf32>
    %mul3A_43 = vector.broadcast %get3A_12 : f32 to vector<1024xf32>
    %mul3A_44 = arith.mulf %mul3A_43, %add3A_29 : vector<1024xf32>
    %select_n3A = arith.select %ge3A_42, %add3A_29, %mul3A_44 : vector<1024xi1>, vector<1024xf32>
    %ge3A_45 = arith.constant 0.000000e+00 : f32
    %ge3A_46 = vector.broadcast %ge3A_45 : f32 to vector<1024xf32>
    %ge3A_47 = arith.cmpf oge, %add3A_40, %ge3A_46 : vector<1024xf32>
    %mul3A_48 = vector.broadcast %get3A_14 : f32 to vector<1024xf32>
    %mul3A_49 = arith.mulf %mul3A_48, %add3A_40 : vector<1024xf32>
    %select_n3A_50 = arith.select %ge3A_47, %add3A_40, %mul3A_49 : vector<1024xi1>, vector<1024xf32>
    %mul3A_51 = vector.broadcast %get3A_1 : f32 to vector<1024xf32>
    %mul3A_52 = arith.mulf %select_n3A, %mul3A_51 : vector<1024xf32>
    %mul3A_53 = vector.broadcast %get3A_7 : f32 to vector<1024xf32>
    %mul3A_54 = arith.mulf %select_n3A_50, %mul3A_53 : vector<1024xf32>
    %add3A_55 = arith.addf %mul3A_52, %mul3A_54 : vector<1024xf32>
    %mul3A_56 = arith.mulf %get3A_20, %add3A_55 : vector<1024xf32>
    %swap3A = arith.constant 0 : index
    %swap3A_57 = vector.load %arg18[%swap3A] : memref<1024xf32, #tpu.memory_space<vmem>>, vector<1024xf32>
    tpu.vector_store %arg18[%swap3A], %mul3A_56 {strides = array<i32>} : memref<1024xf32, #tpu.memory_space<vmem>>, vector<1024xf32>,
    %mul3A_58 = vector.broadcast %get3A_4 : f32 to vector<1024xf32>
    %mul3A_59 = arith.mulf %select_n3A, %mul3A_58 : vector<1024xf32>
    %mul3A_60 = vector.broadcast %get3A_10 : f32 to vector<1024xf32>
    %mul3A_61 = arith.mulf %select_n3A_50, %mul3A_60 : vector<1024xf32>
    %add3A_62 = arith.addf %mul3A_59, %mul3A_61 : vector<1024xf32>
    %mul3A_63 = arith.mulf %get3A_20, %add3A_62 : vector<1024xf32>
    %swap3A_64 = arith.constant 0 : index
    %swap3A_65 = vector.load %arg19[%swap3A_64] : memref<1024xf32, #tpu.memory_space<vmem>>, vector<1024xf32>
    tpu.vector_store %arg19[%swap3A_64], %mul3A_63 {strides = array<i32>} : memref<1024xf32, #tpu.memory_space<vmem>>, vector<1024xf32>,
    %get3A_66 = arith.constant 0 : index
    %get3A_67 = vector.load %arg14[%get3A_66] : memref<1024xf32, #tpu.memory_space<vmem>>, vector<1024xf32>
    %get3A_68 = arith.constant 0 : index
    %get3A_69 = vector.load %arg5[%get3A_68] : memref<1024xf32, #tpu.memory_space<vmem>>, vector<1024xf32>
    %get3A_70 = arith.constant 0 : index
    %get3A_71 = vector.load %arg6[%get3A_70] : memref<1024xf32, #tpu.memory_space<vmem>>, vector<1024xf32>
    %add3A_72 = arith.addf %get3A_69, %get3A_71 : vector<1024xf32>
    %get3A_73 = arith.constant 0 : index
    %get3A_74 = vector.load %arg11[%get3A_73] : memref<1024xf32, #tpu.memory_space<vmem>>, vector<1024xf32>
    %add3A_75 = arith.addf %add3A_72, %get3A_74 : vector<1024xf32>
    %mul3A_76 = arith.mulf %get3A_67, %add3A_75 : vector<1024xf32>
    %add3A_77 = vector.broadcast %get3A_16 : f32 to vector<1024xf32>
    %add3A_78 = arith.addf %mul3A_76, %add3A_77 : vector<1024xf32>
    %get3A_79 = arith.constant 0 : index
    %get3A_80 = vector.load %arg7[%get3A_79] : memref<1024xf32, #tpu.memory_space<vmem>>, vector<1024xf32>
    %get3A_81 = arith.constant 0 : index
    %get3A_82 = vector.load %arg8[%get3A_81] : memref<1024xf32, #tpu.memory_space<vmem>>, vector<1024xf32>
    %add3A_83 = arith.addf %get3A_80, %get3A_82 : vector<1024xf32>
    %get3A_84 = arith.constant 0 : index
    %get3A_85 = vector.load %arg12[%get3A_84] : memref<1024xf32, #tpu.memory_space<vmem>>, vector<1024xf32>
    %add3A_86 = arith.addf %add3A_83, %get3A_85 : vector<1024xf32>
    %mul3A_87 = arith.mulf %get3A_67, %add3A_86 : vector<1024xf32>
    %add3A_88 = vector.broadcast %get3A_18 : f32 to vector<1024xf32>
    %add3A_89 = arith.addf %mul3A_87, %add3A_88 : vector<1024xf32>
    %ge3A_90 = arith.constant 0.000000e+00 : f32
    %ge3A_91 = vector.broadcast %ge3A_90 : f32 to vector<1024xf32>
    %ge3A_92 = arith.cmpf oge, %add3A_78, %ge3A_91 : vector<1024xf32>
    %mul3A_93 = vector.broadcast %get3A_12 : f32 to vector<1024xf32>
    %mul3A_94 = arith.mulf %mul3A_93, %add3A_78 : vector<1024xf32>
    %select_n3A_95 = arith.select %ge3A_92, %add3A_78, %mul3A_94 : vector<1024xi1>, vector<1024xf32>
    %ge3A_96 = arith.constant 0.000000e+00 : f32
    %ge3A_97 = vector.broadcast %ge3A_96 : f32 to vector<1024xf32>
    %ge3A_98 = arith.cmpf oge, %add3A_89, %ge3A_97 : vector<1024xf32>
    %mul3A_99 = vector.broadcast %get3A_14 : f32 to vector<1024xf32>
    %mul3A_100 = arith.mulf %mul3A_99, %add3A_89 : vector<1024xf32>
    %select_n3A_101 = arith.select %ge3A_98, %add3A_89, %mul3A_100 : vector<1024xi1>, vector<1024xf32>
    %mul3A_102 = vector.broadcast %get3A_1 : f32 to vector<1024xf32>
    %mul3A_103 = arith.mulf %select_n3A_95, %mul3A_102 : vector<1024xf32>
    %mul3A_104 = vector.broadcast %get3A_7 : f32 to vector<1024xf32>
    %mul3A_105 = arith.mulf %select_n3A_101, %mul3A_104 : vector<1024xf32>
    %add3A_106 = arith.addf %mul3A_103, %mul3A_105 : vector<1024xf32>
    %mul3A_107 = arith.mulf %get3A_67, %add3A_106 : vector<1024xf32>
    %swap3A_108 = arith.constant 0 : index
    %swap3A_109 = vector.load %arg20[%swap3A_108] : memref<1024xf32, #tpu.memory_space<vmem>>, vector<1024xf32>
    tpu.vector_store %arg20[%swap3A_108], %mul3A_107 {strides = array<i32>} : memref<1024xf32, #tpu.memory_space<vmem>>, vector<1024xf32>,
    %mul3A_110 = vector.broadcast %get3A_4 : f32 to vector<1024xf32>
    %mul3A_111 = arith.mulf %select_n3A_95, %mul3A_110 : vector<1024xf32>
    %mul3A_112 = vector.broadcast %get3A_10 : f32 to vector<1024xf32>
    %mul3A_113 = arith.mulf %select_n3A_101, %mul3A_112 : vector<1024xf32>
    %add3A_114 = arith.addf %mul3A_111, %mul3A_113 : vector<1024xf32>
    %mul3A_115 = arith.mulf %get3A_67, %add3A_114 : vector<1024xf32>
    %swap3A_116 = arith.constant 0 : index
    %swap3A_117 = vector.load %arg21[%swap3A_116] : memref<1024xf32, #tpu.memory_space<vmem>>, vector<1024xf32>
    tpu.vector_store %arg21[%swap3A_116], %mul3A_115 {strides = array<i32>} : memref<1024xf32, #tpu.memory_space<vmem>>, vector<1024xf32>,
    return
  }
  func.func @transform_0(%arg0: i32) -> i32 {
    %c0_i32 = arith.constant 0 : i32
    return %arg0 : i32
  }
  func.func @transform_1(%arg0: i32) -> i32 {
    %add3A = arith.constant 10 : i32
    %add3A_0 = arith.addi %arg0, %add3A : i32
    %c0_i32 = arith.constant 0 : i32
    return %add3A_0 : i32
  }
  func.func @transform_2(%arg0: i32) -> i32 {
    %c0_i32 = arith.constant 0 : i32
    return %arg0 : i32
  }
  func.func @transform_3(%arg0: i32) -> i32 {
    %add3A = arith.constant 10 : i32
    %add3A_0 = arith.addi %arg0, %add3A : i32
    %c0_i32 = arith.constant 0 : i32
    return %add3A_0 : i32
  }
  func.func @transform_4(%arg0: i32) -> i32 {
    %c0_i32 = arith.constant 0 : i32
    return %arg0 : i32
  }
  func.func @transform_5(%arg0: i32) -> i32 {
    %add3A = arith.constant 10 : i32
    %add3A_0 = arith.addi %arg0, %add3A : i32
    %c0_i32 = arith.constant 0 : i32
    return %add3A_0 : i32
  }
  func.func @transform_6(%arg0: i32) -> i32 {
    %c0_i32 = arith.constant 0 : i32
    return %arg0 : i32
  }
  func.func @transform_7(%arg0: i32) -> i32 {
    %add3A = arith.constant 10 : i32
    %add3A_0 = arith.addi %arg0, %add3A : i32
    %c0_i32 = arith.constant 0 : i32
    return %add3A_0 : i32
  }
  func.func @transform_8(%arg0: i32) -> i32 {
    %c0_i32 = arith.constant 0 : i32
    return %arg0 : i32
  }
  func.func @transform_9(%arg0: i32) -> i32 {
    %c0_i32 = arith.constant 0 : i32
    return %arg0 : i32
  }
  func.func @transform_10(%arg0: i32) -> i32 {
    %c0_i32 = arith.constant 0 : i32
    return %arg0 : i32
  }
  func.func @transform_11(%arg0: i32) -> i32 {
    %c0_i32 = arith.constant 0 : i32
    return %arg0 : i32
  }
  func.func @transform_12(%arg0: i32) -> i32 {
    %c0_i32 = arith.constant 0 : i32
    return %arg0 : i32
  }
  func.func @transform_13(%arg0: i32) -> i32 {
    %c0_i32 = arith.constant 0 : i32
    return %arg0 : i32
  }
  func.func @transform_14(%arg0: i32) -> (i32, i32) {
    %c0_i32 = arith.constant 0 : i32
    %c0_i32_0 = arith.constant 0 : i32
    %c0_i32_1 = arith.constant 0 : i32
    return %c0_i32, %c0_i32_0 : i32, i32
  }
  func.func @transform_15(%arg0: i32) -> i32 {
    %c0_i32 = arith.constant 0 : i32
    %c0_i32_0 = arith.constant 0 : i32
    return %c0_i32 : i32
  }
  func.func @transform_16(%arg0: i32) -> i32 {
    %c0_i32 = arith.constant 0 : i32
    %c0_i32_0 = arith.constant 0 : i32
    return %c0_i32 : i32
  }
  func.func @transform_17(%arg0: i32) -> i32 {
    %c0_i32 = arith.constant 0 : i32
    return %arg0 : i32
  }
  func.func @transform_18(%arg0: i32) -> i32 {
    %c0_i32 = arith.constant 0 : i32
    return %arg0 : i32
  }
  func.func @transform_19(%arg0: i32) -> i32 {
    %c0_i32 = arith.constant 0 : i32
    return %arg0 : i32
  }
  func.func @transform_20(%arg0: i32) -> i32 {
    %c0_i32 = arith.constant 0 : i32
    return %arg0 : i32
  }
}

module attributes {stable_mosaic.version = 14 : i64} {
  func.func @_t1_body(%arg0: i32, %arg1: memref<1024x128xf32, #tpu.memory_space<vmem>>, %arg2: memref<1024x128xf32, #tpu.memory_space<vmem>>, %arg3: memref<8x128xf32, #tpu.memory_space<vmem>>, %arg4: memref<1024xf32, #tpu.memory_space<vmem>>, %arg5: memref<1024xf32, #tpu.memory_space<vmem>>, %arg6: memref<1024xf32, #tpu.memory_space<vmem>>, %arg7: memref<1024xf32, #tpu.memory_space<vmem>>, %arg8: memref<1024xf32, #tpu.memory_space<vmem>>, %arg9: memref<1024xf32, #tpu.memory_space<vmem>>, %arg10: memref<1024xf32, #tpu.memory_space<vmem>>, %arg11: memref<1024xf32, #tpu.memory_space<vmem>>, %arg12: memref<1024xf32, #tpu.memory_space<vmem>>, %arg13: memref<1024xf32, #tpu.memory_space<vmem>>) attributes {dimension_semantics = [#tpu.dimension_semantics<arbitrary>], iteration_bounds = array<i64: 10>, scalar_prefetch = 0 : i64, scratch_operands = 0 : i64, tpu.core_type = #tpu.core_type<tc>, window_params = [{transform_indices = @transform_0, window_bounds = array<i64: 1024, 128>}, {transform_indices = @transform_1, window_bounds = array<i64: 1024, 128>}, {pipeline_mode = #tpu.pipeline_mode<synchronous>, transform_indices = @transform_2, window_bounds = array<i64: 8, 128>}, {transform_indices = @transform_3, window_bounds = array<i64: 1024>}, {transform_indices = @transform_4, window_bounds = array<i64: 1024>}, {transform_indices = @transform_5, window_bounds = array<i64: 1024>}, {transform_indices = @transform_6, window_bounds = array<i64: 1024>}, {transform_indices = @transform_7, window_bounds = array<i64: 1024>}, {transform_indices = @transform_8, window_bounds = array<i64: 1024>}, {transform_indices = @transform_9, window_bounds = array<i64: 1024>}, {transform_indices = @transform_10, window_bounds = array<i64: 1024>}, {transform_indices = @transform_11, window_bounds = array<i64: 1024>}, {transform_indices = @transform_12, window_bounds = array<i64: 1024>}]} {
    %get3A = arith.constant 0 : index
    %get3A_0 = arith.constant 0 : index
    %get3A_1 = vector.load %arg3[%get3A, %get3A_0] : memref<8x128xf32, #tpu.memory_space<vmem>>, vector<8x128xf32>
    %get3A_2 = arith.constant 0 : index
    %get3A_3 = arith.constant 0 : index
    %get3A_4 = vector.load %arg1[%get3A_2, %get3A_3] : memref<1024x128xf32, #tpu.memory_space<vmem>>, vector<1024x128xf32>
    %dot_general3A = arith.constant dense<0.000000e+00> : vector<8x1024xf32>
    %dot_general3A_5 = tpu.matmul %get3A_1, %get3A_4, %dot_general3A {dimension_numbers = #tpu.dot_dimension_numbers<[1], [1], [0], [0], [0, 0, 1, 0], [], []>, transpose_lhs_hint = false} : vector<8x128xf32>, vector<1024x128xf32>, vector<8x1024xf32> -> vector<8x1024xf32>
    %get3A_6 = arith.constant 0 : index
    %get3A_7 = vector.load %arg4[%get3A_6] : memref<1024xf32, #tpu.memory_space<vmem>>, vector<1024xf32>
    %get3A_8 = arith.constant 0 : index
    %get3A_9 = vector.load %arg5[%get3A_8] : memref<1024xf32, #tpu.memory_space<vmem>>, vector<1024xf32>
    %add3A = arith.addf %get3A_7, %get3A_9 : vector<1024xf32>
    %add3A_10 = arith.constant 1.000000e+00 : f32
    %add3A_11 = vector.broadcast %add3A_10 : f32 to vector<1024xf32>
    %add3A_12 = arith.addf %add3A, %add3A_11 : vector<1024xf32>
    %rsqrt3A = math.rsqrt %add3A_12 : vector<1024xf32>
    %swap3A = arith.constant 0 : index
    %swap3A_13 = vector.load %arg12[%swap3A] : memref<1024xf32, #tpu.memory_space<vmem>>, vector<1024xf32>
    tpu.vector_store %arg12[%swap3A], %rsqrt3A {strides = array<i32>} : memref<1024xf32, #tpu.memory_space<vmem>>, vector<1024xf32>,
    %slice3A = vector.extract_strided_slice %dot_general3A_5 {offsets = [0, 0], sizes = [1, 1024], strides = [1, 1]} : vector<8x1024xf32> to vector<1x1024xf32>
    %squeeze3A = vector.shape_cast %slice3A : vector<1x1024xf32> to vector<1024xf32>
    %mul3A = arith.mulf %squeeze3A, %rsqrt3A : vector<1024xf32>
    %swap3A_14 = arith.constant 0 : index
    %swap3A_15 = vector.load %arg8[%swap3A_14] : memref<1024xf32, #tpu.memory_space<vmem>>, vector<1024xf32>
    tpu.vector_store %arg8[%swap3A_14], %mul3A {strides = array<i32>} : memref<1024xf32, #tpu.memory_space<vmem>>, vector<1024xf32>,
    %slice3A_16 = vector.extract_strided_slice %dot_general3A_5 {offsets = [1, 0], sizes = [1, 1024], strides = [1, 1]} : vector<8x1024xf32> to vector<1x1024xf32>
    %squeeze3A_17 = vector.shape_cast %slice3A_16 : vector<1x1024xf32> to vector<1024xf32>
    %mul3A_18 = arith.mulf %squeeze3A_17, %rsqrt3A : vector<1024xf32>
    %swap3A_19 = arith.constant 0 : index
    %swap3A_20 = vector.load %arg9[%swap3A_19] : memref<1024xf32, #tpu.memory_space<vmem>>, vector<1024xf32>
    tpu.vector_store %arg9[%swap3A_19], %mul3A_18 {strides = array<i32>} : memref<1024xf32, #tpu.memory_space<vmem>>, vector<1024xf32>,
    %get3A_21 = arith.constant 0 : index
    %get3A_22 = arith.constant 0 : index
    %get3A_23 = vector.load %arg2[%get3A_21, %get3A_22] : memref<1024x128xf32, #tpu.memory_space<vmem>>, vector<1024x128xf32>
    %dot_general3A_24 = arith.constant dense<0.000000e+00> : vector<8x1024xf32>
    %dot_general3A_25 = tpu.matmul %get3A_1, %get3A_23, %dot_general3A_24 {dimension_numbers = #tpu.dot_dimension_numbers<[1], [1], [0], [0], [0, 0, 1, 0], [], []>, transpose_lhs_hint = false} : vector<8x128xf32>, vector<1024x128xf32>, vector<8x1024xf32> -> vector<8x1024xf32>
    %get3A_26 = arith.constant 0 : index
    %get3A_27 = vector.load %arg6[%get3A_26] : memref<1024xf32, #tpu.memory_space<vmem>>, vector<1024xf32>
    %get3A_28 = arith.constant 0 : index
    %get3A_29 = vector.load %arg7[%get3A_28] : memref<1024xf32, #tpu.memory_space<vmem>>, vector<1024xf32>
    %add3A_30 = arith.addf %get3A_27, %get3A_29 : vector<1024xf32>
    %add3A_31 = arith.constant 1.000000e+00 : f32
    %add3A_32 = vector.broadcast %add3A_31 : f32 to vector<1024xf32>
    %add3A_33 = arith.addf %add3A_30, %add3A_32 : vector<1024xf32>
    %rsqrt3A_34 = math.rsqrt %add3A_33 : vector<1024xf32>
    %swap3A_35 = arith.constant 0 : index
    %swap3A_36 = vector.load %arg13[%swap3A_35] : memref<1024xf32, #tpu.memory_space<vmem>>, vector<1024xf32>
    tpu.vector_store %arg13[%swap3A_35], %rsqrt3A_34 {strides = array<i32>} : memref<1024xf32, #tpu.memory_space<vmem>>, vector<1024xf32>,
    %slice3A_37 = vector.extract_strided_slice %dot_general3A_25 {offsets = [0, 0], sizes = [1, 1024], strides = [1, 1]} : vector<8x1024xf32> to vector<1x1024xf32>
    %squeeze3A_38 = vector.shape_cast %slice3A_37 : vector<1x1024xf32> to vector<1024xf32>
    %mul3A_39 = arith.mulf %squeeze3A_38, %rsqrt3A_34 : vector<1024xf32>
    %swap3A_40 = arith.constant 0 : index
    %swap3A_41 = vector.load %arg10[%swap3A_40] : memref<1024xf32, #tpu.memory_space<vmem>>, vector<1024xf32>
    tpu.vector_store %arg10[%swap3A_40], %mul3A_39 {strides = array<i32>} : memref<1024xf32, #tpu.memory_space<vmem>>, vector<1024xf32>,
    %slice3A_42 = vector.extract_strided_slice %dot_general3A_25 {offsets = [1, 0], sizes = [1, 1024], strides = [1, 1]} : vector<8x1024xf32> to vector<1x1024xf32>
    %squeeze3A_43 = vector.shape_cast %slice3A_42 : vector<1x1024xf32> to vector<1024xf32>
    %mul3A_44 = arith.mulf %squeeze3A_43, %rsqrt3A_34 : vector<1024xf32>
    %swap3A_45 = arith.constant 0 : index
    %swap3A_46 = vector.load %arg11[%swap3A_45] : memref<1024xf32, #tpu.memory_space<vmem>>, vector<1024xf32>
    tpu.vector_store %arg11[%swap3A_45], %mul3A_44 {strides = array<i32>} : memref<1024xf32, #tpu.memory_space<vmem>>, vector<1024xf32>,
    return
  }
  func.func @transform_0(%arg0: i32) -> (i32, i32) {
    %c0_i32 = arith.constant 0 : i32
    %c0_i32_0 = arith.constant 0 : i32
    return %arg0, %c0_i32 : i32, i32
  }
  func.func @transform_1(%arg0: i32) -> (i32, i32) {
    %c0_i32 = arith.constant 0 : i32
    %c0_i32_0 = arith.constant 0 : i32
    return %arg0, %c0_i32 : i32, i32
  }
  func.func @transform_2(%arg0: i32) -> (i32, i32) {
    %c0_i32 = arith.constant 0 : i32
    %c0_i32_0 = arith.constant 0 : i32
    %c0_i32_1 = arith.constant 0 : i32
    return %c0_i32, %c0_i32_0 : i32, i32
  }
  func.func @transform_3(%arg0: i32) -> i32 {
    %c0_i32 = arith.constant 0 : i32
    return %arg0 : i32
  }
  func.func @transform_4(%arg0: i32) -> i32 {
    %add3A = arith.constant 10 : i32
    %add3A_0 = arith.addi %arg0, %add3A : i32
    %c0_i32 = arith.constant 0 : i32
    return %add3A_0 : i32
  }
  func.func @transform_5(%arg0: i32) -> i32 {
    %c0_i32 = arith.constant 0 : i32
    return %arg0 : i32
  }
  func.func @transform_6(%arg0: i32) -> i32 {
    %add3A = arith.constant 10 : i32
    %add3A_0 = arith.addi %arg0, %add3A : i32
    %c0_i32 = arith.constant 0 : i32
    return %add3A_0 : i32
  }
  func.func @transform_7(%arg0: i32) -> i32 {
    %c0_i32 = arith.constant 0 : i32
    return %arg0 : i32
  }
  func.func @transform_8(%arg0: i32) -> i32 {
    %c0_i32 = arith.constant 0 : i32
    return %arg0 : i32
  }
  func.func @transform_9(%arg0: i32) -> i32 {
    %c0_i32 = arith.constant 0 : i32
    return %arg0 : i32
  }
  func.func @transform_10(%arg0: i32) -> i32 {
    %c0_i32 = arith.constant 0 : i32
    return %arg0 : i32
  }
  func.func @transform_11(%arg0: i32) -> i32 {
    %c0_i32 = arith.constant 0 : i32
    return %arg0 : i32
  }
  func.func @transform_12(%arg0: i32) -> i32 {
    %c0_i32 = arith.constant 0 : i32
    return %arg0 : i32
  }
}

module attributes {stable_mosaic.version = 14 : i64} {
  func.func @_t3_body(%arg0: i32, %arg1: memref<1024xf32, #tpu.memory_space<vmem>>, %arg2: memref<1024xf32, #tpu.memory_space<vmem>>, %arg3: memref<1024xf32, #tpu.memory_space<vmem>>, %arg4: memref<1024xf32, #tpu.memory_space<vmem>>, %arg5: memref<1024xf32, #tpu.memory_space<vmem>>, %arg6: memref<1024xf32, #tpu.memory_space<vmem>>, %arg7: memref<1024xf32, #tpu.memory_space<vmem>>, %arg8: memref<1024xf32, #tpu.memory_space<vmem>>, %arg9: memref<1024xf32, #tpu.memory_space<vmem>>, %arg10: memref<1024xf32, #tpu.memory_space<vmem>>, %arg11: memref<1024xf32, #tpu.memory_space<vmem>>, %arg12: memref<1024xf32, #tpu.memory_space<vmem>>, %arg13: memref<1024xf32, #tpu.memory_space<vmem>>, %arg14: memref<1024xf32, #tpu.memory_space<vmem>>, %arg15: memref<2xf32, #tpu.memory_space<smem>>, %arg16: memref<1024xf32, #tpu.memory_space<vmem>>, %arg17: memref<1024xf32, #tpu.memory_space<vmem>>, %arg18: memref<1024xf32, #tpu.memory_space<vmem>>, %arg19: memref<1024xf32, #tpu.memory_space<vmem>>) attributes {dimension_semantics = [#tpu.dimension_semantics<arbitrary>], iteration_bounds = array<i64: 10>, scalar_prefetch = 0 : i64, scratch_operands = 0 : i64, tpu.core_type = #tpu.core_type<tc>, window_params = [{transform_indices = @transform_0, window_bounds = array<i64: 1024>}, {transform_indices = @transform_1, window_bounds = array<i64: 1024>}, {transform_indices = @transform_2, window_bounds = array<i64: 1024>}, {transform_indices = @transform_3, window_bounds = array<i64: 1024>}, {transform_indices = @transform_4, window_bounds = array<i64: 1024>}, {transform_indices = @transform_5, window_bounds = array<i64: 1024>}, {transform_indices = @transform_6, window_bounds = array<i64: 1024>}, {transform_indices = @transform_7, window_bounds = array<i64: 1024>}, {transform_indices = @transform_8, window_bounds = array<i64: 1024>}, {transform_indices = @transform_9, window_bounds = array<i64: 1024>}, {transform_indices = @transform_10, window_bounds = array<i64: 1024>}, {transform_indices = @transform_11, window_bounds = array<i64: 1024>}, {transform_indices = @transform_12, window_bounds = array<i64: 1024>}, {transform_indices = @transform_13, window_bounds = array<i64: 1024>}, {transform_indices = @transform_14, window_bounds = array<i64: 2>}, {transform_indices = @transform_15, window_bounds = array<i64: 1024>}, {transform_indices = @transform_16, window_bounds = array<i64: 1024>}, {transform_indices = @transform_17, window_bounds = array<i64: 1024>}, {transform_indices = @transform_18, window_bounds = array<i64: 1024>}]} {
    %get3A = arith.constant 0 : index
    %get3A_0 = memref.load %arg15[%get3A] : memref<2xf32, #tpu.memory_space<smem>>
    %get3A_1 = arith.constant 1 : index
    %get3A_2 = memref.load %arg15[%get3A_1] : memref<2xf32, #tpu.memory_space<smem>>
    %get3A_3 = arith.constant 0 : index
    %get3A_4 = vector.load %arg13[%get3A_3] : memref<1024xf32, #tpu.memory_space<vmem>>, vector<1024xf32>
    %get3A_5 = arith.constant 0 : index
    %get3A_6 = vector.load %arg1[%get3A_5] : memref<1024xf32, #tpu.memory_space<vmem>>, vector<1024xf32>
    %get3A_7 = arith.constant 0 : index
    %get3A_8 = vector.load %arg2[%get3A_7] : memref<1024xf32, #tpu.memory_space<vmem>>, vector<1024xf32>
    %add3A = arith.addf %get3A_6, %get3A_8 : vector<1024xf32>
    %get3A_9 = arith.constant 0 : index
    %get3A_10 = vector.load %arg9[%get3A_9] : memref<1024xf32, #tpu.memory_space<vmem>>, vector<1024xf32>
    %add3A_11 = arith.addf %add3A, %get3A_10 : vector<1024xf32>
    %mul3A = arith.mulf %get3A_4, %add3A_11 : vector<1024xf32>
    %add3A_12 = vector.broadcast %get3A_0 : f32 to vector<1024xf32>
    %add3A_13 = arith.addf %mul3A, %add3A_12 : vector<1024xf32>
    %swap3A = arith.constant 0 : index
    %swap3A_14 = vector.load %arg16[%swap3A] : memref<1024xf32, #tpu.memory_space<vmem>>, vector<1024xf32>
    tpu.vector_store %arg16[%swap3A], %add3A_13 {strides = array<i32>} : memref<1024xf32, #tpu.memory_space<vmem>>, vector<1024xf32>,
    %get3A_15 = arith.constant 0 : index
    %get3A_16 = vector.load %arg3[%get3A_15] : memref<1024xf32, #tpu.memory_space<vmem>>, vector<1024xf32>
    %get3A_17 = arith.constant 0 : index
    %get3A_18 = vector.load %arg4[%get3A_17] : memref<1024xf32, #tpu.memory_space<vmem>>, vector<1024xf32>
    %add3A_19 = arith.addf %get3A_16, %get3A_18 : vector<1024xf32>
    %get3A_20 = arith.constant 0 : index
    %get3A_21 = vector.load %arg10[%get3A_20] : memref<1024xf32, #tpu.memory_space<vmem>>, vector<1024xf32>
    %add3A_22 = arith.addf %add3A_19, %get3A_21 : vector<1024xf32>
    %mul3A_23 = arith.mulf %get3A_4, %add3A_22 : vector<1024xf32>
    %add3A_24 = vector.broadcast %get3A_2 : f32 to vector<1024xf32>
    %add3A_25 = arith.addf %mul3A_23, %add3A_24 : vector<1024xf32>
    %swap3A_26 = arith.constant 0 : index
    %swap3A_27 = vector.load %arg17[%swap3A_26] : memref<1024xf32, #tpu.memory_space<vmem>>, vector<1024xf32>
    tpu.vector_store %arg17[%swap3A_26], %add3A_25 {strides = array<i32>} : memref<1024xf32, #tpu.memory_space<vmem>>, vector<1024xf32>,
    %get3A_28 = arith.constant 0 : index
    %get3A_29 = vector.load %arg14[%get3A_28] : memref<1024xf32, #tpu.memory_space<vmem>>, vector<1024xf32>
    %get3A_30 = arith.constant 0 : index
    %get3A_31 = vector.load %arg5[%get3A_30] : memref<1024xf32, #tpu.memory_space<vmem>>, vector<1024xf32>
    %get3A_32 = arith.constant 0 : index
    %get3A_33 = vector.load %arg6[%get3A_32] : memref<1024xf32, #tpu.memory_space<vmem>>, vector<1024xf32>
    %add3A_34 = arith.addf %get3A_31, %get3A_33 : vector<1024xf32>
    %get3A_35 = arith.constant 0 : index
    %get3A_36 = vector.load %arg11[%get3A_35] : memref<1024xf32, #tpu.memory_space<vmem>>, vector<1024xf32>
    %add3A_37 = arith.addf %add3A_34, %get3A_36 : vector<1024xf32>
    %mul3A_38 = arith.mulf %get3A_29, %add3A_37 : vector<1024xf32>
    %add3A_39 = vector.broadcast %get3A_0 : f32 to vector<1024xf32>
    %add3A_40 = arith.addf %mul3A_38, %add3A_39 : vector<1024xf32>
    %swap3A_41 = arith.constant 0 : index
    %swap3A_42 = vector.load %arg18[%swap3A_41] : memref<1024xf32, #tpu.memory_space<vmem>>, vector<1024xf32>
    tpu.vector_store %arg18[%swap3A_41], %add3A_40 {strides = array<i32>} : memref<1024xf32, #tpu.memory_space<vmem>>, vector<1024xf32>,
    %get3A_43 = arith.constant 0 : index
    %get3A_44 = vector.load %arg7[%get3A_43] : memref<1024xf32, #tpu.memory_space<vmem>>, vector<1024xf32>
    %get3A_45 = arith.constant 0 : index
    %get3A_46 = vector.load %arg8[%get3A_45] : memref<1024xf32, #tpu.memory_space<vmem>>, vector<1024xf32>
    %add3A_47 = arith.addf %get3A_44, %get3A_46 : vector<1024xf32>
    %get3A_48 = arith.constant 0 : index
    %get3A_49 = vector.load %arg12[%get3A_48] : memref<1024xf32, #tpu.memory_space<vmem>>, vector<1024xf32>
    %add3A_50 = arith.addf %add3A_47, %get3A_49 : vector<1024xf32>
    %mul3A_51 = arith.mulf %get3A_29, %add3A_50 : vector<1024xf32>
    %add3A_52 = vector.broadcast %get3A_2 : f32 to vector<1024xf32>
    %add3A_53 = arith.addf %mul3A_51, %add3A_52 : vector<1024xf32>
    %swap3A_54 = arith.constant 0 : index
    %swap3A_55 = vector.load %arg19[%swap3A_54] : memref<1024xf32, #tpu.memory_space<vmem>>, vector<1024xf32>
    tpu.vector_store %arg19[%swap3A_54], %add3A_53 {strides = array<i32>} : memref<1024xf32, #tpu.memory_space<vmem>>, vector<1024xf32>,
    return
  }
  func.func @transform_0(%arg0: i32) -> i32 {
    %c0_i32 = arith.constant 0 : i32
    return %arg0 : i32
  }
  func.func @transform_1(%arg0: i32) -> i32 {
    %add3A = arith.constant 10 : i32
    %add3A_0 = arith.addi %arg0, %add3A : i32
    %c0_i32 = arith.constant 0 : i32
    return %add3A_0 : i32
  }
  func.func @transform_2(%arg0: i32) -> i32 {
    %c0_i32 = arith.constant 0 : i32
    return %arg0 : i32
  }
  func.func @transform_3(%arg0: i32) -> i32 {
    %add3A = arith.constant 10 : i32
    %add3A_0 = arith.addi %arg0, %add3A : i32
    %c0_i32 = arith.constant 0 : i32
    return %add3A_0 : i32
  }
  func.func @transform_4(%arg0: i32) -> i32 {
    %c0_i32 = arith.constant 0 : i32
    return %arg0 : i32
  }
  func.func @transform_5(%arg0: i32) -> i32 {
    %add3A = arith.constant 10 : i32
    %add3A_0 = arith.addi %arg0, %add3A : i32
    %c0_i32 = arith.constant 0 : i32
    return %add3A_0 : i32
  }
  func.func @transform_6(%arg0: i32) -> i32 {
    %c0_i32 = arith.constant 0 : i32
    return %arg0 : i32
  }
  func.func @transform_7(%arg0: i32) -> i32 {
    %add3A = arith.constant 10 : i32
    %add3A_0 = arith.addi %arg0, %add3A : i32
    %c0_i32 = arith.constant 0 : i32
    return %add3A_0 : i32
  }
  func.func @transform_8(%arg0: i32) -> i32 {
    %c0_i32 = arith.constant 0 : i32
    return %arg0 : i32
  }
  func.func @transform_9(%arg0: i32) -> i32 {
    %c0_i32 = arith.constant 0 : i32
    return %arg0 : i32
  }
  func.func @transform_10(%arg0: i32) -> i32 {
    %c0_i32 = arith.constant 0 : i32
    return %arg0 : i32
  }
  func.func @transform_11(%arg0: i32) -> i32 {
    %c0_i32 = arith.constant 0 : i32
    return %arg0 : i32
  }
  func.func @transform_12(%arg0: i32) -> i32 {
    %c0_i32 = arith.constant 0 : i32
    return %arg0 : i32
  }
  func.func @transform_13(%arg0: i32) -> i32 {
    %c0_i32 = arith.constant 0 : i32
    return %arg0 : i32
  }
  func.func @transform_14(%arg0: i32) -> i32 {
    %c0_i32 = arith.constant 0 : i32
    %c0_i32_0 = arith.constant 0 : i32
    return %c0_i32 : i32
  }
  func.func @transform_15(%arg0: i32) -> i32 {
    %c0_i32 = arith.constant 0 : i32
    return %arg0 : i32
  }
  func.func @transform_16(%arg0: i32) -> i32 {
    %c0_i32 = arith.constant 0 : i32
    return %arg0 : i32
  }
  func.func @transform_17(%arg0: i32) -> i32 {
    %c0_i32 = arith.constant 0 : i32
    return %arg0 : i32
  }
  func.func @transform_18(%arg0: i32) -> i32 {
    %c0_i32 = arith.constant 0 : i32
    return %arg0 : i32
  }
}

</mosaic_0001>

<sc_bundles>
// kernel: kernel.12.cloned.1.call-start
scs
__scs_entry_jumppad:
0x0: {  	(pc) =	sbr.rel $0x88, $3  }
0x1: {  	(tag) =	ssettag $0x0;
	lr =	simm.s32 $0x1  }
0x2: {  	[smem:$0x3F96] =	sst lr;
	_ =	strace $0xD0000000  }
0x3: {  	_ = 	snop  }
0x4: {  	_ = 	snop  }
0x5: {  	_ = 	snop  }
0x6: {  	_ = 	snop  }
0x7: {  	_ = 	snop  }
__scs_overlays_trampoline_lowered:
0x8: {  	[smem:$0x3FA5] =	sst s0  }
0x9: {  	[smem:$0x3FA6] =	sst s1  }
0xa: {  	[smem:$0x3FA7] =	sst s2  }
0xb: {  	[smem:$0x3FA8] =	sst s3  }
0xc: {  	[smem:$0x3FA9] =	sst s4  }
0xd: {  	[smem:$0x3FAA] =	sst s5  }
0xe: {  	[smem:$0x3FAB] =	sst s6  }
0xf: {  	[smem:$0x3FAC] =	sst s7  }
0x10: {  	[smem:$0x3FAD] =	sst s8  }
0x11: {  	[smem:$0x3FAE] =	sst s9;
	s0 =	simm.s32 @!p0 $0x0  }
0x12: {  	s1 =	sld [smem:$0x3F94];
	s0 =	simm.s32 @p0 $0x1  }
0x13: {  	[smem:$0x3FAF] =	sst s0;
	s0 =	simm.s32 @!p1 $0x0  }
0x14: {  	s2 =	sld [smem:$0x3F93];
	s0 =	simm.s32 @p1 $0x1  }
0x15: {  	[smem:$0x3FB0] =	sst s0;
	s0 =	simm.s32 @!p2 $0x0  }
0x16: {  	s3 =	sld [smem:$0x3FDB];
	s0 =	simm.s32 @p2 $0x1  }
0x17: {  	s4 =	simm.s32 $0x1BF5;
	[smem:$0x3FB2] =	sst s0  }
0x18: {  	s0 =	sld [smem:$0x3F95];
	_ =	swait.ge [sflag:s4], $0x0  }
0x19: {  	s7 =	sld [smem:$0x3F96]  }
0x1a: {  	s8 =	sadd.s32 $0xFFFFE003, lr  }
0x1b: {  	s9 =	sadd.s32 $0xFFFFFEF7, lr;
	s5 =	simm.s32 $0xFFFFFFFF;
	p2 =	slt.u32 s8, $0xFFFFF086  }
0x1c: {  	p1 =	slt.u32 s9, $0xF7A;
	s5 =	simm.s32 @!p2 $0x0  }
0x1d: {  	s5 =	simm.s32 @p1 $0x1;
	p0 =	seq.s32 s7, s2  }
0x1e: {  	s7 =	smul.u32 @!p0 $0xF7A, s2;
	p2 =	seq.s32 @!p0 s5, $0x0  }
0x1f: {  	s9 =	smul.u32 $0xF7A, s1;
	s8 =	simm.s32 @!p0 $0x1BF5;
	p2 =	por !p2, p0  }
0x20: {  	[sflag:s8] =	ssyncset.s32 @!p0 $0xFFFFF086;
	s6 =	sadd.s32 @!p0 s3, s7;
	s7 =	simm.s32 @!p0 $0x108  }
0x21: {  	s3 =	sadd.s32 s3, s9;
	s6 =	sadd.s32 @!p0 $0x88, s6;
	s7 =	simm.s32 @p2 $0x1082  }
0x22: {  	[simem:s7], [sflag:s8] =	dma.local @!p0 [hbm:s6], $0xF7A  }
0x23: {  	s9 =	sor.u32 $0xD0000000, s2;
	s6 =	simm.s32 $0x108;
	_ =	swait.ge @!p0 [sflag:s8], $0x0  }
0x24: {  	s3 =	sadd.s32 $0x88, s3;
	s6 =	simm.s32 @!p1 $0x1082;
	[sflag:s4] =	ssyncset.s32 $0xFFFFF086  }
0x25: {  	[simem:s6], [sflag:s4] =	dma.local [hbm:s3], $0xF7A  }
0x26: {  	[smem:$0x3F96] =	sst s1;
	(tag) =	ssettag s2;
	_ =	strace s9  }
0x27: {  	s1 =	sld [smem:$0x3FA6]  }
0x28: {  	s2 =	sld [smem:$0x3FA7]  }
0x29: {  	s4 =	sld [smem:$0x3FA9]  }
0x2a: {  	p0 =	seq.s32 s5, $0x0;
	s5 =	sld [smem:$0x3FAA]  }
0x2b: {  	s6 =	sld [smem:$0x3FAB]  }
0x2c: {  	s7 =	sld [smem:$0x3FAC]  }
0x2d: {  	s3 =	simm.s32 $0x108;
	s8 =	sld [smem:$0x3FAD]  }
0x2e: {  	s3 =	simm.s32 @!p0 $0x1082;
	s9 =	sld [smem:$0x3FAE]  }
0x2f: {  	lr =	sadd.s32 s0, s3;
	s0 =	sld [smem:$0x3FA5]  }
0x30: {  	s3 =	sld [smem:$0x3FA8]  }
0x31: {  	[smem:$0x3FB1] =	sst s10  }
0x32: {  	s10 =	sld [smem:$0x3FAF];
	_ =	sdelay $0x3  }
0x33: {  	p0 =	seq.s32 s10, $0x1;
	s10 =	sld [smem:$0x3FB1];
	_ =	sdelay $0x3  }
0x34: {  	[smem:$0x3FB1] =	sst s10  }
0x35: {  	s10 =	sld [smem:$0x3FB0];
	_ =	sdelay $0x3  }
0x36: {  	p1 =	seq.s32 s10, $0x1;
	s10 =	sld [smem:$0x3FB1];
	_ =	sdelay $0x3  }
0x37: {  	[smem:$0x3FB1] =	sst s10  }
0x38: {  	s10 =	sld [smem:$0x3FB2]  }
0x39: {  	_ = 	snop;
	(pc) =	sbr.ind lr, $3  }
0x3a: {  	_ = 	snop  }
0x3b: {  	_ = 	snop  }
0x3c: {  	p2 =	seq.s32 s10, $0x1;
	s10 =	sld [smem:$0x3FB1]  }
0x3d: {  	_ =	shalt  }
0x3e: {  	_ =	shalt  }
0x3f: {  	_ =	shalt  }
0x40: {  	_ =	shalt  }
0x41: {  	_ =	shalt  }
0x42: {  	_ =	shalt  }
0x43: {  	_ =	shalt  }
0x44: {  	_ =	shalt  }
0x45: {  	_ =	shalt  }
0x46: {  	_ =	shalt  }
0x47: {  	_ =	shalt  }
0x48: {  	_ =	shalt  }
0x49: {  	_ =	shalt  }
0x4a: {  	_ =	shalt  }
0x4b: {  	_ =	shalt  }
0x4c: {  	_ =	shalt  }
0x4d: {  	_ =	shalt  }
0x4e: {  	_ =	shalt  }
0x4f: {  	_ =	shalt  }
0x50: {  	_ =	shalt  }
0x51: {  	_ =	shalt  }
0x52: {  	_ =	shalt  }
0x53: {  	_ =	shalt  }
0x54: {  	_ =	shalt  }
0x55: {  	_ =	shalt  }
0x56: {  	_ =	shalt  }
0x57: {  	_ =	shalt  }
0x58: {  	_ =	shalt  }
0x59: {  	_ =	shalt  }
0x5a: {  	_ =	shalt  }
0x5b: {  	_ =	shalt  }
0x5c: {  	_ =	shalt  }
0x5d: {  	_ =	shalt  }
0x5e: {  	_ =	shalt  }
0x5f: {  	_ =	shalt  }
0x60: {  	_ =	shalt  }
0x61: {  	_ =	shalt  }
0x62: {  	_ =	shalt  }
0x63: {  	_ =	shalt  }
0x64: {  	_ =	shalt  }
0x65: {  	_ =	shalt  }
0x66: {  	_ =	shalt  }
0x67: {  	_ =	shalt  }
0x68: {  	_ =	shalt  }
0x69: {  	_ =	shalt  }
0x6a: {  	_ =	shalt  }
0x6b: {  	_ =	shalt  }
0x6c: {  	_ =	shalt  }
0x6d: {  	_ =	shalt  }
0x6e: {  	_ =	shalt  }
0x6f: {  	_ =	shalt  }
0x70: {  	_ =	shalt  }
0x71: {  	_ =	shalt  }
0x72: {  	_ =	shalt  }
0x73: {  	_ =	shalt  }
0x74: {  	_ =	shalt  }
0x75: {  	_ =	shalt  }
0x76: {  	_ =	shalt  }
0x77: {  	_ =	shalt  }
0x78: {  	_ =	shalt  }
0x79: {  	_ =	shalt  }
0x7a: {  	_ =	shalt  }
0x7b: {  	_ =	shalt  }
0x7c: {  	_ =	shalt  }
0x7d: {  	_ =	shalt  }
0x7e: {  	_ =	shalt  }
0x7f: {  	_ =	shalt  }
0x80: {  	_ =	shalt  }
0x81: {  	_ =	shalt  }
0x82: {  	_ =	shalt  }
0x83: {  	_ =	shalt  }
0x84: {  	_ =	shalt  }
0x85: {  	_ =	shalt  }
0x86: {  	_ =	shalt  }
0x87: {  	_ =	shalt  }
.Lfunc_end0:
.L_simem_size_0:
called_computation.1_lowered:
.L_overlay_start_0:
0x88: {  	s2 =	sld [smem:$0x3FD9]  }
0x89: {  	s3 =	sld [smem:$0x3FFE];
	_ =	sdelay $0x1  }
0x8a: {  	s1 =	srdreg.scid  }
0x8b: {  	s0 =	sand.u32 $0x1, s1  }
0x8c: {  	s14 =	sshll.u32 s0, $0xA;
	s2 =	sadd.s32 s3, s2  }
0x8d: {  	s2 =	sadd.s32 s2, s14  }
0x8e: {  	[smem:$0x3FBD] =	sst s2  }
0x8f: {  	_ = 	snop  }
0x90: {  	s2 =	sld [smem:$0x3FD0];
	_ =	sdelay $0x2  }
0x91: {  	s15 =	simm.s32 $0xA;
	s4 =	simm.s32 $0x10  }
0x92: {  	[smem:s4], [sflag:s15] =	dma.local [hbm:s2], $0x1  }
0x93: {  	_ =	swait.eq [sflag:s15], $0x1  }
0x94: {  	[sflag:s15] =	ssyncset.done $0x0  }
0x95: {  	s16 =	sld [smem:$0x10];
	[sflag:s15] =	ssyncadd.s32 $0xFFFFFFFF  }
0x96: {  	s17 =	sld [smem:$0x11];
	(tm) =	ssettm $0x1  }
0x97: {  	s18 =	sld [smem:$0x3FFB];
	_ =	sdelay $0x3  }
0x98: {  	_ =	strace s18  }
0x99: {  	s4 =	sld [smem:$0x3FFC];
	_ =	sdelay $0x3  }
0x9a: {  	_ =	strace s4  }
0x9b: {  	s4 =	sld [smem:$0x3FFD];
	_ =	sdelay $0x3  }
0x9c: {  	_ =	strace s4  }
0x9d: {  	_ =	strace $0x8FFFFFFF  }
0x9e: {  	s19 =	sld [smem:$0x3FDB];
	_ =	sdelay $0x1  }
0x9f: {  	s5 =	simm.s32 $_scs_section_size  }
0xa0: {  	s6 =	simm.s32 $_size__tile_overlayer_lowered;
	s7 =	simm.s32 $_tile_overlayer_lowered  }
0xa1: {  	s22 =	simm.s32 $0x1BFF;
	s21 =	sshll.u32 s7, $0x1;
	s4 =	sadd.s32 s5, s19  }
0xa2: {  	s8 =	simm.s32 $0x0;
	s20 =	sshll.u32 s6, $0x1;
	s6 =	sadd.s32 s21, s4  }
0xa3: {  	[timem:s8], [sflag:s22] =	dma.local [hbm:s6], s20  }
0xa4: {  	_ =	swait.ge [sflag:s22], s20  }
0xa5: {  	s5 =	ssub.s32 $0x0, s20;
	[sflag:s22] =	ssyncset.done $0x0  }
0xa6: {  	[sflag:s22] =	ssyncadd.s32 s5;
	_ =	sdelay $0x1  }
0xa7: {  	s23 =	simm.s32 $0x1B8B  }
0xa8: {  	_ =	swait.ge [sflag:s23], $0x1  }
0xa9: {  	[sflag:s23] =	ssyncset.done $0x0  }
0xaa: {  	s25 =	simm.s32 $0x1B8E;
	s24 =	sld [smem:$0x3FFE];
	[sflag:s23] =	ssyncadd.s32 $0xFFFFFFFF  }
0xab: {  	s26 =	simm.s32 $execute0_lowered;
	[smem:$0x3FD2] =	sst s25  }
0xac: {  	s6 =	sshll.u32 s26, $0x1;
	_ =	strace $0x80000049;
	[dreg:$0x1] =	wrdreg $0xFFFFFFFF  }
0xad: {  	s28 =	simm.s32 $_size_execute0_lowered;
	s4 =	sadd.s32 s4, s6;
	[dreg:$0x0] =	wrdreg $0x0  }
0xae: {  	s6 =	sshll.u32 s28, $0x1;
	[dreg:$0x2] =	wrdreg s4  }
0xaf: {  	[dreg:$0x3] =	wrdreg s6  }
0xb0: {  	[dreg:$0x4] =	wrdreg $0xC0  }
0xb1: {  	_ =	task [dreg:s8], $0x5FFFF  }
0xb2: {  	[dreg:$0x1] =	wrdreg $0xFFFFFFFF  }
0xb3: {  	[dreg:$0x0] =	wrdreg $0x60  }
0xb4: {  	[dreg:$0x2] =	wrdreg s24  }
0xb5: {  	[dreg:$0x3] =	wrdreg s17  }
0xb6: {  	[dreg:$0x4] =	wrdreg s16  }
0xb7: {  	[dreg:$0x5] =	wrdreg $0xA2800  }
0xb8: {  	[dreg:$0x6] =	wrdreg $0xA5000  }
0xb9: {  	[dreg:$0x7] =	wrdreg $0xA7800  }
0xba: {  	[dreg:$0x8] =	wrdreg $0xAA000  }
0xbb: {  	[dreg:$0x9] =	wrdreg $0xAC800  }
0xbc: {  	[dreg:$0xa] =	wrdreg $0xAF000  }
0xbd: {  	[dreg:$0xb] =	wrdreg $0xB1800  }
0xbe: {  	[dreg:$0xc] =	wrdreg $0xB4000  }
0xbf: {  	[dreg:$0xd] =	wrdreg $0x9  }
0xc0: {  	_ =	task.clear_ibuf [dreg:s8], $0xEFFFF;
	_ =	strace $0x90000049  }
0xc1: {  	s29 =	simm.s32 $0x9;
	_ =	strace $0x8000004B  }
0xc2: {  	_ =	swait.ge [sflag:s29], $0x1  }
0xc3: {  	[sflag:s29] =	ssyncadd.s32 $0xFFFFFFFF  }
0xc4: {  	_ =	strace $0x9000004B  }
0xc5: {  	_ =	sfence  }
0xc6: {  	s30 =	sld [smem:$0x0];
	_ =	sdelay $0x2  }
0xc7: {  	s31 =	sshll.u32 s1, $0xD;
	s1 =	sshrl.u32 s1, $0x2  }
0xc8: {  	s3 =	sand.u32 $0x4000, s31;
	s1 =	sadd.s32 s1, s30  }
0xc9: {  	s0 =	sor.u32 s3, s0;
	s1 =	sshll.u32 s1, $0x11  }
0xca: {  	s0 =	sor.u32 s1, s0  }
0xcb: {  	s0 =	sadd.s32 $0x8F2B, s0  }
0xcc: {  	[sflag:s0] =	ssyncadd.remote.s32 $0x1  }
0xcd: {  	_ =	sfence.sel $0xFFFF  }
0xce: {  	[dreg:$0x0] =	wrdreg $0xFFFFFFFF;
	(pc) =	sbr.abs _section_cstart, $3  }
0xcf: {  	[dreg:$0x1] =	wrdreg $0xFFFFFFFF  }
0xd0: {  	_ =	task.clear_ibuf [dreg:s8], $0x2FFFF;
	_ =	strace $0x9FFFFFFF  }
0xd1: {  	(tm) =	ssettm $0x7FFFFFFF  }
tec
execute0_lowered:
.L_overlay_start_1:
0x0: {  	(tag) =	ssettag $0x1  }
0x1: {  	s2 =	rddreg [dreg:$0x0]  }
0x2: {  	s8 =	rddreg [dreg:$0x1]  }
0x3: {  	s15 =	rddreg [dreg:$0x2]  }
0x4: {  	s0 =	rddreg [dreg:$0x3]  }
0x5: {  	s1 =	rddreg [dreg:$0x4]  }
0x6: {  	s3 =	rddreg [dreg:$0x5]  }
0x7: {  	s24 =	rddreg [dreg:$0x6]  }
0x8: {  	s25 =	rddreg [dreg:$0x7]  }
0x9: {  	s26 =	rddreg [dreg:$0x8]  }
0xa: {  	s5 =	rddreg [dreg:$0x9]  }
0xb: {  	s7 =	rddreg [dreg:$0xa];
	s10 =	simm.s32 $0x0;
	s23 =	stileid.u32  }
0xc: {  	s11 =	srdreg.scid;
	s29 =	simm.s32 $0x1400;
	s30 =	simm.s32 $0x2800  }
0xd: {  	[smem:$0x7FF] =	sst s10;
	s16 =	smul.u32 $0x280, s23;
	s17 =	sand.u32 $0x1, s11  }
0xe: {  	s11 =	sadd.s32 $0x24E00, s2;
	s12 =	sadd.s32 $0x1B000, s2;
	s13 =	sadd.s32 $0x11200, s2  }
0xf: {  	s14 =	sadd.s32 $0x7400, s2;
	s9 =	sshll.u32 s23, $0x6;
	_ =	strace $0x8000004A  }
0x10: {  	s18 =	smul.u32 $0x2800, s17;
	s21 =	ssub.s32 $0x2, s17;
	s17 =	sshll.u32 s17, $0x4  }
0x11: {  	s19 =	sshrl.u32 s16, $0x3;
	s22 =	sshrl.u32 s21, $0x1;
	s4 =	sadd.s32 s16, s26  }
0x12: {  	s17 =	sor.u32 s23, s17;
	s8 =	sadd.s32 s8, s19;
	[dreg:$0x12] =	wrdreg s4  }
0x13: {  	s20 =	sadd.s32 s19, s2;
	s15 =	sadd.s32 s15, s19;
	[dreg:$0xc] =	wrdreg s8  }
0x14: {  	s18 =	sadd.s32 s16, s18;
	[dreg:$0xe] =	wrdreg s15;
	s19 =	sadd.s32 $0x2EC00, s20  }
0x15: {  	s18 =	sshrl.u32 s18, $0x3;
	s23 =	sadd.s32 $0x2F200, s20;
	[dreg:$0xf] =	wrdreg s19  }
0x16: {  	s20 =	sor.u32 $0x40, s17;
	s2 =	sadd.s32 s18, s2;
	[dreg:$0x10] =	wrdreg s23  }
0x17: {  	s18 =	ssub.s32 s21, s22;
	s22 =	sor.u32 $0x1C04, s9;
	[dreg:$0x1e] =	wrdreg s20  }
0x18: {  	s6 =	smov.u32 s25;
	s9 =	sadd.s32 s16, s25;
	[dreg:$0xd] =	wrdreg s22  }
0x19: {  	s21 =	sadd.s32 s16, s0;
	s23 =	sadd.s32 s16, s7;
	[dreg:$0x11] =	wrdreg s9  }
0x1a: {  	s25 =	smul.u32 $0x140, s17;
	s18 =	smax.u32 s18, $0x1;
	[dreg:$0x14] =	wrdreg s23  }
0x1b: {  	s15 =	sadd.s32 s16, s3;
	s21 =	sshrl.u32 s21, $0x3;
	[dreg:$0x1d] =	wrdreg s18  }
0x1c: {  	s3 =	smov.u32 s5;
	s26 =	sadd.s32 s11, s25;
	[dreg:$0x1f] =	wrdreg s21  }
0x1d: {  	s5 =	smov.u32 s24;
	s28 =	sadd.s32 s12, s25;
	[dreg:$0x15] =	wrdreg s26  }
0x1e: {  	s19 =	sadd.s32 s16, s24;
	s4 =	sadd.s32 s13, s25;
	[dreg:$0x16] =	wrdreg s28  }
0x1f: {  	s24 =	sadd.s32 s16, s3;
	s25 =	sadd.s32 s14, s25;
	[dreg:$0x17] =	wrdreg s4  }
0x20: {  	s31 =	simm.s32 $0x3C00;
	s21 =	smov.u32 s24;
	[dreg:$0x18] =	wrdreg s25  }
0x21: {  	s8 =	sadd.s32 s16, s1;
	s26 =	sadd.s32 $0x2F800, s2;
	[dreg:$0x13] =	wrdreg s21  }
0x22: {  	s17 =	sor.u32 $0x20, s17;
	s28 =	sadd.s32 $0x30200, s2;
	[dreg:$0x19] =	wrdreg s26  }
0x23: {  	s20 =	simm.s32 $0x2;
	s4 =	sadd.s32 $0x30C00, s2;
	[dreg:$0x1a] =	wrdreg s28  }
0x24: {  	s18 =	simm.s32 $0x5000;
	s2 =	sadd.s32 $0x31600, s2;
	[dreg:$0x1b] =	wrdreg s4  }
.Ltmp0:
0x25: {  	s25 =	sshrl.u32 s8, $0x3;
	[dreg:$0x1c] =	wrdreg s2;
	(pc) =	sbr.rel .LBB2_1-.Ltmp0, $4  }
0x26: {  	s24 =	simm.s32 $0x7800;
	s8 =	simm.s32 $0xA00;
	[smem:$0x7FB] =	sst s25  }
0x27: {  	s26 =	sshrl.u32 s15, $0x3;
	s28 =	sshrl.u32 s19, $0x3;
	s2 =	simm.s32 $0x1  }
0x28: {  	s19 =	simm.s32 $0x6400;
	s25 =	simm.s32 $0x8C00;
	[smem:$0x7FC] =	sst s26  }
0x29: {  	v0 =	vimm.f32 $0.0e+00;
	s15 =	simm.s32 $0x3;
	s4 =	simm.s32 $0x0;
	[smem:$0x7FD] =	sst s28  }
.LBB2_5:
0x2a: {  	_ =	swait.ge [sflag:s15], $0xA00  }
0x2b: {  	[sflag:s15] =	ssyncset.done $0x0  }
0x2c: {  	[sflag:s15] =	ssyncadd.s32 $0xFFFFF600  }
0x2d: {  	_ =	swait.ge [sflag:s15], $0xA00  }
0x2e: {  	[sflag:s15] =	ssyncset.done $0x0  }
0x2f: {  	[sflag:s15] =	ssyncadd.s32 $0xFFFFF600  }
0x30: {  	_ =	swait.ge [sflag:s15], $0xA00  }
0x31: {  	[sflag:s15] =	ssyncset.done $0x0  }
0x32: {  	[sflag:s15] =	ssyncadd.s32 $0xFFFFF600  }
0x33: {  	_ =	swait.ge [sflag:s15], $0xA00  }
0x34: {  	[sflag:s15] =	ssyncset.done $0x0  }
0x35: {  	[sflag:s15] =	ssyncadd.s32 $0xFFFFF600  }
0x36: {  	[bflag:$0x0] =	sbarrier.arrive $0xFFFF  }
0x37: {  	s9 =	rddreg [dreg:$0x11]  }
0x38: {  	s22 =	rddreg [dreg:$0xd]  }
0x39: {  	s26 =	simm.s32 $0x4;
	s21 =	rddreg [dreg:$0x19];
	s16 =	sshrl.u32 s9, $0x3  }
0x3a: {  	[hbm:s21], [sflag:s22] =	dma.local [spmem:s16], $0x50  }
0x3b: {  	_ =	swait.ge [sflag:s26], $0x50  }
0x3c: {  	[sflag:s26] =	ssyncset.done $0x0;
	s4 =	rddreg [dreg:$0x12]  }
0x3d: {  	s23 =	rddreg [dreg:$0x1a];
	[sflag:s26] =	ssyncadd.s32 $0xFFFFFFB0;
	s21 =	sshrl.u32 s4, $0x3  }
0x3e: {  	[hbm:s23], [sflag:s22] =	dma.local [spmem:s21], $0x50  }
0x3f: {  	_ =	swait.ge [sflag:s26], $0x50  }
0x40: {  	[sflag:s26] =	ssyncset.done $0x0;
	s21 =	rddreg [dreg:$0x13]  }
0x41: {  	s23 =	rddreg [dreg:$0x1b];
	[sflag:s26] =	ssyncadd.s32 $0xFFFFFFB0;
	s28 =	sshrl.u32 s21, $0x3  }
0x42: {  	[hbm:s23], [sflag:s22] =	dma.local [spmem:s28], $0x50  }
0x43: {  	_ =	swait.ge [sflag:s26], $0x50  }
0x44: {  	[sflag:s26] =	ssyncset.done $0x0;
	s23 =	rddreg [dreg:$0x14]  }
0x45: {  	s28 =	rddreg [dreg:$0x1c];
	[sflag:s26] =	ssyncadd.s32 $0xFFFFFFB0;
	s4 =	sshrl.u32 s23, $0x3  }
0x46: {  	[hbm:s28], [sflag:s22] =	dma.local [spmem:s4], $0x50  }
0x47: {  	_ =	swait.ge [sflag:s26], $0x50  }
0x48: {  	s16 =	sld [smem:$0x7FA];
	_ =	sdelay $0x2  }
0x49: {  	[sflag:s26] =	ssyncset.done $0x0;
	s26 =	rddreg [dreg:$0x1d];
	s4 =	sadd.s32 $0x1, s16  }
0x4a: {  	p0 =	sne.s32 s4, s26  }
.Ltmp1:
0x4b: {  	_ = 	snop;
	(pc) =	sbr.rel @!p0 .LBB2_6-.Ltmp1, $3  }
0x4c: {  	_ =	sdelay $0x1  }
0x4d: {  	s28 =	simm.s32 $0x4  }
0x4e: {  	[sflag:s28] =	ssyncadd.s32 $0xFFFFFFB0  }
.LBB2_1:
0x4f: {  	[smem:$0x7FA] =	sst s4  }
0x50: {  	s16 =	rddreg [dreg:$0xc]  }
0x51: {  	s26 =	simm.s32 $0x4;
	s28 =	rddreg [dreg:$0x1f]  }
0x52: {  	[spmem:s28], [sflag:s22] =	dma.local [hbm:s16], $0x50  }
0x53: {  	_ =	swait.ge [sflag:s26], $0x50  }
0x54: {  	s4 =	sld [smem:$0x7FB]  }
0x55: {  	[sflag:s26] =	ssyncset.done $0x0  }
0x56: {  	s16 =	rddreg [dreg:$0xe];
	[sflag:s26] =	ssyncadd.s32 $0xFFFFFFB0  }
0x57: {  	[spmem:s4], [sflag:s22] =	dma.local [hbm:s16], $0x50  }
0x58: {  	_ =	swait.ge [sflag:s26], $0x50  }
0x59: {  	s4 =	sld [smem:$0x7FC]  }
0x5a: {  	[sflag:s26] =	ssyncset.done $0x0  }
0x5b: {  	s16 =	rddreg [dreg:$0xf];
	[sflag:s26] =	ssyncadd.s32 $0xFFFFFFB0  }
0x5c: {  	[spmem:s4], [sflag:s22] =	dma.local [hbm:s16], $0x50  }
0x5d: {  	_ =	swait.ge [sflag:s26], $0x50  }
0x5e: {  	s4 =	sld [smem:$0x7FD]  }
0x5f: {  	[sflag:s26] =	ssyncset.done $0x0  }
0x60: {  	s16 =	rddreg [dreg:$0x10];
	[sflag:s26] =	ssyncadd.s32 $0xFFFFFFB0  }
0x61: {  	[spmem:s4], [sflag:s22] =	dma.local [hbm:s16], $0x50  }
0x62: {  	_ =	swait.ge [sflag:s26], $0x50  }
0x63: {  	[sflag:s26] =	ssyncset.done $0x0  }
0x64: {  	[sflag:s26] =	ssyncadd.s32 $0xFFFFFFB0  }
0x65: {  	[tilespmem:$0xA000] =	vst v0  }
0x66: {  	[tilespmem:$0xA010] =	vst v0  }
0x67: {  	[tilespmem:$0xA020] =	vst v0  }
0x68: {  	[tilespmem:$0xA030] =	vst v0  }
0x69: {  	[tilespmem:$0xA040] =	vst v0  }
0x6a: {  	[tilespmem:$0xA050] =	vst v0  }
0x6b: {  	[tilespmem:$0xA060] =	vst v0  }
0x6c: {  	[tilespmem:$0xA070] =	vst v0  }
0x6d: {  	[tilespmem:$0xA080] =	vst v0  }
0x6e: {  	[tilespmem:$0xA090] =	vst v0  }
0x6f: {  	[tilespmem:$0xA0A0] =	vst v0  }
0x70: {  	[tilespmem:$0xA0B0] =	vst v0  }
0x71: {  	[tilespmem:$0xA0C0] =	vst v0  }
0x72: {  	[tilespmem:$0xA0D0] =	vst v0  }
0x73: {  	[tilespmem:$0xA0E0] =	vst v0  }
0x74: {  	[tilespmem:$0xA0F0] =	vst v0  }
0x75: {  	[tilespmem:$0xA100] =	vst v0  }
0x76: {  	[tilespmem:$0xA110] =	vst v0  }
0x77: {  	[tilespmem:$0xA120] =	vst v0  }
0x78: {  	[tilespmem:$0xA130] =	vst v0  }
0x79: {  	[tilespmem:$0xA140] =	vst v0  }
0x7a: {  	[tilespmem:$0xA150] =	vst v0  }
0x7b: {  	[tilespmem:$0xA160] =	vst v0  }
0x7c: {  	[tilespmem:$0xA170] =	vst v0  }
0x7d: {  	[tilespmem:$0xA180] =	vst v0  }
0x7e: {  	[tilespmem:$0xA190] =	vst v0  }
0x7f: {  	[tilespmem:$0xA1A0] =	vst v0  }
0x80: {  	[tilespmem:$0xA1B0] =	vst v0  }
0x81: {  	[tilespmem:$0xA1C0] =	vst v0  }
0x82: {  	[tilespmem:$0xA1D0] =	vst v0  }
0x83: {  	[tilespmem:$0xA1E0] =	vst v0  }
0x84: {  	[tilespmem:$0xA1F0] =	vst v0  }
0x85: {  	[tilespmem:$0xA200] =	vst v0  }
0x86: {  	[tilespmem:$0xA210] =	vst v0  }
0x87: {  	[tilespmem:$0xA220] =	vst v0  }
0x88: {  	[tilespmem:$0xA230] =	vst v0  }
0x89: {  	[tilespmem:$0xA240] =	vst v0  }
0x8a: {  	[tilespmem:$0xA250] =	vst v0  }
0x8b: {  	[tilespmem:$0xA260] =	vst v0  }
0x8c: {  	s28 =	simm.s32 $0xA000;
	[tilespmem:$0xA270] =	vst v0  }
0x8d: {  	[spmem:s9] =	stream.linear.scatter [tilespmem:s28], [sflag:$0x4], $0x280, $0x38;
	[tilespmem:$0xB680] =	vst v63  }
0x8e: {  	_ =	swait.ge [sflag:s26], $0x280  }
0x8f: {  	[sflag:s26] =	ssyncset.done $0x0  }
0x90: {  	s9 =	rddreg [dreg:$0x12];
	[sflag:s26] =	ssyncadd.s32 $0xFFFFFD80  }
0x91: {  	[spmem:s9] =	stream.linear.scatter [tilespmem:s28], [sflag:$0x4], $0x280, $0x38;
	[tilespmem:$0xB680] =	vst v63  }
0x92: {  	_ =	swait.ge [sflag:s26], $0x280  }
0x93: {  	[sflag:s26] =	ssyncset.done $0x0  }
0x94: {  	[sflag:s26] =	ssyncadd.s32 $0xFFFFFD80  }
0x95: {  	[spmem:s21] =	stream.linear.scatter [tilespmem:s28], [sflag:$0x4], $0x280, $0x38;
	[tilespmem:$0xB680] =	vst v63  }
0x96: {  	_ =	swait.ge [sflag:s26], $0x280  }
0x97: {  	[sflag:s26] =	ssyncset.done $0x0  }
0x98: {  	[sflag:s26] =	ssyncadd.s32 $0xFFFFFD80  }
0x99: {  	[spmem:s23] =	stream.linear.scatter [tilespmem:s28], [sflag:$0x4], $0x280, $0x38;
	[tilespmem:$0xB680] =	vst v63  }
0x9a: {  	_ =	swait.ge [sflag:s26], $0x280  }
0x9b: {  	[sflag:s26] =	ssyncset.done $0x0  }
0x9c: {  	[sflag:s26] =	ssyncadd.s32 $0xFFFFFD80  }
0x9d: {  	[bflag:$0x0] =	sbarrier.arrive $0xFFFF  }
0x9e: {  	s22 =	rddreg [dreg:$0x15]  }
0x9f: {  	[tilespmem:s10], [sflag:$0x1] =	stream.linear.gather [hbm4b:s22+s10], $0xA00, $0x38;
	[tilespmem:$0xB680] =	vst v63  }
0xa0: {  	s23 =	rddreg [dreg:$0x16]  }
0xa1: {  	[tilespmem:s29], [sflag:$0x1] =	stream.linear.gather [hbm4b:s23+s10], $0xA00, $0x38;
	[tilespmem:$0xB680] =	vst v63  }
.Ltmp2:
0xa2: {  	s26 =	rddreg [dreg:$0x17];
	(pc) =	sbr.rel .LBB2_2-.Ltmp2, $4  }
0xa3: {  	s28 =	rddreg [dreg:$0x18]  }
0xa4: {  	[tilespmem:s30], [sflag:$0x1] =	stream.linear.gather [hbm4b:s26+s10], $0xA00, $0x38;
	[tilespmem:$0xB680] =	vst v63  }
0xa5: {  	p1 =	por $0x1, $0x1;
	s23 =	simm.s32 $0x0;
	s26 =	rddreg [dreg:$0x8]  }
0xa6: {  	[tilespmem:s31], [sflag:$0x1] =	stream.linear.gather [hbm4b:s28+s10], $0xA00, $0x38;
	[tilespmem:$0xB680] =	vst v63  }
.LBB2_4:
.Ltmp3:
0xa7: {  	(pc) =	sbr.rel @!p0 .LBB2_5-.Ltmp3, $2  }
0xa8: {  	_ =	sdelay $0x2  }
0xa9: {  	s23 =	simm.s32 $0x40;
	p1 =	por $0x0, $0x0  }
.LBB2_2:
0xaa: {  	_ =	swait.ge [sflag:s2], $0xA00  }
0xab: {  	[sflag:s2] =	ssyncset.done $0x0  }
0xac: {  	[sflag:s2] =	ssyncadd.s32 $0xFFFFF600  }
0xad: {  	_ =	swait.ge [sflag:s2], $0xA00  }
0xae: {  	[sflag:s2] =	ssyncset.done $0x0  }
0xaf: {  	[sflag:s2] =	ssyncadd.s32 $0xFFFFF600  }
0xb0: {  	_ =	swait.ge [sflag:s2], $0xA00  }
0xb1: {  	[sflag:s2] =	ssyncset.done $0x0  }
0xb2: {  	[sflag:s2] =	ssyncadd.s32 $0xFFFFF600  }
0xb3: {  	_ =	swait.ge [sflag:s2], $0xA00  }
0xb4: {  	[sflag:s2] =	ssyncset.done $0x0  }
0xb5: {  	[sflag:s2] =	ssyncadd.s32 $0xFFFFF600  }
0xb6: {  	[tilespmem:s18], [sflag:$0x2] =	stream.indirect.gather [spmem:s0], $0x1, s10, s8, $0xb8;
	[tilespmem:$0xB680] =	vst v63  }
0xb7: {  	_ = 	snop  }
0xb8: {  	[tilespmem:s19], [sflag:$0x2] =	stream.indirect.gather [spmem:s1], $0x1, s10, s8, $0xb8;
	[tilespmem:$0xB680] =	vst v63  }
0xb9: {  	s4 =	rddreg [dreg:$0x5]  }
0xba: {  	[tilespmem:s24], [sflag:$0x2] =	stream.indirect.gather [spmem:s4], $0x1, s30, s8, $0xb8;
	[tilespmem:$0xB680] =	vst v63  }
0xbb: {  	s28 =	simm.s32 @!p1 $0x3  }
0xbc: {  	[tilespmem:s25], [sflag:$0x2] =	stream.indirect.gather [spmem:s5], $0x1, s30, s8, $0xb8;
	[tilespmem:$0xB680] =	vst v63  }
0xbd: {  	_ =	swait.ge @!p1 [sflag:s28], $0xA00  }
0xbe: {  	[sflag:s28] =	ssyncset.done @!p1 $0x0  }
0xbf: {  	[sflag:s28] =	ssyncadd.s32 @!p1 $0xFFFFF600  }
0xc0: {  	_ =	swait.ge @!p1 [sflag:s28], $0xA00  }
0xc1: {  	[sflag:s28] =	ssyncset.done @!p1 $0x0  }
0xc2: {  	[sflag:s28] =	ssyncadd.s32 @!p1 $0xFFFFF600  }
0xc3: {  	_ =	swait.ge @!p1 [sflag:s28], $0xA00  }
0xc4: {  	[sflag:s28] =	ssyncset.done @!p1 $0x0  }
0xc5: {  	s16 =	sor.u32 s17, s23;
	[sflag:s28] =	ssyncadd.s32 @!p1 $0xFFFFF600  }
0xc6: {  	p0 =	por p1, p1;
	_ =	swait.ge @!p1 [sflag:s28], $0xA00;
	p1 =	sgt.u32 s16, $0x7C  }
0xc7: {  	s16 =	smul.u32 @!p1 $0x140, s16  }
0xc8: {  	[sflag:s28] =	ssyncset.done @!p0 $0x0;
	s21 =	simm.s32 @!p1 $0x0  }
0xc9: {  	s22 =	simm.s32 @!p1 $0xA00;
	[sflag:s28] =	ssyncadd.s32 @!p0 $0xFFFFF600;
	s28 =	sadd.s32 @!p1 s11, s16  }
0xca: {  	[tilespmem:s22], [sflag:$0x1] =	stream.linear.gather @!p1 [hbm4b:s28+s21], $0xA00, $0x38;
	[tilespmem:$0xB680] =	vst v63  }
0xcb: {  	s22 =	sadd.s32 @!p1 s12, s16;
	s28 =	simm.s32 @!p1 $0x1E00  }
0xcc: {  	[tilespmem:s28], [sflag:$0x1] =	stream.linear.gather @!p1 [hbm4b:s22+s21], $0xA00, $0x38;
	[tilespmem:$0xB680] =	vst v63  }
0xcd: {  	s22 =	sadd.s32 @!p1 s13, s16;
	s28 =	simm.s32 @!p1 $0x3200  }
0xce: {  	[tilespmem:s28], [sflag:$0x1] =	stream.linear.gather @!p1 [hbm4b:s22+s21], $0xA00, $0x38;
	[tilespmem:$0xB680] =	vst v63  }
0xcf: {  	s16 =	sadd.s32 @!p1 s14, s16;
	s22 =	simm.s32 @!p1 $0x4600  }
0xd0: {  	[tilespmem:s22], [sflag:$0x1] =	stream.linear.gather @!p1 [hbm4b:s16+s21], $0xA00, $0x38;
	[tilespmem:$0xB680] =	vst v63  }
0xd1: {  	_ =	swait.ge [sflag:s20], $0xA00  }
0xd2: {  	[sflag:s20] =	ssyncset.done $0x0  }
0xd3: {  	[sflag:s20] =	ssyncadd.s32 $0xFFFFF600  }
0xd4: {  	_ =	swait.ge [sflag:s20], $0xA00  }
0xd5: {  	[sflag:s20] =	ssyncset.done $0x0  }
0xd6: {  	[sflag:s20] =	ssyncadd.s32 $0xFFFFF600  }
0xd7: {  	_ =	swait.ge [sflag:s20], $0xA00  }
0xd8: {  	[sflag:s20] =	ssyncset.done $0x0  }
0xd9: {  	[sflag:s20] =	ssyncadd.s32 $0xFFFFF600  }
0xda: {  	_ =	swait.ge [sflag:s20], $0xA00  }
0xdb: {  	[sflag:s20] =	ssyncset.done $0x0  }
0xdc: {  	[sflag:s20] =	ssyncadd.s32 $0xFFFFF600  }
0xdd: {  	[spmem:s6] =	stream.indirect.scatter.add.f32 [tilespmem:s18], [sflag:$0x3], $0x1, s29, s8, $0xb8;
	[tilespmem:$0xB680] =	vst v63  }
0xde: {  	_ = 	snop  }
0xdf: {  	[spmem:s26] =	stream.indirect.scatter.add.f32 [tilespmem:s19], [sflag:$0x3], $0x1, s29, s8, $0xb8;
	[tilespmem:$0xB680] =	vst v63  }
.Ltmp4:
0xe0: {  	_ = 	snop;
	(pc) =	sbr.rel @p1 .LBB2_4-.Ltmp4, $4  }
0xe1: {  	_ = 	snop  }
0xe2: {  	[spmem:s3] =	stream.indirect.scatter.add.f32 [tilespmem:s24], [sflag:$0x3], $0x1, s31, s8, $0xb8;
	[tilespmem:$0xB680] =	vst v63  }
0xe3: {  	_ = 	snop  }
0xe4: {  	[spmem:s7] =	stream.indirect.scatter.add.f32 [tilespmem:s25], [sflag:$0x3], $0x1, s31, s8, $0xb8;
	[tilespmem:$0xB680] =	vst v63  }
0xe5: {  	_ =	swait.ge [sflag:s2], $0xA00  }
0xe6: {  	[sflag:s2] =	ssyncset.done $0x0  }
0xe7: {  	[sflag:s2] =	ssyncadd.s32 $0xFFFFF600  }
0xe8: {  	_ =	swait.ge [sflag:s2], $0xA00  }
0xe9: {  	[sflag:s2] =	ssyncset.done $0x0  }
0xea: {  	[sflag:s2] =	ssyncadd.s32 $0xFFFFF600  }
0xeb: {  	_ =	swait.ge [sflag:s2], $0xA00  }
0xec: {  	[sflag:s2] =	ssyncset.done $0x0  }
0xed: {  	[sflag:s2] =	ssyncadd.s32 $0xFFFFF600  }
0xee: {  	_ =	swait.ge [sflag:s2], $0xA00  }
0xef: {  	[sflag:s2] =	ssyncset.done $0x0  }
0xf0: {  	s28 =	simm.s32 $0x5A00;
	[sflag:s2] =	ssyncadd.s32 $0xFFFFF600  }
0xf1: {  	[tilespmem:s28], [sflag:$0x2] =	stream.indirect.gather [spmem:s0], $0x1, s8, s8, $0xb8;
	[tilespmem:$0xB680] =	vst v63  }
0xf2: {  	s26 =	simm.s32 $0x6E00  }
0xf3: {  	[tilespmem:s26], [sflag:$0x2] =	stream.indirect.gather [spmem:s1], $0x1, s8, s8, $0xb8;
	[tilespmem:$0xB680] =	vst v63  }
0xf4: {  	s16 =	simm.s32 $0x3200;
	s9 =	simm.s32 $0x8200;
	s4 =	rddreg [dreg:$0x5]  }
0xf5: {  	[tilespmem:s9], [sflag:$0x2] =	stream.indirect.gather [spmem:s4], $0x1, s16, s8, $0xb8;
	[tilespmem:$0xB680] =	vst v63  }
0xf6: {  	s4 =	simm.s32 $0x9600  }
0xf7: {  	[tilespmem:s4], [sflag:$0x2] =	stream.indirect.gather [spmem:s5], $0x1, s16, s8, $0xb8;
	[tilespmem:$0xB680] =	vst v63  }
0xf8: {  	_ =	swait.ge [sflag:s15], $0xA00  }
0xf9: {  	[sflag:s15] =	ssyncset.done $0x0  }
0xfa: {  	[sflag:s15] =	ssyncadd.s32 $0xFFFFF600  }
0xfb: {  	_ =	swait.ge [sflag:s15], $0xA00  }
0xfc: {  	[sflag:s15] =	ssyncset.done $0x0  }
0xfd: {  	[sflag:s15] =	ssyncadd.s32 $0xFFFFF600  }
0xfe: {  	_ =	swait.ge [sflag:s15], $0xA00  }
0xff: {  	s21 =	rddreg [dreg:$0x1e]  }
0x100: {  	[sflag:s15] =	ssyncset.done $0x0;
	s16 =	sadd.s32 s21, s23  }
0x101: {  	[sflag:s15] =	ssyncadd.s32 $0xFFFFF600;
	p1 =	sgt.u32 s16, $0x7C  }
0x102: {  	_ =	swait.ge [sflag:s15], $0xA00;
	s16 =	smul.u32 @!p1 $0x140, s16  }
0x103: {  	[sflag:s15] =	ssyncset.done $0x0  }
0x104: {  	s22 =	simm.s32 @!p1 $0x0;
	[sflag:s15] =	ssyncadd.s32 $0xFFFFF600;
	s21 =	sadd.s32 @!p1 s11, s16  }
0x105: {  	[tilespmem:s22], [sflag:$0x1] =	stream.linear.gather @!p1 [hbm4b:s21+s22], $0xA00, $0x38;
	[tilespmem:$0xB680] =	vst v63  }
0x106: {  	s23 =	simm.s32 @!p1 $0x1400;
	s21 =	sadd.s32 @!p1 s12, s16  }
0x107: {  	[tilespmem:s23], [sflag:$0x1] =	stream.linear.gather @!p1 [hbm4b:s21+s22], $0xA00, $0x38;
	[tilespmem:$0xB680] =	vst v63  }
0x108: {  	s21 =	sadd.s32 @!p1 s13, s16;
	s23 =	simm.s32 @!p1 $0x2800  }
0x109: {  	[tilespmem:s23], [sflag:$0x1] =	stream.linear.gather @!p1 [hbm4b:s21+s22], $0xA00, $0x38;
	[tilespmem:$0xB680] =	vst v63  }
0x10a: {  	s16 =	sadd.s32 @!p1 s14, s16;
	s21 =	simm.s32 @!p1 $0x3C00  }
0x10b: {  	[tilespmem:s21], [sflag:$0x1] =	stream.linear.gather @!p1 [hbm4b:s16+s22], $0xA00, $0x38;
	[tilespmem:$0xB680] =	vst v63  }
0x10c: {  	_ =	swait.ge [sflag:s20], $0xA00  }
0x10d: {  	[sflag:s20] =	ssyncset.done $0x0  }
0x10e: {  	[sflag:s20] =	ssyncadd.s32 $0xFFFFF600  }
0x10f: {  	_ =	swait.ge [sflag:s20], $0xA00  }
0x110: {  	[sflag:s20] =	ssyncset.done $0x0  }
0x111: {  	[sflag:s20] =	ssyncadd.s32 $0xFFFFF600  }
0x112: {  	_ =	swait.ge [sflag:s20], $0xA00  }
0x113: {  	[sflag:s20] =	ssyncset.done $0x0  }
0x114: {  	[sflag:s20] =	ssyncadd.s32 $0xFFFFF600  }
0x115: {  	_ =	swait.ge [sflag:s20], $0xA00  }
0x116: {  	[sflag:s20] =	ssyncset.done $0x0  }
0x117: {  	s22 =	simm.s32 $0x1E00;
	[sflag:s20] =	ssyncadd.s32 $0xFFFFF600  }
0x118: {  	[spmem:s6] =	stream.indirect.scatter.add.f32 [tilespmem:s28], [sflag:$0x3], $0x1, s22, s8, $0xb8;
	[tilespmem:$0xB680] =	vst v63  }
0x119: {  	s23 =	rddreg [dreg:$0x8]  }
0x11a: {  	[spmem:s23] =	stream.indirect.scatter.add.f32 [tilespmem:s26], [sflag:$0x3], $0x1, s22, s8, $0xb8;
	[tilespmem:$0xB680] =	vst v63  }
.Ltmp5:
0x11b: {  	_ = 	snop;
	(pc) =	sbr.rel .LBB2_4-.Ltmp5, $4  }
0x11c: {  	s28 =	simm.s32 $0x4600  }
0x11d: {  	[spmem:s3] =	stream.indirect.scatter.add.f32 [tilespmem:s9], [sflag:$0x3], $0x1, s28, s8, $0xb8;
	[tilespmem:$0xB680] =	vst v63  }
0x11e: {  	s26 =	rddreg [dreg:$0x8]  }
0x11f: {  	[spmem:s7] =	stream.indirect.scatter.add.f32 [tilespmem:s4], [sflag:$0x3], $0x1, s28, s8, $0xb8;
	[tilespmem:$0xB680] =	vst v63  }
.LBB2_6:
0x120: {  	_ =	sfence.sel $0x180000  }
0x121: {  	[bflag:$0x0] =	sbarrier.arrive $0xFFFF  }
0x122: {  	_ =	strace $0x9000004A  }
0x123: {  	s0 =	stileid.u32;
	[bflag:$0x2] =	sbarrier.arrive $0xFFFF  }
0x124: {  	p0 =	sne.s32 s0, $0x0;
	s0 =	rddreg [dreg:$0xb]  }
0x125: {  	s0 =	sadd.s32 @!p0 $0x100000, s0  }
0x126: {  	[sflag:s0] =	ssyncadd.tile.s32 @!p0 $0x1;
	_ =	shalt  }
.Lfunc_end2:
_tile_overlayer_lowered:
.L_overlay_start_2:
0x127: {  	(tag) =	ssettag $0x2  }
0x128: {  	s0 =	rddreg [dreg:$0x0];
	s2 =	stileid.u32  }
0x129: {  	s1 =	rddreg [dreg:$0x1];
	p0 =	sne.s32 s2, $0x0  }
0x12a: {  	s3 =	rddreg [dreg:$0x2];
	[bflag:$0x3] =	sbarrier.arrive $0xFFFF;
	s2 =	simm.s32 @!p0 $0x1C04  }
0x12b: {  	[timem:s3], [sflag:s2] =	dma.local @!p0 [hbm:s0], s1  }
0x12c: {  	s0 =	simm.s32 @!p0 $0x4  }
0x12d: {  	_ =	swait.ge @!p0 [sflag:s0], s1  }
0x12e: {  	s1 =	ssub.s32 @!p0 $0x0, s1;
	[sflag:s0] =	ssyncset.done @!p0 $0x0  }
0x12f: {  	[sflag:s0] =	ssyncadd.s32 @!p0 s1  }
0x130: {  	[bflag:$0x3] =	sbarrier.arrive $0xFFFF  }
0x131: {  	_ =	shalt  }

// kernel: kernel.15.cloned.1.call-start
scs
__scs_entry_jumppad:
0x0: {  	(pc) =	sbr.rel $0x88, $3  }
0x1: {  	(tag) =	ssettag $0x0;
	lr =	simm.s32 $0x1  }
0x2: {  	[smem:$0x3F96] =	sst lr;
	_ =	strace $0xD0000000  }
0x3: {  	_ = 	snop  }
0x4: {  	_ = 	snop  }
0x5: {  	_ = 	snop  }
0x6: {  	_ = 	snop  }
0x7: {  	_ = 	snop  }
__scs_overlays_trampoline_lowered:
0x8: {  	[smem:$0x3FA5] =	sst s0  }
0x9: {  	[smem:$0x3FA6] =	sst s1  }
0xa: {  	[smem:$0x3FA7] =	sst s2  }
0xb: {  	[smem:$0x3FA8] =	sst s3  }
0xc: {  	[smem:$0x3FA9] =	sst s4  }
0xd: {  	[smem:$0x3FAA] =	sst s5  }
0xe: {  	[smem:$0x3FAB] =	sst s6  }
0xf: {  	[smem:$0x3FAC] =	sst s7  }
0x10: {  	[smem:$0x3FAD] =	sst s8  }
0x11: {  	[smem:$0x3FAE] =	sst s9;
	s0 =	simm.s32 @!p0 $0x0  }
0x12: {  	s1 =	sld [smem:$0x3F94];
	s0 =	simm.s32 @p0 $0x1  }
0x13: {  	[smem:$0x3FAF] =	sst s0;
	s0 =	simm.s32 @!p1 $0x0  }
0x14: {  	s2 =	sld [smem:$0x3F93];
	s0 =	simm.s32 @p1 $0x1  }
0x15: {  	[smem:$0x3FB0] =	sst s0;
	s0 =	simm.s32 @!p2 $0x0  }
0x16: {  	s3 =	sld [smem:$0x3FDB];
	s0 =	simm.s32 @p2 $0x1  }
0x17: {  	s4 =	simm.s32 $0x1BF5;
	[smem:$0x3FB2] =	sst s0  }
0x18: {  	s0 =	sld [smem:$0x3F95];
	_ =	swait.ge [sflag:s4], $0x0  }
0x19: {  	s7 =	sld [smem:$0x3F96]  }
0x1a: {  	s8 =	sadd.s32 $0xFFFFE003, lr  }
0x1b: {  	s9 =	sadd.s32 $0xFFFFFEF7, lr;
	s5 =	simm.s32 $0xFFFFFFFF;
	p2 =	slt.u32 s8, $0xFFFFF086  }
0x1c: {  	p1 =	slt.u32 s9, $0xF7A;
	s5 =	simm.s32 @!p2 $0x0  }
0x1d: {  	s5 =	simm.s32 @p1 $0x1;
	p0 =	seq.s32 s7, s2  }
0x1e: {  	s7 =	smul.u32 @!p0 $0xF7A, s2;
	p2 =	seq.s32 @!p0 s5, $0x0  }
0x1f: {  	s9 =	smul.u32 $0xF7A, s1;
	s8 =	simm.s32 @!p0 $0x1BF5;
	p2 =	por !p2, p0  }
0x20: {  	[sflag:s8] =	ssyncset.s32 @!p0 $0xFFFFF086;
	s6 =	sadd.s32 @!p0 s3, s7;
	s7 =	simm.s32 @!p0 $0x108  }
0x21: {  	s3 =	sadd.s32 s3, s9;
	s6 =	sadd.s32 @!p0 $0x88, s6;
	s7 =	simm.s32 @p2 $0x1082  }
0x22: {  	[simem:s7], [sflag:s8] =	dma.local @!p0 [hbm:s6], $0xF7A  }
0x23: {  	s9 =	sor.u32 $0xD0000000, s2;
	s6 =	simm.s32 $0x108;
	_ =	swait.ge @!p0 [sflag:s8], $0x0  }
0x24: {  	s3 =	sadd.s32 $0x88, s3;
	s6 =	simm.s32 @!p1 $0x1082;
	[sflag:s4] =	ssyncset.s32 $0xFFFFF086  }
0x25: {  	[simem:s6], [sflag:s4] =	dma.local [hbm:s3], $0xF7A  }
0x26: {  	[smem:$0x3F96] =	sst s1;
	(tag) =	ssettag s2;
	_ =	strace s9  }
0x27: {  	s1 =	sld [smem:$0x3FA6]  }
0x28: {  	s2 =	sld [smem:$0x3FA7]  }
0x29: {  	s4 =	sld [smem:$0x3FA9]  }
0x2a: {  	p0 =	seq.s32 s5, $0x0;
	s5 =	sld [smem:$0x3FAA]  }
0x2b: {  	s6 =	sld [smem:$0x3FAB]  }
0x2c: {  	s7 =	sld [smem:$0x3FAC]  }
0x2d: {  	s3 =	simm.s32 $0x108;
	s8 =	sld [smem:$0x3FAD]  }
0x2e: {  	s3 =	simm.s32 @!p0 $0x1082;
	s9 =	sld [smem:$0x3FAE]  }
0x2f: {  	lr =	sadd.s32 s0, s3;
	s0 =	sld [smem:$0x3FA5]  }
0x30: {  	s3 =	sld [smem:$0x3FA8]  }
0x31: {  	[smem:$0x3FB1] =	sst s10  }
0x32: {  	s10 =	sld [smem:$0x3FAF];
	_ =	sdelay $0x3  }
0x33: {  	p0 =	seq.s32 s10, $0x1;
	s10 =	sld [smem:$0x3FB1];
	_ =	sdelay $0x3  }
0x34: {  	[smem:$0x3FB1] =	sst s10  }
0x35: {  	s10 =	sld [smem:$0x3FB0];
	_ =	sdelay $0x3  }
0x36: {  	p1 =	seq.s32 s10, $0x1;
	s10 =	sld [smem:$0x3FB1];
	_ =	sdelay $0x3  }
0x37: {  	[smem:$0x3FB1] =	sst s10  }
0x38: {  	s10 =	sld [smem:$0x3FB2]  }
0x39: {  	_ = 	snop;
	(pc) =	sbr.ind lr, $3  }
0x3a: {  	_ = 	snop  }
0x3b: {  	_ = 	snop  }
0x3c: {  	p2 =	seq.s32 s10, $0x1;
	s10 =	sld [smem:$0x3FB1]  }
0x3d: {  	_ =	shalt  }
0x3e: {  	_ =	shalt  }
0x3f: {  	_ =	shalt  }
0x40: {  	_ =	shalt  }
0x41: {  	_ =	shalt  }
0x42: {  	_ =	shalt  }
0x43: {  	_ =	shalt  }
0x44: {  	_ =	shalt  }
0x45: {  	_ =	shalt  }
0x46: {  	_ =	shalt  }
0x47: {  	_ =	shalt  }
0x48: {  	_ =	shalt  }
0x49: {  	_ =	shalt  }
0x4a: {  	_ =	shalt  }
0x4b: {  	_ =	shalt  }
0x4c: {  	_ =	shalt  }
0x4d: {  	_ =	shalt  }
0x4e: {  	_ =	shalt  }
0x4f: {  	_ =	shalt  }
0x50: {  	_ =	shalt  }
0x51: {  	_ =	shalt  }
0x52: {  	_ =	shalt  }
0x53: {  	_ =	shalt  }
0x54: {  	_ =	shalt  }
0x55: {  	_ =	shalt  }
0x56: {  	_ =	shalt  }
0x57: {  	_ =	shalt  }
0x58: {  	_ =	shalt  }
0x59: {  	_ =	shalt  }
0x5a: {  	_ =	shalt  }
0x5b: {  	_ =	shalt  }
0x5c: {  	_ =	shalt  }
0x5d: {  	_ =	shalt  }
0x5e: {  	_ =	shalt  }
0x5f: {  	_ =	shalt  }
0x60: {  	_ =	shalt  }
0x61: {  	_ =	shalt  }
0x62: {  	_ =	shalt  }
0x63: {  	_ =	shalt  }
0x64: {  	_ =	shalt  }
0x65: {  	_ =	shalt  }
0x66: {  	_ =	shalt  }
0x67: {  	_ =	shalt  }
0x68: {  	_ =	shalt  }
0x69: {  	_ =	shalt  }
0x6a: {  	_ =	shalt  }
0x6b: {  	_ =	shalt  }
0x6c: {  	_ =	shalt  }
0x6d: {  	_ =	shalt  }
0x6e: {  	_ =	shalt  }
0x6f: {  	_ =	shalt  }
0x70: {  	_ =	shalt  }
0x71: {  	_ =	shalt  }
0x72: {  	_ =	shalt  }
0x73: {  	_ =	shalt  }
0x74: {  	_ =	shalt  }
0x75: {  	_ =	shalt  }
0x76: {  	_ =	shalt  }
0x77: {  	_ =	shalt  }
0x78: {  	_ =	shalt  }
0x79: {  	_ =	shalt  }
0x7a: {  	_ =	shalt  }
0x7b: {  	_ =	shalt  }
0x7c: {  	_ =	shalt  }
0x7d: {  	_ =	shalt  }
0x7e: {  	_ =	shalt  }
0x7f: {  	_ =	shalt  }
0x80: {  	_ =	shalt  }
0x81: {  	_ =	shalt  }
0x82: {  	_ =	shalt  }
0x83: {  	_ =	shalt  }
0x84: {  	_ =	shalt  }
0x85: {  	_ =	shalt  }
0x86: {  	_ =	shalt  }
0x87: {  	_ =	shalt  }
.Lfunc_end0:
.L_simem_size_0:
called_computation.2_lowered:
.L_overlay_start_0:
0x88: {  	s2 =	sld [smem:$0x3FD9]  }
0x89: {  	s3 =	sld [smem:$0x3FFE];
	_ =	sdelay $0x1  }
0x8a: {  	s1 =	srdreg.scid  }
0x8b: {  	s0 =	sand.u32 $0x1, s1  }
0x8c: {  	s14 =	sshll.u32 s0, $0xA;
	s2 =	sadd.s32 s3, s2  }
0x8d: {  	s2 =	sadd.s32 s2, s14  }
0x8e: {  	[smem:$0x3FBD] =	sst s2  }
0x8f: {  	_ = 	snop  }
0x90: {  	s2 =	sld [smem:$0x3FD0];
	_ =	sdelay $0x2  }
0x91: {  	s15 =	simm.s32 $0xA;
	s4 =	simm.s32 $0x10  }
0x92: {  	[smem:s4], [sflag:s15] =	dma.local [hbm:s2], $0x1  }
0x93: {  	_ =	swait.eq [sflag:s15], $0x1  }
0x94: {  	[sflag:s15] =	ssyncset.done $0x0  }
0x95: {  	s16 =	sld [smem:$0x10];
	[sflag:s15] =	ssyncadd.s32 $0xFFFFFFFF  }
0x96: {  	s17 =	sld [smem:$0x11];
	(tm) =	ssettm $0x1  }
0x97: {  	s18 =	sld [smem:$0x3FFB];
	_ =	sdelay $0x3  }
0x98: {  	_ =	strace s18  }
0x99: {  	s4 =	sld [smem:$0x3FFC];
	_ =	sdelay $0x3  }
0x9a: {  	_ =	strace s4  }
0x9b: {  	s4 =	sld [smem:$0x3FFD];
	_ =	sdelay $0x3  }
0x9c: {  	_ =	strace s4  }
0x9d: {  	_ =	strace $0x8FFFFFFF  }
0x9e: {  	s19 =	sld [smem:$0x3FDB];
	_ =	sdelay $0x1  }
0x9f: {  	s5 =	simm.s32 $_scs_section_size  }
0xa0: {  	s6 =	simm.s32 $_size__tile_overlayer_lowered;
	s7 =	simm.s32 $_tile_overlayer_lowered  }
0xa1: {  	s22 =	simm.s32 $0x1BFF;
	s21 =	sshll.u32 s7, $0x1;
	s4 =	sadd.s32 s5, s19  }
0xa2: {  	s8 =	simm.s32 $0x0;
	s20 =	sshll.u32 s6, $0x1;
	s6 =	sadd.s32 s21, s4  }
0xa3: {  	[timem:s8], [sflag:s22] =	dma.local [hbm:s6], s20  }
0xa4: {  	_ =	swait.ge [sflag:s22], s20  }
0xa5: {  	s5 =	ssub.s32 $0x0, s20;
	[sflag:s22] =	ssyncset.done $0x0  }
0xa6: {  	[sflag:s22] =	ssyncadd.s32 s5;
	_ =	sdelay $0x1  }
0xa7: {  	s23 =	simm.s32 $0x1B8B  }
0xa8: {  	_ =	swait.ge [sflag:s23], $0x1  }
0xa9: {  	[sflag:s23] =	ssyncset.done $0x0  }
0xaa: {  	s25 =	simm.s32 $0x1B8E;
	s24 =	sld [smem:$0x3FFE];
	[sflag:s23] =	ssyncadd.s32 $0xFFFFFFFF  }
0xab: {  	s26 =	simm.s32 $execute0_lowered;
	[smem:$0x3FD2] =	sst s25  }
0xac: {  	s6 =	sshll.u32 s26, $0x1;
	_ =	strace $0x8000004C;
	[dreg:$0x1] =	wrdreg $0xFFFFFFFF  }
0xad: {  	s28 =	simm.s32 $_size_execute0_lowered;
	s4 =	sadd.s32 s4, s6;
	[dreg:$0x0] =	wrdreg $0x0  }
0xae: {  	s6 =	sshll.u32 s28, $0x1;
	[dreg:$0x2] =	wrdreg s4  }
0xaf: {  	[dreg:$0x3] =	wrdreg s6  }
0xb0: {  	[dreg:$0x4] =	wrdreg $0xC0  }
0xb1: {  	_ =	task [dreg:s8], $0x5FFFF  }
0xb2: {  	[dreg:$0x1] =	wrdreg $0xFFFFFFFF  }
0xb3: {  	[dreg:$0x0] =	wrdreg $0x60  }
0xb4: {  	[dreg:$0x2] =	wrdreg s24  }
0xb5: {  	[dreg:$0x3] =	wrdreg s17  }
0xb6: {  	[dreg:$0x4] =	wrdreg s16  }
0xb7: {  	[dreg:$0x5] =	wrdreg $0xA2800  }
0xb8: {  	[dreg:$0x6] =	wrdreg $0xA5000  }
0xb9: {  	[dreg:$0x7] =	wrdreg $0xA7800  }
0xba: {  	[dreg:$0x8] =	wrdreg $0xAA000  }
0xbb: {  	[dreg:$0x9] =	wrdreg $0xAC800  }
0xbc: {  	[dreg:$0xa] =	wrdreg $0xAF000  }
0xbd: {  	[dreg:$0xb] =	wrdreg $0xB1800  }
0xbe: {  	[dreg:$0xc] =	wrdreg $0xB4000  }
0xbf: {  	[dreg:$0xd] =	wrdreg $0x9  }
0xc0: {  	_ =	task.clear_ibuf [dreg:s8], $0xEFFFF;
	_ =	strace $0x9000004C  }
0xc1: {  	s29 =	simm.s32 $0x9;
	_ =	strace $0x8000004E  }
0xc2: {  	_ =	swait.ge [sflag:s29], $0x1  }
0xc3: {  	[sflag:s29] =	ssyncadd.s32 $0xFFFFFFFF  }
0xc4: {  	_ =	strace $0x9000004E  }
0xc5: {  	_ =	sfence  }
0xc6: {  	s30 =	sld [smem:$0x0];
	_ =	sdelay $0x2  }
0xc7: {  	s31 =	sshll.u32 s1, $0xD;
	s1 =	sshrl.u32 s1, $0x2  }
0xc8: {  	s3 =	sand.u32 $0x4000, s31;
	s1 =	sadd.s32 s1, s30  }
0xc9: {  	s0 =	sor.u32 s3, s0;
	s1 =	sshll.u32 s1, $0x11  }
0xca: {  	s0 =	sor.u32 s1, s0  }
0xcb: {  	s0 =	sadd.s32 $0x8F2B, s0  }
0xcc: {  	[sflag:s0] =	ssyncadd.remote.s32 $0x1  }
0xcd: {  	_ =	sfence.sel $0xFFFF  }
0xce: {  	[dreg:$0x0] =	wrdreg $0xFFFFFFFF;
	(pc) =	sbr.abs _section_cstart, $3  }
0xcf: {  	[dreg:$0x1] =	wrdreg $0xFFFFFFFF  }
0xd0: {  	_ =	task.clear_ibuf [dreg:s8], $0x2FFFF;
	_ =	strace $0x9FFFFFFF  }
0xd1: {  	(tm) =	ssettm $0x7FFFFFFF  }
tec
execute0_lowered:
.L_overlay_start_1:
0x0: {  	(tag) =	ssettag $0x1  }
0x1: {  	s2 =	rddreg [dreg:$0x0]  }
0x2: {  	s8 =	rddreg [dreg:$0x1]  }
0x3: {  	s15 =	rddreg [dreg:$0x2]  }
0x4: {  	s0 =	rddreg [dreg:$0x3]  }
0x5: {  	s1 =	rddreg [dreg:$0x4]  }
0x6: {  	s3 =	rddreg [dreg:$0x5]  }
0x7: {  	s24 =	rddreg [dreg:$0x6]  }
0x8: {  	s25 =	rddreg [dreg:$0x7]  }
0x9: {  	s26 =	rddreg [dreg:$0x8]  }
0xa: {  	s5 =	rddreg [dreg:$0x9]  }
0xb: {  	s7 =	rddreg [dreg:$0xa];
	s10 =	simm.s32 $0x0;
	s23 =	stileid.u32  }
0xc: {  	s11 =	srdreg.scid;
	s29 =	simm.s32 $0x1400;
	s30 =	simm.s32 $0x2800  }
0xd: {  	[smem:$0x7FF] =	sst s10;
	s16 =	smul.u32 $0x280, s23;
	s17 =	sand.u32 $0x1, s11  }
0xe: {  	s11 =	sadd.s32 $0x24E00, s2;
	s12 =	sadd.s32 $0x1B000, s2;
	s13 =	sadd.s32 $0x11200, s2  }
0xf: {  	s14 =	sadd.s32 $0x7400, s2;
	s9 =	sshll.u32 s23, $0x6;
	_ =	strace $0x8000004D  }
0x10: {  	s18 =	smul.u32 $0x2800, s17;
	s21 =	ssub.s32 $0x2, s17;
	s17 =	sshll.u32 s17, $0x4  }
0x11: {  	s19 =	sshrl.u32 s16, $0x3;
	s22 =	sshrl.u32 s21, $0x1;
	s4 =	sadd.s32 s16, s26  }
0x12: {  	s17 =	sor.u32 s23, s17;
	s8 =	sadd.s32 s8, s19;
	[dreg:$0x12] =	wrdreg s4  }
0x13: {  	s20 =	sadd.s32 s19, s2;
	s15 =	sadd.s32 s15, s19;
	[dreg:$0xc] =	wrdreg s8  }
0x14: {  	s18 =	sadd.s32 s16, s18;
	[dreg:$0xe] =	wrdreg s15;
	s19 =	sadd.s32 $0x2EC00, s20  }
0x15: {  	s18 =	sshrl.u32 s18, $0x3;
	s23 =	sadd.s32 $0x2F200, s20;
	[dreg:$0xf] =	wrdreg s19  }
0x16: {  	s20 =	sor.u32 $0x40, s17;
	s2 =	sadd.s32 s18, s2;
	[dreg:$0x10] =	wrdreg s23  }
0x17: {  	s18 =	ssub.s32 s21, s22;
	s22 =	sor.u32 $0x1C04, s9;
	[dreg:$0x1e] =	wrdreg s20  }
0x18: {  	s6 =	smov.u32 s25;
	s9 =	sadd.s32 s16, s25;
	[dreg:$0xd] =	wrdreg s22  }
0x19: {  	s21 =	sadd.s32 s16, s0;
	s23 =	sadd.s32 s16, s7;
	[dreg:$0x11] =	wrdreg s9  }
0x1a: {  	s25 =	smul.u32 $0x140, s17;
	s18 =	smax.u32 s18, $0x1;
	[dreg:$0x14] =	wrdreg s23  }
0x1b: {  	s15 =	sadd.s32 s16, s3;
	s21 =	sshrl.u32 s21, $0x3;
	[dreg:$0x1d] =	wrdreg s18  }
0x1c: {  	s3 =	smov.u32 s5;
	s26 =	sadd.s32 s11, s25;
	[dreg:$0x1f] =	wrdreg s21  }
0x1d: {  	s5 =	smov.u32 s24;
	s28 =	sadd.s32 s12, s25;
	[dreg:$0x15] =	wrdreg s26  }
0x1e: {  	s19 =	sadd.s32 s16, s24;
	s4 =	sadd.s32 s13, s25;
	[dreg:$0x16] =	wrdreg s28  }
0x1f: {  	s24 =	sadd.s32 s16, s3;
	s25 =	sadd.s32 s14, s25;
	[dreg:$0x17] =	wrdreg s4  }
0x20: {  	s31 =	simm.s32 $0x3C00;
	s21 =	smov.u32 s24;
	[dreg:$0x18] =	wrdreg s25  }
0x21: {  	s8 =	sadd.s32 s16, s1;
	s26 =	sadd.s32 $0x2F800, s2;
	[dreg:$0x13] =	wrdreg s21  }
0x22: {  	s17 =	sor.u32 $0x20, s17;
	s28 =	sadd.s32 $0x30200, s2;
	[dreg:$0x19] =	wrdreg s26  }
0x23: {  	s20 =	simm.s32 $0x2;
	s4 =	sadd.s32 $0x30C00, s2;
	[dreg:$0x1a] =	wrdreg s28  }
0x24: {  	s18 =	simm.s32 $0x5000;
	s2 =	sadd.s32 $0x31600, s2;
	[dreg:$0x1b] =	wrdreg s4  }
.Ltmp0:
0x25: {  	s25 =	sshrl.u32 s8, $0x3;
	[dreg:$0x1c] =	wrdreg s2;
	(pc) =	sbr.rel .LBB2_1-.Ltmp0, $4  }
0x26: {  	s24 =	simm.s32 $0x7800;
	s8 =	simm.s32 $0xA00;
	[smem:$0x7FB] =	sst s25  }
0x27: {  	s26 =	sshrl.u32 s15, $0x3;
	s28 =	sshrl.u32 s19, $0x3;
	s2 =	simm.s32 $0x1  }
0x28: {  	s19 =	simm.s32 $0x6400;
	s25 =	simm.s32 $0x8C00;
	[smem:$0x7FC] =	sst s26  }
0x29: {  	v0 =	vimm.f32 $0.0e+00;
	s15 =	simm.s32 $0x3;
	s4 =	simm.s32 $0x0;
	[smem:$0x7FD] =	sst s28  }
.LBB2_5:
0x2a: {  	_ =	swait.ge [sflag:s15], $0xA00  }
0x2b: {  	[sflag:s15] =	ssyncset.done $0x0  }
0x2c: {  	[sflag:s15] =	ssyncadd.s32 $0xFFFFF600  }
0x2d: {  	_ =	swait.ge [sflag:s15], $0xA00  }
0x2e: {  	[sflag:s15] =	ssyncset.done $0x0  }
0x2f: {  	[sflag:s15] =	ssyncadd.s32 $0xFFFFF600  }
0x30: {  	_ =	swait.ge [sflag:s15], $0xA00  }
0x31: {  	[sflag:s15] =	ssyncset.done $0x0  }
0x32: {  	[sflag:s15] =	ssyncadd.s32 $0xFFFFF600  }
0x33: {  	_ =	swait.ge [sflag:s15], $0xA00  }
0x34: {  	[sflag:s15] =	ssyncset.done $0x0  }
0x35: {  	[sflag:s15] =	ssyncadd.s32 $0xFFFFF600  }
0x36: {  	[bflag:$0x0] =	sbarrier.arrive $0xFFFF  }
0x37: {  	s9 =	rddreg [dreg:$0x11]  }
0x38: {  	s22 =	rddreg [dreg:$0xd]  }
0x39: {  	s26 =	simm.s32 $0x4;
	s21 =	rddreg [dreg:$0x19];
	s16 =	sshrl.u32 s9, $0x3  }
0x3a: {  	[hbm:s21], [sflag:s22] =	dma.local [spmem:s16], $0x50  }
0x3b: {  	_ =	swait.ge [sflag:s26], $0x50  }
0x3c: {  	[sflag:s26] =	ssyncset.done $0x0;
	s4 =	rddreg [dreg:$0x12]  }
0x3d: {  	s23 =	rddreg [dreg:$0x1a];
	[sflag:s26] =	ssyncadd.s32 $0xFFFFFFB0;
	s21 =	sshrl.u32 s4, $0x3  }
0x3e: {  	[hbm:s23], [sflag:s22] =	dma.local [spmem:s21], $0x50  }
0x3f: {  	_ =	swait.ge [sflag:s26], $0x50  }
0x40: {  	[sflag:s26] =	ssyncset.done $0x0;
	s21 =	rddreg [dreg:$0x13]  }
0x41: {  	s23 =	rddreg [dreg:$0x1b];
	[sflag:s26] =	ssyncadd.s32 $0xFFFFFFB0;
	s28 =	sshrl.u32 s21, $0x3  }
0x42: {  	[hbm:s23], [sflag:s22] =	dma.local [spmem:s28], $0x50  }
0x43: {  	_ =	swait.ge [sflag:s26], $0x50  }
0x44: {  	[sflag:s26] =	ssyncset.done $0x0;
	s23 =	rddreg [dreg:$0x14]  }
0x45: {  	s28 =	rddreg [dreg:$0x1c];
	[sflag:s26] =	ssyncadd.s32 $0xFFFFFFB0;
	s4 =	sshrl.u32 s23, $0x3  }
0x46: {  	[hbm:s28], [sflag:s22] =	dma.local [spmem:s4], $0x50  }
0x47: {  	_ =	swait.ge [sflag:s26], $0x50  }
0x48: {  	s16 =	sld [smem:$0x7FA];
	_ =	sdelay $0x2  }
0x49: {  	[sflag:s26] =	ssyncset.done $0x0;
	s26 =	rddreg [dreg:$0x1d];
	s4 =	sadd.s32 $0x1, s16  }
0x4a: {  	p0 =	sne.s32 s4, s26  }
.Ltmp1:
0x4b: {  	_ = 	snop;
	(pc) =	sbr.rel @!p0 .LBB2_6-.Ltmp1, $3  }
0x4c: {  	_ =	sdelay $0x1  }
0x4d: {  	s28 =	simm.s32 $0x4  }
0x4e: {  	[sflag:s28] =	ssyncadd.s32 $0xFFFFFFB0  }
.LBB2_1:
0x4f: {  	[smem:$0x7FA] =	sst s4  }
0x50: {  	s16 =	rddreg [dreg:$0xc]  }
0x51: {  	s26 =	simm.s32 $0x4;
	s28 =	rddreg [dreg:$0x1f]  }
0x52: {  	[spmem:s28], [sflag:s22] =	dma.local [hbm:s16], $0x50  }
0x53: {  	_ =	swait.ge [sflag:s26], $0x50  }
0x54: {  	s4 =	sld [smem:$0x7FB]  }
0x55: {  	[sflag:s26] =	ssyncset.done $0x0  }
0x56: {  	s16 =	rddreg [dreg:$0xe];
	[sflag:s26] =	ssyncadd.s32 $0xFFFFFFB0  }
0x57: {  	[spmem:s4], [sflag:s22] =	dma.local [hbm:s16], $0x50  }
0x58: {  	_ =	swait.ge [sflag:s26], $0x50  }
0x59: {  	s4 =	sld [smem:$0x7FC]  }
0x5a: {  	[sflag:s26] =	ssyncset.done $0x0  }
0x5b: {  	s16 =	rddreg [dreg:$0xf];
	[sflag:s26] =	ssyncadd.s32 $0xFFFFFFB0  }
0x5c: {  	[spmem:s4], [sflag:s22] =	dma.local [hbm:s16], $0x50  }
0x5d: {  	_ =	swait.ge [sflag:s26], $0x50  }
0x5e: {  	s4 =	sld [smem:$0x7FD]  }
0x5f: {  	[sflag:s26] =	ssyncset.done $0x0  }
0x60: {  	s16 =	rddreg [dreg:$0x10];
	[sflag:s26] =	ssyncadd.s32 $0xFFFFFFB0  }
0x61: {  	[spmem:s4], [sflag:s22] =	dma.local [hbm:s16], $0x50  }
0x62: {  	_ =	swait.ge [sflag:s26], $0x50  }
0x63: {  	[sflag:s26] =	ssyncset.done $0x0  }
0x64: {  	[sflag:s26] =	ssyncadd.s32 $0xFFFFFFB0  }
0x65: {  	[tilespmem:$0xA000] =	vst v0  }
0x66: {  	[tilespmem:$0xA010] =	vst v0  }
0x67: {  	[tilespmem:$0xA020] =	vst v0  }
0x68: {  	[tilespmem:$0xA030] =	vst v0  }
0x69: {  	[tilespmem:$0xA040] =	vst v0  }
0x6a: {  	[tilespmem:$0xA050] =	vst v0  }
0x6b: {  	[tilespmem:$0xA060] =	vst v0  }
0x6c: {  	[tilespmem:$0xA070] =	vst v0  }
0x6d: {  	[tilespmem:$0xA080] =	vst v0  }
0x6e: {  	[tilespmem:$0xA090] =	vst v0  }
0x6f: {  	[tilespmem:$0xA0A0] =	vst v0  }
0x70: {  	[tilespmem:$0xA0B0] =	vst v0  }
0x71: {  	[tilespmem:$0xA0C0] =	vst v0  }
0x72: {  	[tilespmem:$0xA0D0] =	vst v0  }
0x73: {  	[tilespmem:$0xA0E0] =	vst v0  }
0x74: {  	[tilespmem:$0xA0F0] =	vst v0  }
0x75: {  	[tilespmem:$0xA100] =	vst v0  }
0x76: {  	[tilespmem:$0xA110] =	vst v0  }
0x77: {  	[tilespmem:$0xA120] =	vst v0  }
0x78: {  	[tilespmem:$0xA130] =	vst v0  }
0x79: {  	[tilespmem:$0xA140] =	vst v0  }
0x7a: {  	[tilespmem:$0xA150] =	vst v0  }
0x7b: {  	[tilespmem:$0xA160] =	vst v0  }
0x7c: {  	[tilespmem:$0xA170] =	vst v0  }
0x7d: {  	[tilespmem:$0xA180] =	vst v0  }
0x7e: {  	[tilespmem:$0xA190] =	vst v0  }
0x7f: {  	[tilespmem:$0xA1A0] =	vst v0  }
0x80: {  	[tilespmem:$0xA1B0] =	vst v0  }
0x81: {  	[tilespmem:$0xA1C0] =	vst v0  }
0x82: {  	[tilespmem:$0xA1D0] =	vst v0  }
0x83: {  	[tilespmem:$0xA1E0] =	vst v0  }
0x84: {  	[tilespmem:$0xA1F0] =	vst v0  }
0x85: {  	[tilespmem:$0xA200] =	vst v0  }
0x86: {  	[tilespmem:$0xA210] =	vst v0  }
0x87: {  	[tilespmem:$0xA220] =	vst v0  }
0x88: {  	[tilespmem:$0xA230] =	vst v0  }
0x89: {  	[tilespmem:$0xA240] =	vst v0  }
0x8a: {  	[tilespmem:$0xA250] =	vst v0  }
0x8b: {  	[tilespmem:$0xA260] =	vst v0  }
0x8c: {  	s28 =	simm.s32 $0xA000;
	[tilespmem:$0xA270] =	vst v0  }
0x8d: {  	[spmem:s9] =	stream.linear.scatter [tilespmem:s28], [sflag:$0x4], $0x280, $0x38;
	[tilespmem:$0xB680] =	vst v63  }
0x8e: {  	_ =	swait.ge [sflag:s26], $0x280  }
0x8f: {  	[sflag:s26] =	ssyncset.done $0x0  }
0x90: {  	s9 =	rddreg [dreg:$0x12];
	[sflag:s26] =	ssyncadd.s32 $0xFFFFFD80  }
0x91: {  	[spmem:s9] =	stream.linear.scatter [tilespmem:s28], [sflag:$0x4], $0x280, $0x38;
	[tilespmem:$0xB680] =	vst v63  }
0x92: {  	_ =	swait.ge [sflag:s26], $0x280  }
0x93: {  	[sflag:s26] =	ssyncset.done $0x0  }
0x94: {  	[sflag:s26] =	ssyncadd.s32 $0xFFFFFD80  }
0x95: {  	[spmem:s21] =	stream.linear.scatter [tilespmem:s28], [sflag:$0x4], $0x280, $0x38;
	[tilespmem:$0xB680] =	vst v63  }
0x96: {  	_ =	swait.ge [sflag:s26], $0x280  }
0x97: {  	[sflag:s26] =	ssyncset.done $0x0  }
0x98: {  	[sflag:s26] =	ssyncadd.s32 $0xFFFFFD80  }
0x99: {  	[spmem:s23] =	stream.linear.scatter [tilespmem:s28], [sflag:$0x4], $0x280, $0x38;
	[tilespmem:$0xB680] =	vst v63  }
0x9a: {  	_ =	swait.ge [sflag:s26], $0x280  }
0x9b: {  	[sflag:s26] =	ssyncset.done $0x0  }
0x9c: {  	[sflag:s26] =	ssyncadd.s32 $0xFFFFFD80  }
0x9d: {  	[bflag:$0x0] =	sbarrier.arrive $0xFFFF  }
0x9e: {  	s22 =	rddreg [dreg:$0x15]  }
0x9f: {  	[tilespmem:s10], [sflag:$0x1] =	stream.linear.gather [hbm4b:s22+s10], $0xA00, $0x38;
	[tilespmem:$0xB680] =	vst v63  }
0xa0: {  	s23 =	rddreg [dreg:$0x16]  }
0xa1: {  	[tilespmem:s29], [sflag:$0x1] =	stream.linear.gather [hbm4b:s23+s10], $0xA00, $0x38;
	[tilespmem:$0xB680] =	vst v63  }
.Ltmp2:
0xa2: {  	s26 =	rddreg [dreg:$0x17];
	(pc) =	sbr.rel .LBB2_2-.Ltmp2, $4  }
0xa3: {  	s28 =	rddreg [dreg:$0x18]  }
0xa4: {  	[tilespmem:s30], [sflag:$0x1] =	stream.linear.gather [hbm4b:s26+s10], $0xA00, $0x38;
	[tilespmem:$0xB680] =	vst v63  }
0xa5: {  	p1 =	por $0x1, $0x1;
	s23 =	simm.s32 $0x0;
	s26 =	rddreg [dreg:$0x8]  }
0xa6: {  	[tilespmem:s31], [sflag:$0x1] =	stream.linear.gather [hbm4b:s28+s10], $0xA00, $0x38;
	[tilespmem:$0xB680] =	vst v63  }
.LBB2_4:
.Ltmp3:
0xa7: {  	(pc) =	sbr.rel @!p0 .LBB2_5-.Ltmp3, $2  }
0xa8: {  	_ =	sdelay $0x2  }
0xa9: {  	s23 =	simm.s32 $0x40;
	p1 =	por $0x0, $0x0  }
.LBB2_2:
0xaa: {  	_ =	swait.ge [sflag:s2], $0xA00  }
0xab: {  	[sflag:s2] =	ssyncset.done $0x0  }
0xac: {  	[sflag:s2] =	ssyncadd.s32 $0xFFFFF600  }
0xad: {  	_ =	swait.ge [sflag:s2], $0xA00  }
0xae: {  	[sflag:s2] =	ssyncset.done $0x0  }
0xaf: {  	[sflag:s2] =	ssyncadd.s32 $0xFFFFF600  }
0xb0: {  	_ =	swait.ge [sflag:s2], $0xA00  }
0xb1: {  	[sflag:s2] =	ssyncset.done $0x0  }
0xb2: {  	[sflag:s2] =	ssyncadd.s32 $0xFFFFF600  }
0xb3: {  	_ =	swait.ge [sflag:s2], $0xA00  }
0xb4: {  	[sflag:s2] =	ssyncset.done $0x0  }
0xb5: {  	[sflag:s2] =	ssyncadd.s32 $0xFFFFF600  }
0xb6: {  	[tilespmem:s18], [sflag:$0x2] =	stream.indirect.gather [spmem:s0], $0x1, s10, s8, $0xb8;
	[tilespmem:$0xB680] =	vst v63  }
0xb7: {  	_ = 	snop  }
0xb8: {  	[tilespmem:s19], [sflag:$0x2] =	stream.indirect.gather [spmem:s1], $0x1, s10, s8, $0xb8;
	[tilespmem:$0xB680] =	vst v63  }
0xb9: {  	s4 =	rddreg [dreg:$0x5]  }
0xba: {  	[tilespmem:s24], [sflag:$0x2] =	stream.indirect.gather [spmem:s4], $0x1, s30, s8, $0xb8;
	[tilespmem:$0xB680] =	vst v63  }
0xbb: {  	s28 =	simm.s32 @!p1 $0x3  }
0xbc: {  	[tilespmem:s25], [sflag:$0x2] =	stream.indirect.gather [spmem:s5], $0x1, s30, s8, $0xb8;
	[tilespmem:$0xB680] =	vst v63  }
0xbd: {  	_ =	swait.ge @!p1 [sflag:s28], $0xA00  }
0xbe: {  	[sflag:s28] =	ssyncset.done @!p1 $0x0  }
0xbf: {  	[sflag:s28] =	ssyncadd.s32 @!p1 $0xFFFFF600  }
0xc0: {  	_ =	swait.ge @!p1 [sflag:s28], $0xA00  }
0xc1: {  	[sflag:s28] =	ssyncset.done @!p1 $0x0  }
0xc2: {  	[sflag:s28] =	ssyncadd.s32 @!p1 $0xFFFFF600  }
0xc3: {  	_ =	swait.ge @!p1 [sflag:s28], $0xA00  }
0xc4: {  	[sflag:s28] =	ssyncset.done @!p1 $0x0  }
0xc5: {  	s16 =	sor.u32 s17, s23;
	[sflag:s28] =	ssyncadd.s32 @!p1 $0xFFFFF600  }
0xc6: {  	p0 =	por p1, p1;
	_ =	swait.ge @!p1 [sflag:s28], $0xA00;
	p1 =	sgt.u32 s16, $0x7C  }
0xc7: {  	s16 =	smul.u32 @!p1 $0x140, s16  }
0xc8: {  	[sflag:s28] =	ssyncset.done @!p0 $0x0;
	s21 =	simm.s32 @!p1 $0x0  }
0xc9: {  	s22 =	simm.s32 @!p1 $0xA00;
	[sflag:s28] =	ssyncadd.s32 @!p0 $0xFFFFF600;
	s28 =	sadd.s32 @!p1 s11, s16  }
0xca: {  	[tilespmem:s22], [sflag:$0x1] =	stream.linear.gather @!p1 [hbm4b:s28+s21], $0xA00, $0x38;
	[tilespmem:$0xB680] =	vst v63  }
0xcb: {  	s22 =	sadd.s32 @!p1 s12, s16;
	s28 =	simm.s32 @!p1 $0x1E00  }
0xcc: {  	[tilespmem:s28], [sflag:$0x1] =	stream.linear.gather @!p1 [hbm4b:s22+s21], $0xA00, $0x38;
	[tilespmem:$0xB680] =	vst v63  }
0xcd: {  	s22 =	sadd.s32 @!p1 s13, s16;
	s28 =	simm.s32 @!p1 $0x3200  }
0xce: {  	[tilespmem:s28], [sflag:$0x1] =	stream.linear.gather @!p1 [hbm4b:s22+s21], $0xA00, $0x38;
	[tilespmem:$0xB680] =	vst v63  }
0xcf: {  	s16 =	sadd.s32 @!p1 s14, s16;
	s22 =	simm.s32 @!p1 $0x4600  }
0xd0: {  	[tilespmem:s22], [sflag:$0x1] =	stream.linear.gather @!p1 [hbm4b:s16+s21], $0xA00, $0x38;
	[tilespmem:$0xB680] =	vst v63  }
0xd1: {  	_ =	swait.ge [sflag:s20], $0xA00  }
0xd2: {  	[sflag:s20] =	ssyncset.done $0x0  }
0xd3: {  	[sflag:s20] =	ssyncadd.s32 $0xFFFFF600  }
0xd4: {  	_ =	swait.ge [sflag:s20], $0xA00  }
0xd5: {  	[sflag:s20] =	ssyncset.done $0x0  }
0xd6: {  	[sflag:s20] =	ssyncadd.s32 $0xFFFFF600  }
0xd7: {  	_ =	swait.ge [sflag:s20], $0xA00  }
0xd8: {  	[sflag:s20] =	ssyncset.done $0x0  }
0xd9: {  	[sflag:s20] =	ssyncadd.s32 $0xFFFFF600  }
0xda: {  	_ =	swait.ge [sflag:s20], $0xA00  }
0xdb: {  	[sflag:s20] =	ssyncset.done $0x0  }
0xdc: {  	[sflag:s20] =	ssyncadd.s32 $0xFFFFF600  }
0xdd: {  	[spmem:s6] =	stream.indirect.scatter.add.f32 [tilespmem:s18], [sflag:$0x3], $0x1, s29, s8, $0xb8;
	[tilespmem:$0xB680] =	vst v63  }
0xde: {  	_ = 	snop  }
0xdf: {  	[spmem:s26] =	stream.indirect.scatter.add.f32 [tilespmem:s19], [sflag:$0x3], $0x1, s29, s8, $0xb8;
	[tilespmem:$0xB680] =	vst v63  }
.Ltmp4:
0xe0: {  	_ = 	snop;
	(pc) =	sbr.rel @p1 .LBB2_4-.Ltmp4, $4  }
0xe1: {  	_ = 	snop  }
0xe2: {  	[spmem:s3] =	stream.indirect.scatter.add.f32 [tilespmem:s24], [sflag:$0x3], $0x1, s31, s8, $0xb8;
	[tilespmem:$0xB680] =	vst v63  }
0xe3: {  	_ = 	snop  }
0xe4: {  	[spmem:s7] =	stream.indirect.scatter.add.f32 [tilespmem:s25], [sflag:$0x3], $0x1, s31, s8, $0xb8;
	[tilespmem:$0xB680] =	vst v63  }
0xe5: {  	_ =	swait.ge [sflag:s2], $0xA00  }
0xe6: {  	[sflag:s2] =	ssyncset.done $0x0  }
0xe7: {  	[sflag:s2] =	ssyncadd.s32 $0xFFFFF600  }
0xe8: {  	_ =	swait.ge [sflag:s2], $0xA00  }
0xe9: {  	[sflag:s2] =	ssyncset.done $0x0  }
0xea: {  	[sflag:s2] =	ssyncadd.s32 $0xFFFFF600  }
0xeb: {  	_ =	swait.ge [sflag:s2], $0xA00  }
0xec: {  	[sflag:s2] =	ssyncset.done $0x0  }
0xed: {  	[sflag:s2] =	ssyncadd.s32 $0xFFFFF600  }
0xee: {  	_ =	swait.ge [sflag:s2], $0xA00  }
0xef: {  	[sflag:s2] =	ssyncset.done $0x0  }
0xf0: {  	s28 =	simm.s32 $0x5A00;
	[sflag:s2] =	ssyncadd.s32 $0xFFFFF600  }
0xf1: {  	[tilespmem:s28], [sflag:$0x2] =	stream.indirect.gather [spmem:s0], $0x1, s8, s8, $0xb8;
	[tilespmem:$0xB680] =	vst v63  }
0xf2: {  	s26 =	simm.s32 $0x6E00  }
0xf3: {  	[tilespmem:s26], [sflag:$0x2] =	stream.indirect.gather [spmem:s1], $0x1, s8, s8, $0xb8;
	[tilespmem:$0xB680] =	vst v63  }
0xf4: {  	s16 =	simm.s32 $0x3200;
	s9 =	simm.s32 $0x8200;
	s4 =	rddreg [dreg:$0x5]  }
0xf5: {  	[tilespmem:s9], [sflag:$0x2] =	stream.indirect.gather [spmem:s4], $0x1, s16, s8, $0xb8;
	[tilespmem:$0xB680] =	vst v63  }
0xf6: {  	s4 =	simm.s32 $0x9600  }
0xf7: {  	[tilespmem:s4], [sflag:$0x2] =	stream.indirect.gather [spmem:s5], $0x1, s16, s8, $0xb8;
	[tilespmem:$0xB680] =	vst v63  }
0xf8: {  	_ =	swait.ge [sflag:s15], $0xA00  }
0xf9: {  	[sflag:s15] =	ssyncset.done $0x0  }
0xfa: {  	[sflag:s15] =	ssyncadd.s32 $0xFFFFF600  }
0xfb: {  	_ =	swait.ge [sflag:s15], $0xA00  }
0xfc: {  	[sflag:s15] =	ssyncset.done $0x0  }
0xfd: {  	[sflag:s15] =	ssyncadd.s32 $0xFFFFF600  }
0xfe: {  	_ =	swait.ge [sflag:s15], $0xA00  }
0xff: {  	s21 =	rddreg [dreg:$0x1e]  }
0x100: {  	[sflag:s15] =	ssyncset.done $0x0;
	s16 =	sadd.s32 s21, s23  }
0x101: {  	[sflag:s15] =	ssyncadd.s32 $0xFFFFF600;
	p1 =	sgt.u32 s16, $0x7C  }
0x102: {  	_ =	swait.ge [sflag:s15], $0xA00;
	s16 =	smul.u32 @!p1 $0x140, s16  }
0x103: {  	[sflag:s15] =	ssyncset.done $0x0  }
0x104: {  	s22 =	simm.s32 @!p1 $0x0;
	[sflag:s15] =	ssyncadd.s32 $0xFFFFF600;
	s21 =	sadd.s32 @!p1 s11, s16  }
0x105: {  	[tilespmem:s22], [sflag:$0x1] =	stream.linear.gather @!p1 [hbm4b:s21+s22], $0xA00, $0x38;
	[tilespmem:$0xB680] =	vst v63  }
0x106: {  	s23 =	simm.s32 @!p1 $0x1400;
	s21 =	sadd.s32 @!p1 s12, s16  }
0x107: {  	[tilespmem:s23], [sflag:$0x1] =	stream.linear.gather @!p1 [hbm4b:s21+s22], $0xA00, $0x38;
	[tilespmem:$0xB680] =	vst v63  }
0x108: {  	s21 =	sadd.s32 @!p1 s13, s16;
	s23 =	simm.s32 @!p1 $0x2800  }
0x109: {  	[tilespmem:s23], [sflag:$0x1] =	stream.linear.gather @!p1 [hbm4b:s21+s22], $0xA00, $0x38;
	[tilespmem:$0xB680] =	vst v63  }
0x10a: {  	s16 =	sadd.s32 @!p1 s14, s16;
	s21 =	simm.s32 @!p1 $0x3C00  }
0x10b: {  	[tilespmem:s21], [sflag:$0x1] =	stream.linear.gather @!p1 [hbm4b:s16+s22], $0xA00, $0x38;
	[tilespmem:$0xB680] =	vst v63  }
0x10c: {  	_ =	swait.ge [sflag:s20], $0xA00  }
0x10d: {  	[sflag:s20] =	ssyncset.done $0x0  }
0x10e: {  	[sflag:s20] =	ssyncadd.s32 $0xFFFFF600  }
0x10f: {  	_ =	swait.ge [sflag:s20], $0xA00  }
0x110: {  	[sflag:s20] =	ssyncset.done $0x0  }
0x111: {  	[sflag:s20] =	ssyncadd.s32 $0xFFFFF600  }
0x112: {  	_ =	swait.ge [sflag:s20], $0xA00  }
0x113: {  	[sflag:s20] =	ssyncset.done $0x0  }
0x114: {  	[sflag:s20] =	ssyncadd.s32 $0xFFFFF600  }
0x115: {  	_ =	swait.ge [sflag:s20], $0xA00  }
0x116: {  	[sflag:s20] =	ssyncset.done $0x0  }
0x117: {  	s22 =	simm.s32 $0x1E00;
	[sflag:s20] =	ssyncadd.s32 $0xFFFFF600  }
0x118: {  	[spmem:s6] =	stream.indirect.scatter.add.f32 [tilespmem:s28], [sflag:$0x3], $0x1, s22, s8, $0xb8;
	[tilespmem:$0xB680] =	vst v63  }
0x119: {  	s23 =	rddreg [dreg:$0x8]  }
0x11a: {  	[spmem:s23] =	stream.indirect.scatter.add.f32 [tilespmem:s26], [sflag:$0x3], $0x1, s22, s8, $0xb8;
	[tilespmem:$0xB680] =	vst v63  }
.Ltmp5:
0x11b: {  	_ = 	snop;
	(pc) =	sbr.rel .LBB2_4-.Ltmp5, $4  }
0x11c: {  	s28 =	simm.s32 $0x4600  }
0x11d: {  	[spmem:s3] =	stream.indirect.scatter.add.f32 [tilespmem:s9], [sflag:$0x3], $0x1, s28, s8, $0xb8;
	[tilespmem:$0xB680] =	vst v63  }
0x11e: {  	s26 =	rddreg [dreg:$0x8]  }
0x11f: {  	[spmem:s7] =	stream.indirect.scatter.add.f32 [tilespmem:s4], [sflag:$0x3], $0x1, s28, s8, $0xb8;
	[tilespmem:$0xB680] =	vst v63  }
.LBB2_6:
0x120: {  	_ =	sfence.sel $0x180000  }
0x121: {  	[bflag:$0x0] =	sbarrier.arrive $0xFFFF  }
0x122: {  	_ =	strace $0x9000004D  }
0x123: {  	s0 =	stileid.u32;
	[bflag:$0x2] =	sbarrier.arrive $0xFFFF  }
0x124: {  	p0 =	sne.s32 s0, $0x0;
	s0 =	rddreg [dreg:$0xb]  }
0x125: {  	s0 =	sadd.s32 @!p0 $0x100000, s0  }
0x126: {  	[sflag:s0] =	ssyncadd.tile.s32 @!p0 $0x1;
	_ =	shalt  }
.Lfunc_end2:
_tile_overlayer_lowered:
.L_overlay_start_2:
0x127: {  	(tag) =	ssettag $0x2  }
0x128: {  	s0 =	rddreg [dreg:$0x0];
	s2 =	stileid.u32  }
0x129: {  	s1 =	rddreg [dreg:$0x1];
	p0 =	sne.s32 s2, $0x0  }
0x12a: {  	s3 =	rddreg [dreg:$0x2];
	[bflag:$0x3] =	sbarrier.arrive $0xFFFF;
	s2 =	simm.s32 @!p0 $0x1C04  }
0x12b: {  	[timem:s3], [sflag:s2] =	dma.local @!p0 [hbm:s0], s1  }
0x12c: {  	s0 =	simm.s32 @!p0 $0x4  }
0x12d: {  	_ =	swait.ge @!p0 [sflag:s0], s1  }
0x12e: {  	s1 =	ssub.s32 @!p0 $0x0, s1;
	[sflag:s0] =	ssyncset.done @!p0 $0x0  }
0x12f: {  	[sflag:s0] =	ssyncadd.s32 @!p0 s1  }
0x130: {  	[bflag:$0x3] =	sbarrier.arrive $0xFFFF  }
0x131: {  	_ =	shalt  }

// kernel: kernel.18.cloned.1.call-start
scs
__scs_entry_jumppad:
0x0: {  	(pc) =	sbr.rel $0x88, $3  }
0x1: {  	(tag) =	ssettag $0x0;
	lr =	simm.s32 $0x1  }
0x2: {  	[smem:$0x3F96] =	sst lr;
	_ =	strace $0xD0000000  }
0x3: {  	_ = 	snop  }
0x4: {  	_ = 	snop  }
0x5: {  	_ = 	snop  }
0x6: {  	_ = 	snop  }
0x7: {  	_ = 	snop  }
__scs_overlays_trampoline_lowered:
0x8: {  	[smem:$0x3FA5] =	sst s0  }
0x9: {  	[smem:$0x3FA6] =	sst s1  }
0xa: {  	[smem:$0x3FA7] =	sst s2  }
0xb: {  	[smem:$0x3FA8] =	sst s3  }
0xc: {  	[smem:$0x3FA9] =	sst s4  }
0xd: {  	[smem:$0x3FAA] =	sst s5  }
0xe: {  	[smem:$0x3FAB] =	sst s6  }
0xf: {  	[smem:$0x3FAC] =	sst s7  }
0x10: {  	[smem:$0x3FAD] =	sst s8  }
0x11: {  	[smem:$0x3FAE] =	sst s9;
	s0 =	simm.s32 @!p0 $0x0  }
0x12: {  	s1 =	sld [smem:$0x3F94];
	s0 =	simm.s32 @p0 $0x1  }
0x13: {  	[smem:$0x3FAF] =	sst s0;
	s0 =	simm.s32 @!p1 $0x0  }
0x14: {  	s2 =	sld [smem:$0x3F93];
	s0 =	simm.s32 @p1 $0x1  }
0x15: {  	[smem:$0x3FB0] =	sst s0;
	s0 =	simm.s32 @!p2 $0x0  }
0x16: {  	s3 =	sld [smem:$0x3FDB];
	s0 =	simm.s32 @p2 $0x1  }
0x17: {  	s4 =	simm.s32 $0x1BF5;
	[smem:$0x3FB2] =	sst s0  }
0x18: {  	s0 =	sld [smem:$0x3F95];
	_ =	swait.ge [sflag:s4], $0x0  }
0x19: {  	s7 =	sld [smem:$0x3F96]  }
0x1a: {  	s8 =	sadd.s32 $0xFFFFE003, lr  }
0x1b: {  	s9 =	sadd.s32 $0xFFFFFEF7, lr;
	s5 =	simm.s32 $0xFFFFFFFF;
	p2 =	slt.u32 s8, $0xFFFFF086  }
0x1c: {  	p1 =	slt.u32 s9, $0xF7A;
	s5 =	simm.s32 @!p2 $0x0  }
0x1d: {  	s5 =	simm.s32 @p1 $0x1;
	p0 =	seq.s32 s7, s2  }
0x1e: {  	s7 =	smul.u32 @!p0 $0xF7A, s2;
	p2 =	seq.s32 @!p0 s5, $0x0  }
0x1f: {  	s9 =	smul.u32 $0xF7A, s1;
	s8 =	simm.s32 @!p0 $0x1BF5;
	p2 =	por !p2, p0  }
0x20: {  	[sflag:s8] =	ssyncset.s32 @!p0 $0xFFFFF086;
	s6 =	sadd.s32 @!p0 s3, s7;
	s7 =	simm.s32 @!p0 $0x108  }
0x21: {  	s3 =	sadd.s32 s3, s9;
	s6 =	sadd.s32 @!p0 $0x88, s6;
	s7 =	simm.s32 @p2 $0x1082  }
0x22: {  	[simem:s7], [sflag:s8] =	dma.local @!p0 [hbm:s6], $0xF7A  }
0x23: {  	s9 =	sor.u32 $0xD0000000, s2;
	s6 =	simm.s32 $0x108;
	_ =	swait.ge @!p0 [sflag:s8], $0x0  }
0x24: {  	s3 =	sadd.s32 $0x88, s3;
	s6 =	simm.s32 @!p1 $0x1082;
	[sflag:s4] =	ssyncset.s32 $0xFFFFF086  }
0x25: {  	[simem:s6], [sflag:s4] =	dma.local [hbm:s3], $0xF7A  }
0x26: {  	[smem:$0x3F96] =	sst s1;
	(tag) =	ssettag s2;
	_ =	strace s9  }
0x27: {  	s1 =	sld [smem:$0x3FA6]  }
0x28: {  	s2 =	sld [smem:$0x3FA7]  }
0x29: {  	s4 =	sld [smem:$0x3FA9]  }
0x2a: {  	p0 =	seq.s32 s5, $0x0;
	s5 =	sld [smem:$0x3FAA]  }
0x2b: {  	s6 =	sld [smem:$0x3FAB]  }
0x2c: {  	s7 =	sld [smem:$0x3FAC]  }
0x2d: {  	s3 =	simm.s32 $0x108;
	s8 =	sld [smem:$0x3FAD]  }
0x2e: {  	s3 =	simm.s32 @!p0 $0x1082;
	s9 =	sld [smem:$0x3FAE]  }
0x2f: {  	lr =	sadd.s32 s0, s3;
	s0 =	sld [smem:$0x3FA5]  }
0x30: {  	s3 =	sld [smem:$0x3FA8]  }
0x31: {  	[smem:$0x3FB1] =	sst s10  }
0x32: {  	s10 =	sld [smem:$0x3FAF];
	_ =	sdelay $0x3  }
0x33: {  	p0 =	seq.s32 s10, $0x1;
	s10 =	sld [smem:$0x3FB1];
	_ =	sdelay $0x3  }
0x34: {  	[smem:$0x3FB1] =	sst s10  }
0x35: {  	s10 =	sld [smem:$0x3FB0];
	_ =	sdelay $0x3  }
0x36: {  	p1 =	seq.s32 s10, $0x1;
	s10 =	sld [smem:$0x3FB1];
	_ =	sdelay $0x3  }
0x37: {  	[smem:$0x3FB1] =	sst s10  }
0x38: {  	s10 =	sld [smem:$0x3FB2]  }
0x39: {  	_ = 	snop;
	(pc) =	sbr.ind lr, $3  }
0x3a: {  	_ = 	snop  }
0x3b: {  	_ = 	snop  }
0x3c: {  	p2 =	seq.s32 s10, $0x1;
	s10 =	sld [smem:$0x3FB1]  }
0x3d: {  	_ =	shalt  }
0x3e: {  	_ =	shalt  }
0x3f: {  	_ =	shalt  }
0x40: {  	_ =	shalt  }
0x41: {  	_ =	shalt  }
0x42: {  	_ =	shalt  }
0x43: {  	_ =	shalt  }
0x44: {  	_ =	shalt  }
0x45: {  	_ =	shalt  }
0x46: {  	_ =	shalt  }
0x47: {  	_ =	shalt  }
0x48: {  	_ =	shalt  }
0x49: {  	_ =	shalt  }
0x4a: {  	_ =	shalt  }
0x4b: {  	_ =	shalt  }
0x4c: {  	_ =	shalt  }
0x4d: {  	_ =	shalt  }
0x4e: {  	_ =	shalt  }
0x4f: {  	_ =	shalt  }
0x50: {  	_ =	shalt  }
0x51: {  	_ =	shalt  }
0x52: {  	_ =	shalt  }
0x53: {  	_ =	shalt  }
0x54: {  	_ =	shalt  }
0x55: {  	_ =	shalt  }
0x56: {  	_ =	shalt  }
0x57: {  	_ =	shalt  }
0x58: {  	_ =	shalt  }
0x59: {  	_ =	shalt  }
0x5a: {  	_ =	shalt  }
0x5b: {  	_ =	shalt  }
0x5c: {  	_ =	shalt  }
0x5d: {  	_ =	shalt  }
0x5e: {  	_ =	shalt  }
0x5f: {  	_ =	shalt  }
0x60: {  	_ =	shalt  }
0x61: {  	_ =	shalt  }
0x62: {  	_ =	shalt  }
0x63: {  	_ =	shalt  }
0x64: {  	_ =	shalt  }
0x65: {  	_ =	shalt  }
0x66: {  	_ =	shalt  }
0x67: {  	_ =	shalt  }
0x68: {  	_ =	shalt  }
0x69: {  	_ =	shalt  }
0x6a: {  	_ =	shalt  }
0x6b: {  	_ =	shalt  }
0x6c: {  	_ =	shalt  }
0x6d: {  	_ =	shalt  }
0x6e: {  	_ =	shalt  }
0x6f: {  	_ =	shalt  }
0x70: {  	_ =	shalt  }
0x71: {  	_ =	shalt  }
0x72: {  	_ =	shalt  }
0x73: {  	_ =	shalt  }
0x74: {  	_ =	shalt  }
0x75: {  	_ =	shalt  }
0x76: {  	_ =	shalt  }
0x77: {  	_ =	shalt  }
0x78: {  	_ =	shalt  }
0x79: {  	_ =	shalt  }
0x7a: {  	_ =	shalt  }
0x7b: {  	_ =	shalt  }
0x7c: {  	_ =	shalt  }
0x7d: {  	_ =	shalt  }
0x7e: {  	_ =	shalt  }
0x7f: {  	_ =	shalt  }
0x80: {  	_ =	shalt  }
0x81: {  	_ =	shalt  }
0x82: {  	_ =	shalt  }
0x83: {  	_ =	shalt  }
0x84: {  	_ =	shalt  }
0x85: {  	_ =	shalt  }
0x86: {  	_ =	shalt  }
0x87: {  	_ =	shalt  }
.Lfunc_end0:
.L_simem_size_0:
called_computation.3_lowered:
.L_overlay_start_0:
0x88: {  	s2 =	sld [smem:$0x3FD9]  }
0x89: {  	s3 =	sld [smem:$0x3FFE];
	_ =	sdelay $0x1  }
0x8a: {  	s1 =	srdreg.scid  }
0x8b: {  	s0 =	sand.u32 $0x1, s1  }
0x8c: {  	s14 =	sshll.u32 s0, $0xA;
	s2 =	sadd.s32 s3, s2  }
0x8d: {  	s2 =	sadd.s32 s2, s14  }
0x8e: {  	[smem:$0x3FBD] =	sst s2  }
0x8f: {  	_ = 	snop  }
0x90: {  	s2 =	sld [smem:$0x3FD0];
	_ =	sdelay $0x2  }
0x91: {  	s15 =	simm.s32 $0xA;
	s4 =	simm.s32 $0x10  }
0x92: {  	[smem:s4], [sflag:s15] =	dma.local [hbm:s2], $0x1  }
0x93: {  	_ =	swait.eq [sflag:s15], $0x1  }
0x94: {  	[sflag:s15] =	ssyncset.done $0x0  }
0x95: {  	s16 =	sld [smem:$0x10];
	[sflag:s15] =	ssyncadd.s32 $0xFFFFFFFF  }
0x96: {  	s17 =	sld [smem:$0x11];
	(tm) =	ssettm $0x1  }
0x97: {  	s18 =	sld [smem:$0x3FFB];
	_ =	sdelay $0x3  }
0x98: {  	_ =	strace s18  }
0x99: {  	s4 =	sld [smem:$0x3FFC];
	_ =	sdelay $0x3  }
0x9a: {  	_ =	strace s4  }
0x9b: {  	s4 =	sld [smem:$0x3FFD];
	_ =	sdelay $0x3  }
0x9c: {  	_ =	strace s4  }
0x9d: {  	_ =	strace $0x8FFFFFFF  }
0x9e: {  	s19 =	sld [smem:$0x3FDB];
	_ =	sdelay $0x1  }
0x9f: {  	s5 =	simm.s32 $_scs_section_size  }
0xa0: {  	s6 =	simm.s32 $_size__tile_overlayer_lowered;
	s7 =	simm.s32 $_tile_overlayer_lowered  }
0xa1: {  	s22 =	simm.s32 $0x1BFF;
	s21 =	sshll.u32 s7, $0x1;
	s4 =	sadd.s32 s5, s19  }
0xa2: {  	s8 =	simm.s32 $0x0;
	s20 =	sshll.u32 s6, $0x1;
	s6 =	sadd.s32 s21, s4  }
0xa3: {  	[timem:s8], [sflag:s22] =	dma.local [hbm:s6], s20  }
0xa4: {  	_ =	swait.ge [sflag:s22], s20  }
0xa5: {  	s5 =	ssub.s32 $0x0, s20;
	[sflag:s22] =	ssyncset.done $0x0  }
0xa6: {  	[sflag:s22] =	ssyncadd.s32 s5;
	_ =	sdelay $0x1  }
0xa7: {  	s23 =	simm.s32 $0x1B8B  }
0xa8: {  	_ =	swait.ge [sflag:s23], $0x1  }
0xa9: {  	[sflag:s23] =	ssyncset.done $0x0  }
0xaa: {  	s25 =	simm.s32 $0x1B8E;
	s24 =	sld [smem:$0x3FFE];
	[sflag:s23] =	ssyncadd.s32 $0xFFFFFFFF  }
0xab: {  	s26 =	simm.s32 $execute0_lowered;
	[smem:$0x3FD2] =	sst s25  }
0xac: {  	s6 =	sshll.u32 s26, $0x1;
	_ =	strace $0x8000004F;
	[dreg:$0x1] =	wrdreg $0xFFFFFFFF  }
0xad: {  	s28 =	simm.s32 $_size_execute0_lowered;
	s4 =	sadd.s32 s4, s6;
	[dreg:$0x0] =	wrdreg $0x0  }
0xae: {  	s6 =	sshll.u32 s28, $0x1;
	[dreg:$0x2] =	wrdreg s4  }
0xaf: {  	[dreg:$0x3] =	wrdreg s6  }
0xb0: {  	[dreg:$0x4] =	wrdreg $0xC0  }
0xb1: {  	_ =	task [dreg:s8], $0x5FFFF  }
0xb2: {  	[dreg:$0x1] =	wrdreg $0xFFFFFFFF  }
0xb3: {  	[dreg:$0x0] =	wrdreg $0x60  }
0xb4: {  	[dreg:$0x2] =	wrdreg s17  }
0xb5: {  	[dreg:$0x3] =	wrdreg s16  }
0xb6: {  	[dreg:$0x4] =	wrdreg s24  }
0xb7: {  	[dreg:$0x5] =	wrdreg $0x9  }
0xb8: {  	_ =	task.clear_ibuf [dreg:s8], $0x6FFFF;
	_ =	strace $0x9000004F  }
0xb9: {  	s29 =	simm.s32 $0x9;
	_ =	strace $0x80000051  }
0xba: {  	_ =	swait.ge [sflag:s29], $0x1  }
0xbb: {  	[sflag:s29] =	ssyncadd.s32 $0xFFFFFFFF  }
0xbc: {  	_ =	strace $0x90000051  }
0xbd: {  	_ =	sfence  }
0xbe: {  	s30 =	sld [smem:$0x0];
	_ =	sdelay $0x2  }
0xbf: {  	s31 =	sshll.u32 s1, $0xD;
	s1 =	sshrl.u32 s1, $0x2  }
0xc0: {  	s3 =	sand.u32 $0x4000, s31;
	s1 =	sadd.s32 s1, s30  }
0xc1: {  	s0 =	sor.u32 s3, s0;
	s1 =	sshll.u32 s1, $0x11  }
0xc2: {  	s0 =	sor.u32 s1, s0  }
0xc3: {  	s0 =	sadd.s32 $0x8F2B, s0  }
0xc4: {  	[sflag:s0] =	ssyncadd.remote.s32 $0x1  }
0xc5: {  	_ =	sfence.sel $0xFFFF  }
0xc6: {  	[dreg:$0x0] =	wrdreg $0xFFFFFFFF;
	(pc) =	sbr.abs _section_cstart, $3  }
0xc7: {  	[dreg:$0x1] =	wrdreg $0xFFFFFFFF  }
0xc8: {  	_ =	task.clear_ibuf [dreg:s8], $0x2FFFF;
	_ =	strace $0x9FFFFFFF  }
0xc9: {  	(tm) =	ssettm $0x7FFFFFFF  }
tec
execute0_lowered:
.L_overlay_start_1:
0x0: {  	(tag) =	ssettag $0x1  }
0x1: {  	s1 =	srdreg.scid  }
0x2: {  	s1 =	sand.u32 $0x1, s1  }
0x3: {  	p0 =	seq.s32 s1, $0x1  }
.Ltmp0:
0x4: {  	s5 =	rddreg [dreg:$0x0];
	(pc) =	sbr.rel @p0 .LBB2_4-.Ltmp0, $4  }
0x5: {  	s2 =	rddreg [dreg:$0x1]  }
0x6: {  	s3 =	rddreg [dreg:$0x2];
	s6 =	simm.s32 $0x0  }
0x7: {  	[smem:$0x7FF] =	sst s6  }
0x8: {  	s0 =	rddreg [dreg:$0x3];
	_ =	strace $0x80000050;
	s1 =	stileid.u32  }
0x9: {  	s7 =	sadd.s32 $0x32400, s3;
	s4 =	sshll.u32 s1, $0x6  }
0xa: {  	s8 =	sadd.s32 $0x32000, s3;
	s7 =	sadd.s32 s7, s4  }
0xb: {  	[tilespmem:s6], [sflag:$0x1] =	stream.linear.gather [hbm4b:s7+s6], $0x200, $0x38;
	[tilespmem:$0x1000] =	vst v63  }
0xc: {  	s21 =	simm.s32 $0x400;
	s22 =	simm.s32 $0x1;
	s20 =	sadd.s32 s8, s4  }
0xd: {  	[tilespmem:s21], [sflag:$0x1] =	stream.linear.gather [hbm4b:s20+s6], $0x200, $0x38;
	[tilespmem:$0x1000] =	vst v63  }
0xe: {  	_ =	swait.ge [sflag:s22], $0x200  }
0xf: {  	[sflag:s22] =	ssyncset.done $0x0  }
0x10: {  	[sflag:s22] =	ssyncadd.s32 $0xFFFFFE00  }
0x11: {  	_ =	swait.ge [sflag:s22], $0x200  }
0x12: {  	[sflag:s22] =	ssyncset.done $0x0  }
0x13: {  	s23 =	simm.s32 $0x200;
	s9 =	simm.s32 $0x800;
	[sflag:s22] =	ssyncadd.s32 $0xFFFFFE00  }
0x14: {  	[tilespmem:s9], [sflag:$0x2] =	stream.indirect.gather [hbm4b:s5+s23], $0x1, s6, s23, $0xb8;
	[tilespmem:$0x1000] =	vst v63  }
0x15: {  	s24 =	simm.s32 $0xA00  }
0x16: {  	[tilespmem:s24], [sflag:$0x2] =	stream.indirect.gather [hbm4b:s2+s23], $0x1, s6, s23, $0xb8;
	[tilespmem:$0x1000] =	vst v63  }
0x17: {  	s25 =	sadd.s32 $0x7400, s3;
	s26 =	simm.s32 $0xC00  }
0x18: {  	[tilespmem:s26], [sflag:$0x2] =	stream.indirect.gather [hbm4b:s25+s23], $0x1, s21, s23, $0xb8;
	[tilespmem:$0x1000] =	vst v63  }
0x19: {  	s28 =	sadd.s32 $0x7A00, s3;
	s29 =	simm.s32 $0xE00;
	s30 =	simm.s32 $0x2  }
0x1a: {  	[tilespmem:s29], [sflag:$0x2] =	stream.indirect.gather [hbm4b:s28+s23], $0x1, s21, s23, $0xb8;
	[tilespmem:$0x1000] =	vst v63  }
0x1b: {  	_ =	swait.ge [sflag:s30], $0x200  }
0x1c: {  	[sflag:s30] =	ssyncset.done $0x0  }
0x1d: {  	[sflag:s30] =	ssyncadd.s32 $0xFFFFFE00  }
0x1e: {  	_ =	swait.ge [sflag:s30], $0x200  }
0x1f: {  	[sflag:s30] =	ssyncset.done $0x0  }
0x20: {  	[sflag:s30] =	ssyncadd.s32 $0xFFFFFE00  }
0x21: {  	_ =	swait.ge [sflag:s30], $0x200  }
0x22: {  	[sflag:s30] =	ssyncset.done $0x0  }
0x23: {  	[sflag:s30] =	ssyncadd.s32 $0xFFFFFE00  }
0x24: {  	_ =	swait.ge [sflag:s30], $0x200  }
0x25: {  	[sflag:s30] =	ssyncset.done $0x0  }
0x26: {  	s2 =	simm.s32 $0x0;
	[sflag:s30] =	ssyncadd.s32 $0xFFFFFE00  }
0x27: {  	v4 =	vld [tilespmem:s2+$0xA00]  }
0x28: {  	v3 =	vld [tilespmem:s2+$0x800];
	_ =	sdelay $0x1  }
0x29: {  	v0 =	vld [tilespmem:s2+$0xC00]  }
0x2a: {  	v1 =	vld [tilespmem:s2+$0xE00];
	_ =	sdelay $0x1  }
0x2b: {  	v2 =	vmul.f32 v3, v3;
	v5 =	vmul.f32 v4, v4;
	_ =	sdelay $0x1  }
0x2c: {  	v2 =	vadd.f32 v5, v2  }
0x2d: {  	v6 =	vmul.f32 v1, v1;
	v5 =	vmul.f32 v0, v0  }
0x2e: {  	v2 =	vmax.f32 v2, $1.000000020e-24  }
0x2f: {  	v5 =	vadd.f32 v6, v5;
	v7 =	vshrl.u32 v2, $0x1;
	v2 =	vmul.f32 $5.000000000e-01, v2  }
0x30: {  	v6 =	vsub.s32 $0x5F3759DF, v7  }
0x31: {  	v5 =	vmax.f32 v5, $1.000000020e-24;
	v7 =	vmul.f32 v6, v2  }
0x32: {  	v8 =	vshrl.u32 v5, $0x1;
	v5 =	vmul.f32 $5.000000000e-01, v5  }
0x33: {  	v8 =	vsub.s32 $0x5F3759DF, v8;
	v7 =	vmul.f32 v6, v7  }
0x34: {  	v9 =	vmul.f32 v8, v5  }
0x35: {  	v7 =	vsub.f32 $1.500000000e+00, v7  }
0x36: {  	v9 =	vmul.f32 v8, v9  }
0x37: {  	v6 =	vmul.f32 v6, v7  }
0x38: {  	v7 =	vsub.f32 $1.500000000e+00, v9  }
0x39: {  	v59 =	vmul.f32 v6, v2  }
0x3a: {  	v7 =	vmul.f32 v8, v7  }
0x3b: {  	v60 =	vmul.f32 v59, v6  }
0x3c: {  	v61 =	vmul.f32 v7, v5  }
0x3d: {  	v8 =	vsub.f32 $1.500000000e+00, v60  }
0x3e: {  	v9 =	vmul.f32 v61, v7  }
0x3f: {  	v6 =	vmul.f32 v8, v6  }
0x40: {  	v62 =	vsub.f32 $1.500000000e+00, v9  }
0x41: {  	v63 =	vmul.f32 v6, v2  }
0x42: {  	v2 =	vmul.f32 v62, v7  }
0x43: {  	v7 =	vmul.f32 v63, v6  }
0x44: {  	v5 =	vmul.f32 v2, v5  }
0x45: {  	v7 =	vsub.f32 $1.500000000e+00, v7  }
0x46: {  	v5 =	vmul.f32 v5, v2  }
0x47: {  	s31 =	sadd.s32 s4, s3;
	v6 =	vmul.f32 v7, v6  }
0x48: {  	s4 =	sadd.s32 $0x8C00, s31;
	s3 =	sadd.s32 $0x8000, s31;
	v5 =	vsub.f32 $1.500000000e+00, v5  }
0x49: {  	s7 =	simm.s32 $0x40;
	s5 =	sadd.s32 $0x8800, s31;
	s6 =	sadd.s32 $0x8400, s31;
	v3 =	vmul.f32 v6, v3;
	v4 =	vmul.f32 v6, v4  }
.LBB2_2:
0x4a: {  	p0 =	sne.s32 s7, $0x7C0;
	v2 =	vmul.f32 v5, v2;
	s8 =	smov.u32 s7;
	s7 =	sadd.s32 $0x40, s7  }
0x4b: {  	s8 =	sshra.s32 s8, $0x2;
	[tilespmem:s2+$0xA00] =	vst v4  }
0x4c: {  	v4 =	vld [tilespmem:s8+$0xA00];
	[tilespmem:s2+$0x800] =	vst v3;
	v0 =	vmul.f32 v2, v0;
	v1 =	vmul.f32 v2, v1  }
0x4d: {  	v3 =	vld [tilespmem:s8+$0x800]  }
0x4e: {  	[tilespmem:s2+$0xC00] =	vst v0  }
0x4f: {  	v0 =	vld [tilespmem:s8+$0xC00];
	[tilespmem:s2+$0xE00] =	vst v1;
	s2 =	smov.u32 s8  }
0x50: {  	v1 =	vld [tilespmem:s2+$0xE00];
	_ =	sdelay $0x1  }
0x51: {  	v5 =	vmul.f32 v4, v4;
	v2 =	vmul.f32 v3, v3;
	_ =	sdelay $0x1  }
0x52: {  	v2 =	vadd.f32 v5, v2  }
0x53: {  	v5 =	vmul.f32 v0, v0;
	v6 =	vmul.f32 v1, v1  }
0x54: {  	v2 =	vmax.f32 v2, $1.000000020e-24  }
0x55: {  	v7 =	vshrl.u32 v2, $0x1;
	v2 =	vmul.f32 $5.000000000e-01, v2;
	v5 =	vadd.f32 v6, v5  }
0x56: {  	v6 =	vsub.s32 $0x5F3759DF, v7  }
0x57: {  	v7 =	vmul.f32 v6, v2;
	v5 =	vmax.f32 v5, $1.000000020e-24  }
0x58: {  	v8 =	vshrl.u32 v5, $0x1;
	v5 =	vmul.f32 $5.000000000e-01, v5  }
0x59: {  	v7 =	vmul.f32 v6, v7;
	v8 =	vsub.s32 $0x5F3759DF, v8  }
0x5a: {  	v9 =	vmul.f32 v8, v5  }
0x5b: {  	v7 =	vsub.f32 $1.500000000e+00, v7  }
0x5c: {  	v9 =	vmul.f32 v8, v9  }
0x5d: {  	v6 =	vmul.f32 v6, v7  }
0x5e: {  	v7 =	vsub.f32 $1.500000000e+00, v9  }
0x5f: {  	v9 =	vmul.f32 v6, v2  }
0x60: {  	v7 =	vmul.f32 v8, v7  }
0x61: {  	v8 =	vmul.f32 v9, v6  }
0x62: {  	v9 =	vmul.f32 v7, v5  }
0x63: {  	v8 =	vsub.f32 $1.500000000e+00, v8  }
0x64: {  	v9 =	vmul.f32 v9, v7  }
0x65: {  	v6 =	vmul.f32 v8, v6  }
0x66: {  	v8 =	vsub.f32 $1.500000000e+00, v9  }
0x67: {  	v9 =	vmul.f32 v6, v2  }
0x68: {  	v2 =	vmul.f32 v8, v7  }
0x69: {  	v7 =	vmul.f32 v9, v6  }
0x6a: {  	v5 =	vmul.f32 v2, v5  }
.Ltmp1:
0x6b: {  	v7 =	vsub.f32 $1.500000000e+00, v7;
	(pc) =	sbr.rel @p0 .LBB2_2-.Ltmp1, $4  }
0x6c: {  	v5 =	vmul.f32 v5, v2  }
0x6d: {  	v6 =	vmul.f32 v7, v6  }
0x6e: {  	v5 =	vsub.f32 $1.500000000e+00, v5  }
0x6f: {  	v3 =	vmul.f32 v6, v3;
	v4 =	vmul.f32 v6, v4  }
0x70: {  	v2 =	vmul.f32 v5, v2;
	_ =	sdelay $0x1  }
0x71: {  	[tilespmem:s2+$0xA00] =	vst v4;
	v0 =	vmul.f32 v2, v0  }
0x72: {  	[tilespmem:s2+$0x800] =	vst v3;
	v1 =	vmul.f32 v2, v1  }
0x73: {  	[tilespmem:s2+$0xC00] =	vst v0  }
0x74: {  	s26 =	simm.s32 $0x0;
	s7 =	simm.s32 $0x800;
	[tilespmem:s2+$0xE00] =	vst v1  }
0x75: {  	[hbm4b:s6+s26] =	stream.linear.scatter [tilespmem:s7], [sflag:$0x3], $0x200, $0x38;
	[tilespmem:$0x1000] =	vst v63  }
0x76: {  	s28 =	simm.s32 $0xA00  }
0x77: {  	[hbm4b:s5+s26] =	stream.linear.scatter [tilespmem:s28], [sflag:$0x3], $0x200, $0x38;
	[tilespmem:$0x1000] =	vst v63  }
0x78: {  	s29 =	simm.s32 $0xC00  }
0x79: {  	[hbm4b:s4+s26] =	stream.linear.scatter [tilespmem:s29], [sflag:$0x3], $0x200, $0x38;
	[tilespmem:$0x1000] =	vst v63  }
0x7a: {  	s30 =	simm.s32 $0xE00;
	s31 =	simm.s32 $0x3  }
0x7b: {  	[hbm4b:s3+s26] =	stream.linear.scatter [tilespmem:s30], [sflag:$0x3], $0x200, $0x38;
	[tilespmem:$0x1000] =	vst v63  }
0x7c: {  	_ =	swait.ge [sflag:s31], $0x200  }
0x7d: {  	[sflag:s31] =	ssyncset.done $0x0  }
0x7e: {  	[sflag:s31] =	ssyncadd.s32 $0xFFFFFE00  }
0x7f: {  	_ =	swait.ge [sflag:s31], $0x200  }
0x80: {  	[sflag:s31] =	ssyncset.done $0x0  }
0x81: {  	[sflag:s31] =	ssyncadd.s32 $0xFFFFFE00  }
0x82: {  	_ =	swait.ge [sflag:s31], $0x200  }
0x83: {  	[sflag:s31] =	ssyncset.done $0x0  }
0x84: {  	[sflag:s31] =	ssyncadd.s32 $0xFFFFFE00  }
0x85: {  	_ =	swait.ge [sflag:s31], $0x200  }
0x86: {  	[sflag:s31] =	ssyncset.done $0x0  }
0x87: {  	[sflag:s31] =	ssyncadd.s32 $0xFFFFFE00  }
.LBB2_4:
0x88: {  	_ =	sfence.sel $0x180000  }
0x89: {  	[bflag:$0x0] =	sbarrier.arrive $0xFFFF  }
0x8a: {  	p0 =	sne.s32 s1, $0x0;
	_ =	strace $0x90000050  }
0x8b: {  	s0 =	sadd.s32 @!p0 $0x100000, s0;
	[bflag:$0x2] =	sbarrier.arrive $0xFFFF  }
0x8c: {  	[sflag:s0] =	ssyncadd.tile.s32 @!p0 $0x1;
	_ =	shalt  }
.Lfunc_end2:
_tile_overlayer_lowered:
.L_overlay_start_2:
0x8d: {  	(tag) =	ssettag $0x2  }
0x8e: {  	s0 =	rddreg [dreg:$0x0];
	s2 =	stileid.u32  }
0x8f: {  	s1 =	rddreg [dreg:$0x1];
	p0 =	sne.s32 s2, $0x0  }
0x90: {  	s3 =	rddreg [dreg:$0x2];
	[bflag:$0x3] =	sbarrier.arrive $0xFFFF;
	s2 =	simm.s32 @!p0 $0x1C04  }
0x91: {  	[timem:s3], [sflag:s2] =	dma.local @!p0 [hbm:s0], s1  }
0x92: {  	s0 =	simm.s32 @!p0 $0x4  }
0x93: {  	_ =	swait.ge @!p0 [sflag:s0], s1  }
0x94: {  	s1 =	ssub.s32 @!p0 $0x0, s1;
	[sflag:s0] =	ssyncset.done @!p0 $0x0  }
0x95: {  	[sflag:s0] =	ssyncadd.s32 @!p0 s1  }
0x96: {  	[bflag:$0x3] =	sbarrier.arrive $0xFFFF  }
0x97: {  	_ =	shalt  }

// kernel: kernel.9.cloned.1.call-start
scs
__scs_entry_jumppad:
0x0: {  	(pc) =	sbr.rel $0x88, $3  }
0x1: {  	(tag) =	ssettag $0x0;
	lr =	simm.s32 $0x1  }
0x2: {  	[smem:$0x3F96] =	sst lr;
	_ =	strace $0xD0000000  }
0x3: {  	_ = 	snop  }
0x4: {  	_ = 	snop  }
0x5: {  	_ = 	snop  }
0x6: {  	_ = 	snop  }
0x7: {  	_ = 	snop  }
__scs_overlays_trampoline_lowered:
0x8: {  	[smem:$0x3FA5] =	sst s0  }
0x9: {  	[smem:$0x3FA6] =	sst s1  }
0xa: {  	[smem:$0x3FA7] =	sst s2  }
0xb: {  	[smem:$0x3FA8] =	sst s3  }
0xc: {  	[smem:$0x3FA9] =	sst s4  }
0xd: {  	[smem:$0x3FAA] =	sst s5  }
0xe: {  	[smem:$0x3FAB] =	sst s6  }
0xf: {  	[smem:$0x3FAC] =	sst s7  }
0x10: {  	[smem:$0x3FAD] =	sst s8  }
0x11: {  	[smem:$0x3FAE] =	sst s9;
	s0 =	simm.s32 @!p0 $0x0  }
0x12: {  	s1 =	sld [smem:$0x3F94];
	s0 =	simm.s32 @p0 $0x1  }
0x13: {  	[smem:$0x3FAF] =	sst s0;
	s0 =	simm.s32 @!p1 $0x0  }
0x14: {  	s2 =	sld [smem:$0x3F93];
	s0 =	simm.s32 @p1 $0x1  }
0x15: {  	[smem:$0x3FB0] =	sst s0;
	s0 =	simm.s32 @!p2 $0x0  }
0x16: {  	s3 =	sld [smem:$0x3FDB];
	s0 =	simm.s32 @p2 $0x1  }
0x17: {  	s4 =	simm.s32 $0x1BF5;
	[smem:$0x3FB2] =	sst s0  }
0x18: {  	s0 =	sld [smem:$0x3F95];
	_ =	swait.ge [sflag:s4], $0x0  }
0x19: {  	s7 =	sld [smem:$0x3F96]  }
0x1a: {  	s8 =	sadd.s32 $0xFFFFE003, lr  }
0x1b: {  	s9 =	sadd.s32 $0xFFFFFEF7, lr;
	s5 =	simm.s32 $0xFFFFFFFF;
	p2 =	slt.u32 s8, $0xFFFFF086  }
0x1c: {  	p1 =	slt.u32 s9, $0xF7A;
	s5 =	simm.s32 @!p2 $0x0  }
0x1d: {  	s5 =	simm.s32 @p1 $0x1;
	p0 =	seq.s32 s7, s2  }
0x1e: {  	s7 =	smul.u32 @!p0 $0xF7A, s2;
	p2 =	seq.s32 @!p0 s5, $0x0  }
0x1f: {  	s9 =	smul.u32 $0xF7A, s1;
	s8 =	simm.s32 @!p0 $0x1BF5;
	p2 =	por !p2, p0  }
0x20: {  	[sflag:s8] =	ssyncset.s32 @!p0 $0xFFFFF086;
	s6 =	sadd.s32 @!p0 s3, s7;
	s7 =	simm.s32 @!p0 $0x108  }
0x21: {  	s3 =	sadd.s32 s3, s9;
	s6 =	sadd.s32 @!p0 $0x88, s6;
	s7 =	simm.s32 @p2 $0x1082  }
0x22: {  	[simem:s7], [sflag:s8] =	dma.local @!p0 [hbm:s6], $0xF7A  }
0x23: {  	s9 =	sor.u32 $0xD0000000, s2;
	s6 =	simm.s32 $0x108;
	_ =	swait.ge @!p0 [sflag:s8], $0x0  }
0x24: {  	s3 =	sadd.s32 $0x88, s3;
	s6 =	simm.s32 @!p1 $0x1082;
	[sflag:s4] =	ssyncset.s32 $0xFFFFF086  }
0x25: {  	[simem:s6], [sflag:s4] =	dma.local [hbm:s3], $0xF7A  }
0x26: {  	[smem:$0x3F96] =	sst s1;
	(tag) =	ssettag s2;
	_ =	strace s9  }
0x27: {  	s1 =	sld [smem:$0x3FA6]  }
0x28: {  	s2 =	sld [smem:$0x3FA7]  }
0x29: {  	s4 =	sld [smem:$0x3FA9]  }
0x2a: {  	p0 =	seq.s32 s5, $0x0;
	s5 =	sld [smem:$0x3FAA]  }
0x2b: {  	s6 =	sld [smem:$0x3FAB]  }
0x2c: {  	s7 =	sld [smem:$0x3FAC]  }
0x2d: {  	s3 =	simm.s32 $0x108;
	s8 =	sld [smem:$0x3FAD]  }
0x2e: {  	s3 =	simm.s32 @!p0 $0x1082;
	s9 =	sld [smem:$0x3FAE]  }
0x2f: {  	lr =	sadd.s32 s0, s3;
	s0 =	sld [smem:$0x3FA5]  }
0x30: {  	s3 =	sld [smem:$0x3FA8]  }
0x31: {  	[smem:$0x3FB1] =	sst s10  }
0x32: {  	s10 =	sld [smem:$0x3FAF];
	_ =	sdelay $0x3  }
0x33: {  	p0 =	seq.s32 s10, $0x1;
	s10 =	sld [smem:$0x3FB1];
	_ =	sdelay $0x3  }
0x34: {  	[smem:$0x3FB1] =	sst s10  }
0x35: {  	s10 =	sld [smem:$0x3FB0];
	_ =	sdelay $0x3  }
0x36: {  	p1 =	seq.s32 s10, $0x1;
	s10 =	sld [smem:$0x3FB1];
	_ =	sdelay $0x3  }
0x37: {  	[smem:$0x3FB1] =	sst s10  }
0x38: {  	s10 =	sld [smem:$0x3FB2]  }
0x39: {  	_ = 	snop;
	(pc) =	sbr.ind lr, $3  }
0x3a: {  	_ = 	snop  }
0x3b: {  	_ = 	snop  }
0x3c: {  	p2 =	seq.s32 s10, $0x1;
	s10 =	sld [smem:$0x3FB1]  }
0x3d: {  	_ =	shalt  }
0x3e: {  	_ =	shalt  }
0x3f: {  	_ =	shalt  }
0x40: {  	_ =	shalt  }
0x41: {  	_ =	shalt  }
0x42: {  	_ =	shalt  }
0x43: {  	_ =	shalt  }
0x44: {  	_ =	shalt  }
0x45: {  	_ =	shalt  }
0x46: {  	_ =	shalt  }
0x47: {  	_ =	shalt  }
0x48: {  	_ =	shalt  }
0x49: {  	_ =	shalt  }
0x4a: {  	_ =	shalt  }
0x4b: {  	_ =	shalt  }
0x4c: {  	_ =	shalt  }
0x4d: {  	_ =	shalt  }
0x4e: {  	_ =	shalt  }
0x4f: {  	_ =	shalt  }
0x50: {  	_ =	shalt  }
0x51: {  	_ =	shalt  }
0x52: {  	_ =	shalt  }
0x53: {  	_ =	shalt  }
0x54: {  	_ =	shalt  }
0x55: {  	_ =	shalt  }
0x56: {  	_ =	shalt  }
0x57: {  	_ =	shalt  }
0x58: {  	_ =	shalt  }
0x59: {  	_ =	shalt  }
0x5a: {  	_ =	shalt  }
0x5b: {  	_ =	shalt  }
0x5c: {  	_ =	shalt  }
0x5d: {  	_ =	shalt  }
0x5e: {  	_ =	shalt  }
0x5f: {  	_ =	shalt  }
0x60: {  	_ =	shalt  }
0x61: {  	_ =	shalt  }
0x62: {  	_ =	shalt  }
0x63: {  	_ =	shalt  }
0x64: {  	_ =	shalt  }
0x65: {  	_ =	shalt  }
0x66: {  	_ =	shalt  }
0x67: {  	_ =	shalt  }
0x68: {  	_ =	shalt  }
0x69: {  	_ =	shalt  }
0x6a: {  	_ =	shalt  }
0x6b: {  	_ =	shalt  }
0x6c: {  	_ =	shalt  }
0x6d: {  	_ =	shalt  }
0x6e: {  	_ =	shalt  }
0x6f: {  	_ =	shalt  }
0x70: {  	_ =	shalt  }
0x71: {  	_ =	shalt  }
0x72: {  	_ =	shalt  }
0x73: {  	_ =	shalt  }
0x74: {  	_ =	shalt  }
0x75: {  	_ =	shalt  }
0x76: {  	_ =	shalt  }
0x77: {  	_ =	shalt  }
0x78: {  	_ =	shalt  }
0x79: {  	_ =	shalt  }
0x7a: {  	_ =	shalt  }
0x7b: {  	_ =	shalt  }
0x7c: {  	_ =	shalt  }
0x7d: {  	_ =	shalt  }
0x7e: {  	_ =	shalt  }
0x7f: {  	_ =	shalt  }
0x80: {  	_ =	shalt  }
0x81: {  	_ =	shalt  }
0x82: {  	_ =	shalt  }
0x83: {  	_ =	shalt  }
0x84: {  	_ =	shalt  }
0x85: {  	_ =	shalt  }
0x86: {  	_ =	shalt  }
0x87: {  	_ =	shalt  }
.Lfunc_end0:
.L_simem_size_0:
called_computation_lowered:
.L_overlay_start_0:
0x88: {  	s2 =	sld [smem:$0x3FD9]  }
0x89: {  	s3 =	sld [smem:$0x3FFE];
	_ =	sdelay $0x1  }
0x8a: {  	s1 =	srdreg.scid  }
0x8b: {  	s0 =	sand.u32 $0x1, s1  }
0x8c: {  	s16 =	sshll.u32 s0, $0xA;
	s2 =	sadd.s32 s3, s2  }
0x8d: {  	s2 =	sadd.s32 s2, s16  }
0x8e: {  	[smem:$0x3FBD] =	sst s2  }
0x8f: {  	_ = 	snop  }
0x90: {  	(tm) =	ssettm $0x1  }
0x91: {  	s17 =	sld [smem:$0x3FFB];
	_ =	sdelay $0x3  }
0x92: {  	_ =	strace s17  }
0x93: {  	s2 =	sld [smem:$0x3FFC];
	_ =	sdelay $0x3  }
0x94: {  	_ =	strace s2  }
0x95: {  	s2 =	sld [smem:$0x3FFD];
	_ =	sdelay $0x3  }
0x96: {  	_ =	strace s2  }
0x97: {  	_ =	strace $0x8FFFFFFF  }
0x98: {  	s18 =	sld [smem:$0x3FDB];
	_ =	sdelay $0x1  }
0x99: {  	s19 =	simm.s32 $_scs_section_size  }
0x9a: {  	s4 =	simm.s32 $_size__tile_overlayer_lowered;
	s5 =	simm.s32 $_tile_overlayer_lowered  }
0x9b: {  	s22 =	simm.s32 $0x1BFF;
	s21 =	sshll.u32 s5, $0x1;
	s2 =	sadd.s32 s19, s18  }
0x9c: {  	s6 =	simm.s32 $0x0;
	s20 =	sshll.u32 s4, $0x1;
	s4 =	sadd.s32 s21, s2  }
0x9d: {  	[timem:s6], [sflag:s22] =	dma.local [hbm:s4], s20  }
0x9e: {  	_ =	swait.ge [sflag:s22], s20  }
0x9f: {  	s3 =	ssub.s32 $0x0, s20;
	[sflag:s22] =	ssyncset.done $0x0  }
0xa0: {  	[sflag:s22] =	ssyncadd.s32 s3;
	_ =	sdelay $0x1  }
0xa1: {  	s23 =	simm.s32 $0x1B8B  }
0xa2: {  	_ =	swait.ge [sflag:s23], $0x1  }
0xa3: {  	[sflag:s23] =	ssyncset.done $0x0  }
0xa4: {  	s25 =	simm.s32 $0x1B8E;
	s24 =	sld [smem:$0x3FFE];
	[sflag:s23] =	ssyncadd.s32 $0xFFFFFFFF  }
0xa5: {  	s26 =	simm.s32 $execute0_lowered;
	[smem:$0x3FD2] =	sst s25  }
0xa6: {  	s4 =	sshll.u32 s26, $0x1;
	_ =	strace $0x80000046;
	[dreg:$0x1] =	wrdreg $0xFFFFFFFF  }
0xa7: {  	s28 =	simm.s32 $_size_execute0_lowered;
	s2 =	sadd.s32 s2, s4;
	[dreg:$0x0] =	wrdreg $0x0  }
0xa8: {  	s4 =	sshll.u32 s28, $0x1;
	[dreg:$0x2] =	wrdreg s2  }
0xa9: {  	[dreg:$0x3] =	wrdreg s4  }
0xaa: {  	[dreg:$0x4] =	wrdreg $0xC0  }
0xab: {  	_ =	task [dreg:s6], $0x5FFFF  }
0xac: {  	[dreg:$0x1] =	wrdreg $0xFFFFFFFF  }
0xad: {  	[dreg:$0x0] =	wrdreg $0x60  }
0xae: {  	[dreg:$0x2] =	wrdreg s24  }
0xaf: {  	[dreg:$0x3] =	wrdreg $0x34800  }
0xb0: {  	[dreg:$0x4] =	wrdreg $0x37000  }
0xb1: {  	[dreg:$0x5] =	wrdreg $0x9  }
0xb2: {  	_ =	task.clear_ibuf [dreg:s6], $0x6FFFF;
	_ =	strace $0x90000046  }
0xb3: {  	s29 =	simm.s32 $0x9;
	_ =	strace $0x80000048  }
0xb4: {  	_ =	swait.ge [sflag:s29], $0x1  }
0xb5: {  	[sflag:s29] =	ssyncadd.s32 $0xFFFFFFFF  }
0xb6: {  	_ =	strace $0x90000048  }
0xb7: {  	_ =	sfence  }
0xb8: {  	s30 =	sld [smem:$0x0];
	_ =	sdelay $0x2  }
0xb9: {  	s31 =	sshll.u32 s1, $0xD;
	s1 =	sshrl.u32 s1, $0x2  }
0xba: {  	s3 =	sand.u32 $0x4000, s31;
	s1 =	sadd.s32 s1, s30  }
0xbb: {  	s0 =	sor.u32 s3, s0;
	s1 =	sshll.u32 s1, $0x11  }
0xbc: {  	s0 =	sor.u32 s1, s0  }
0xbd: {  	s0 =	sadd.s32 $0x8F2B, s0  }
0xbe: {  	[sflag:s0] =	ssyncadd.remote.s32 $0x1  }
0xbf: {  	_ =	sfence.sel $0xFFFF  }
0xc0: {  	[dreg:$0x0] =	wrdreg $0xFFFFFFFF;
	(pc) =	sbr.abs _section_cstart, $3  }
0xc1: {  	[dreg:$0x1] =	wrdreg $0xFFFFFFFF  }
0xc2: {  	_ =	task.clear_ibuf [dreg:s6], $0x2FFFF;
	_ =	strace $0x9FFFFFFF  }
0xc3: {  	(tm) =	ssettm $0x7FFFFFFF  }
tec
execute0_lowered:
.L_overlay_start_1:
0x0: {  	(tag) =	ssettag $0x1  }
0x1: {  	s5 =	rddreg [dreg:$0x0]  }
0x2: {  	s2 =	rddreg [dreg:$0x1]  }
0x3: {  	s3 =	rddreg [dreg:$0x2]  }
0x4: {  	s0 =	rddreg [dreg:$0x3];
	s6 =	srdreg.scid  }
0x5: {  	s1 =	stileid.u32;
	s4 =	simm.s32 $0x0;
	s20 =	simm.s32 $0x1400  }
0x6: {  	s21 =	simm.s32 $0x1;
	s22 =	simm.s32 $0xA00;
	s23 =	simm.s32 $0x1E00  }
0x7: {  	s24 =	simm.s32 $0x2800;
	s25 =	simm.s32 $0x2;
	s26 =	simm.s32 $0x0  }
0x8: {  	s6 =	sand.u32 $0x1, s6;
	s7 =	smul.u32 $0x280, s1;
	[smem:$0x7FF] =	sst s4  }
0x9: {  	s16 =	sadd.s32 $0x1B000, s5;
	s17 =	sadd.s32 $0x7400, s5;
	s8 =	smul.u32 $0x2800, s6  }
0xa: {  	_ =	strace $0x80000047;
	s9 =	sshll.u32 s6, $0x4;
	s6 =	ssub.s32 $0x2, s6  }
0xb: {  	s12 =	sor.u32 s1, s9;
	s31 =	sshrl.u32 s6, $0x1;
	s8 =	sadd.s32 s7, s8  }
0xc: {  	s13 =	smul.u32 $0x140, s12;
	s11 =	ssub.s32 s6, s31;
	s6 =	sadd.s32 s7, s3  }
0xd: {  	s18 =	sor.u32 $0x60, s12;
	s8 =	sshrl.u32 s8, $0x3;
	s11 =	smax.u32 s11, $0x1  }
0xe: {  	s19 =	smul.u32 $0x140, s18;
	p0 =	sgt.u32 s18, $0x7C;
	s18 =	simm.s32 $0x3200  }
0xf: {  	s10 =	sadd.s32 s8, s5;
	s5 =	sadd.s32 s7, s2;
	s7 =	sadd.s32 s16, s13  }
0x10: {  	s8 =	sadd.s32 s17, s13;
	s14 =	sadd.s32 $0x2800, s13;
	s15 =	sadd.s32 $0x5000, s13  }
0x11: {  	s9 =	sadd.s32 $0x2EC00, s10;
	s10 =	sadd.s32 $0x2F600, s10;
	s12 =	sadd.s32 s16, s14  }
0x12: {  	s13 =	sadd.s32 s17, s14;
	s14 =	sadd.s32 s16, s15;
	s15 =	sadd.s32 s17, s15  }
0x13: {  	v0 =	vimm.f32 $1.000000000e+00;
	v1 =	vimm.f32 $0.0e+00;
	s16 =	sadd.s32 s16, s19;
	s17 =	sadd.s32 s17, s19;
	s19 =	simm.s32 $0x3  }
.LBB2_1:
0x14: {  	s28 =	simm.s32 $0x40;
	s29 =	simm.s32 $0x0  }
.LBB2_2:
0x15: {  	p1 =	sne.s32 s28, $0x27C0;
	[tilespmem:s29+$0x2800] =	vst v0;
	s29 =	smov.u32 s28;
	s28 =	sadd.s32 $0x40, s28  }
.Ltmp0:
0x16: {  	(pc) =	sbr.rel @p1 .LBB2_2-.Ltmp0, $2  }
0x17: {  	_ =	sdelay $0x2  }
0x18: {  	s29 =	sshra.s32 s29, $0x2  }
0x19: {  	[tilespmem:s29+$0x2800] =	vst v0  }
0x1a: {  	[tilespmem:$0x3200] =	vst v1  }
0x1b: {  	[tilespmem:$0x3210] =	vst v1  }
0x1c: {  	[tilespmem:$0x3220] =	vst v1  }
0x1d: {  	[tilespmem:$0x3230] =	vst v1  }
0x1e: {  	[tilespmem:$0x3240] =	vst v1  }
0x1f: {  	[tilespmem:$0x3250] =	vst v1  }
0x20: {  	[tilespmem:$0x3260] =	vst v1  }
0x21: {  	[tilespmem:$0x3270] =	vst v1  }
0x22: {  	[tilespmem:$0x3280] =	vst v1  }
0x23: {  	[tilespmem:$0x3290] =	vst v1  }
0x24: {  	[tilespmem:$0x32A0] =	vst v1  }
0x25: {  	[tilespmem:$0x32B0] =	vst v1  }
0x26: {  	[tilespmem:$0x32C0] =	vst v1  }
0x27: {  	[tilespmem:$0x32D0] =	vst v1  }
0x28: {  	[tilespmem:$0x32E0] =	vst v1  }
0x29: {  	[tilespmem:$0x32F0] =	vst v1  }
0x2a: {  	[tilespmem:$0x3300] =	vst v1  }
0x2b: {  	[tilespmem:$0x3310] =	vst v1  }
0x2c: {  	[tilespmem:$0x3320] =	vst v1  }
0x2d: {  	[tilespmem:$0x3330] =	vst v1  }
0x2e: {  	[tilespmem:$0x3340] =	vst v1  }
0x2f: {  	[tilespmem:$0x3350] =	vst v1  }
0x30: {  	[tilespmem:$0x3360] =	vst v1  }
0x31: {  	[tilespmem:$0x3370] =	vst v1  }
0x32: {  	[tilespmem:$0x3380] =	vst v1  }
0x33: {  	[tilespmem:$0x3390] =	vst v1  }
0x34: {  	[tilespmem:$0x33A0] =	vst v1  }
0x35: {  	[tilespmem:$0x33B0] =	vst v1  }
0x36: {  	[tilespmem:$0x33C0] =	vst v1  }
0x37: {  	[tilespmem:$0x33D0] =	vst v1  }
0x38: {  	[tilespmem:$0x33E0] =	vst v1  }
0x39: {  	[tilespmem:$0x33F0] =	vst v1  }
0x3a: {  	[tilespmem:$0x3400] =	vst v1  }
0x3b: {  	[tilespmem:$0x3410] =	vst v1  }
0x3c: {  	[tilespmem:$0x3420] =	vst v1  }
0x3d: {  	[tilespmem:$0x3430] =	vst v1  }
0x3e: {  	[tilespmem:$0x3440] =	vst v1  }
0x3f: {  	[tilespmem:$0x3450] =	vst v1  }
0x40: {  	[tilespmem:$0x3460] =	vst v1  }
0x41: {  	[tilespmem:$0x3470] =	vst v1  }
0x42: {  	[spmem:s5] =	stream.linear.scatter [tilespmem:s18], [sflag:$0x3], $0x280, $0x38;
	[tilespmem:$0x3980] =	vst v63  }
0x43: {  	_ =	swait.ge [sflag:s19], $0x280  }
0x44: {  	[sflag:s19] =	ssyncset.done $0x0  }
0x45: {  	[sflag:s19] =	ssyncadd.s32 $0xFFFFFD80  }
0x46: {  	[spmem:s6] =	stream.linear.scatter [tilespmem:s18], [sflag:$0x3], $0x280, $0x38;
	[tilespmem:$0x3980] =	vst v63  }
0x47: {  	_ =	swait.ge [sflag:s19], $0x280  }
0x48: {  	[sflag:s19] =	ssyncset.done $0x0  }
0x49: {  	[sflag:s19] =	ssyncadd.s32 $0xFFFFFD80  }
0x4a: {  	[bflag:$0x0] =	sbarrier.arrive $0xFFFF  }
0x4b: {  	[tilespmem:s4], [sflag:$0x1] =	stream.linear.gather [hbm4b:s7+s4], $0xA00, $0x38;
	[tilespmem:$0x3980] =	vst v63  }
0x4c: {  	_ = 	snop  }
0x4d: {  	[tilespmem:s20], [sflag:$0x1] =	stream.linear.gather [hbm4b:s8+s4], $0xA00, $0x38;
	[tilespmem:$0x3980] =	vst v63  }
0x4e: {  	_ =	swait.ge [sflag:s21], $0xA00  }
0x4f: {  	[sflag:s21] =	ssyncset.done $0x0  }
0x50: {  	[sflag:s21] =	ssyncadd.s32 $0xFFFFF600  }
0x51: {  	_ =	swait.ge [sflag:s21], $0xA00  }
0x52: {  	[sflag:s21] =	ssyncset.done $0x0  }
0x53: {  	[sflag:s21] =	ssyncadd.s32 $0xFFFFF600  }
0x54: {  	[tilespmem:s22], [sflag:$0x1] =	stream.linear.gather [hbm4b:s12+s4], $0xA00, $0x38;
	[tilespmem:$0x3980] =	vst v63  }
0x55: {  	_ = 	snop  }
0x56: {  	[tilespmem:s23], [sflag:$0x1] =	stream.linear.gather [hbm4b:s13+s4], $0xA00, $0x38;
	[tilespmem:$0x3980] =	vst v63  }
0x57: {  	_ = 	snop  }
0x58: {  	[spmem:s2] =	stream.indirect.scatter.add.f32 [tilespmem:s24], [sflag:$0x2], $0x1, s4, s22, $0xb8;
	[tilespmem:$0x3980] =	vst v63  }
0x59: {  	_ = 	snop  }
0x5a: {  	[spmem:s3] =	stream.indirect.scatter.add.f32 [tilespmem:s24], [sflag:$0x2], $0x1, s20, s22, $0xb8;
	[tilespmem:$0x3980] =	vst v63  }
0x5b: {  	_ =	swait.ge [sflag:s21], $0xA00  }
0x5c: {  	[sflag:s21] =	ssyncset.done $0x0  }
0x5d: {  	[sflag:s21] =	ssyncadd.s32 $0xFFFFF600  }
0x5e: {  	_ =	swait.ge [sflag:s21], $0xA00  }
0x5f: {  	[sflag:s21] =	ssyncset.done $0x0  }
0x60: {  	[sflag:s21] =	ssyncadd.s32 $0xFFFFF600  }
0x61: {  	_ =	swait.ge [sflag:s25], $0xA00  }
0x62: {  	[sflag:s25] =	ssyncset.done $0x0  }
0x63: {  	[sflag:s25] =	ssyncadd.s32 $0xFFFFF600  }
0x64: {  	_ =	swait.ge [sflag:s25], $0xA00  }
0x65: {  	[sflag:s25] =	ssyncset.done $0x0  }
0x66: {  	[sflag:s25] =	ssyncadd.s32 $0xFFFFF600  }
0x67: {  	[tilespmem:s4], [sflag:$0x1] =	stream.linear.gather [hbm4b:s14+s4], $0xA00, $0x38;
	[tilespmem:$0x3980] =	vst v63  }
0x68: {  	_ = 	snop  }
0x69: {  	[tilespmem:s20], [sflag:$0x1] =	stream.linear.gather [hbm4b:s15+s4], $0xA00, $0x38;
	[tilespmem:$0x3980] =	vst v63  }
0x6a: {  	_ = 	snop  }
0x6b: {  	[spmem:s2] =	stream.indirect.scatter.add.f32 [tilespmem:s24], [sflag:$0x2], $0x1, s22, s22, $0xb8;
	[tilespmem:$0x3980] =	vst v63  }
0x6c: {  	_ = 	snop  }
0x6d: {  	[spmem:s3] =	stream.indirect.scatter.add.f32 [tilespmem:s24], [sflag:$0x2], $0x1, s23, s22, $0xb8;
	[tilespmem:$0x3980] =	vst v63  }
0x6e: {  	_ =	swait.ge [sflag:s21], $0xA00  }
0x6f: {  	[sflag:s21] =	ssyncset.done $0x0  }
0x70: {  	[sflag:s21] =	ssyncadd.s32 $0xFFFFF600  }
0x71: {  	_ =	swait.ge [sflag:s21], $0xA00  }
0x72: {  	[sflag:s21] =	ssyncset.done $0x0  }
0x73: {  	[sflag:s21] =	ssyncadd.s32 $0xFFFFF600  }
0x74: {  	_ =	swait.ge [sflag:s25], $0xA00  }
0x75: {  	[sflag:s25] =	ssyncset.done $0x0  }
0x76: {  	[sflag:s25] =	ssyncadd.s32 $0xFFFFF600  }
0x77: {  	_ =	swait.ge [sflag:s25], $0xA00  }
0x78: {  	[sflag:s25] =	ssyncset.done $0x0  }
0x79: {  	s28 =	simm.s32 @!p0 $0x0;
	s29 =	simm.s32 @!p0 $0xA00;
	[sflag:s25] =	ssyncadd.s32 $0xFFFFF600  }
0x7a: {  	[tilespmem:s29], [sflag:$0x1] =	stream.linear.gather @!p0 [hbm4b:s16+s28], $0xA00, $0x38;
	[tilespmem:$0x3980] =	vst v63  }
0x7b: {  	s30 =	simm.s32 @!p0 $0x1E00  }
0x7c: {  	[tilespmem:s30], [sflag:$0x1] =	stream.linear.gather @!p0 [hbm4b:s17+s28], $0xA00, $0x38;
	[tilespmem:$0x3980] =	vst v63  }
0x7d: {  	s31 =	simm.s32 @!p0 $0x2800  }
0x7e: {  	[spmem:s2] =	stream.indirect.scatter.add.f32 @!p0 [tilespmem:s31], [sflag:$0x2], $0x1, s28, s29, $0xb8;
	[tilespmem:$0x3980] =	vst v63  }
0x7f: {  	s28 =	simm.s32 @!p0 $0x1400  }
0x80: {  	[spmem:s3] =	stream.indirect.scatter.add.f32 @!p0 [tilespmem:s31], [sflag:$0x2], $0x1, s28, s29, $0xb8;
	[tilespmem:$0x3980] =	vst v63  }
0x81: {  	s28 =	simm.s32 @!p0 $0x1  }
0x82: {  	_ =	swait.ge @!p0 [sflag:s28], $0xA00  }
0x83: {  	[sflag:s28] =	ssyncset.done @!p0 $0x0  }
0x84: {  	[sflag:s28] =	ssyncadd.s32 @!p0 $0xFFFFF600  }
0x85: {  	_ =	swait.ge @!p0 [sflag:s28], $0xA00  }
0x86: {  	[sflag:s28] =	ssyncset.done @!p0 $0x0  }
0x87: {  	[sflag:s28] =	ssyncadd.s32 @!p0 $0xFFFFF600;
	s28 =	simm.s32 @!p0 $0x2  }
0x88: {  	_ =	swait.ge @!p0 [sflag:s28], $0xA00  }
0x89: {  	[sflag:s28] =	ssyncset.done @!p0 $0x0  }
0x8a: {  	[sflag:s28] =	ssyncadd.s32 @!p0 $0xFFFFF600  }
0x8b: {  	_ =	swait.ge @!p0 [sflag:s28], $0xA00  }
0x8c: {  	[sflag:s28] =	ssyncset.done @!p0 $0x0  }
0x8d: {  	s29 =	simm.s32 @p0 $0x0;
	[sflag:s28] =	ssyncadd.s32 @!p0 $0xFFFFF600  }
0x8e: {  	[spmem:s2] =	stream.indirect.scatter.add.f32 [tilespmem:s24], [sflag:$0x2], $0x1, s29, s22, $0xb8;
	[tilespmem:$0x3980] =	vst v63  }
0x8f: {  	s30 =	simm.s32 @p0 $0x1400  }
0x90: {  	[spmem:s3] =	stream.indirect.scatter.add.f32 [tilespmem:s24], [sflag:$0x2], $0x1, s30, s22, $0xb8;
	[tilespmem:$0x3980] =	vst v63  }
0x91: {  	_ =	swait.ge [sflag:s25], $0xA00  }
0x92: {  	[sflag:s25] =	ssyncset.done $0x0  }
0x93: {  	[sflag:s25] =	ssyncadd.s32 $0xFFFFF600  }
0x94: {  	_ =	swait.ge [sflag:s25], $0xA00  }
0x95: {  	[sflag:s25] =	ssyncset.done $0x0  }
0x96: {  	s29 =	sshll.u32 s1, $0x6;
	[sflag:s25] =	ssyncadd.s32 $0xFFFFF600  }
0x97: {  	s28 =	sor.u32 $0x1C03, s29;
	s30 =	sshrl.u32 s5, $0x3;
	[bflag:$0x0] =	sbarrier.arrive $0xFFFF  }
0x98: {  	[hbm:s9], [sflag:s28] =	dma.local [spmem:s30], $0x50  }
0x99: {  	s26 =	sadd.s32 $0x1, s26;
	_ =	swait.ge [sflag:s19], $0x50  }
0x9a: {  	p1 =	sne.s32 s26, s11;
	[sflag:s19] =	ssyncset.done $0x0  }
.Ltmp1:
0x9b: {  	s31 =	sshrl.u32 s6, $0x3;
	[sflag:s19] =	ssyncadd.s32 $0xFFFFFFB0;
	(pc) =	sbr.rel @p1 .LBB2_1-.Ltmp1, $4  }
0x9c: {  	[hbm:s10], [sflag:s28] =	dma.local [spmem:s31], $0x50  }
0x9d: {  	_ =	swait.ge [sflag:s19], $0x50  }
0x9e: {  	[sflag:s19] =	ssyncset.done $0x0  }
0x9f: {  	[sflag:s19] =	ssyncadd.s32 $0xFFFFFFB0  }
0xa0: {  	_ =	sfence.sel $0x180000  }
0xa1: {  	[bflag:$0x0] =	sbarrier.arrive $0xFFFF  }
0xa2: {  	p0 =	sne.s32 s1, $0x0;
	_ =	strace $0x90000047  }
0xa3: {  	s0 =	sadd.s32 @!p0 $0x100000, s0;
	[bflag:$0x2] =	sbarrier.arrive $0xFFFF  }
0xa4: {  	[sflag:s0] =	ssyncadd.tile.s32 @!p0 $0x1;
	_ =	shalt  }
.Lfunc_end2:
_tile_overlayer_lowered:
.L_overlay_start_2:
0xa5: {  	(tag) =	ssettag $0x2  }
0xa6: {  	s0 =	rddreg [dreg:$0x0];
	s2 =	stileid.u32  }
0xa7: {  	s1 =	rddreg [dreg:$0x1];
	p0 =	sne.s32 s2, $0x0  }
0xa8: {  	s3 =	rddreg [dreg:$0x2];
	[bflag:$0x3] =	sbarrier.arrive $0xFFFF;
	s2 =	simm.s32 @!p0 $0x1C03  }
0xa9: {  	[timem:s3], [sflag:s2] =	dma.local @!p0 [hbm:s0], s1  }
0xaa: {  	s0 =	simm.s32 @!p0 $0x3  }
0xab: {  	_ =	swait.ge @!p0 [sflag:s0], s1  }
0xac: {  	s1 =	ssub.s32 @!p0 $0x0, s1;
	[sflag:s0] =	ssyncset.done @!p0 $0x0  }
0xad: {  	[sflag:s0] =	ssyncadd.s32 @!p0 s1  }
0xae: {  	[bflag:$0x3] =	sbarrier.arrive $0xFFFF  }
0xaf: {  	_ =	shalt  }

</sc_bundles>
